<compile_context>
chip_gen: v7x
topology: tpu7x:2x2x1
jax: 0.10.2.dev20260603
libtpu: 0.0.44.dev20260713+nightly
codegen_flags: <defaults>
</compile_context>

<pallas_src>
import functools

import jax
import jax.numpy as jnp
from jax import lax
from jax.experimental import pallas as pl
from jax.experimental.pallas import tpu as pltpu, tpu_sc as plsc

V = 2048
B = 4
F = 4096
E = 3 * F
NB = 8192
PADC = 1e15


def _chamfer_body(xe_ref, ye_ref, out_ref):
    t = pl.program_id(0)
    x = xe_ref[0, 0]
    y = ye_ref[0, 0]
    x2 = jnp.sum(x * x, axis=1, keepdims=True)
    y2 = jnp.sum(y * y, axis=1, keepdims=True)
    one = jnp.ones_like(x2)
    xa = jnp.concatenate([-2.0 * x, x2, one], axis=1)
    ya = jnp.concatenate([y, one, y2], axis=1)
    d = jax.lax.dot_general(
        xa, ya, (((1,), (1,)), ((), ())), preferred_element_type=jnp.float32
    )
    count = (V - t).astype(jnp.float32)
    rowmin = jnp.min(d, axis=1, keepdims=True)
    colmin = jnp.min(d, axis=0, keepdims=True)
    rio = jax.lax.broadcasted_iota(jnp.int32, (V, 1), 0)
    cio = jax.lax.broadcasted_iota(jnp.int32, (1, V), 1)
    rowsum = jnp.sum(jnp.where(rio < V - t, rowmin, 0.0))
    colsum = jnp.sum(jnp.where(cio < V - t, colmin, 0.0))
    out_ref[...] = ((rowsum + colsum) / count).reshape(1, 1, 1, 1)


def _shift_stack(p):
    pad = jnp.broadcast_to(jnp.asarray([PADC, 0.0, 0.0], p.dtype), (B, 1, 3))
    return jnp.stack([p, jnp.concatenate([p[:, 1:] - p[:, :-1], pad], axis=1)])


def _chamfer_pallas(predictions, targets):
    xe = _shift_stack(predictions)
    ye = _shift_stack(targets)
    out = pl.pallas_call(
        _chamfer_body,
        grid=(2, B),
        in_specs=[
            pl.BlockSpec((1, 1, V, 3), lambda t, b: (t, b, 0, 0)),
            pl.BlockSpec((1, 1, V, 3), lambda t, b: (t, b, 0, 0)),
        ],
        out_specs=pl.BlockSpec((1, 1, 1, 1), lambda t, b: (t, b, 0, 0)),
        out_shape=jax.ShapeDtypeStruct((2, B, 1, 1), jnp.float32),
    )(xe, ye)
    return jnp.mean(out[0]), jnp.mean(out[1])



NW = 8
FW = F // NW
VW = V // NW


def _sqrtv(x):
    i = plsc.bitcast(x, jnp.int32)
    y = plsc.bitcast(0x5F3759DF - (i >> 1), jnp.float32)
    y = y * (1.5 - 0.5 * x * y * y)
    y = y * (1.5 - 0.5 * x * y * y)
    y = y * (1.5 - 0.5 * x * y * y)
    return x * y


def _sc_mesh_body(vf, ff, out, varr, farr, ea, pk, eo, srt,
                  off, cur, lx, ly, lz, lw, tm, mlx, mly, mlz, mlw,
                  stg, sh_ea, sh_pk, sh_eo, sh_srt, sh_off, sh_lap,
                  phases=9):
    c = lax.axis_index("c")
    s = lax.axis_index("s")
    bic = s >> 3
    sub = s & 7
    batch = c * 2 + bic
    iot = lax.iota(jnp.int32, 16)
    zf = jnp.zeros((16,), jnp.float32)
    zi = jnp.zeros((16,), jnp.int32)

    pltpu.sync_copy(vf.at[pl.ds(batch * (3 * V), 3 * V)], varr)
    pltpu.sync_copy(ff.at[pl.ds(batch * (3 * F), 3 * F)], farr)

    def gv(idx):
        i3 = idx * 3
        return (plsc.load_gather(varr, [i3]),
                plsc.load_gather(varr, [i3 + 1]),
                plsc.load_gather(varr, [i3 + 2]))

    def zero4(i, _):
        lx[pl.ds(i * 16, 16)] = zf
        ly[pl.ds(i * 16, 16)] = zf
        lz[pl.ds(i * 16, 16)] = zf
        lw[pl.ds(i * 16, 16)] = zf
        return 0
    lax.fori_loop(0, V // 16, zero4, 0)

    fstart = sub * FW

    def p1(i, _):
        base = fstart + i * 16
        f3 = (base + iot) * 3
        i0 = plsc.load_gather(farr, [f3])
        i1 = plsc.load_gather(farr, [f3 + 1])
        i2 = plsc.load_gather(farr, [f3 + 2])
        v0x, v0y, v0z = gv(i0)
        v1x, v1y, v1z = gv(i1)
        v2x, v2y, v2z = gv(i2)
        def d2(px, py, pz, qx, qy, qz):
            ex, ey, ez = px - qx, py - qy, pz - qz
            return ex * ex + ey * ey + ez * ez
        a2 = d2(v1x, v1y, v1z, v2x, v2y, v2z) + 1e-20
        b2 = d2(v0x, v0y, v0z, v2x, v2y, v2z) + 1e-20
        c2 = d2(v0x, v0y, v0z, v1x, v1y, v1z) + 1e-20
        an = _sqrtv(a2)
        bn = _sqrtv(b2)
        cn = _sqrtv(c2)
        sp = 0.5 * (an + bn + cn)
        h = jnp.maximum(sp * (sp - an) * (sp - bn) * (sp - cn), 1e-12)
        inv4 = 0.25 / _sqrtv(h)
        cota = (b2 + c2 - a2) * inv4
        cotb = (a2 + c2 - b2) * inv4
        cotc = (a2 + b2 - c2) * inv4
        for ct, ii, jj, vix, viy, viz, vjx, vjy, vjz in (
            (cota, i1, i2, v1x, v1y, v1z, v2x, v2y, v2z),
            (cotb, i2, i0, v2x, v2y, v2z, v0x, v0y, v0z),
            (cotc, i0, i1, v0x, v0y, v0z, v1x, v1y, v1z),
        ):
            plsc.addupdate_scatter(lx, [ii], ct * vjx)
            plsc.addupdate_scatter(ly, [ii], ct * vjy)
            plsc.addupdate_scatter(lz, [ii], ct * vjz)
            plsc.addupdate_scatter(lw, [ii], ct)
            plsc.addupdate_scatter(lx, [jj], ct * vix)
            plsc.addupdate_scatter(ly, [jj], ct * viy)
            plsc.addupdate_scatter(lz, [jj], ct * viz)
            plsc.addupdate_scatter(lw, [jj], ct)
        for blk, (u, w, o) in enumerate(((i0, i1, i2), (i1, i2, i0), (i2, i0, i1))):
            a_ = jnp.minimum(u, w)
            b_ = jnp.maximum(u, w)
            t0 = blk * F + base
            ea[pl.ds(t0, 16)] = (a_ << 2) | (b_ & 3)
            pk[pl.ds(t0, 16)] = (b_ << 14) + t0 + iot
            eo[pl.ds(t0, 16)] = o
        return 0
    if phases >= 1:
        lax.fori_loop(0, FW // 16, p1, 0)

    if phases >= 2:
        for blk in range(3):
            t0c = blk * F + fstart
            pltpu.sync_copy(ea.at[pl.ds(t0c, FW)], sh_ea.at[pl.ds(bic * E + t0c, FW)])
            pltpu.sync_copy(pk.at[pl.ds(t0c, FW)], sh_pk.at[pl.ds(bic * E + t0c, FW)])
            pltpu.sync_copy(eo.at[pl.ds(t0c, FW)], sh_eo.at[pl.ds(bic * E + t0c, FW)])
        for qi, r in enumerate((lx, ly, lz, lw)):
            pltpu.sync_copy(r, sh_lap.at[pl.ds((((bic * 8 + sub) * 4) + qi) * V, V)])
        plsc.subcore_barrier()

    @pl.when((sub == 0) & (phases >= 3))
    def _():
        pltpu.sync_copy(sh_ea.at[pl.ds(bic * E, E)], ea)
        pltpu.sync_copy(sh_pk.at[pl.ds(bic * E, E)], pk)

        def zc(i, _):
            cur[pl.ds(i * 16, 16)] = zi
            return 0
        lax.fori_loop(0, NB // 16, zc, 0)

        def hist(i, _):
            a_ = ea[pl.ds(i * 16, 16)]
            plsc.addupdate_scatter(cur, [a_], jnp.ones((16,), jnp.int32))
            return 0
        lax.fori_loop(0, E // 16, hist, 0)

        def pfx(i, carry):
            v = cur[pl.ds(i * 16, 16)]
            cs = plsc.cumsum(v)
            offv = cs - v + carry
            off[pl.ds(i * 16, 16)] = offv
            cur[pl.ds(i * 16, 16)] = offv
            return carry + jnp.max(cs)
        lax.fori_loop(0, NB // 16, pfx, jnp.int32(0))
        off[pl.ds(NB, 16)] = jnp.full((16,), E, jnp.int32)

        def scat(i, _):
            a_ = ea[pl.ds(i * 16, 16)]
            p_ = pk[pl.ds(i * 16, 16)]
            basev = plsc.load_gather(cur, [a_])
            rc = plsc.scan_count(a_)
            slot = basev + rc[0] - 1
            plsc.store_scatter(srt, [slot], p_)
            plsc.addupdate_scatter(cur, [a_], rc[0] * rc[1])
            return 0
        lax.fori_loop(0, E // 16, scat, 0)
        pltpu.sync_copy(srt, sh_srt.at[pl.ds(bic * E, E)])
        pltpu.sync_copy(off, sh_off.at[pl.ds(bic * (NB + 16), NB + 16)])

    vb0 = sub * VW
    if phases >= 4:
        for qi, mr in enumerate((mlx, mly, mlz, mlw)):
            for src in range(NW):
                pltpu.sync_copy(
                    sh_lap.at[pl.ds((((bic * 8 + src) * 4) + qi) * V + vb0, VW)],
                    tm.at[pl.ds(src * VW, VW)])

            def mg(i, _):
                acc = tm[pl.ds(i * 16, 16)]
                for src in range(1, NW):
                    acc = acc + tm[pl.ds(src * VW + i * 16, 16)]
                mr[pl.ds(i * 16, 16)] = acc
                return 0
            lax.fori_loop(0, VW // 16, mg, 0)

    def fin(i, acc):
        w = mlw[pl.ds(i * 16, 16)]
        safe = jnp.where(w > 0, w, 1.0)
        nw_ = jnp.where(w > 0, 1.0 / safe, 0.0)
        vxs, vys, vzs = gv(vb0 + i * 16 + iot)
        dx = mlx[pl.ds(i * 16, 16)] * nw_ - vxs
        dy = mly[pl.ds(i * 16, 16)] * nw_ - vys
        dz = mlz[pl.ds(i * 16, 16)] * nw_ - vzs
        return acc + _sqrtv(dx * dx + dy * dy + dz * dz + 1e-20)
    lap_vec = lax.fori_loop(0, VW // 16, fin, zf) if phases >= 4 else zf
    if phases >= 2:
        plsc.subcore_barrier()

    if phases >= 5:
        pltpu.sync_copy(sh_srt.at[pl.ds(bic * E, E)], srt)
        pltpu.sync_copy(sh_off.at[pl.ds(bic * (NB + 16), NB + 16)], off)
        pltpu.sync_copy(sh_eo.at[pl.ds(bic * E, E)], eo)

    def probe(i, accs):
        l2a, fca, nca, ncc = accs
        blk = i >> 5
        t0 = blk * F + fstart + (i & 31) * 16
        bin_ = ea[pl.ds(t0, 16)]
        a_ = bin_ >> 2
        p_ = pk[pl.ds(t0, 16)]
        b_ = p_ >> 14
        t_ = t0 + iot
        j0 = plsc.load_gather(off, [bin_])
        e0 = plsc.load_gather(off, [bin_ + 1])

        def step(j, predi, succ):
            jc = jnp.minimum(j, E - 1)
            px = plsc.load_gather(srt, [jc])
            bx = px >> 14
            tx = px & 16383
            eq = (bx == b_) & (j < e0)
            predi = jnp.maximum(predi, jnp.where(eq & (tx < t_), 1, 0))
            succ = jnp.minimum(succ, jnp.where(eq & (tx > t_), tx, 16384))
            return predi, succ

        predi = zi
        succ = jnp.full((16,), 16384, jnp.int32)
        j = j0
        for _ in range(3):
            predi, succ = step(j, predi, succ)
            j = j + 1

        def cond(cst):
            j, predi, succ = cst
            return jnp.any(j < e0)

        def bdy(cst):
            j, predi, succ = cst
            predi, succ = step(j, predi, succ)
            return (j + 1, predi, succ)
        _, predi, succ = lax.while_loop(cond, bdy, (j, predi, succ))

        first = predi == 0
        vxa, vya, vza = gv(a_)
        vxb, vyb, vzb = gv(b_)
        wx = vxa - vxb
        wy = vya - vyb
        wz = vza - vzb
        l2 = wx * wx + wy * wy + wz * wz
        l2a = l2a + jnp.where(first, l2, 0.0)
        fca = fca + jnp.where(first, 1.0, 0.0)

        hs = succ < 16384
        sc_ = jnp.minimum(succ, E - 1)
        o1 = eo[pl.ds(t0, 16)]
        o2 = plsc.load_gather(eo, [sc_])
        o1x, o1y, o1z = gv(o1)
        o2x, o2y, o2z = gv(o2)
        vax, vay, vaz = o1x - vxb, o1y - vyb, o1z - vzb
        vbx, vby, vbz = o2x - vxb, o2y - vyb, o2z - vzb
        n0x = vay * wz - vaz * wy
        n0y = vaz * wx - vax * wz
        n0z = vax * wy - vay * wx
        n1x = -(vby * wz - vbz * wy)
        n1y = -(vbz * wx - vbx * wz)
        n1z = -(vbx * wy - vby * wx)
        n0m = jnp.maximum(_sqrtv(n0x * n0x + n0y * n0y + n0z * n0z + 1e-20), 1e-8)
        n1m = jnp.maximum(_sqrtv(n1x * n1x + n1y * n1y + n1z * n1z + 1e-20), 1e-8)
        cosv = (n0x * n1x + n0y * n1y + n0z * n1z) / (n0m * n1m)
        nca = nca + jnp.where(hs, 1.0 - cosv, 0.0)
        ncc = ncc + jnp.where(hs, 1.0, 0.0)
        return (l2a, fca, nca, ncc)
    if phases >= 5:
        l2a, fca, nca, ncc = lax.fori_loop(0, (3 * FW) // 16, probe, (zf, zf, zf, zf))
    else:
        l2a, fca, nca, ncc = zf, zf, zf, zf

    stg[pl.ds(0, 16)] = l2a
    stg[pl.ds(16, 16)] = fca
    stg[pl.ds(32, 16)] = lap_vec
    stg[pl.ds(48, 16)] = nca
    stg[pl.ds(64, 16)] = ncc
    pltpu.sync_copy(stg, out.at[pl.ds((batch * NW + sub) * 80, 80)])


def _build_sc_kernel(phases=9):
    mesh = plsc.VectorSubcoreMesh(core_axis_name="c", subcore_axis_name="s")
    i32, f32 = jnp.int32, jnp.float32
    return functools.partial(
        pl.kernel,
        mesh=mesh,
        out_type=jax.ShapeDtypeStruct((B * NW * 80,), f32),
        scratch_types=[
            pltpu.VMEM((3 * V,), f32), pltpu.VMEM((3 * F,), i32),
            pltpu.VMEM((E,), i32), pltpu.VMEM((E,), i32), pltpu.VMEM((E,), i32),
            pltpu.VMEM((E,), i32),
            pltpu.VMEM((NB + 16,), i32), pltpu.VMEM((NB,), i32),
            pltpu.VMEM((V,), f32), pltpu.VMEM((V,), f32), pltpu.VMEM((V,), f32),
            pltpu.VMEM((V,), f32),
            pltpu.VMEM((V,), f32),
            pltpu.VMEM((VW,), f32), pltpu.VMEM((VW,), f32), pltpu.VMEM((VW,), f32),
            pltpu.VMEM((VW,), f32),
            pltpu.VMEM((80,), f32),
            pltpu.VMEM_SHARED((2 * E,), i32), pltpu.VMEM_SHARED((2 * E,), i32),
            pltpu.VMEM_SHARED((2 * E,), i32), pltpu.VMEM_SHARED((2 * E,), i32),
            pltpu.VMEM_SHARED((2 * (NB + 16),), i32),
            pltpu.VMEM_SHARED((2 * NW * 4 * V,), f32),
        ],
        compiler_params=pltpu.CompilerParams(needs_layout_passes=False),
    )(functools.partial(_sc_mesh_body, phases=phases))


def _mesh_losses_sc(predictions, pred_faces, phases=9):
    vflat = predictions.reshape(-1)
    fflat = pred_faces.reshape(-1)
    outv = _build_sc_kernel(phases)(vflat, fflat)
    pa = outv.reshape(B, NW, 5, 16).sum(axis=(1, 3))
    edge = jnp.mean(pa[:, 0] / jnp.maximum(pa[:, 1], 1.0))
    lap = jnp.mean(pa[:, 2]) / V
    nc = jnp.mean(jnp.where(pa[:, 4] > 0, pa[:, 3] / jnp.maximum(pa[:, 4], 1.0), 0.0))
    return edge, lap, nc


def _sn(x):
    return jnp.sqrt(jnp.sum(x * x, axis=1) + 1e-20)


def _edge_loss(verts, faces):
    Bn, Vn, _ = verts.shape
    F = faces.shape[1]
    total = 0.0
    for b in range(Bn):
        f = faces[b]
        e = jnp.concatenate([f[:, [0, 1]], f[:, [1, 2]], f[:, [2, 0]]], axis=0)
        e = jnp.sort(e, axis=1)
        keys = e[:, 0] * Vn + e[:, 1]
        uniq = jnp.unique(keys, size=3 * F, fill_value=-1)
        validb = uniq >= 0
        valid = validb.astype(verts.dtype)
        uq = jnp.where(validb, uniq, 0)
        v0 = verts[b][uq // Vn]
        v1 = verts[b][uq % Vn]
        l2 = jnp.sum((v0 - v1) ** 2, axis=1) * valid
        num = jnp.maximum(jnp.sum(valid), 1.0)
        total = total + jnp.sum(l2) / num
    return total / Bn


def _laplacian_loss(verts, faces):
    Bn, Vn, _ = verts.shape
    total = 0.0
    for b in range(Bn):
        vs = verts[b]
        f = faces[b]
        v0, v1, v2 = vs[f[:, 0]], vs[f[:, 1]], vs[f[:, 2]]
        A = _sn(v1 - v2)
        Bl = _sn(v0 - v2)
        C = _sn(v0 - v1)
        s = 0.5 * (A + Bl + C)
        area = jnp.sqrt(jnp.clip(s * (s - A) * (s - Bl) * (s - C), 1e-12, None))
        A2, B2, C2 = A * A, Bl * Bl, C * C
        cota = (B2 + C2 - A2) / area
        cotb = (A2 + C2 - B2) / area
        cotc = (A2 + B2 - C2) / area
        cot = (jnp.stack([cota, cotb, cotc], axis=1) / 4.0).reshape(-1)
        ii = f[:, [1, 2, 0]].reshape(-1)
        jj = f[:, [2, 0, 1]].reshape(-1)
        Lx = jnp.zeros((Vn, 3), dtype=verts.dtype)
        Lx = Lx.at[ii].add(cot[:, None] * vs[jj])
        Lx = Lx.at[jj].add(cot[:, None] * vs[ii])
        rowsum = jnp.zeros((Vn,), dtype=verts.dtype)
        rowsum = rowsum.at[ii].add(cot)
        rowsum = rowsum.at[jj].add(cot)
        safe = jnp.where(rowsum > 0, rowsum, 1.0)
        norm_w = jnp.where(rowsum > 0, 1.0 / safe, 0.0)[:, None]
        diff = Lx * norm_w - vs
        total = total + jnp.sum(_sn(diff)) / Vn
    return total / Bn


def _normal_loss(verts, faces):
    Bn, Vn, _ = verts.shape
    total = 0.0
    for b in range(Bn):
        vs = verts[b]
        f = faces[b]
        e = jnp.concatenate([f[:, [0, 1]], f[:, [1, 2]], f[:, [2, 0]]], axis=0)
        opp = jnp.concatenate([f[:, 2], f[:, 0], f[:, 1]], axis=0)
        e = jnp.sort(e, axis=1)
        keys = e[:, 0] * Vn + e[:, 1]
        order = jnp.argsort(keys)
        ks = keys[order]
        opps = opp[order]
        mask = (ks[1:] == ks[:-1]).astype(verts.dtype)
        k0 = ks[:-1]
        ev0 = vs[k0 // Vn]
        ev1 = vs[k0 % Vn]
        va = vs[opps[:-1]]
        vb = vs[opps[1:]]
        n0 = jnp.cross(va - ev1, ev0 - ev1)
        n1 = -jnp.cross(vb - ev1, ev0 - ev1)
        n0m = jnp.maximum(_sn(n0), 1e-8)
        n1m = jnp.maximum(_sn(n1), 1e-8)
        cos = jnp.sum(n0 * n1, axis=1) / (n0m * n1m)
        pair_loss = (1.0 - cos) * mask
        num = jnp.sum(mask)
        total = total + jnp.where(num > 0, jnp.sum(pair_loss) / jnp.maximum(num, 1.0), 0.0)
    return total / Bn


_PH = 9


def kernel(predictions, targets, pred_faces):
    loss_chamfer, vel_loss = (jnp.float32(0), jnp.float32(0)) if _PH == -2 else _chamfer_pallas(predictions, targets)
    edge, lap, nc = (jnp.float32(0), jnp.float32(0), jnp.float32(0)) if _PH < 0 else _mesh_losses_sc(predictions, pred_faces, phases=_PH)
    return loss_chamfer + 0.05 * lap + 0.01 * nc + 0.5 * edge + 10.0 * vel_loss

# --- scband reference (transcript-rebuilt; emitter-appended) ---
"""Pipeline reference for scband-chamfer-loss-8993661518576 (READ-ONLY COPY).

The authoritative reference and input builder live on the scoring server;
editing this copy changes nothing except your own understanding.
"""

import jax, jax.numpy as jnp
import numpy as np


def _safe_norm(x):
    return jnp.sqrt(jnp.sum(x * x, axis=1) + 1e-20)


def chamfer_distance(x, y):
    x2 = jnp.sum(x * x, axis=-1)
    y2 = jnp.sum(y * y, axis=-1)
    d = x2[:, :, None] + y2[:, None, :] - 2.0 * jnp.einsum('bnd,bmd->bnm', x, y)
    cham_x = jnp.mean(jnp.min(d, axis=2), axis=1)
    cham_y = jnp.mean(jnp.min(d, axis=1), axis=1)
    return jnp.mean(cham_x + cham_y)


def mesh_edge_loss(verts, faces):
    B, V, _ = verts.shape
    F = faces.shape[1]
    total = 0.0
    for b in range(B):
        f = faces[b]
        e = jnp.concatenate([f[:, [0, 1]], f[:, [1, 2]], f[:, [2, 0]]], axis=0)
        e = jnp.sort(e, axis=1)
        keys = e[:, 0] * V + e[:, 1]
        uniq = jnp.unique(keys, size=3 * F, fill_value=-1)
        validb = uniq >= 0
        valid = validb.astype(verts.dtype)
        uq = jnp.where(validb, uniq, 0)
        v0 = verts[b][uq // V]
        v1 = verts[b][uq % V]
        l2 = jnp.sum((v0 - v1) ** 2, axis=1) * valid
        num = jnp.maximum(jnp.sum(valid), 1.0)
        total = total + jnp.sum(l2) / num
    return total / B


def mesh_laplacian_smoothing_cot(verts, faces):
    B, V, _ = verts.shape
    total = 0.0
    for b in range(B):
        vs = verts[b]
        f = faces[b]
        v0, v1, v2 = vs[f[:, 0]], vs[f[:, 1]], vs[f[:, 2]]
        A = _safe_norm(v1 - v2)
        Bl = _safe_norm(v0 - v2)
        C = _safe_norm(v0 - v1)
        s = 0.5 * (A + Bl + C)
        area = jnp.sqrt(jnp.clip(s * (s - A) * (s - Bl) * (s - C), 1e-12, None))
        A2, B2, C2 = A * A, Bl * Bl, C * C
        cota = (B2 + C2 - A2) / area
        cotb = (A2 + C2 - B2) / area
        cotc = (A2 + B2 - C2) / area
        cot = (jnp.stack([cota, cotb, cotc], axis=1) / 4.0).reshape(-1)
        ii = f[:, [1, 2, 0]].reshape(-1)
        jj = f[:, [2, 0, 1]].reshape(-1)
        Lx = jnp.zeros((V, 3), dtype=verts.dtype)
        Lx = Lx.at[ii].add(cot[:, None] * vs[jj])
        Lx = Lx.at[jj].add(cot[:, None] * vs[ii])
        rowsum = jnp.zeros((V,), dtype=verts.dtype)
        rowsum = rowsum.at[ii].add(cot)
        rowsum = rowsum.at[jj].add(cot)
        safe = jnp.where(rowsum > 0, rowsum, 1.0)
        norm_w = jnp.where(rowsum > 0, 1.0 / safe, 0.0)[:, None]
        diff = Lx * norm_w - vs
        total = total + jnp.sum(_safe_norm(diff)) / V
    return total / B


def mesh_normal_consistency(verts, faces):
    B, V, _ = verts.shape
    total = 0.0
    for b in range(B):
        vs = verts[b]
        f = faces[b]
        e = jnp.concatenate([f[:, [0, 1]], f[:, [1, 2]], f[:, [2, 0]]], axis=0)
        opp = jnp.concatenate([f[:, 2], f[:, 0], f[:, 1]], axis=0)
        e = jnp.sort(e, axis=1)
        keys = e[:, 0] * V + e[:, 1]
        order = jnp.argsort(keys)
        ks = keys[order]
        opps = opp[order]
        mask = (ks[1:] == ks[:-1]).astype(verts.dtype)
        k0 = ks[:-1]
        ev0 = vs[k0 // V]
        ev1 = vs[k0 % V]
        va = vs[opps[:-1]]
        vb = vs[opps[1:]]
        n0 = jnp.cross(va - ev1, ev0 - ev1)
        n1 = -jnp.cross(vb - ev1, ev0 - ev1)
        n0m = jnp.maximum(_safe_norm(n0), 1e-8)
        n1m = jnp.maximum(_safe_norm(n1), 1e-8)
        cos = jnp.sum(n0 * n1, axis=1) / (n0m * n1m)
        pair_loss = (1.0 - cos) * mask
        num = jnp.sum(mask)
        total = total + jnp.where(num > 0, jnp.sum(pair_loss) / jnp.maximum(num, 1.0), 0.0)
    return total / B


def forward(predictions, targets, pred_faces):
    loss_chamfer = chamfer_distance(predictions, targets)
    w_edge_loss = 0.5 * mesh_edge_loss(predictions, pred_faces)
    w_laplacian_loss = 0.05 * mesh_laplacian_smoothing_cot(predictions, pred_faces)
    w_normal_loss = 0.01 * mesh_normal_consistency(predictions, pred_faces)
    prediction_shift = predictions[:, 1:, :] - predictions[:, :-1, :]
    target_shift = targets[:, 1:, :] - targets[:, :-1, :]
    vel_loss = chamfer_distance(prediction_shift, target_shift)
    return loss_chamfer + w_laplacian_loss + w_normal_loss + w_edge_loss + 10.0 * vel_loss


def setup_inputs(seed: int = 0):
    key = jax.random.key(seed)
    k1, k2, k3 = jax.random.split(key, 3)
    predictions = jax.random.normal(k1, (4, 2048, 3), dtype=jnp.float32)
    targets = jax.random.normal(k2, (4, 2048, 3), dtype=jnp.float32)
    pred_faces = jax.random.randint(k3, (4, 4096, 3), 0, 2048, dtype=jnp.int32)
    return {"predictions": predictions, "targets": targets, "pred_faces": pred_faces}


def reference(predictions, targets, pred_faces):
    return forward(predictions, targets, pred_faces)

if __name__ == "__main__":
    import jax
    _d = setup_inputs()
    print(jax.jit(kernel)(*tuple(_d.values())))

</pallas_src>

<mosaic_0001>
#map = affine_map<(d0, d1) -> (0)>
module attributes {stable_mosaic.version = 14 : i64} {
  func.func @_sc_mesh_body(%arg0: i32, %arg1: i32, %arg2: memref<24576xf32, #tpu.memory_space<hbm>>, %arg3: memref<49152xi32, #tpu.memory_space<hbm>>, %arg4: memref<2560xf32, #tpu.memory_space<hbm>>, %arg5: memref<6144xf32, #tpu.memory_space<vmem>>, %arg6: memref<12288xi32, #tpu.memory_space<vmem>>, %arg7: memref<12288xi32, #tpu.memory_space<vmem>>, %arg8: memref<12288xi32, #tpu.memory_space<vmem>>, %arg9: memref<12288xi32, #tpu.memory_space<vmem>>, %arg10: memref<12288xi32, #tpu.memory_space<vmem>>, %arg11: memref<8208xi32, #tpu.memory_space<vmem>>, %arg12: memref<8192xi32, #tpu.memory_space<vmem>>, %arg13: memref<2048xf32, #tpu.memory_space<vmem>>, %arg14: memref<2048xf32, #tpu.memory_space<vmem>>, %arg15: memref<2048xf32, #tpu.memory_space<vmem>>, %arg16: memref<2048xf32, #tpu.memory_space<vmem>>, %arg17: memref<2048xf32, #tpu.memory_space<vmem>>, %arg18: memref<256xf32, #tpu.memory_space<vmem>>, %arg19: memref<256xf32, #tpu.memory_space<vmem>>, %arg20: memref<256xf32, #tpu.memory_space<vmem>>, %arg21: memref<256xf32, #tpu.memory_space<vmem>>, %arg22: memref<80xf32, #tpu.memory_space<vmem>>, %arg23: memref<24576xi32, #tpu.memory_space<vmem_shared>>, %arg24: memref<24576xi32, #tpu.memory_space<vmem_shared>>, %arg25: memref<24576xi32, #tpu.memory_space<vmem_shared>>, %arg26: memref<24576xi32, #tpu.memory_space<vmem_shared>>, %arg27: memref<16416xi32, #tpu.memory_space<vmem_shared>>, %arg28: memref<131072xf32, #tpu.memory_space<vmem_shared>>) attributes {dimension_semantics = [#tpu.dimension_semantics<core_parallel>, #tpu.dimension_semantics<subcore_parallel>], iteration_bounds = array<i64: 2, 16>, scalar_prefetch = 0 : i64, scratch_operands = 24 : i64, tpu.core_type = #tpu.core_type<sc_vector_subcore>, window_params = [{transform_indices = #map}, {transform_indices = #map}, {transform_indices = #map}]} {
    %shift_right_arithmetic3A = arith.constant 3 : i32
    %shift_right_arithmetic3A_0 = arith.shrsi %arg1, %shift_right_arithmetic3A : i32
    %and3A = arith.constant 7 : i32
    %and3A_1 = arith.andi %arg1, %and3A : i32
    %mul3A = arith.constant 2 : i32
    %mul3A_2 = arith.muli %arg0, %mul3A : i32
    %add3A = arith.addi %mul3A_2, %shift_right_arithmetic3A_0 : i32
    %iota3A = tpu.iota {dimensions = array<i32: 0>} : vector<16xi32>
    %broadcast_in_dim3A = arith.constant 0.000000e+00 : f32
    %broadcast_in_dim3A_3 = vector.broadcast %broadcast_in_dim3A : f32 to vector<16xf32>
    %broadcast_in_dim3A_4 = arith.constant 0 : i32
    %broadcast_in_dim3A_5 = vector.broadcast %broadcast_in_dim3A_4 : i32 to vector<16xi32>
    %mul3A_6 = arith.constant 6144 : i32
    %mul3A_7 = arith.muli %add3A, %mul3A_6 : i32
    "tpu.region"() ({
      %run_scoped3A = tpu.sem_alloc : memref<!tpu.dma_semaphore, #tpu.memory_space<semaphore_mem>>
      %dma_start3A = tpu.memref_slice %arg2[%mul3A_7] : memref<24576xf32, #tpu.memory_space<hbm>> -> memref<6144xf32, #tpu.memory_space<hbm>>
      %dma_start3A_513 = tpu.memref_slice %arg2[%mul3A_7] : memref<24576xf32, #tpu.memory_space<hbm>> -> memref<6144xf32, #tpu.memory_space<hbm>>
      tpu.enqueue_dma source(%dma_start3A_513 : memref<6144xf32, #tpu.memory_space<hbm>>) target(%arg5 : memref<6144xf32, #tpu.memory_space<vmem>>) target_semaphore(%run_scoped3A : memref<!tpu.dma_semaphore, #tpu.memory_space<semaphore_mem>>)
      %dma_wait3A = tpu.memref_slice %arg2[%mul3A_7] : memref<24576xf32, #tpu.memory_space<hbm>> -> memref<6144xf32, #tpu.memory_space<hbm>>
      %dma_wait3A_514 = tpu.memref_slice %arg2[%mul3A_7] : memref<24576xf32, #tpu.memory_space<hbm>> -> memref<6144xf32, #tpu.memory_space<hbm>>
      tpu.wait_dma2 semaphore(%run_scoped3A : memref<!tpu.dma_semaphore, #tpu.memory_space<semaphore_mem>>) src(%dma_wait3A_514 : memref<6144xf32, #tpu.memory_space<hbm>>) dst(%arg5 : memref<6144xf32, #tpu.memory_space<vmem>>)
      tpu.yield
    }) : () -> ()
    %mul3A_8 = arith.constant 12288 : i32
    %mul3A_9 = arith.muli %add3A, %mul3A_8 : i32
    "tpu.region"() ({
      %run_scoped3A = tpu.sem_alloc : memref<!tpu.dma_semaphore, #tpu.memory_space<semaphore_mem>>
      %dma_start3A = tpu.memref_slice %arg3[%mul3A_9] : memref<49152xi32, #tpu.memory_space<hbm>> -> memref<12288xi32, #tpu.memory_space<hbm>>
      %dma_start3A_513 = tpu.memref_slice %arg3[%mul3A_9] : memref<49152xi32, #tpu.memory_space<hbm>> -> memref<12288xi32, #tpu.memory_space<hbm>>
      tpu.enqueue_dma source(%dma_start3A_513 : memref<12288xi32, #tpu.memory_space<hbm>>) target(%arg6 : memref<12288xi32, #tpu.memory_space<vmem>>) target_semaphore(%run_scoped3A : memref<!tpu.dma_semaphore, #tpu.memory_space<semaphore_mem>>)
      %dma_wait3A = tpu.memref_slice %arg3[%mul3A_9] : memref<49152xi32, #tpu.memory_space<hbm>> -> memref<12288xi32, #tpu.memory_space<hbm>>
      %dma_wait3A_514 = tpu.memref_slice %arg3[%mul3A_9] : memref<49152xi32, #tpu.memory_space<hbm>> -> memref<12288xi32, #tpu.memory_space<hbm>>
      tpu.wait_dma2 semaphore(%run_scoped3A : memref<!tpu.dma_semaphore, #tpu.memory_space<semaphore_mem>>) src(%dma_wait3A_514 : memref<12288xi32, #tpu.memory_space<hbm>>) dst(%arg6 : memref<12288xi32, #tpu.memory_space<vmem>>)
      tpu.yield
    }) : () -> ()
    %scan3A = arith.constant 0 : i32
    %scan3A_10 = arith.constant 0 : i32
    %scan3A_11 = arith.constant 128 : i32
    %scan3A_12 = arith.addi %scan3A_10, %scan3A_11 : i32
    %scan3A_13 = arith.constant 1 : i32
    %scan3A_14 = scf.for %scan3A_513 = %scan3A_10 to %scan3A_12 step %scan3A_13 iter_args(%scan3A_514 = %scan3A) -> (i32)  : i32 {
      %mul3A_515 = arith.constant 16 : i32
      %mul3A_516 = arith.muli %scan3A_513, %mul3A_515 : i32
      %swap3A_517 = arith.index_cast %mul3A_516 : i32 to index
      %swap3A_518 = tpu.vector_load %arg13[%swap3A_517] {strides = array<i32>} : memref<2048xf32, #tpu.memory_space<vmem>>, vector<16xf32>,
      tpu.vector_store %arg13[%swap3A_517], %broadcast_in_dim3A_3 {strides = array<i32>} : memref<2048xf32, #tpu.memory_space<vmem>>, vector<16xf32>,
      %mul3A_519 = arith.constant 16 : i32
      %mul3A_520 = arith.muli %scan3A_513, %mul3A_519 : i32
      %swap3A_521 = arith.index_cast %mul3A_520 : i32 to index
      %swap3A_522 = tpu.vector_load %arg14[%swap3A_521] {strides = array<i32>} : memref<2048xf32, #tpu.memory_space<vmem>>, vector<16xf32>,
      tpu.vector_store %arg14[%swap3A_521], %broadcast_in_dim3A_3 {strides = array<i32>} : memref<2048xf32, #tpu.memory_space<vmem>>, vector<16xf32>,
      %mul3A_523 = arith.constant 16 : i32
      %mul3A_524 = arith.muli %scan3A_513, %mul3A_523 : i32
      %swap3A_525 = arith.index_cast %mul3A_524 : i32 to index
      %swap3A_526 = tpu.vector_load %arg15[%swap3A_525] {strides = array<i32>} : memref<2048xf32, #tpu.memory_space<vmem>>, vector<16xf32>,
      tpu.vector_store %arg15[%swap3A_525], %broadcast_in_dim3A_3 {strides = array<i32>} : memref<2048xf32, #tpu.memory_space<vmem>>, vector<16xf32>,
      %mul3A_527 = arith.constant 16 : i32
      %mul3A_528 = arith.muli %scan3A_513, %mul3A_527 : i32
      %swap3A_529 = arith.index_cast %mul3A_528 : i32 to index
      %swap3A_530 = tpu.vector_load %arg16[%swap3A_529] {strides = array<i32>} : memref<2048xf32, #tpu.memory_space<vmem>>, vector<16xf32>,
      tpu.vector_store %arg16[%swap3A_529], %broadcast_in_dim3A_3 {strides = array<i32>} : memref<2048xf32, #tpu.memory_space<vmem>>, vector<16xf32>,
      %scan3A_531 = arith.constant 0 : i32
      scf.yield %scan3A_531 : i32
    }
    %scan3A_15 = arith.constant 128 : i32
    %mul3A_16 = arith.constant 512 : i32
    %mul3A_17 = arith.muli %and3A_1, %mul3A_16 : i32
    %scan3A_18 = arith.constant 0 : i32
    %scan3A_19 = arith.constant 0 : i32
    %scan3A_20 = arith.constant 32 : i32
    %scan3A_21 = arith.addi %scan3A_19, %scan3A_20 : i32
    %scan3A_22 = arith.constant 1 : i32
    %scan3A_23 = scf.for %scan3A_513 = %scan3A_19 to %scan3A_21 step %scan3A_22 iter_args(%scan3A_514 = %scan3A_18) -> (i32)  : i32 {
      %mul3A_515 = arith.constant 16 : i32
      %mul3A_516 = arith.muli %scan3A_513, %mul3A_515 : i32
      %add3A_517 = arith.addi %mul3A_17, %mul3A_516 : i32
      %add3A_518 = vector.broadcast %add3A_517 : i32 to vector<16xi32>
      %add3A_519 = arith.addi %add3A_518, %iota3A : vector<16xi32>
      %mul3A_520 = arith.constant 3 : i32
      %mul3A_521 = vector.broadcast %mul3A_520 : i32 to vector<16xi32>
      %mul3A_522 = arith.muli %add3A_519, %mul3A_521 : vector<16xi32>
      %gather3A = tpu.vector_load_idx %arg6[%mul3A_522] : memref<12288xi32, #tpu.memory_space<vmem>>[vector<16xi32>], vector<16xi32>,
      %add3A_523 = arith.constant 1 : i32
      %add3A_524 = vector.broadcast %add3A_523 : i32 to vector<16xi32>
      %add3A_525 = arith.addi %mul3A_522, %add3A_524 : vector<16xi32>
      %gather3A_526 = tpu.vector_load_idx %arg6[%add3A_525] : memref<12288xi32, #tpu.memory_space<vmem>>[vector<16xi32>], vector<16xi32>,
      %add3A_527 = arith.constant 2 : i32
      %add3A_528 = vector.broadcast %add3A_527 : i32 to vector<16xi32>
      %add3A_529 = arith.addi %mul3A_522, %add3A_528 : vector<16xi32>
      %gather3A_530 = tpu.vector_load_idx %arg6[%add3A_529] : memref<12288xi32, #tpu.memory_space<vmem>>[vector<16xi32>], vector<16xi32>,
      %mul3A_531 = arith.constant 3 : i32
      %mul3A_532 = vector.broadcast %mul3A_531 : i32 to vector<16xi32>
      %mul3A_533 = arith.muli %gather3A, %mul3A_532 : vector<16xi32>
      %gather3A_534 = tpu.vector_load_idx %arg5[%mul3A_533] : memref<6144xf32, #tpu.memory_space<vmem>>[vector<16xi32>], vector<16xf32>,
      %add3A_535 = arith.constant 1 : i32
      %add3A_536 = vector.broadcast %add3A_535 : i32 to vector<16xi32>
      %add3A_537 = arith.addi %mul3A_533, %add3A_536 : vector<16xi32>
      %gather3A_538 = tpu.vector_load_idx %arg5[%add3A_537] : memref<6144xf32, #tpu.memory_space<vmem>>[vector<16xi32>], vector<16xf32>,
      %add3A_539 = arith.constant 2 : i32
      %add3A_540 = vector.broadcast %add3A_539 : i32 to vector<16xi32>
      %add3A_541 = arith.addi %mul3A_533, %add3A_540 : vector<16xi32>
      %gather3A_542 = tpu.vector_load_idx %arg5[%add3A_541] : memref<6144xf32, #tpu.memory_space<vmem>>[vector<16xi32>], vector<16xf32>,
      %mul3A_543 = arith.constant 3 : i32
      %mul3A_544 = vector.broadcast %mul3A_543 : i32 to vector<16xi32>
      %mul3A_545 = arith.muli %gather3A_526, %mul3A_544 : vector<16xi32>
      %gather3A_546 = tpu.vector_load_idx %arg5[%mul3A_545] : memref<6144xf32, #tpu.memory_space<vmem>>[vector<16xi32>], vector<16xf32>,
      %add3A_547 = arith.constant 1 : i32
      %add3A_548 = vector.broadcast %add3A_547 : i32 to vector<16xi32>
      %add3A_549 = arith.addi %mul3A_545, %add3A_548 : vector<16xi32>
      %gather3A_550 = tpu.vector_load_idx %arg5[%add3A_549] : memref<6144xf32, #tpu.memory_space<vmem>>[vector<16xi32>], vector<16xf32>,
      %add3A_551 = arith.constant 2 : i32
      %add3A_552 = vector.broadcast %add3A_551 : i32 to vector<16xi32>
      %add3A_553 = arith.addi %mul3A_545, %add3A_552 : vector<16xi32>
      %gather3A_554 = tpu.vector_load_idx %arg5[%add3A_553] : memref<6144xf32, #tpu.memory_space<vmem>>[vector<16xi32>], vector<16xf32>,
      %mul3A_555 = arith.constant 3 : i32
      %mul3A_556 = vector.broadcast %mul3A_555 : i32 to vector<16xi32>
      %mul3A_557 = arith.muli %gather3A_530, %mul3A_556 : vector<16xi32>
      %gather3A_558 = tpu.vector_load_idx %arg5[%mul3A_557] : memref<6144xf32, #tpu.memory_space<vmem>>[vector<16xi32>], vector<16xf32>,
      %add3A_559 = arith.constant 1 : i32
      %add3A_560 = vector.broadcast %add3A_559 : i32 to vector<16xi32>
      %add3A_561 = arith.addi %mul3A_557, %add3A_560 : vector<16xi32>
      %gather3A_562 = tpu.vector_load_idx %arg5[%add3A_561] : memref<6144xf32, #tpu.memory_space<vmem>>[vector<16xi32>], vector<16xf32>,
      %add3A_563 = arith.constant 2 : i32
      %add3A_564 = vector.broadcast %add3A_563 : i32 to vector<16xi32>
      %add3A_565 = arith.addi %mul3A_557, %add3A_564 : vector<16xi32>
      %gather3A_566 = tpu.vector_load_idx %arg5[%add3A_565] : memref<6144xf32, #tpu.memory_space<vmem>>[vector<16xi32>], vector<16xf32>,
      %sub3A = arith.subf %gather3A_546, %gather3A_558 : vector<16xf32>
      %sub3A_567 = arith.subf %gather3A_550, %gather3A_562 : vector<16xf32>
      %sub3A_568 = arith.subf %gather3A_554, %gather3A_566 : vector<16xf32>
      %mul3A_569 = arith.mulf %sub3A, %sub3A : vector<16xf32>
      %mul3A_570 = arith.mulf %sub3A_567, %sub3A_567 : vector<16xf32>
      %add3A_571 = arith.addf %mul3A_569, %mul3A_570 : vector<16xf32>
      %mul3A_572 = arith.mulf %sub3A_568, %sub3A_568 : vector<16xf32>
      %add3A_573 = arith.addf %add3A_571, %mul3A_572 : vector<16xf32>
      %add3A_574 = arith.constant 9.99999968E-21 : f32
      %add3A_575 = vector.broadcast %add3A_574 : f32 to vector<16xf32>
      %add3A_576 = arith.addf %add3A_573, %add3A_575 : vector<16xf32>
      %sub3A_577 = arith.subf %gather3A_534, %gather3A_558 : vector<16xf32>
      %sub3A_578 = arith.subf %gather3A_538, %gather3A_562 : vector<16xf32>
      %sub3A_579 = arith.subf %gather3A_542, %gather3A_566 : vector<16xf32>
      %mul3A_580 = arith.mulf %sub3A_577, %sub3A_577 : vector<16xf32>
      %mul3A_581 = arith.mulf %sub3A_578, %sub3A_578 : vector<16xf32>
      %add3A_582 = arith.addf %mul3A_580, %mul3A_581 : vector<16xf32>
      %mul3A_583 = arith.mulf %sub3A_579, %sub3A_579 : vector<16xf32>
      %add3A_584 = arith.addf %add3A_582, %mul3A_583 : vector<16xf32>
      %add3A_585 = arith.constant 9.99999968E-21 : f32
      %add3A_586 = vector.broadcast %add3A_585 : f32 to vector<16xf32>
      %add3A_587 = arith.addf %add3A_584, %add3A_586 : vector<16xf32>
      %sub3A_588 = arith.subf %gather3A_534, %gather3A_546 : vector<16xf32>
      %sub3A_589 = arith.subf %gather3A_538, %gather3A_550 : vector<16xf32>
      %sub3A_590 = arith.subf %gather3A_542, %gather3A_554 : vector<16xf32>
      %mul3A_591 = arith.mulf %sub3A_588, %sub3A_588 : vector<16xf32>
      %mul3A_592 = arith.mulf %sub3A_589, %sub3A_589 : vector<16xf32>
      %add3A_593 = arith.addf %mul3A_591, %mul3A_592 : vector<16xf32>
      %mul3A_594 = arith.mulf %sub3A_590, %sub3A_590 : vector<16xf32>
      %add3A_595 = arith.addf %add3A_593, %mul3A_594 : vector<16xf32>
      %add3A_596 = arith.constant 9.99999968E-21 : f32
      %add3A_597 = vector.broadcast %add3A_596 : f32 to vector<16xf32>
      %add3A_598 = arith.addf %add3A_595, %add3A_597 : vector<16xf32>
      %bitcast3A = vector.bitcast %add3A_576 : vector<16xf32> to vector<16xi32>
      %shift_right_arithmetic3A_599 = arith.constant 1 : i32
      %shift_right_arithmetic3A_600 = vector.broadcast %shift_right_arithmetic3A_599 : i32 to vector<16xi32>
      %shift_right_arithmetic3A_601 = arith.shrsi %bitcast3A, %shift_right_arithmetic3A_600 : vector<16xi32>
      %sub3A_602 = arith.constant 1597463007 : i32
      %sub3A_603 = vector.broadcast %sub3A_602 : i32 to vector<16xi32>
      %sub3A_604 = arith.subi %sub3A_603, %shift_right_arithmetic3A_601 : vector<16xi32>
      %bitcast3A_605 = vector.bitcast %sub3A_604 : vector<16xi32> to vector<16xf32>
      %mul3A_606 = arith.constant 5.000000e-01 : f32
      %mul3A_607 = vector.broadcast %mul3A_606 : f32 to vector<16xf32>
      %mul3A_608 = arith.mulf %mul3A_607, %add3A_576 : vector<16xf32>
      %mul3A_609 = arith.mulf %mul3A_608, %bitcast3A_605 : vector<16xf32>
      %mul3A_610 = arith.mulf %mul3A_609, %bitcast3A_605 : vector<16xf32>
      %sub3A_611 = arith.constant 1.500000e+00 : f32
      %sub3A_612 = vector.broadcast %sub3A_611 : f32 to vector<16xf32>
      %sub3A_613 = arith.subf %sub3A_612, %mul3A_610 : vector<16xf32>
      %mul3A_614 = arith.mulf %bitcast3A_605, %sub3A_613 : vector<16xf32>
      %mul3A_615 = arith.constant 5.000000e-01 : f32
      %mul3A_616 = vector.broadcast %mul3A_615 : f32 to vector<16xf32>
      %mul3A_617 = arith.mulf %mul3A_616, %add3A_576 : vector<16xf32>
      %mul3A_618 = arith.mulf %mul3A_617, %mul3A_614 : vector<16xf32>
      %mul3A_619 = arith.mulf %mul3A_618, %mul3A_614 : vector<16xf32>
      %sub3A_620 = arith.constant 1.500000e+00 : f32
      %sub3A_621 = vector.broadcast %sub3A_620 : f32 to vector<16xf32>
      %sub3A_622 = arith.subf %sub3A_621, %mul3A_619 : vector<16xf32>
      %mul3A_623 = arith.mulf %mul3A_614, %sub3A_622 : vector<16xf32>
      %mul3A_624 = arith.constant 5.000000e-01 : f32
      %mul3A_625 = vector.broadcast %mul3A_624 : f32 to vector<16xf32>
      %mul3A_626 = arith.mulf %mul3A_625, %add3A_576 : vector<16xf32>
      %mul3A_627 = arith.mulf %mul3A_626, %mul3A_623 : vector<16xf32>
      %mul3A_628 = arith.mulf %mul3A_627, %mul3A_623 : vector<16xf32>
      %sub3A_629 = arith.constant 1.500000e+00 : f32
      %sub3A_630 = vector.broadcast %sub3A_629 : f32 to vector<16xf32>
      %sub3A_631 = arith.subf %sub3A_630, %mul3A_628 : vector<16xf32>
      %mul3A_632 = arith.mulf %mul3A_623, %sub3A_631 : vector<16xf32>
      %mul3A_633 = arith.mulf %add3A_576, %mul3A_632 : vector<16xf32>
      %bitcast3A_634 = vector.bitcast %add3A_587 : vector<16xf32> to vector<16xi32>
      %shift_right_arithmetic3A_635 = arith.constant 1 : i32
      %shift_right_arithmetic3A_636 = vector.broadcast %shift_right_arithmetic3A_635 : i32 to vector<16xi32>
      %shift_right_arithmetic3A_637 = arith.shrsi %bitcast3A_634, %shift_right_arithmetic3A_636 : vector<16xi32>
      %sub3A_638 = arith.constant 1597463007 : i32
      %sub3A_639 = vector.broadcast %sub3A_638 : i32 to vector<16xi32>
      %sub3A_640 = arith.subi %sub3A_639, %shift_right_arithmetic3A_637 : vector<16xi32>
      %bitcast3A_641 = vector.bitcast %sub3A_640 : vector<16xi32> to vector<16xf32>
      %mul3A_642 = arith.constant 5.000000e-01 : f32
      %mul3A_643 = vector.broadcast %mul3A_642 : f32 to vector<16xf32>
      %mul3A_644 = arith.mulf %mul3A_643, %add3A_587 : vector<16xf32>
      %mul3A_645 = arith.mulf %mul3A_644, %bitcast3A_641 : vector<16xf32>
      %mul3A_646 = arith.mulf %mul3A_645, %bitcast3A_641 : vector<16xf32>
      %sub3A_647 = arith.constant 1.500000e+00 : f32
      %sub3A_648 = vector.broadcast %sub3A_647 : f32 to vector<16xf32>
      %sub3A_649 = arith.subf %sub3A_648, %mul3A_646 : vector<16xf32>
      %mul3A_650 = arith.mulf %bitcast3A_641, %sub3A_649 : vector<16xf32>
      %mul3A_651 = arith.constant 5.000000e-01 : f32
      %mul3A_652 = vector.broadcast %mul3A_651 : f32 to vector<16xf32>
      %mul3A_653 = arith.mulf %mul3A_652, %add3A_587 : vector<16xf32>
      %mul3A_654 = arith.mulf %mul3A_653, %mul3A_650 : vector<16xf32>
      %mul3A_655 = arith.mulf %mul3A_654, %mul3A_650 : vector<16xf32>
      %sub3A_656 = arith.constant 1.500000e+00 : f32
      %sub3A_657 = vector.broadcast %sub3A_656 : f32 to vector<16xf32>
      %sub3A_658 = arith.subf %sub3A_657, %mul3A_655 : vector<16xf32>
      %mul3A_659 = arith.mulf %mul3A_650, %sub3A_658 : vector<16xf32>
      %mul3A_660 = arith.constant 5.000000e-01 : f32
      %mul3A_661 = vector.broadcast %mul3A_660 : f32 to vector<16xf32>
      %mul3A_662 = arith.mulf %mul3A_661, %add3A_587 : vector<16xf32>
      %mul3A_663 = arith.mulf %mul3A_662, %mul3A_659 : vector<16xf32>
      %mul3A_664 = arith.mulf %mul3A_663, %mul3A_659 : vector<16xf32>
      %sub3A_665 = arith.constant 1.500000e+00 : f32
      %sub3A_666 = vector.broadcast %sub3A_665 : f32 to vector<16xf32>
      %sub3A_667 = arith.subf %sub3A_666, %mul3A_664 : vector<16xf32>
      %mul3A_668 = arith.mulf %mul3A_659, %sub3A_667 : vector<16xf32>
      %mul3A_669 = arith.mulf %add3A_587, %mul3A_668 : vector<16xf32>
      %bitcast3A_670 = vector.bitcast %add3A_598 : vector<16xf32> to vector<16xi32>
      %shift_right_arithmetic3A_671 = arith.constant 1 : i32
      %shift_right_arithmetic3A_672 = vector.broadcast %shift_right_arithmetic3A_671 : i32 to vector<16xi32>
      %shift_right_arithmetic3A_673 = arith.shrsi %bitcast3A_670, %shift_right_arithmetic3A_672 : vector<16xi32>
      %sub3A_674 = arith.constant 1597463007 : i32
      %sub3A_675 = vector.broadcast %sub3A_674 : i32 to vector<16xi32>
      %sub3A_676 = arith.subi %sub3A_675, %shift_right_arithmetic3A_673 : vector<16xi32>
      %bitcast3A_677 = vector.bitcast %sub3A_676 : vector<16xi32> to vector<16xf32>
      %mul3A_678 = arith.constant 5.000000e-01 : f32
      %mul3A_679 = vector.broadcast %mul3A_678 : f32 to vector<16xf32>
      %mul3A_680 = arith.mulf %mul3A_679, %add3A_598 : vector<16xf32>
      %mul3A_681 = arith.mulf %mul3A_680, %bitcast3A_677 : vector<16xf32>
      %mul3A_682 = arith.mulf %mul3A_681, %bitcast3A_677 : vector<16xf32>
      %sub3A_683 = arith.constant 1.500000e+00 : f32
      %sub3A_684 = vector.broadcast %sub3A_683 : f32 to vector<16xf32>
      %sub3A_685 = arith.subf %sub3A_684, %mul3A_682 : vector<16xf32>
      %mul3A_686 = arith.mulf %bitcast3A_677, %sub3A_685 : vector<16xf32>
      %mul3A_687 = arith.constant 5.000000e-01 : f32
      %mul3A_688 = vector.broadcast %mul3A_687 : f32 to vector<16xf32>
      %mul3A_689 = arith.mulf %mul3A_688, %add3A_598 : vector<16xf32>
      %mul3A_690 = arith.mulf %mul3A_689, %mul3A_686 : vector<16xf32>
      %mul3A_691 = arith.mulf %mul3A_690, %mul3A_686 : vector<16xf32>
      %sub3A_692 = arith.constant 1.500000e+00 : f32
      %sub3A_693 = vector.broadcast %sub3A_692 : f32 to vector<16xf32>
      %sub3A_694 = arith.subf %sub3A_693, %mul3A_691 : vector<16xf32>
      %mul3A_695 = arith.mulf %mul3A_686, %sub3A_694 : vector<16xf32>
      %mul3A_696 = arith.constant 5.000000e-01 : f32
      %mul3A_697 = vector.broadcast %mul3A_696 : f32 to vector<16xf32>
      %mul3A_698 = arith.mulf %mul3A_697, %add3A_598 : vector<16xf32>
      %mul3A_699 = arith.mulf %mul3A_698, %mul3A_695 : vector<16xf32>
      %mul3A_700 = arith.mulf %mul3A_699, %mul3A_695 : vector<16xf32>
      %sub3A_701 = arith.constant 1.500000e+00 : f32
      %sub3A_702 = vector.broadcast %sub3A_701 : f32 to vector<16xf32>
      %sub3A_703 = arith.subf %sub3A_702, %mul3A_700 : vector<16xf32>
      %mul3A_704 = arith.mulf %mul3A_695, %sub3A_703 : vector<16xf32>
      %mul3A_705 = arith.mulf %add3A_598, %mul3A_704 : vector<16xf32>
      %add3A_706 = arith.addf %mul3A_633, %mul3A_669 : vector<16xf32>
      %add3A_707 = arith.addf %add3A_706, %mul3A_705 : vector<16xf32>
      %mul3A_708 = arith.constant 5.000000e-01 : f32
      %mul3A_709 = vector.broadcast %mul3A_708 : f32 to vector<16xf32>
      %mul3A_710 = arith.mulf %mul3A_709, %add3A_707 : vector<16xf32>
      %sub3A_711 = arith.subf %mul3A_710, %mul3A_633 : vector<16xf32>
      %mul3A_712 = arith.mulf %mul3A_710, %sub3A_711 : vector<16xf32>
      %sub3A_713 = arith.subf %mul3A_710, %mul3A_669 : vector<16xf32>
      %mul3A_714 = arith.mulf %mul3A_712, %sub3A_713 : vector<16xf32>
      %sub3A_715 = arith.subf %mul3A_710, %mul3A_705 : vector<16xf32>
      %mul3A_716 = arith.mulf %mul3A_714, %sub3A_715 : vector<16xf32>
      %max3A = arith.constant 9.99999996E-13 : f32
      %max3A_717 = vector.broadcast %max3A : f32 to vector<16xf32>
      %max3A_718 = arith.maximumf %mul3A_716, %max3A_717 : vector<16xf32>
      %bitcast3A_719 = vector.bitcast %max3A_718 : vector<16xf32> to vector<16xi32>
      %shift_right_arithmetic3A_720 = arith.constant 1 : i32
      %shift_right_arithmetic3A_721 = vector.broadcast %shift_right_arithmetic3A_720 : i32 to vector<16xi32>
      %shift_right_arithmetic3A_722 = arith.shrsi %bitcast3A_719, %shift_right_arithmetic3A_721 : vector<16xi32>
      %sub3A_723 = arith.constant 1597463007 : i32
      %sub3A_724 = vector.broadcast %sub3A_723 : i32 to vector<16xi32>
      %sub3A_725 = arith.subi %sub3A_724, %shift_right_arithmetic3A_722 : vector<16xi32>
      %bitcast3A_726 = vector.bitcast %sub3A_725 : vector<16xi32> to vector<16xf32>
      %mul3A_727 = arith.constant 5.000000e-01 : f32
      %mul3A_728 = vector.broadcast %mul3A_727 : f32 to vector<16xf32>
      %mul3A_729 = arith.mulf %mul3A_728, %max3A_718 : vector<16xf32>
      %mul3A_730 = arith.mulf %mul3A_729, %bitcast3A_726 : vector<16xf32>
      %mul3A_731 = arith.mulf %mul3A_730, %bitcast3A_726 : vector<16xf32>
      %sub3A_732 = arith.constant 1.500000e+00 : f32
      %sub3A_733 = vector.broadcast %sub3A_732 : f32 to vector<16xf32>
      %sub3A_734 = arith.subf %sub3A_733, %mul3A_731 : vector<16xf32>
      %mul3A_735 = arith.mulf %bitcast3A_726, %sub3A_734 : vector<16xf32>
      %mul3A_736 = arith.constant 5.000000e-01 : f32
      %mul3A_737 = vector.broadcast %mul3A_736 : f32 to vector<16xf32>
      %mul3A_738 = arith.mulf %mul3A_737, %max3A_718 : vector<16xf32>
      %mul3A_739 = arith.mulf %mul3A_738, %mul3A_735 : vector<16xf32>
      %mul3A_740 = arith.mulf %mul3A_739, %mul3A_735 : vector<16xf32>
      %sub3A_741 = arith.constant 1.500000e+00 : f32
      %sub3A_742 = vector.broadcast %sub3A_741 : f32 to vector<16xf32>
      %sub3A_743 = arith.subf %sub3A_742, %mul3A_740 : vector<16xf32>
      %mul3A_744 = arith.mulf %mul3A_735, %sub3A_743 : vector<16xf32>
      %mul3A_745 = arith.constant 5.000000e-01 : f32
      %mul3A_746 = vector.broadcast %mul3A_745 : f32 to vector<16xf32>
      %mul3A_747 = arith.mulf %mul3A_746, %max3A_718 : vector<16xf32>
      %mul3A_748 = arith.mulf %mul3A_747, %mul3A_744 : vector<16xf32>
      %mul3A_749 = arith.mulf %mul3A_748, %mul3A_744 : vector<16xf32>
      %sub3A_750 = arith.constant 1.500000e+00 : f32
      %sub3A_751 = vector.broadcast %sub3A_750 : f32 to vector<16xf32>
      %sub3A_752 = arith.subf %sub3A_751, %mul3A_749 : vector<16xf32>
      %mul3A_753 = arith.mulf %mul3A_744, %sub3A_752 : vector<16xf32>
      %mul3A_754 = arith.mulf %max3A_718, %mul3A_753 : vector<16xf32>
      %div3A = arith.constant 2.500000e-01 : f32
      %div3A_755 = vector.broadcast %div3A : f32 to vector<16xf32>
      %div3A_756 = arith.divf %div3A_755, %mul3A_754 : vector<16xf32>
      %add3A_757 = arith.addf %add3A_587, %add3A_598 : vector<16xf32>
      %sub3A_758 = arith.subf %add3A_757, %add3A_576 : vector<16xf32>
      %mul3A_759 = arith.mulf %sub3A_758, %div3A_756 : vector<16xf32>
      %add3A_760 = arith.addf %add3A_576, %add3A_598 : vector<16xf32>
      %sub3A_761 = arith.subf %add3A_760, %add3A_587 : vector<16xf32>
      %mul3A_762 = arith.mulf %sub3A_761, %div3A_756 : vector<16xf32>
      %add3A_763 = arith.addf %add3A_576, %add3A_587 : vector<16xf32>
      %sub3A_764 = arith.subf %add3A_763, %add3A_598 : vector<16xf32>
      %mul3A_765 = arith.mulf %sub3A_764, %div3A_756 : vector<16xf32>
      %mul3A_766 = arith.mulf %mul3A_759, %gather3A_558 : vector<16xf32>
      tpu.vector_store_idx %arg13[%gather3A_526], %mul3A_766 {add = true} : memref<2048xf32, #tpu.memory_space<vmem>>[vector<16xi32>], vector<16xf32>,
      %mul3A_767 = arith.mulf %mul3A_759, %gather3A_562 : vector<16xf32>
      tpu.vector_store_idx %arg14[%gather3A_526], %mul3A_767 {add = true} : memref<2048xf32, #tpu.memory_space<vmem>>[vector<16xi32>], vector<16xf32>,
      %mul3A_768 = arith.mulf %mul3A_759, %gather3A_566 : vector<16xf32>
      tpu.vector_store_idx %arg15[%gather3A_526], %mul3A_768 {add = true} : memref<2048xf32, #tpu.memory_space<vmem>>[vector<16xi32>], vector<16xf32>,
      tpu.vector_store_idx %arg16[%gather3A_526], %mul3A_759 {add = true} : memref<2048xf32, #tpu.memory_space<vmem>>[vector<16xi32>], vector<16xf32>,
      %mul3A_769 = arith.mulf %mul3A_759, %gather3A_546 : vector<16xf32>
      tpu.vector_store_idx %arg13[%gather3A_530], %mul3A_769 {add = true} : memref<2048xf32, #tpu.memory_space<vmem>>[vector<16xi32>], vector<16xf32>,
      %mul3A_770 = arith.mulf %mul3A_759, %gather3A_550 : vector<16xf32>
      tpu.vector_store_idx %arg14[%gather3A_530], %mul3A_770 {add = true} : memref<2048xf32, #tpu.memory_space<vmem>>[vector<16xi32>], vector<16xf32>,
      %mul3A_771 = arith.mulf %mul3A_759, %gather3A_554 : vector<16xf32>
      tpu.vector_store_idx %arg15[%gather3A_530], %mul3A_771 {add = true} : memref<2048xf32, #tpu.memory_space<vmem>>[vector<16xi32>], vector<16xf32>,
      tpu.vector_store_idx %arg16[%gather3A_530], %mul3A_759 {add = true} : memref<2048xf32, #tpu.memory_space<vmem>>[vector<16xi32>], vector<16xf32>,
      %mul3A_772 = arith.mulf %mul3A_762, %gather3A_534 : vector<16xf32>
      tpu.vector_store_idx %arg13[%gather3A_530], %mul3A_772 {add = true} : memref<2048xf32, #tpu.memory_space<vmem>>[vector<16xi32>], vector<16xf32>,
      %mul3A_773 = arith.mulf %mul3A_762, %gather3A_538 : vector<16xf32>
      tpu.vector_store_idx %arg14[%gather3A_530], %mul3A_773 {add = true} : memref<2048xf32, #tpu.memory_space<vmem>>[vector<16xi32>], vector<16xf32>,
      %mul3A_774 = arith.mulf %mul3A_762, %gather3A_542 : vector<16xf32>
      tpu.vector_store_idx %arg15[%gather3A_530], %mul3A_774 {add = true} : memref<2048xf32, #tpu.memory_space<vmem>>[vector<16xi32>], vector<16xf32>,
      tpu.vector_store_idx %arg16[%gather3A_530], %mul3A_762 {add = true} : memref<2048xf32, #tpu.memory_space<vmem>>[vector<16xi32>], vector<16xf32>,
      %mul3A_775 = arith.mulf %mul3A_762, %gather3A_558 : vector<16xf32>
      tpu.vector_store_idx %arg13[%gather3A], %mul3A_775 {add = true} : memref<2048xf32, #tpu.memory_space<vmem>>[vector<16xi32>], vector<16xf32>,
      %mul3A_776 = arith.mulf %mul3A_762, %gather3A_562 : vector<16xf32>
      tpu.vector_store_idx %arg14[%gather3A], %mul3A_776 {add = true} : memref<2048xf32, #tpu.memory_space<vmem>>[vector<16xi32>], vector<16xf32>,
      %mul3A_777 = arith.mulf %mul3A_762, %gather3A_566 : vector<16xf32>
      tpu.vector_store_idx %arg15[%gather3A], %mul3A_777 {add = true} : memref<2048xf32, #tpu.memory_space<vmem>>[vector<16xi32>], vector<16xf32>,
      tpu.vector_store_idx %arg16[%gather3A], %mul3A_762 {add = true} : memref<2048xf32, #tpu.memory_space<vmem>>[vector<16xi32>], vector<16xf32>,
      %mul3A_778 = arith.mulf %mul3A_765, %gather3A_546 : vector<16xf32>
      tpu.vector_store_idx %arg13[%gather3A], %mul3A_778 {add = true} : memref<2048xf32, #tpu.memory_space<vmem>>[vector<16xi32>], vector<16xf32>,
      %mul3A_779 = arith.mulf %mul3A_765, %gather3A_550 : vector<16xf32>
      tpu.vector_store_idx %arg14[%gather3A], %mul3A_779 {add = true} : memref<2048xf32, #tpu.memory_space<vmem>>[vector<16xi32>], vector<16xf32>,
      %mul3A_780 = arith.mulf %mul3A_765, %gather3A_554 : vector<16xf32>
      tpu.vector_store_idx %arg15[%gather3A], %mul3A_780 {add = true} : memref<2048xf32, #tpu.memory_space<vmem>>[vector<16xi32>], vector<16xf32>,
      tpu.vector_store_idx %arg16[%gather3A], %mul3A_765 {add = true} : memref<2048xf32, #tpu.memory_space<vmem>>[vector<16xi32>], vector<16xf32>,
      %mul3A_781 = arith.mulf %mul3A_765, %gather3A_534 : vector<16xf32>
      tpu.vector_store_idx %arg13[%gather3A_526], %mul3A_781 {add = true} : memref<2048xf32, #tpu.memory_space<vmem>>[vector<16xi32>], vector<16xf32>,
      %mul3A_782 = arith.mulf %mul3A_765, %gather3A_538 : vector<16xf32>
      tpu.vector_store_idx %arg14[%gather3A_526], %mul3A_782 {add = true} : memref<2048xf32, #tpu.memory_space<vmem>>[vector<16xi32>], vector<16xf32>,
      %mul3A_783 = arith.mulf %mul3A_765, %gather3A_542 : vector<16xf32>
      tpu.vector_store_idx %arg15[%gather3A_526], %mul3A_783 {add = true} : memref<2048xf32, #tpu.memory_space<vmem>>[vector<16xi32>], vector<16xf32>,
      tpu.vector_store_idx %arg16[%gather3A_526], %mul3A_765 {add = true} : memref<2048xf32, #tpu.memory_space<vmem>>[vector<16xi32>], vector<16xf32>,
      %min3A = arith.minsi %gather3A, %gather3A_526 : vector<16xi32>
      %max3A_784 = arith.maxsi %gather3A, %gather3A_526 : vector<16xi32>
      %add3A_785 = arith.constant 0 : i32
      %add3A_786 = arith.addi %add3A_785, %add3A_517 : i32
      %shift_left3A = arith.constant 2 : i32
      %shift_left3A_787 = vector.broadcast %shift_left3A : i32 to vector<16xi32>
      %shift_left3A_788 = arith.shli %min3A, %shift_left3A_787 : vector<16xi32>
      %and3A_789 = arith.constant 3 : i32
      %and3A_790 = vector.broadcast %and3A_789 : i32 to vector<16xi32>
      %and3A_791 = arith.andi %max3A_784, %and3A_790 : vector<16xi32>
      %or3A = arith.ori %shift_left3A_788, %and3A_791 : vector<16xi32>
      %swap3A_792 = arith.index_cast %add3A_786 : i32 to index
      %swap3A_793 = tpu.vector_load %arg7[%swap3A_792] {strides = array<i32>} : memref<12288xi32, #tpu.memory_space<vmem>>, vector<16xi32>,
      tpu.vector_store %arg7[%swap3A_792], %or3A {strides = array<i32>} : memref<12288xi32, #tpu.memory_space<vmem>>, vector<16xi32>,
      %shift_left3A_794 = arith.constant 14 : i32
      %shift_left3A_795 = vector.broadcast %shift_left3A_794 : i32 to vector<16xi32>
      %shift_left3A_796 = arith.shli %max3A_784, %shift_left3A_795 : vector<16xi32>
      %add3A_797 = vector.broadcast %add3A_786 : i32 to vector<16xi32>
      %add3A_798 = arith.addi %shift_left3A_796, %add3A_797 : vector<16xi32>
      %add3A_799 = arith.addi %add3A_798, %iota3A : vector<16xi32>
      %swap3A_800 = arith.index_cast %add3A_786 : i32 to index
      %swap3A_801 = tpu.vector_load %arg8[%swap3A_800] {strides = array<i32>} : memref<12288xi32, #tpu.memory_space<vmem>>, vector<16xi32>,
      tpu.vector_store %arg8[%swap3A_800], %add3A_799 {strides = array<i32>} : memref<12288xi32, #tpu.memory_space<vmem>>, vector<16xi32>,
      %swap3A_802 = arith.index_cast %add3A_786 : i32 to index
      %swap3A_803 = tpu.vector_load %arg9[%swap3A_802] {strides = array<i32>} : memref<12288xi32, #tpu.memory_space<vmem>>, vector<16xi32>,
      tpu.vector_store %arg9[%swap3A_802], %gather3A_530 {strides = array<i32>} : memref<12288xi32, #tpu.memory_space<vmem>>, vector<16xi32>,
      %min3A_804 = arith.minsi %gather3A_526, %gather3A_530 : vector<16xi32>
      %max3A_805 = arith.maxsi %gather3A_526, %gather3A_530 : vector<16xi32>
      %add3A_806 = arith.constant 4096 : i32
      %add3A_807 = arith.addi %add3A_806, %add3A_517 : i32
      %shift_left3A_808 = arith.constant 2 : i32
      %shift_left3A_809 = vector.broadcast %shift_left3A_808 : i32 to vector<16xi32>
      %shift_left3A_810 = arith.shli %min3A_804, %shift_left3A_809 : vector<16xi32>
      %and3A_811 = arith.constant 3 : i32
      %and3A_812 = vector.broadcast %and3A_811 : i32 to vector<16xi32>
      %and3A_813 = arith.andi %max3A_805, %and3A_812 : vector<16xi32>
      %or3A_814 = arith.ori %shift_left3A_810, %and3A_813 : vector<16xi32>
      %swap3A_815 = arith.index_cast %add3A_807 : i32 to index
      %swap3A_816 = tpu.vector_load %arg7[%swap3A_815] {strides = array<i32>} : memref<12288xi32, #tpu.memory_space<vmem>>, vector<16xi32>,
      tpu.vector_store %arg7[%swap3A_815], %or3A_814 {strides = array<i32>} : memref<12288xi32, #tpu.memory_space<vmem>>, vector<16xi32>,
      %shift_left3A_817 = arith.constant 14 : i32
      %shift_left3A_818 = vector.broadcast %shift_left3A_817 : i32 to vector<16xi32>
      %shift_left3A_819 = arith.shli %max3A_805, %shift_left3A_818 : vector<16xi32>
      %add3A_820 = vector.broadcast %add3A_807 : i32 to vector<16xi32>
      %add3A_821 = arith.addi %shift_left3A_819, %add3A_820 : vector<16xi32>
      %add3A_822 = arith.addi %add3A_821, %iota3A : vector<16xi32>
      %swap3A_823 = arith.index_cast %add3A_807 : i32 to index
      %swap3A_824 = tpu.vector_load %arg8[%swap3A_823] {strides = array<i32>} : memref<12288xi32, #tpu.memory_space<vmem>>, vector<16xi32>,
      tpu.vector_store %arg8[%swap3A_823], %add3A_822 {strides = array<i32>} : memref<12288xi32, #tpu.memory_space<vmem>>, vector<16xi32>,
      %swap3A_825 = arith.index_cast %add3A_807 : i32 to index
      %swap3A_826 = tpu.vector_load %arg9[%swap3A_825] {strides = array<i32>} : memref<12288xi32, #tpu.memory_space<vmem>>, vector<16xi32>,
      tpu.vector_store %arg9[%swap3A_825], %gather3A {strides = array<i32>} : memref<12288xi32, #tpu.memory_space<vmem>>, vector<16xi32>,
      %min3A_827 = arith.minsi %gather3A_530, %gather3A : vector<16xi32>
      %max3A_828 = arith.maxsi %gather3A_530, %gather3A : vector<16xi32>
      %add3A_829 = arith.constant 8192 : i32
      %add3A_830 = arith.addi %add3A_829, %add3A_517 : i32
      %shift_left3A_831 = arith.constant 2 : i32
      %shift_left3A_832 = vector.broadcast %shift_left3A_831 : i32 to vector<16xi32>
      %shift_left3A_833 = arith.shli %min3A_827, %shift_left3A_832 : vector<16xi32>
      %and3A_834 = arith.constant 3 : i32
      %and3A_835 = vector.broadcast %and3A_834 : i32 to vector<16xi32>
      %and3A_836 = arith.andi %max3A_828, %and3A_835 : vector<16xi32>
      %or3A_837 = arith.ori %shift_left3A_833, %and3A_836 : vector<16xi32>
      %swap3A_838 = arith.index_cast %add3A_830 : i32 to index
      %swap3A_839 = tpu.vector_load %arg7[%swap3A_838] {strides = array<i32>} : memref<12288xi32, #tpu.memory_space<vmem>>, vector<16xi32>,
      tpu.vector_store %arg7[%swap3A_838], %or3A_837 {strides = array<i32>} : memref<12288xi32, #tpu.memory_space<vmem>>, vector<16xi32>,
      %shift_left3A_840 = arith.constant 14 : i32
      %shift_left3A_841 = vector.broadcast %shift_left3A_840 : i32 to vector<16xi32>
      %shift_left3A_842 = arith.shli %max3A_828, %shift_left3A_841 : vector<16xi32>
      %add3A_843 = vector.broadcast %add3A_830 : i32 to vector<16xi32>
      %add3A_844 = arith.addi %shift_left3A_842, %add3A_843 : vector<16xi32>
      %add3A_845 = arith.addi %add3A_844, %iota3A : vector<16xi32>
      %swap3A_846 = arith.index_cast %add3A_830 : i32 to index
      %swap3A_847 = tpu.vector_load %arg8[%swap3A_846] {strides = array<i32>} : memref<12288xi32, #tpu.memory_space<vmem>>, vector<16xi32>,
      tpu.vector_store %arg8[%swap3A_846], %add3A_845 {strides = array<i32>} : memref<12288xi32, #tpu.memory_space<vmem>>, vector<16xi32>,
      %swap3A_848 = arith.index_cast %add3A_830 : i32 to index
      %swap3A_849 = tpu.vector_load %arg9[%swap3A_848] {strides = array<i32>} : memref<12288xi32, #tpu.memory_space<vmem>>, vector<16xi32>,
      tpu.vector_store %arg9[%swap3A_848], %gather3A_526 {strides = array<i32>} : memref<12288xi32, #tpu.memory_space<vmem>>, vector<16xi32>,
      %scan3A_850 = arith.constant 0 : i32
      scf.yield %scan3A_850 : i32
    }
    %scan3A_24 = arith.constant 32 : i32
    %add3A_25 = arith.constant 0 : i32
    %add3A_26 = arith.addi %add3A_25, %mul3A_17 : i32
    %mul3A_27 = arith.constant 12288 : i32
    %mul3A_28 = arith.muli %shift_right_arithmetic3A_0, %mul3A_27 : i32
    %add3A_29 = arith.addi %mul3A_28, %add3A_26 : i32
    "tpu.region"() ({
      %run_scoped3A = tpu.sem_alloc : memref<!tpu.dma_semaphore, #tpu.memory_space<semaphore_mem>>
      %dma_start3A = tpu.memref_slice %arg7[%add3A_26] : memref<12288xi32, #tpu.memory_space<vmem>> -> memref<512xi32, #tpu.memory_space<vmem>>
      %dma_start3A_513 = tpu.memref_slice %arg23[%add3A_29] : memref<24576xi32, #tpu.memory_space<vmem_shared>> -> memref<512xi32, #tpu.memory_space<vmem_shared>>
      %dma_start3A_514 = tpu.memref_slice %arg23[%add3A_29] : memref<24576xi32, #tpu.memory_space<vmem_shared>> -> memref<512xi32, #tpu.memory_space<vmem_shared>>
      %dma_start3A_515 = tpu.memref_slice %arg7[%add3A_26] : memref<12288xi32, #tpu.memory_space<vmem>> -> memref<512xi32, #tpu.memory_space<vmem>>
      tpu.enqueue_dma source(%dma_start3A_515 : memref<512xi32, #tpu.memory_space<vmem>>) target(%dma_start3A_514 : memref<512xi32, #tpu.memory_space<vmem_shared>>) target_semaphore(%run_scoped3A : memref<!tpu.dma_semaphore, #tpu.memory_space<semaphore_mem>>)
      %dma_wait3A = tpu.memref_slice %arg7[%add3A_26] : memref<12288xi32, #tpu.memory_space<vmem>> -> memref<512xi32, #tpu.memory_space<vmem>>
      %dma_wait3A_516 = tpu.memref_slice %arg23[%add3A_29] : memref<24576xi32, #tpu.memory_space<vmem_shared>> -> memref<512xi32, #tpu.memory_space<vmem_shared>>
      %dma_wait3A_517 = tpu.memref_slice %arg23[%add3A_29] : memref<24576xi32, #tpu.memory_space<vmem_shared>> -> memref<512xi32, #tpu.memory_space<vmem_shared>>
      %dma_wait3A_518 = tpu.memref_slice %arg7[%add3A_26] : memref<12288xi32, #tpu.memory_space<vmem>> -> memref<512xi32, #tpu.memory_space<vmem>>
      tpu.wait_dma2 semaphore(%run_scoped3A : memref<!tpu.dma_semaphore, #tpu.memory_space<semaphore_mem>>) src(%dma_wait3A_518 : memref<512xi32, #tpu.memory_space<vmem>>) dst(%dma_wait3A_517 : memref<512xi32, #tpu.memory_space<vmem_shared>>)
      tpu.yield
    }) : () -> ()
    %mul3A_30 = arith.constant 12288 : i32
    %mul3A_31 = arith.muli %shift_right_arithmetic3A_0, %mul3A_30 : i32
    %add3A_32 = arith.addi %mul3A_31, %add3A_26 : i32
    "tpu.region"() ({
      %run_scoped3A = tpu.sem_alloc : memref<!tpu.dma_semaphore, #tpu.memory_space<semaphore_mem>>
      %dma_start3A = tpu.memref_slice %arg8[%add3A_26] : memref<12288xi32, #tpu.memory_space<vmem>> -> memref<512xi32, #tpu.memory_space<vmem>>
      %dma_start3A_513 = tpu.memref_slice %arg24[%add3A_32] : memref<24576xi32, #tpu.memory_space<vmem_shared>> -> memref<512xi32, #tpu.memory_space<vmem_shared>>
      %dma_start3A_514 = tpu.memref_slice %arg24[%add3A_32] : memref<24576xi32, #tpu.memory_space<vmem_shared>> -> memref<512xi32, #tpu.memory_space<vmem_shared>>
      %dma_start3A_515 = tpu.memref_slice %arg8[%add3A_26] : memref<12288xi32, #tpu.memory_space<vmem>> -> memref<512xi32, #tpu.memory_space<vmem>>
      tpu.enqueue_dma source(%dma_start3A_515 : memref<512xi32, #tpu.memory_space<vmem>>) target(%dma_start3A_514 : memref<512xi32, #tpu.memory_space<vmem_shared>>) target_semaphore(%run_scoped3A : memref<!tpu.dma_semaphore, #tpu.memory_space<semaphore_mem>>)
      %dma_wait3A = tpu.memref_slice %arg8[%add3A_26] : memref<12288xi32, #tpu.memory_space<vmem>> -> memref<512xi32, #tpu.memory_space<vmem>>
      %dma_wait3A_516 = tpu.memref_slice %arg24[%add3A_32] : memref<24576xi32, #tpu.memory_space<vmem_shared>> -> memref<512xi32, #tpu.memory_space<vmem_shared>>
      %dma_wait3A_517 = tpu.memref_slice %arg24[%add3A_32] : memref<24576xi32, #tpu.memory_space<vmem_shared>> -> memref<512xi32, #tpu.memory_space<vmem_shared>>
      %dma_wait3A_518 = tpu.memref_slice %arg8[%add3A_26] : memref<12288xi32, #tpu.memory_space<vmem>> -> memref<512xi32, #tpu.memory_space<vmem>>
      tpu.wait_dma2 semaphore(%run_scoped3A : memref<!tpu.dma_semaphore, #tpu.memory_space<semaphore_mem>>) src(%dma_wait3A_518 : memref<512xi32, #tpu.memory_space<vmem>>) dst(%dma_wait3A_517 : memref<512xi32, #tpu.memory_space<vmem_shared>>)
      tpu.yield
    }) : () -> ()
    %mul3A_33 = arith.constant 12288 : i32
    %mul3A_34 = arith.muli %shift_right_arithmetic3A_0, %mul3A_33 : i32
    %add3A_35 = arith.addi %mul3A_34, %add3A_26 : i32
    "tpu.region"() ({
      %run_scoped3A = tpu.sem_alloc : memref<!tpu.dma_semaphore, #tpu.memory_space<semaphore_mem>>
      %dma_start3A = tpu.memref_slice %arg9[%add3A_26] : memref<12288xi32, #tpu.memory_space<vmem>> -> memref<512xi32, #tpu.memory_space<vmem>>
      %dma_start3A_513 = tpu.memref_slice %arg25[%add3A_35] : memref<24576xi32, #tpu.memory_space<vmem_shared>> -> memref<512xi32, #tpu.memory_space<vmem_shared>>
      %dma_start3A_514 = tpu.memref_slice %arg25[%add3A_35] : memref<24576xi32, #tpu.memory_space<vmem_shared>> -> memref<512xi32, #tpu.memory_space<vmem_shared>>
      %dma_start3A_515 = tpu.memref_slice %arg9[%add3A_26] : memref<12288xi32, #tpu.memory_space<vmem>> -> memref<512xi32, #tpu.memory_space<vmem>>
      tpu.enqueue_dma source(%dma_start3A_515 : memref<512xi32, #tpu.memory_space<vmem>>) target(%dma_start3A_514 : memref<512xi32, #tpu.memory_space<vmem_shared>>) target_semaphore(%run_scoped3A : memref<!tpu.dma_semaphore, #tpu.memory_space<semaphore_mem>>)
      %dma_wait3A = tpu.memref_slice %arg9[%add3A_26] : memref<12288xi32, #tpu.memory_space<vmem>> -> memref<512xi32, #tpu.memory_space<vmem>>
      %dma_wait3A_516 = tpu.memref_slice %arg25[%add3A_35] : memref<24576xi32, #tpu.memory_space<vmem_shared>> -> memref<512xi32, #tpu.memory_space<vmem_shared>>
      %dma_wait3A_517 = tpu.memref_slice %arg25[%add3A_35] : memref<24576xi32, #tpu.memory_space<vmem_shared>> -> memref<512xi32, #tpu.memory_space<vmem_shared>>
      %dma_wait3A_518 = tpu.memref_slice %arg9[%add3A_26] : memref<12288xi32, #tpu.memory_space<vmem>> -> memref<512xi32, #tpu.memory_space<vmem>>
      tpu.wait_dma2 semaphore(%run_scoped3A : memref<!tpu.dma_semaphore, #tpu.memory_space<semaphore_mem>>) src(%dma_wait3A_518 : memref<512xi32, #tpu.memory_space<vmem>>) dst(%dma_wait3A_517 : memref<512xi32, #tpu.memory_space<vmem_shared>>)
      tpu.yield
    }) : () -> ()
    %add3A_36 = arith.constant 4096 : i32
    %add3A_37 = arith.addi %add3A_36, %mul3A_17 : i32
    %mul3A_38 = arith.constant 12288 : i32
    %mul3A_39 = arith.muli %shift_right_arithmetic3A_0, %mul3A_38 : i32
    %add3A_40 = arith.addi %mul3A_39, %add3A_37 : i32
    "tpu.region"() ({
      %run_scoped3A = tpu.sem_alloc : memref<!tpu.dma_semaphore, #tpu.memory_space<semaphore_mem>>
      %dma_start3A = tpu.memref_slice %arg7[%add3A_37] : memref<12288xi32, #tpu.memory_space<vmem>> -> memref<512xi32, #tpu.memory_space<vmem>>
      %dma_start3A_513 = tpu.memref_slice %arg23[%add3A_40] : memref<24576xi32, #tpu.memory_space<vmem_shared>> -> memref<512xi32, #tpu.memory_space<vmem_shared>>
      %dma_start3A_514 = tpu.memref_slice %arg23[%add3A_40] : memref<24576xi32, #tpu.memory_space<vmem_shared>> -> memref<512xi32, #tpu.memory_space<vmem_shared>>
      %dma_start3A_515 = tpu.memref_slice %arg7[%add3A_37] : memref<12288xi32, #tpu.memory_space<vmem>> -> memref<512xi32, #tpu.memory_space<vmem>>
      tpu.enqueue_dma source(%dma_start3A_515 : memref<512xi32, #tpu.memory_space<vmem>>) target(%dma_start3A_514 : memref<512xi32, #tpu.memory_space<vmem_shared>>) target_semaphore(%run_scoped3A : memref<!tpu.dma_semaphore, #tpu.memory_space<semaphore_mem>>)
      %dma_wait3A = tpu.memref_slice %arg7[%add3A_37] : memref<12288xi32, #tpu.memory_space<vmem>> -> memref<512xi32, #tpu.memory_space<vmem>>
      %dma_wait3A_516 = tpu.memref_slice %arg23[%add3A_40] : memref<24576xi32, #tpu.memory_space<vmem_shared>> -> memref<512xi32, #tpu.memory_space<vmem_shared>>
      %dma_wait3A_517 = tpu.memref_slice %arg23[%add3A_40] : memref<24576xi32, #tpu.memory_space<vmem_shared>> -> memref<512xi32, #tpu.memory_space<vmem_shared>>
      %dma_wait3A_518 = tpu.memref_slice %arg7[%add3A_37] : memref<12288xi32, #tpu.memory_space<vmem>> -> memref<512xi32, #tpu.memory_space<vmem>>
      tpu.wait_dma2 semaphore(%run_scoped3A : memref<!tpu.dma_semaphore, #tpu.memory_space<semaphore_mem>>) src(%dma_wait3A_518 : memref<512xi32, #tpu.memory_space<vmem>>) dst(%dma_wait3A_517 : memref<512xi32, #tpu.memory_space<vmem_shared>>)
      tpu.yield
    }) : () -> ()
    %mul3A_41 = arith.constant 12288 : i32
    %mul3A_42 = arith.muli %shift_right_arithmetic3A_0, %mul3A_41 : i32
    %add3A_43 = arith.addi %mul3A_42, %add3A_37 : i32
    "tpu.region"() ({
      %run_scoped3A = tpu.sem_alloc : memref<!tpu.dma_semaphore, #tpu.memory_space<semaphore_mem>>
      %dma_start3A = tpu.memref_slice %arg8[%add3A_37] : memref<12288xi32, #tpu.memory_space<vmem>> -> memref<512xi32, #tpu.memory_space<vmem>>
      %dma_start3A_513 = tpu.memref_slice %arg24[%add3A_43] : memref<24576xi32, #tpu.memory_space<vmem_shared>> -> memref<512xi32, #tpu.memory_space<vmem_shared>>
      %dma_start3A_514 = tpu.memref_slice %arg24[%add3A_43] : memref<24576xi32, #tpu.memory_space<vmem_shared>> -> memref<512xi32, #tpu.memory_space<vmem_shared>>
      %dma_start3A_515 = tpu.memref_slice %arg8[%add3A_37] : memref<12288xi32, #tpu.memory_space<vmem>> -> memref<512xi32, #tpu.memory_space<vmem>>
      tpu.enqueue_dma source(%dma_start3A_515 : memref<512xi32, #tpu.memory_space<vmem>>) target(%dma_start3A_514 : memref<512xi32, #tpu.memory_space<vmem_shared>>) target_semaphore(%run_scoped3A : memref<!tpu.dma_semaphore, #tpu.memory_space<semaphore_mem>>)
      %dma_wait3A = tpu.memref_slice %arg8[%add3A_37] : memref<12288xi32, #tpu.memory_space<vmem>> -> memref<512xi32, #tpu.memory_space<vmem>>
      %dma_wait3A_516 = tpu.memref_slice %arg24[%add3A_43] : memref<24576xi32, #tpu.memory_space<vmem_shared>> -> memref<512xi32, #tpu.memory_space<vmem_shared>>
      %dma_wait3A_517 = tpu.memref_slice %arg24[%add3A_43] : memref<24576xi32, #tpu.memory_space<vmem_shared>> -> memref<512xi32, #tpu.memory_space<vmem_shared>>
      %dma_wait3A_518 = tpu.memref_slice %arg8[%add3A_37] : memref<12288xi32, #tpu.memory_space<vmem>> -> memref<512xi32, #tpu.memory_space<vmem>>
      tpu.wait_dma2 semaphore(%run_scoped3A : memref<!tpu.dma_semaphore, #tpu.memory_space<semaphore_mem>>) src(%dma_wait3A_518 : memref<512xi32, #tpu.memory_space<vmem>>) dst(%dma_wait3A_517 : memref<512xi32, #tpu.memory_space<vmem_shared>>)
      tpu.yield
    }) : () -> ()
    %mul3A_44 = arith.constant 12288 : i32
    %mul3A_45 = arith.muli %shift_right_arithmetic3A_0, %mul3A_44 : i32
    %add3A_46 = arith.addi %mul3A_45, %add3A_37 : i32
    "tpu.region"() ({
      %run_scoped3A = tpu.sem_alloc : memref<!tpu.dma_semaphore, #tpu.memory_space<semaphore_mem>>
      %dma_start3A = tpu.memref_slice %arg9[%add3A_37] : memref<12288xi32, #tpu.memory_space<vmem>> -> memref<512xi32, #tpu.memory_space<vmem>>
      %dma_start3A_513 = tpu.memref_slice %arg25[%add3A_46] : memref<24576xi32, #tpu.memory_space<vmem_shared>> -> memref<512xi32, #tpu.memory_space<vmem_shared>>
      %dma_start3A_514 = tpu.memref_slice %arg25[%add3A_46] : memref<24576xi32, #tpu.memory_space<vmem_shared>> -> memref<512xi32, #tpu.memory_space<vmem_shared>>
      %dma_start3A_515 = tpu.memref_slice %arg9[%add3A_37] : memref<12288xi32, #tpu.memory_space<vmem>> -> memref<512xi32, #tpu.memory_space<vmem>>
      tpu.enqueue_dma source(%dma_start3A_515 : memref<512xi32, #tpu.memory_space<vmem>>) target(%dma_start3A_514 : memref<512xi32, #tpu.memory_space<vmem_shared>>) target_semaphore(%run_scoped3A : memref<!tpu.dma_semaphore, #tpu.memory_space<semaphore_mem>>)
      %dma_wait3A = tpu.memref_slice %arg9[%add3A_37] : memref<12288xi32, #tpu.memory_space<vmem>> -> memref<512xi32, #tpu.memory_space<vmem>>
      %dma_wait3A_516 = tpu.memref_slice %arg25[%add3A_46] : memref<24576xi32, #tpu.memory_space<vmem_shared>> -> memref<512xi32, #tpu.memory_space<vmem_shared>>
      %dma_wait3A_517 = tpu.memref_slice %arg25[%add3A_46] : memref<24576xi32, #tpu.memory_space<vmem_shared>> -> memref<512xi32, #tpu.memory_space<vmem_shared>>
      %dma_wait3A_518 = tpu.memref_slice %arg9[%add3A_37] : memref<12288xi32, #tpu.memory_space<vmem>> -> memref<512xi32, #tpu.memory_space<vmem>>
      tpu.wait_dma2 semaphore(%run_scoped3A : memref<!tpu.dma_semaphore, #tpu.memory_space<semaphore_mem>>) src(%dma_wait3A_518 : memref<512xi32, #tpu.memory_space<vmem>>) dst(%dma_wait3A_517 : memref<512xi32, #tpu.memory_space<vmem_shared>>)
      tpu.yield
    }) : () -> ()
    %add3A_47 = arith.constant 8192 : i32
    %add3A_48 = arith.addi %add3A_47, %mul3A_17 : i32
    %mul3A_49 = arith.constant 12288 : i32
    %mul3A_50 = arith.muli %shift_right_arithmetic3A_0, %mul3A_49 : i32
    %add3A_51 = arith.addi %mul3A_50, %add3A_48 : i32
    "tpu.region"() ({
      %run_scoped3A = tpu.sem_alloc : memref<!tpu.dma_semaphore, #tpu.memory_space<semaphore_mem>>
      %dma_start3A = tpu.memref_slice %arg7[%add3A_48] : memref<12288xi32, #tpu.memory_space<vmem>> -> memref<512xi32, #tpu.memory_space<vmem>>
      %dma_start3A_513 = tpu.memref_slice %arg23[%add3A_51] : memref<24576xi32, #tpu.memory_space<vmem_shared>> -> memref<512xi32, #tpu.memory_space<vmem_shared>>
      %dma_start3A_514 = tpu.memref_slice %arg23[%add3A_51] : memref<24576xi32, #tpu.memory_space<vmem_shared>> -> memref<512xi32, #tpu.memory_space<vmem_shared>>
      %dma_start3A_515 = tpu.memref_slice %arg7[%add3A_48] : memref<12288xi32, #tpu.memory_space<vmem>> -> memref<512xi32, #tpu.memory_space<vmem>>
      tpu.enqueue_dma source(%dma_start3A_515 : memref<512xi32, #tpu.memory_space<vmem>>) target(%dma_start3A_514 : memref<512xi32, #tpu.memory_space<vmem_shared>>) target_semaphore(%run_scoped3A : memref<!tpu.dma_semaphore, #tpu.memory_space<semaphore_mem>>)
      %dma_wait3A = tpu.memref_slice %arg7[%add3A_48] : memref<12288xi32, #tpu.memory_space<vmem>> -> memref<512xi32, #tpu.memory_space<vmem>>
      %dma_wait3A_516 = tpu.memref_slice %arg23[%add3A_51] : memref<24576xi32, #tpu.memory_space<vmem_shared>> -> memref<512xi32, #tpu.memory_space<vmem_shared>>
      %dma_wait3A_517 = tpu.memref_slice %arg23[%add3A_51] : memref<24576xi32, #tpu.memory_space<vmem_shared>> -> memref<512xi32, #tpu.memory_space<vmem_shared>>
      %dma_wait3A_518 = tpu.memref_slice %arg7[%add3A_48] : memref<12288xi32, #tpu.memory_space<vmem>> -> memref<512xi32, #tpu.memory_space<vmem>>
      tpu.wait_dma2 semaphore(%run_scoped3A : memref<!tpu.dma_semaphore, #tpu.memory_space<semaphore_mem>>) src(%dma_wait3A_518 : memref<512xi32, #tpu.memory_space<vmem>>) dst(%dma_wait3A_517 : memref<512xi32, #tpu.memory_space<vmem_shared>>)
      tpu.yield
    }) : () -> ()
    %mul3A_52 = arith.constant 12288 : i32
    %mul3A_53 = arith.muli %shift_right_arithmetic3A_0, %mul3A_52 : i32
    %add3A_54 = arith.addi %mul3A_53, %add3A_48 : i32
    "tpu.region"() ({
      %run_scoped3A = tpu.sem_alloc : memref<!tpu.dma_semaphore, #tpu.memory_space<semaphore_mem>>
      %dma_start3A = tpu.memref_slice %arg8[%add3A_48] : memref<12288xi32, #tpu.memory_space<vmem>> -> memref<512xi32, #tpu.memory_space<vmem>>
      %dma_start3A_513 = tpu.memref_slice %arg24[%add3A_54] : memref<24576xi32, #tpu.memory_space<vmem_shared>> -> memref<512xi32, #tpu.memory_space<vmem_shared>>
      %dma_start3A_514 = tpu.memref_slice %arg24[%add3A_54] : memref<24576xi32, #tpu.memory_space<vmem_shared>> -> memref<512xi32, #tpu.memory_space<vmem_shared>>
      %dma_start3A_515 = tpu.memref_slice %arg8[%add3A_48] : memref<12288xi32, #tpu.memory_space<vmem>> -> memref<512xi32, #tpu.memory_space<vmem>>
      tpu.enqueue_dma source(%dma_start3A_515 : memref<512xi32, #tpu.memory_space<vmem>>) target(%dma_start3A_514 : memref<512xi32, #tpu.memory_space<vmem_shared>>) target_semaphore(%run_scoped3A : memref<!tpu.dma_semaphore, #tpu.memory_space<semaphore_mem>>)
      %dma_wait3A = tpu.memref_slice %arg8[%add3A_48] : memref<12288xi32, #tpu.memory_space<vmem>> -> memref<512xi32, #tpu.memory_space<vmem>>
      %dma_wait3A_516 = tpu.memref_slice %arg24[%add3A_54] : memref<24576xi32, #tpu.memory_space<vmem_shared>> -> memref<512xi32, #tpu.memory_space<vmem_shared>>
      %dma_wait3A_517 = tpu.memref_slice %arg24[%add3A_54] : memref<24576xi32, #tpu.memory_space<vmem_shared>> -> memref<512xi32, #tpu.memory_space<vmem_shared>>
      %dma_wait3A_518 = tpu.memref_slice %arg8[%add3A_48] : memref<12288xi32, #tpu.memory_space<vmem>> -> memref<512xi32, #tpu.memory_space<vmem>>
      tpu.wait_dma2 semaphore(%run_scoped3A : memref<!tpu.dma_semaphore, #tpu.memory_space<semaphore_mem>>) src(%dma_wait3A_518 : memref<512xi32, #tpu.memory_space<vmem>>) dst(%dma_wait3A_517 : memref<512xi32, #tpu.memory_space<vmem_shared>>)
      tpu.yield
    }) : () -> ()
    %mul3A_55 = arith.constant 12288 : i32
    %mul3A_56 = arith.muli %shift_right_arithmetic3A_0, %mul3A_55 : i32
    %add3A_57 = arith.addi %mul3A_56, %add3A_48 : i32
    "tpu.region"() ({
      %run_scoped3A = tpu.sem_alloc : memref<!tpu.dma_semaphore, #tpu.memory_space<semaphore_mem>>
      %dma_start3A = tpu.memref_slice %arg9[%add3A_48] : memref<12288xi32, #tpu.memory_space<vmem>> -> memref<512xi32, #tpu.memory_space<vmem>>
      %dma_start3A_513 = tpu.memref_slice %arg25[%add3A_57] : memref<24576xi32, #tpu.memory_space<vmem_shared>> -> memref<512xi32, #tpu.memory_space<vmem_shared>>
      %dma_start3A_514 = tpu.memref_slice %arg25[%add3A_57] : memref<24576xi32, #tpu.memory_space<vmem_shared>> -> memref<512xi32, #tpu.memory_space<vmem_shared>>
      %dma_start3A_515 = tpu.memref_slice %arg9[%add3A_48] : memref<12288xi32, #tpu.memory_space<vmem>> -> memref<512xi32, #tpu.memory_space<vmem>>
      tpu.enqueue_dma source(%dma_start3A_515 : memref<512xi32, #tpu.memory_space<vmem>>) target(%dma_start3A_514 : memref<512xi32, #tpu.memory_space<vmem_shared>>) target_semaphore(%run_scoped3A : memref<!tpu.dma_semaphore, #tpu.memory_space<semaphore_mem>>)
      %dma_wait3A = tpu.memref_slice %arg9[%add3A_48] : memref<12288xi32, #tpu.memory_space<vmem>> -> memref<512xi32, #tpu.memory_space<vmem>>
      %dma_wait3A_516 = tpu.memref_slice %arg25[%add3A_57] : memref<24576xi32, #tpu.memory_space<vmem_shared>> -> memref<512xi32, #tpu.memory_space<vmem_shared>>
      %dma_wait3A_517 = tpu.memref_slice %arg25[%add3A_57] : memref<24576xi32, #tpu.memory_space<vmem_shared>> -> memref<512xi32, #tpu.memory_space<vmem_shared>>
      %dma_wait3A_518 = tpu.memref_slice %arg9[%add3A_48] : memref<12288xi32, #tpu.memory_space<vmem>> -> memref<512xi32, #tpu.memory_space<vmem>>
      tpu.wait_dma2 semaphore(%run_scoped3A : memref<!tpu.dma_semaphore, #tpu.memory_space<semaphore_mem>>) src(%dma_wait3A_518 : memref<512xi32, #tpu.memory_space<vmem>>) dst(%dma_wait3A_517 : memref<512xi32, #tpu.memory_space<vmem_shared>>)
      tpu.yield
    }) : () -> ()
    %mul3A_58 = arith.constant 8 : i32
    %mul3A_59 = arith.muli %shift_right_arithmetic3A_0, %mul3A_58 : i32
    %add3A_60 = arith.addi %mul3A_59, %and3A_1 : i32
    %mul3A_61 = arith.constant 4 : i32
    %mul3A_62 = arith.muli %add3A_60, %mul3A_61 : i32
    %add3A_63 = arith.constant 0 : i32
    %add3A_64 = arith.addi %mul3A_62, %add3A_63 : i32
    %mul3A_65 = arith.constant 2048 : i32
    %mul3A_66 = arith.muli %add3A_64, %mul3A_65 : i32
    "tpu.region"() ({
      %run_scoped3A = tpu.sem_alloc : memref<!tpu.dma_semaphore, #tpu.memory_space<semaphore_mem>>
      %dma_start3A = tpu.memref_slice %arg28[%mul3A_66] : memref<131072xf32, #tpu.memory_space<vmem_shared>> -> memref<2048xf32, #tpu.memory_space<vmem_shared>>
      %dma_start3A_513 = tpu.memref_slice %arg28[%mul3A_66] : memref<131072xf32, #tpu.memory_space<vmem_shared>> -> memref<2048xf32, #tpu.memory_space<vmem_shared>>
      tpu.enqueue_dma source(%arg13 : memref<2048xf32, #tpu.memory_space<vmem>>) target(%dma_start3A_513 : memref<2048xf32, #tpu.memory_space<vmem_shared>>) target_semaphore(%run_scoped3A : memref<!tpu.dma_semaphore, #tpu.memory_space<semaphore_mem>>)
      %dma_wait3A = tpu.memref_slice %arg28[%mul3A_66] : memref<131072xf32, #tpu.memory_space<vmem_shared>> -> memref<2048xf32, #tpu.memory_space<vmem_shared>>
      %dma_wait3A_514 = tpu.memref_slice %arg28[%mul3A_66] : memref<131072xf32, #tpu.memory_space<vmem_shared>> -> memref<2048xf32, #tpu.memory_space<vmem_shared>>
      tpu.wait_dma2 semaphore(%run_scoped3A : memref<!tpu.dma_semaphore, #tpu.memory_space<semaphore_mem>>) src(%arg13 : memref<2048xf32, #tpu.memory_space<vmem>>) dst(%dma_wait3A_514 : memref<2048xf32, #tpu.memory_space<vmem_shared>>)
      tpu.yield
    }) : () -> ()
    %mul3A_67 = arith.constant 8 : i32
    %mul3A_68 = arith.muli %shift_right_arithmetic3A_0, %mul3A_67 : i32
    %add3A_69 = arith.addi %mul3A_68, %and3A_1 : i32
    %mul3A_70 = arith.constant 4 : i32
    %mul3A_71 = arith.muli %add3A_69, %mul3A_70 : i32
    %add3A_72 = arith.constant 1 : i32
    %add3A_73 = arith.addi %mul3A_71, %add3A_72 : i32
    %mul3A_74 = arith.constant 2048 : i32
    %mul3A_75 = arith.muli %add3A_73, %mul3A_74 : i32
    "tpu.region"() ({
      %run_scoped3A = tpu.sem_alloc : memref<!tpu.dma_semaphore, #tpu.memory_space<semaphore_mem>>
      %dma_start3A = tpu.memref_slice %arg28[%mul3A_75] : memref<131072xf32, #tpu.memory_space<vmem_shared>> -> memref<2048xf32, #tpu.memory_space<vmem_shared>>
      %dma_start3A_513 = tpu.memref_slice %arg28[%mul3A_75] : memref<131072xf32, #tpu.memory_space<vmem_shared>> -> memref<2048xf32, #tpu.memory_space<vmem_shared>>
      tpu.enqueue_dma source(%arg14 : memref<2048xf32, #tpu.memory_space<vmem>>) target(%dma_start3A_513 : memref<2048xf32, #tpu.memory_space<vmem_shared>>) target_semaphore(%run_scoped3A : memref<!tpu.dma_semaphore, #tpu.memory_space<semaphore_mem>>)
      %dma_wait3A = tpu.memref_slice %arg28[%mul3A_75] : memref<131072xf32, #tpu.memory_space<vmem_shared>> -> memref<2048xf32, #tpu.memory_space<vmem_shared>>
      %dma_wait3A_514 = tpu.memref_slice %arg28[%mul3A_75] : memref<131072xf32, #tpu.memory_space<vmem_shared>> -> memref<2048xf32, #tpu.memory_space<vmem_shared>>
      tpu.wait_dma2 semaphore(%run_scoped3A : memref<!tpu.dma_semaphore, #tpu.memory_space<semaphore_mem>>) src(%arg14 : memref<2048xf32, #tpu.memory_space<vmem>>) dst(%dma_wait3A_514 : memref<2048xf32, #tpu.memory_space<vmem_shared>>)
      tpu.yield
    }) : () -> ()
    %mul3A_76 = arith.constant 8 : i32
    %mul3A_77 = arith.muli %shift_right_arithmetic3A_0, %mul3A_76 : i32
    %add3A_78 = arith.addi %mul3A_77, %and3A_1 : i32
    %mul3A_79 = arith.constant 4 : i32
    %mul3A_80 = arith.muli %add3A_78, %mul3A_79 : i32
    %add3A_81 = arith.constant 2 : i32
    %add3A_82 = arith.addi %mul3A_80, %add3A_81 : i32
    %mul3A_83 = arith.constant 2048 : i32
    %mul3A_84 = arith.muli %add3A_82, %mul3A_83 : i32
    "tpu.region"() ({
      %run_scoped3A = tpu.sem_alloc : memref<!tpu.dma_semaphore, #tpu.memory_space<semaphore_mem>>
      %dma_start3A = tpu.memref_slice %arg28[%mul3A_84] : memref<131072xf32, #tpu.memory_space<vmem_shared>> -> memref<2048xf32, #tpu.memory_space<vmem_shared>>
      %dma_start3A_513 = tpu.memref_slice %arg28[%mul3A_84] : memref<131072xf32, #tpu.memory_space<vmem_shared>> -> memref<2048xf32, #tpu.memory_space<vmem_shared>>
      tpu.enqueue_dma source(%arg15 : memref<2048xf32, #tpu.memory_space<vmem>>) target(%dma_start3A_513 : memref<2048xf32, #tpu.memory_space<vmem_shared>>) target_semaphore(%run_scoped3A : memref<!tpu.dma_semaphore, #tpu.memory_space<semaphore_mem>>)
      %dma_wait3A = tpu.memref_slice %arg28[%mul3A_84] : memref<131072xf32, #tpu.memory_space<vmem_shared>> -> memref<2048xf32, #tpu.memory_space<vmem_shared>>
      %dma_wait3A_514 = tpu.memref_slice %arg28[%mul3A_84] : memref<131072xf32, #tpu.memory_space<vmem_shared>> -> memref<2048xf32, #tpu.memory_space<vmem_shared>>
      tpu.wait_dma2 semaphore(%run_scoped3A : memref<!tpu.dma_semaphore, #tpu.memory_space<semaphore_mem>>) src(%arg15 : memref<2048xf32, #tpu.memory_space<vmem>>) dst(%dma_wait3A_514 : memref<2048xf32, #tpu.memory_space<vmem_shared>>)
      tpu.yield
    }) : () -> ()
    %mul3A_85 = arith.constant 8 : i32
    %mul3A_86 = arith.muli %shift_right_arithmetic3A_0, %mul3A_85 : i32
    %add3A_87 = arith.addi %mul3A_86, %and3A_1 : i32
    %mul3A_88 = arith.constant 4 : i32
    %mul3A_89 = arith.muli %add3A_87, %mul3A_88 : i32
    %add3A_90 = arith.constant 3 : i32
    %add3A_91 = arith.addi %mul3A_89, %add3A_90 : i32
    %mul3A_92 = arith.constant 2048 : i32
    %mul3A_93 = arith.muli %add3A_91, %mul3A_92 : i32
    "tpu.region"() ({
      %run_scoped3A = tpu.sem_alloc : memref<!tpu.dma_semaphore, #tpu.memory_space<semaphore_mem>>
      %dma_start3A = tpu.memref_slice %arg28[%mul3A_93] : memref<131072xf32, #tpu.memory_space<vmem_shared>> -> memref<2048xf32, #tpu.memory_space<vmem_shared>>
      %dma_start3A_513 = tpu.memref_slice %arg28[%mul3A_93] : memref<131072xf32, #tpu.memory_space<vmem_shared>> -> memref<2048xf32, #tpu.memory_space<vmem_shared>>
      tpu.enqueue_dma source(%arg16 : memref<2048xf32, #tpu.memory_space<vmem>>) target(%dma_start3A_513 : memref<2048xf32, #tpu.memory_space<vmem_shared>>) target_semaphore(%run_scoped3A : memref<!tpu.dma_semaphore, #tpu.memory_space<semaphore_mem>>)
      %dma_wait3A = tpu.memref_slice %arg28[%mul3A_93] : memref<131072xf32, #tpu.memory_space<vmem_shared>> -> memref<2048xf32, #tpu.memory_space<vmem_shared>>
      %dma_wait3A_514 = tpu.memref_slice %arg28[%mul3A_93] : memref<131072xf32, #tpu.memory_space<vmem_shared>> -> memref<2048xf32, #tpu.memory_space<vmem_shared>>
      tpu.wait_dma2 semaphore(%run_scoped3A : memref<!tpu.dma_semaphore, #tpu.memory_space<semaphore_mem>>) src(%arg16 : memref<2048xf32, #tpu.memory_space<vmem>>) dst(%dma_wait3A_514 : memref<2048xf32, #tpu.memory_space<vmem_shared>>)
      tpu.yield
    }) : () -> ()
    %barrier3A = arith.constant 0 : index
    tpu.barrier barrier_id(%barrier3A)
    %eq3A = arith.constant 0 : i32
    %eq3A_94 = arith.cmpi eq, %and3A_1, %eq3A : i32
    %and3A_95 = arith.constant true
    %and3A_96 = arith.andi %eq3A_94, %and3A_95 : i1
    %convert_element_type3A = arith.extui %and3A_96 : i1 to i32
    %cond3A = arith.constant 0 : i32
    %cond3A_97 = arith.cmpi ne, %convert_element_type3A, %cond3A : i32
    scf.if %cond3A_97 {
      %mul3A_513 = arith.constant 12288 : i32
      %mul3A_514 = arith.muli %shift_right_arithmetic3A_0, %mul3A_513 : i32
      "tpu.region"() ({
        %run_scoped3A = tpu.sem_alloc : memref<!tpu.dma_semaphore, #tpu.memory_space<semaphore_mem>>
        %dma_start3A = tpu.memref_slice %arg23[%mul3A_514] : memref<24576xi32, #tpu.memory_space<vmem_shared>> -> memref<12288xi32, #tpu.memory_space<vmem_shared>>
        %dma_start3A_553 = tpu.memref_slice %arg23[%mul3A_514] : memref<24576xi32, #tpu.memory_space<vmem_shared>> -> memref<12288xi32, #tpu.memory_space<vmem_shared>>
        tpu.enqueue_dma source(%dma_start3A_553 : memref<12288xi32, #tpu.memory_space<vmem_shared>>) target(%arg7 : memref<12288xi32, #tpu.memory_space<vmem>>) target_semaphore(%run_scoped3A : memref<!tpu.dma_semaphore, #tpu.memory_space<semaphore_mem>>)
        %dma_wait3A = tpu.memref_slice %arg23[%mul3A_514] : memref<24576xi32, #tpu.memory_space<vmem_shared>> -> memref<12288xi32, #tpu.memory_space<vmem_shared>>
        %dma_wait3A_554 = tpu.memref_slice %arg23[%mul3A_514] : memref<24576xi32, #tpu.memory_space<vmem_shared>> -> memref<12288xi32, #tpu.memory_space<vmem_shared>>
        tpu.wait_dma2 semaphore(%run_scoped3A : memref<!tpu.dma_semaphore, #tpu.memory_space<semaphore_mem>>) src(%dma_wait3A_554 : memref<12288xi32, #tpu.memory_space<vmem_shared>>) dst(%arg7 : memref<12288xi32, #tpu.memory_space<vmem>>)
        tpu.yield
      }) : () -> ()
      %mul3A_515 = arith.constant 12288 : i32
      %mul3A_516 = arith.muli %shift_right_arithmetic3A_0, %mul3A_515 : i32
      "tpu.region"() ({
        %run_scoped3A = tpu.sem_alloc : memref<!tpu.dma_semaphore, #tpu.memory_space<semaphore_mem>>
        %dma_start3A = tpu.memref_slice %arg24[%mul3A_516] : memref<24576xi32, #tpu.memory_space<vmem_shared>> -> memref<12288xi32, #tpu.memory_space<vmem_shared>>
        %dma_start3A_553 = tpu.memref_slice %arg24[%mul3A_516] : memref<24576xi32, #tpu.memory_space<vmem_shared>> -> memref<12288xi32, #tpu.memory_space<vmem_shared>>
        tpu.enqueue_dma source(%dma_start3A_553 : memref<12288xi32, #tpu.memory_space<vmem_shared>>) target(%arg8 : memref<12288xi32, #tpu.memory_space<vmem>>) target_semaphore(%run_scoped3A : memref<!tpu.dma_semaphore, #tpu.memory_space<semaphore_mem>>)
        %dma_wait3A = tpu.memref_slice %arg24[%mul3A_516] : memref<24576xi32, #tpu.memory_space<vmem_shared>> -> memref<12288xi32, #tpu.memory_space<vmem_shared>>
        %dma_wait3A_554 = tpu.memref_slice %arg24[%mul3A_516] : memref<24576xi32, #tpu.memory_space<vmem_shared>> -> memref<12288xi32, #tpu.memory_space<vmem_shared>>
        tpu.wait_dma2 semaphore(%run_scoped3A : memref<!tpu.dma_semaphore, #tpu.memory_space<semaphore_mem>>) src(%dma_wait3A_554 : memref<12288xi32, #tpu.memory_space<vmem_shared>>) dst(%arg8 : memref<12288xi32, #tpu.memory_space<vmem>>)
        tpu.yield
      }) : () -> ()
      %scan3A_517 = arith.constant 0 : i32
      %scan3A_518 = arith.constant 0 : i32
      %scan3A_519 = arith.constant 512 : i32
      %scan3A_520 = arith.addi %scan3A_518, %scan3A_519 : i32
      %scan3A_521 = arith.constant 1 : i32
      %scan3A_522 = scf.for %scan3A_553 = %scan3A_518 to %scan3A_520 step %scan3A_521 iter_args(%scan3A_554 = %scan3A_517) -> (i32)  : i32 {
        %mul3A_555 = arith.constant 16 : i32
        %mul3A_556 = arith.muli %scan3A_553, %mul3A_555 : i32
        %swap3A_557 = arith.index_cast %mul3A_556 : i32 to index
        %swap3A_558 = tpu.vector_load %arg12[%swap3A_557] {strides = array<i32>} : memref<8192xi32, #tpu.memory_space<vmem>>, vector<16xi32>,
        tpu.vector_store %arg12[%swap3A_557], %broadcast_in_dim3A_5 {strides = array<i32>} : memref<8192xi32, #tpu.memory_space<vmem>>, vector<16xi32>,
        %scan3A_559 = arith.constant 0 : i32
        scf.yield %scan3A_559 : i32
      }
      %scan3A_523 = arith.constant 512 : i32
      %scan3A_524 = arith.constant 0 : i32
      %scan3A_525 = arith.constant 0 : i32
      %scan3A_526 = arith.constant 768 : i32
      %scan3A_527 = arith.addi %scan3A_525, %scan3A_526 : i32
      %scan3A_528 = arith.constant 1 : i32
      %scan3A_529 = scf.for %scan3A_553 = %scan3A_525 to %scan3A_527 step %scan3A_528 iter_args(%scan3A_554 = %scan3A_524) -> (i32)  : i32 {
        %mul3A_555 = arith.constant 16 : i32
        %mul3A_556 = arith.muli %scan3A_553, %mul3A_555 : i32
        %get3A = arith.index_cast %mul3A_556 : i32 to index
        %get3A_557 = tpu.vector_load %arg7[%get3A] {strides = array<i32>} : memref<12288xi32, #tpu.memory_space<vmem>>, vector<16xi32>,
        %broadcast_in_dim3A_558 = arith.constant 1 : i32
        %broadcast_in_dim3A_559 = vector.broadcast %broadcast_in_dim3A_558 : i32 to vector<16xi32>
        tpu.vector_store_idx %arg12[%get3A_557], %broadcast_in_dim3A_559 {add = true} : memref<8192xi32, #tpu.memory_space<vmem>>[vector<16xi32>], vector<16xi32>,
        %scan3A_560 = arith.constant 0 : i32
        scf.yield %scan3A_560 : i32
      }
      %scan3A_530 = arith.constant 768 : i32
      %scan3A_531 = arith.constant 0 : i32
      %scan3A_532 = arith.constant 0 : i32
      %scan3A_533 = arith.constant 512 : i32
      %scan3A_534 = arith.addi %scan3A_532, %scan3A_533 : i32
      %scan3A_535 = arith.constant 1 : i32
      %scan3A_536 = scf.for %scan3A_553 = %scan3A_532 to %scan3A_534 step %scan3A_535 iter_args(%scan3A_554 = %scan3A_531) -> (i32)  : i32 {
        %mul3A_555 = arith.constant 16 : i32
        %mul3A_556 = arith.muli %scan3A_553, %mul3A_555 : i32
        %get3A = arith.index_cast %mul3A_556 : i32 to index
        %get3A_557 = tpu.vector_load %arg12[%get3A] {strides = array<i32>} : memref<8192xi32, #tpu.memory_space<vmem>>, vector<16xi32>,
        %broadcast_in_dim3A_558 = arith.constant true
        %broadcast_in_dim3A_559 = vector.broadcast %broadcast_in_dim3A_558 : i1 to vector<16xi1>
        %masked_cumsum3A = tpu.scan <sum>, %get3A_557 masked %broadcast_in_dim3A_559 : vector<16xi32>, vector<16xi1> -> vector<16xi32>
        %sub3A = arith.subi %masked_cumsum3A, %get3A_557 : vector<16xi32>
        %add3A_560 = vector.broadcast %scan3A_554 : i32 to vector<16xi32>
        %add3A_561 = arith.addi %sub3A, %add3A_560 : vector<16xi32>
        %mul3A_562 = arith.constant 16 : i32
        %mul3A_563 = arith.muli %scan3A_553, %mul3A_562 : i32
        %swap3A_564 = arith.index_cast %mul3A_563 : i32 to index
        %swap3A_565 = tpu.vector_load %arg11[%swap3A_564] {strides = array<i32>} : memref<8208xi32, #tpu.memory_space<vmem>>, vector<16xi32>,
        tpu.vector_store %arg11[%swap3A_564], %add3A_561 {strides = array<i32>} : memref<8208xi32, #tpu.memory_space<vmem>>, vector<16xi32>,
        %mul3A_566 = arith.constant 16 : i32
        %mul3A_567 = arith.muli %scan3A_553, %mul3A_566 : i32
        %swap3A_568 = arith.index_cast %mul3A_567 : i32 to index
        %swap3A_569 = tpu.vector_load %arg12[%swap3A_568] {strides = array<i32>} : memref<8192xi32, #tpu.memory_space<vmem>>, vector<16xi32>,
        tpu.vector_store %arg12[%swap3A_568], %add3A_561 {strides = array<i32>} : memref<8192xi32, #tpu.memory_space<vmem>>, vector<16xi32>,
        %reduce_max3A = arith.constant true
        %reduce_max3A_570 = vector.broadcast %reduce_max3A : i1 to vector<16xi1>
        %reduce_max3A_571 = arith.constant -2147483648 : i32
        %reduce_max3A_572 = vector.broadcast %reduce_max3A_571 : i32 to vector<16xi32>
        %reduce_max3A_573 = arith.xori %masked_cumsum3A, %reduce_max3A_572 : vector<16xi32>
        %reduce_max3A_574 = tpu.scan <max>, %reduce_max3A_573 masked %reduce_max3A_570 : vector<16xi32>, vector<16xi1> -> vector<16xi32>
        %reduce_max3A_575 = arith.xori %reduce_max3A_574, %reduce_max3A_572 : vector<16xi32>
        %reduce_max3A_576 = vector.extract %reduce_max3A_575[15] : i32 from vector<16xi32>
        %add3A_577 = arith.addi %scan3A_554, %reduce_max3A_576 : i32
        scf.yield %add3A_577 : i32
      }
      %scan3A_537 = arith.constant 512 : i32
      %broadcast_in_dim3A_538 = arith.constant 12288 : i32
      %broadcast_in_dim3A_539 = vector.broadcast %broadcast_in_dim3A_538 : i32 to vector<16xi32>
      %swap3A_540 = arith.constant 8192 : index
      %swap3A_541 = tpu.vector_load %arg11[%swap3A_540] {strides = array<i32>} : memref<8208xi32, #tpu.memory_space<vmem>>, vector<16xi32>,
      tpu.vector_store %arg11[%swap3A_540], %broadcast_in_dim3A_539 {strides = array<i32>} : memref<8208xi32, #tpu.memory_space<vmem>>, vector<16xi32>,
      %scan3A_542 = arith.constant 0 : i32
      %scan3A_543 = arith.constant 0 : i32
      %scan3A_544 = arith.constant 768 : i32
      %scan3A_545 = arith.addi %scan3A_543, %scan3A_544 : i32
      %scan3A_546 = arith.constant 1 : i32
      %scan3A_547 = scf.for %scan3A_553 = %scan3A_543 to %scan3A_545 step %scan3A_546 iter_args(%scan3A_554 = %scan3A_542) -> (i32)  : i32 {
        %mul3A_555 = arith.constant 16 : i32
        %mul3A_556 = arith.muli %scan3A_553, %mul3A_555 : i32
        %get3A = arith.index_cast %mul3A_556 : i32 to index
        %get3A_557 = tpu.vector_load %arg7[%get3A] {strides = array<i32>} : memref<12288xi32, #tpu.memory_space<vmem>>, vector<16xi32>,
        %mul3A_558 = arith.constant 16 : i32
        %mul3A_559 = arith.muli %scan3A_553, %mul3A_558 : i32
        %get3A_560 = arith.index_cast %mul3A_559 : i32 to index
        %get3A_561 = tpu.vector_load %arg8[%get3A_560] {strides = array<i32>} : memref<12288xi32, #tpu.memory_space<vmem>>, vector<16xi32>,
        %gather3A = tpu.vector_load_idx %arg12[%get3A_557] : memref<8192xi32, #tpu.memory_space<vmem>>[vector<16xi32>], vector<16xi32>,
        %broadcast_in_dim3A_562 = arith.constant true
        %broadcast_in_dim3A_563 = vector.broadcast %broadcast_in_dim3A_562 : i1 to vector<16xi1>
        %unique3A, %unique3A_564 = tpu.scan_count mask(%broadcast_in_dim3A_563 : vector<16xi1>) value(%get3A_557 : vector<16xi32>) : vector<16xi1>, vector<16xi32>
        %add3A_565 = arith.addi %gather3A, %unique3A_564 : vector<16xi32>
        %sub3A = arith.constant 1 : i32
        %sub3A_566 = vector.broadcast %sub3A : i32 to vector<16xi32>
        %sub3A_567 = arith.subi %add3A_565, %sub3A_566 : vector<16xi32>
        tpu.vector_store_idx %arg10[%sub3A_567], %get3A_561 : memref<12288xi32, #tpu.memory_space<vmem>>[vector<16xi32>], vector<16xi32>,
        %convert_element_type3A_568 = arith.extui %unique3A : vector<16xi1> to vector<16xi32>
        %mul3A_569 = arith.muli %unique3A_564, %convert_element_type3A_568 : vector<16xi32>
        tpu.vector_store_idx %arg12[%get3A_557], %mul3A_569 {add = true} : memref<8192xi32, #tpu.memory_space<vmem>>[vector<16xi32>], vector<16xi32>,
        %scan3A_570 = arith.constant 0 : i32
        scf.yield %scan3A_570 : i32
      }
      %scan3A_548 = arith.constant 768 : i32
      %mul3A_549 = arith.constant 12288 : i32
      %mul3A_550 = arith.muli %shift_right_arithmetic3A_0, %mul3A_549 : i32
      "tpu.region"() ({
        %run_scoped3A = tpu.sem_alloc : memref<!tpu.dma_semaphore, #tpu.memory_space<semaphore_mem>>
        %dma_start3A = tpu.memref_slice %arg26[%mul3A_550] : memref<24576xi32, #tpu.memory_space<vmem_shared>> -> memref<12288xi32, #tpu.memory_space<vmem_shared>>
        %dma_start3A_553 = tpu.memref_slice %arg26[%mul3A_550] : memref<24576xi32, #tpu.memory_space<vmem_shared>> -> memref<12288xi32, #tpu.memory_space<vmem_shared>>
        tpu.enqueue_dma source(%arg10 : memref<12288xi32, #tpu.memory_space<vmem>>) target(%dma_start3A_553 : memref<12288xi32, #tpu.memory_space<vmem_shared>>) target_semaphore(%run_scoped3A : memref<!tpu.dma_semaphore, #tpu.memory_space<semaphore_mem>>)
        %dma_wait3A = tpu.memref_slice %arg26[%mul3A_550] : memref<24576xi32, #tpu.memory_space<vmem_shared>> -> memref<12288xi32, #tpu.memory_space<vmem_shared>>
        %dma_wait3A_554 = tpu.memref_slice %arg26[%mul3A_550] : memref<24576xi32, #tpu.memory_space<vmem_shared>> -> memref<12288xi32, #tpu.memory_space<vmem_shared>>
        tpu.wait_dma2 semaphore(%run_scoped3A : memref<!tpu.dma_semaphore, #tpu.memory_space<semaphore_mem>>) src(%arg10 : memref<12288xi32, #tpu.memory_space<vmem>>) dst(%dma_wait3A_554 : memref<12288xi32, #tpu.memory_space<vmem_shared>>)
        tpu.yield
      }) : () -> ()
      %mul3A_551 = arith.constant 8208 : i32
      %mul3A_552 = arith.muli %shift_right_arithmetic3A_0, %mul3A_551 : i32
      "tpu.region"() ({
        %run_scoped3A = tpu.sem_alloc : memref<!tpu.dma_semaphore, #tpu.memory_space<semaphore_mem>>
        %dma_start3A = tpu.memref_slice %arg27[%mul3A_552] : memref<16416xi32, #tpu.memory_space<vmem_shared>> -> memref<8208xi32, #tpu.memory_space<vmem_shared>>
        %dma_start3A_553 = tpu.memref_slice %arg27[%mul3A_552] : memref<16416xi32, #tpu.memory_space<vmem_shared>> -> memref<8208xi32, #tpu.memory_space<vmem_shared>>
        tpu.enqueue_dma source(%arg11 : memref<8208xi32, #tpu.memory_space<vmem>>) target(%dma_start3A_553 : memref<8208xi32, #tpu.memory_space<vmem_shared>>) target_semaphore(%run_scoped3A : memref<!tpu.dma_semaphore, #tpu.memory_space<semaphore_mem>>)
        %dma_wait3A = tpu.memref_slice %arg27[%mul3A_552] : memref<16416xi32, #tpu.memory_space<vmem_shared>> -> memref<8208xi32, #tpu.memory_space<vmem_shared>>
        %dma_wait3A_554 = tpu.memref_slice %arg27[%mul3A_552] : memref<16416xi32, #tpu.memory_space<vmem_shared>> -> memref<8208xi32, #tpu.memory_space<vmem_shared>>
        tpu.wait_dma2 semaphore(%run_scoped3A : memref<!tpu.dma_semaphore, #tpu.memory_space<semaphore_mem>>) src(%arg11 : memref<8208xi32, #tpu.memory_space<vmem>>) dst(%dma_wait3A_554 : memref<8208xi32, #tpu.memory_space<vmem_shared>>)
        tpu.yield
      }) : () -> ()
    } else {
    }
    %mul3A_98 = arith.constant 256 : i32
    %mul3A_99 = arith.muli %and3A_1, %mul3A_98 : i32
    %mul3A_100 = arith.constant 8 : i32
    %mul3A_101 = arith.muli %shift_right_arithmetic3A_0, %mul3A_100 : i32
    %add3A_102 = arith.constant 0 : i32
    %add3A_103 = arith.addi %mul3A_101, %add3A_102 : i32
    %mul3A_104 = arith.constant 4 : i32
    %mul3A_105 = arith.muli %add3A_103, %mul3A_104 : i32
    %add3A_106 = arith.constant 0 : i32
    %add3A_107 = arith.addi %mul3A_105, %add3A_106 : i32
    %mul3A_108 = arith.constant 2048 : i32
    %mul3A_109 = arith.muli %add3A_107, %mul3A_108 : i32
    %add3A_110 = arith.addi %mul3A_109, %mul3A_99 : i32
    "tpu.region"() ({
      %run_scoped3A = tpu.sem_alloc : memref<!tpu.dma_semaphore, #tpu.memory_space<semaphore_mem>>
      %dma_start3A = arith.constant 0 : i32
      %dma_start3A_513 = tpu.memref_slice %arg17[%dma_start3A] : memref<2048xf32, #tpu.memory_space<vmem>> -> memref<256xf32, #tpu.memory_space<vmem>>
      %dma_start3A_514 = tpu.memref_slice %arg28[%add3A_110] : memref<131072xf32, #tpu.memory_space<vmem_shared>> -> memref<256xf32, #tpu.memory_space<vmem_shared>>
      %dma_start3A_515 = arith.constant 0 : i32
      %dma_start3A_516 = tpu.memref_slice %arg17[%dma_start3A_515] : memref<2048xf32, #tpu.memory_space<vmem>> -> memref<256xf32, #tpu.memory_space<vmem>>
      %dma_start3A_517 = tpu.memref_slice %arg28[%add3A_110] : memref<131072xf32, #tpu.memory_space<vmem_shared>> -> memref<256xf32, #tpu.memory_space<vmem_shared>>
      tpu.enqueue_dma source(%dma_start3A_517 : memref<256xf32, #tpu.memory_space<vmem_shared>>) target(%dma_start3A_516 : memref<256xf32, #tpu.memory_space<vmem>>) target_semaphore(%run_scoped3A : memref<!tpu.dma_semaphore, #tpu.memory_space<semaphore_mem>>)
      %dma_wait3A = arith.constant 0 : i32
      %dma_wait3A_518 = tpu.memref_slice %arg17[%dma_wait3A] : memref<2048xf32, #tpu.memory_space<vmem>> -> memref<256xf32, #tpu.memory_space<vmem>>
      %dma_wait3A_519 = tpu.memref_slice %arg28[%add3A_110] : memref<131072xf32, #tpu.memory_space<vmem_shared>> -> memref<256xf32, #tpu.memory_space<vmem_shared>>
      %dma_wait3A_520 = arith.constant 0 : i32
      %dma_wait3A_521 = tpu.memref_slice %arg17[%dma_wait3A_520] : memref<2048xf32, #tpu.memory_space<vmem>> -> memref<256xf32, #tpu.memory_space<vmem>>
      %dma_wait3A_522 = tpu.memref_slice %arg28[%add3A_110] : memref<131072xf32, #tpu.memory_space<vmem_shared>> -> memref<256xf32, #tpu.memory_space<vmem_shared>>
      tpu.wait_dma2 semaphore(%run_scoped3A : memref<!tpu.dma_semaphore, #tpu.memory_space<semaphore_mem>>) src(%dma_wait3A_522 : memref<256xf32, #tpu.memory_space<vmem_shared>>) dst(%dma_wait3A_521 : memref<256xf32, #tpu.memory_space<vmem>>)
      tpu.yield
    }) : () -> ()
    %mul3A_111 = arith.constant 8 : i32
    %mul3A_112 = arith.muli %shift_right_arithmetic3A_0, %mul3A_111 : i32
    %add3A_113 = arith.constant 1 : i32
    %add3A_114 = arith.addi %mul3A_112, %add3A_113 : i32
    %mul3A_115 = arith.constant 4 : i32
    %mul3A_116 = arith.muli %add3A_114, %mul3A_115 : i32
    %add3A_117 = arith.constant 0 : i32
    %add3A_118 = arith.addi %mul3A_116, %add3A_117 : i32
    %mul3A_119 = arith.constant 2048 : i32
    %mul3A_120 = arith.muli %add3A_118, %mul3A_119 : i32
    %add3A_121 = arith.addi %mul3A_120, %mul3A_99 : i32
    "tpu.region"() ({
      %run_scoped3A = tpu.sem_alloc : memref<!tpu.dma_semaphore, #tpu.memory_space<semaphore_mem>>
      %dma_start3A = arith.constant 256 : i32
      %dma_start3A_513 = tpu.memref_slice %arg17[%dma_start3A] : memref<2048xf32, #tpu.memory_space<vmem>> -> memref<256xf32, #tpu.memory_space<vmem>>
      %dma_start3A_514 = tpu.memref_slice %arg28[%add3A_121] : memref<131072xf32, #tpu.memory_space<vmem_shared>> -> memref<256xf32, #tpu.memory_space<vmem_shared>>
      %dma_start3A_515 = arith.constant 256 : i32
      %dma_start3A_516 = tpu.memref_slice %arg17[%dma_start3A_515] : memref<2048xf32, #tpu.memory_space<vmem>> -> memref<256xf32, #tpu.memory_space<vmem>>
      %dma_start3A_517 = tpu.memref_slice %arg28[%add3A_121] : memref<131072xf32, #tpu.memory_space<vmem_shared>> -> memref<256xf32, #tpu.memory_space<vmem_shared>>
      tpu.enqueue_dma source(%dma_start3A_517 : memref<256xf32, #tpu.memory_space<vmem_shared>>) target(%dma_start3A_516 : memref<256xf32, #tpu.memory_space<vmem>>) target_semaphore(%run_scoped3A : memref<!tpu.dma_semaphore, #tpu.memory_space<semaphore_mem>>)
      %dma_wait3A = arith.constant 256 : i32
      %dma_wait3A_518 = tpu.memref_slice %arg17[%dma_wait3A] : memref<2048xf32, #tpu.memory_space<vmem>> -> memref<256xf32, #tpu.memory_space<vmem>>
      %dma_wait3A_519 = tpu.memref_slice %arg28[%add3A_121] : memref<131072xf32, #tpu.memory_space<vmem_shared>> -> memref<256xf32, #tpu.memory_space<vmem_shared>>
      %dma_wait3A_520 = arith.constant 256 : i32
      %dma_wait3A_521 = tpu.memref_slice %arg17[%dma_wait3A_520] : memref<2048xf32, #tpu.memory_space<vmem>> -> memref<256xf32, #tpu.memory_space<vmem>>
      %dma_wait3A_522 = tpu.memref_slice %arg28[%add3A_121] : memref<131072xf32, #tpu.memory_space<vmem_shared>> -> memref<256xf32, #tpu.memory_space<vmem_shared>>
      tpu.wait_dma2 semaphore(%run_scoped3A : memref<!tpu.dma_semaphore, #tpu.memory_space<semaphore_mem>>) src(%dma_wait3A_522 : memref<256xf32, #tpu.memory_space<vmem_shared>>) dst(%dma_wait3A_521 : memref<256xf32, #tpu.memory_space<vmem>>)
      tpu.yield
    }) : () -> ()
    %mul3A_122 = arith.constant 8 : i32
    %mul3A_123 = arith.muli %shift_right_arithmetic3A_0, %mul3A_122 : i32
    %add3A_124 = arith.constant 2 : i32
    %add3A_125 = arith.addi %mul3A_123, %add3A_124 : i32
    %mul3A_126 = arith.constant 4 : i32
    %mul3A_127 = arith.muli %add3A_125, %mul3A_126 : i32
    %add3A_128 = arith.constant 0 : i32
    %add3A_129 = arith.addi %mul3A_127, %add3A_128 : i32
    %mul3A_130 = arith.constant 2048 : i32
    %mul3A_131 = arith.muli %add3A_129, %mul3A_130 : i32
    %add3A_132 = arith.addi %mul3A_131, %mul3A_99 : i32
    "tpu.region"() ({
      %run_scoped3A = tpu.sem_alloc : memref<!tpu.dma_semaphore, #tpu.memory_space<semaphore_mem>>
      %dma_start3A = arith.constant 512 : i32
      %dma_start3A_513 = tpu.memref_slice %arg17[%dma_start3A] : memref<2048xf32, #tpu.memory_space<vmem>> -> memref<256xf32, #tpu.memory_space<vmem>>
      %dma_start3A_514 = tpu.memref_slice %arg28[%add3A_132] : memref<131072xf32, #tpu.memory_space<vmem_shared>> -> memref<256xf32, #tpu.memory_space<vmem_shared>>
      %dma_start3A_515 = arith.constant 512 : i32
      %dma_start3A_516 = tpu.memref_slice %arg17[%dma_start3A_515] : memref<2048xf32, #tpu.memory_space<vmem>> -> memref<256xf32, #tpu.memory_space<vmem>>
      %dma_start3A_517 = tpu.memref_slice %arg28[%add3A_132] : memref<131072xf32, #tpu.memory_space<vmem_shared>> -> memref<256xf32, #tpu.memory_space<vmem_shared>>
      tpu.enqueue_dma source(%dma_start3A_517 : memref<256xf32, #tpu.memory_space<vmem_shared>>) target(%dma_start3A_516 : memref<256xf32, #tpu.memory_space<vmem>>) target_semaphore(%run_scoped3A : memref<!tpu.dma_semaphore, #tpu.memory_space<semaphore_mem>>)
      %dma_wait3A = arith.constant 512 : i32
      %dma_wait3A_518 = tpu.memref_slice %arg17[%dma_wait3A] : memref<2048xf32, #tpu.memory_space<vmem>> -> memref<256xf32, #tpu.memory_space<vmem>>
      %dma_wait3A_519 = tpu.memref_slice %arg28[%add3A_132] : memref<131072xf32, #tpu.memory_space<vmem_shared>> -> memref<256xf32, #tpu.memory_space<vmem_shared>>
      %dma_wait3A_520 = arith.constant 512 : i32
      %dma_wait3A_521 = tpu.memref_slice %arg17[%dma_wait3A_520] : memref<2048xf32, #tpu.memory_space<vmem>> -> memref<256xf32, #tpu.memory_space<vmem>>
      %dma_wait3A_522 = tpu.memref_slice %arg28[%add3A_132] : memref<131072xf32, #tpu.memory_space<vmem_shared>> -> memref<256xf32, #tpu.memory_space<vmem_shared>>
      tpu.wait_dma2 semaphore(%run_scoped3A : memref<!tpu.dma_semaphore, #tpu.memory_space<semaphore_mem>>) src(%dma_wait3A_522 : memref<256xf32, #tpu.memory_space<vmem_shared>>) dst(%dma_wait3A_521 : memref<256xf32, #tpu.memory_space<vmem>>)
      tpu.yield
    }) : () -> ()
    %mul3A_133 = arith.constant 8 : i32
    %mul3A_134 = arith.muli %shift_right_arithmetic3A_0, %mul3A_133 : i32
    %add3A_135 = arith.constant 3 : i32
    %add3A_136 = arith.addi %mul3A_134, %add3A_135 : i32
    %mul3A_137 = arith.constant 4 : i32
    %mul3A_138 = arith.muli %add3A_136, %mul3A_137 : i32
    %add3A_139 = arith.constant 0 : i32
    %add3A_140 = arith.addi %mul3A_138, %add3A_139 : i32
    %mul3A_141 = arith.constant 2048 : i32
    %mul3A_142 = arith.muli %add3A_140, %mul3A_141 : i32
    %add3A_143 = arith.addi %mul3A_142, %mul3A_99 : i32
    "tpu.region"() ({
      %run_scoped3A = tpu.sem_alloc : memref<!tpu.dma_semaphore, #tpu.memory_space<semaphore_mem>>
      %dma_start3A = arith.constant 768 : i32
      %dma_start3A_513 = tpu.memref_slice %arg17[%dma_start3A] : memref<2048xf32, #tpu.memory_space<vmem>> -> memref<256xf32, #tpu.memory_space<vmem>>
      %dma_start3A_514 = tpu.memref_slice %arg28[%add3A_143] : memref<131072xf32, #tpu.memory_space<vmem_shared>> -> memref<256xf32, #tpu.memory_space<vmem_shared>>
      %dma_start3A_515 = arith.constant 768 : i32
      %dma_start3A_516 = tpu.memref_slice %arg17[%dma_start3A_515] : memref<2048xf32, #tpu.memory_space<vmem>> -> memref<256xf32, #tpu.memory_space<vmem>>
      %dma_start3A_517 = tpu.memref_slice %arg28[%add3A_143] : memref<131072xf32, #tpu.memory_space<vmem_shared>> -> memref<256xf32, #tpu.memory_space<vmem_shared>>
      tpu.enqueue_dma source(%dma_start3A_517 : memref<256xf32, #tpu.memory_space<vmem_shared>>) target(%dma_start3A_516 : memref<256xf32, #tpu.memory_space<vmem>>) target_semaphore(%run_scoped3A : memref<!tpu.dma_semaphore, #tpu.memory_space<semaphore_mem>>)
      %dma_wait3A = arith.constant 768 : i32
      %dma_wait3A_518 = tpu.memref_slice %arg17[%dma_wait3A] : memref<2048xf32, #tpu.memory_space<vmem>> -> memref<256xf32, #tpu.memory_space<vmem>>
      %dma_wait3A_519 = tpu.memref_slice %arg28[%add3A_143] : memref<131072xf32, #tpu.memory_space<vmem_shared>> -> memref<256xf32, #tpu.memory_space<vmem_shared>>
      %dma_wait3A_520 = arith.constant 768 : i32
      %dma_wait3A_521 = tpu.memref_slice %arg17[%dma_wait3A_520] : memref<2048xf32, #tpu.memory_space<vmem>> -> memref<256xf32, #tpu.memory_space<vmem>>
      %dma_wait3A_522 = tpu.memref_slice %arg28[%add3A_143] : memref<131072xf32, #tpu.memory_space<vmem_shared>> -> memref<256xf32, #tpu.memory_space<vmem_shared>>
      tpu.wait_dma2 semaphore(%run_scoped3A : memref<!tpu.dma_semaphore, #tpu.memory_space<semaphore_mem>>) src(%dma_wait3A_522 : memref<256xf32, #tpu.memory_space<vmem_shared>>) dst(%dma_wait3A_521 : memref<256xf32, #tpu.memory_space<vmem>>)
      tpu.yield
    }) : () -> ()
    %mul3A_144 = arith.constant 8 : i32
    %mul3A_145 = arith.muli %shift_right_arithmetic3A_0, %mul3A_144 : i32
    %add3A_146 = arith.constant 4 : i32
    %add3A_147 = arith.addi %mul3A_145, %add3A_146 : i32
    %mul3A_148 = arith.constant 4 : i32
    %mul3A_149 = arith.muli %add3A_147, %mul3A_148 : i32
    %add3A_150 = arith.constant 0 : i32
    %add3A_151 = arith.addi %mul3A_149, %add3A_150 : i32
    %mul3A_152 = arith.constant 2048 : i32
    %mul3A_153 = arith.muli %add3A_151, %mul3A_152 : i32
    %add3A_154 = arith.addi %mul3A_153, %mul3A_99 : i32
    "tpu.region"() ({
      %run_scoped3A = tpu.sem_alloc : memref<!tpu.dma_semaphore, #tpu.memory_space<semaphore_mem>>
      %dma_start3A = arith.constant 1024 : i32
      %dma_start3A_513 = tpu.memref_slice %arg17[%dma_start3A] : memref<2048xf32, #tpu.memory_space<vmem>> -> memref<256xf32, #tpu.memory_space<vmem>>
      %dma_start3A_514 = tpu.memref_slice %arg28[%add3A_154] : memref<131072xf32, #tpu.memory_space<vmem_shared>> -> memref<256xf32, #tpu.memory_space<vmem_shared>>
      %dma_start3A_515 = arith.constant 1024 : i32
      %dma_start3A_516 = tpu.memref_slice %arg17[%dma_start3A_515] : memref<2048xf32, #tpu.memory_space<vmem>> -> memref<256xf32, #tpu.memory_space<vmem>>
      %dma_start3A_517 = tpu.memref_slice %arg28[%add3A_154] : memref<131072xf32, #tpu.memory_space<vmem_shared>> -> memref<256xf32, #tpu.memory_space<vmem_shared>>
      tpu.enqueue_dma source(%dma_start3A_517 : memref<256xf32, #tpu.memory_space<vmem_shared>>) target(%dma_start3A_516 : memref<256xf32, #tpu.memory_space<vmem>>) target_semaphore(%run_scoped3A : memref<!tpu.dma_semaphore, #tpu.memory_space<semaphore_mem>>)
      %dma_wait3A = arith.constant 1024 : i32
      %dma_wait3A_518 = tpu.memref_slice %arg17[%dma_wait3A] : memref<2048xf32, #tpu.memory_space<vmem>> -> memref<256xf32, #tpu.memory_space<vmem>>
      %dma_wait3A_519 = tpu.memref_slice %arg28[%add3A_154] : memref<131072xf32, #tpu.memory_space<vmem_shared>> -> memref<256xf32, #tpu.memory_space<vmem_shared>>
      %dma_wait3A_520 = arith.constant 1024 : i32
      %dma_wait3A_521 = tpu.memref_slice %arg17[%dma_wait3A_520] : memref<2048xf32, #tpu.memory_space<vmem>> -> memref<256xf32, #tpu.memory_space<vmem>>
      %dma_wait3A_522 = tpu.memref_slice %arg28[%add3A_154] : memref<131072xf32, #tpu.memory_space<vmem_shared>> -> memref<256xf32, #tpu.memory_space<vmem_shared>>
      tpu.wait_dma2 semaphore(%run_scoped3A : memref<!tpu.dma_semaphore, #tpu.memory_space<semaphore_mem>>) src(%dma_wait3A_522 : memref<256xf32, #tpu.memory_space<vmem_shared>>) dst(%dma_wait3A_521 : memref<256xf32, #tpu.memory_space<vmem>>)
      tpu.yield
    }) : () -> ()
    %mul3A_155 = arith.constant 8 : i32
    %mul3A_156 = arith.muli %shift_right_arithmetic3A_0, %mul3A_155 : i32
    %add3A_157 = arith.constant 5 : i32
    %add3A_158 = arith.addi %mul3A_156, %add3A_157 : i32
    %mul3A_159 = arith.constant 4 : i32
    %mul3A_160 = arith.muli %add3A_158, %mul3A_159 : i32
    %add3A_161 = arith.constant 0 : i32
    %add3A_162 = arith.addi %mul3A_160, %add3A_161 : i32
    %mul3A_163 = arith.constant 2048 : i32
    %mul3A_164 = arith.muli %add3A_162, %mul3A_163 : i32
    %add3A_165 = arith.addi %mul3A_164, %mul3A_99 : i32
    "tpu.region"() ({
      %run_scoped3A = tpu.sem_alloc : memref<!tpu.dma_semaphore, #tpu.memory_space<semaphore_mem>>
      %dma_start3A = arith.constant 1280 : i32
      %dma_start3A_513 = tpu.memref_slice %arg17[%dma_start3A] : memref<2048xf32, #tpu.memory_space<vmem>> -> memref<256xf32, #tpu.memory_space<vmem>>
      %dma_start3A_514 = tpu.memref_slice %arg28[%add3A_165] : memref<131072xf32, #tpu.memory_space<vmem_shared>> -> memref<256xf32, #tpu.memory_space<vmem_shared>>
      %dma_start3A_515 = arith.constant 1280 : i32
      %dma_start3A_516 = tpu.memref_slice %arg17[%dma_start3A_515] : memref<2048xf32, #tpu.memory_space<vmem>> -> memref<256xf32, #tpu.memory_space<vmem>>
      %dma_start3A_517 = tpu.memref_slice %arg28[%add3A_165] : memref<131072xf32, #tpu.memory_space<vmem_shared>> -> memref<256xf32, #tpu.memory_space<vmem_shared>>
      tpu.enqueue_dma source(%dma_start3A_517 : memref<256xf32, #tpu.memory_space<vmem_shared>>) target(%dma_start3A_516 : memref<256xf32, #tpu.memory_space<vmem>>) target_semaphore(%run_scoped3A : memref<!tpu.dma_semaphore, #tpu.memory_space<semaphore_mem>>)
      %dma_wait3A = arith.constant 1280 : i32
      %dma_wait3A_518 = tpu.memref_slice %arg17[%dma_wait3A] : memref<2048xf32, #tpu.memory_space<vmem>> -> memref<256xf32, #tpu.memory_space<vmem>>
      %dma_wait3A_519 = tpu.memref_slice %arg28[%add3A_165] : memref<131072xf32, #tpu.memory_space<vmem_shared>> -> memref<256xf32, #tpu.memory_space<vmem_shared>>
      %dma_wait3A_520 = arith.constant 1280 : i32
      %dma_wait3A_521 = tpu.memref_slice %arg17[%dma_wait3A_520] : memref<2048xf32, #tpu.memory_space<vmem>> -> memref<256xf32, #tpu.memory_space<vmem>>
      %dma_wait3A_522 = tpu.memref_slice %arg28[%add3A_165] : memref<131072xf32, #tpu.memory_space<vmem_shared>> -> memref<256xf32, #tpu.memory_space<vmem_shared>>
      tpu.wait_dma2 semaphore(%run_scoped3A : memref<!tpu.dma_semaphore, #tpu.memory_space<semaphore_mem>>) src(%dma_wait3A_522 : memref<256xf32, #tpu.memory_space<vmem_shared>>) dst(%dma_wait3A_521 : memref<256xf32, #tpu.memory_space<vmem>>)
      tpu.yield
    }) : () -> ()
    %mul3A_166 = arith.constant 8 : i32
    %mul3A_167 = arith.muli %shift_right_arithmetic3A_0, %mul3A_166 : i32
    %add3A_168 = arith.constant 6 : i32
    %add3A_169 = arith.addi %mul3A_167, %add3A_168 : i32
    %mul3A_170 = arith.constant 4 : i32
    %mul3A_171 = arith.muli %add3A_169, %mul3A_170 : i32
    %add3A_172 = arith.constant 0 : i32
    %add3A_173 = arith.addi %mul3A_171, %add3A_172 : i32
    %mul3A_174 = arith.constant 2048 : i32
    %mul3A_175 = arith.muli %add3A_173, %mul3A_174 : i32
    %add3A_176 = arith.addi %mul3A_175, %mul3A_99 : i32
    "tpu.region"() ({
      %run_scoped3A = tpu.sem_alloc : memref<!tpu.dma_semaphore, #tpu.memory_space<semaphore_mem>>
      %dma_start3A = arith.constant 1536 : i32
      %dma_start3A_513 = tpu.memref_slice %arg17[%dma_start3A] : memref<2048xf32, #tpu.memory_space<vmem>> -> memref<256xf32, #tpu.memory_space<vmem>>
      %dma_start3A_514 = tpu.memref_slice %arg28[%add3A_176] : memref<131072xf32, #tpu.memory_space<vmem_shared>> -> memref<256xf32, #tpu.memory_space<vmem_shared>>
      %dma_start3A_515 = arith.constant 1536 : i32
      %dma_start3A_516 = tpu.memref_slice %arg17[%dma_start3A_515] : memref<2048xf32, #tpu.memory_space<vmem>> -> memref<256xf32, #tpu.memory_space<vmem>>
      %dma_start3A_517 = tpu.memref_slice %arg28[%add3A_176] : memref<131072xf32, #tpu.memory_space<vmem_shared>> -> memref<256xf32, #tpu.memory_space<vmem_shared>>
      tpu.enqueue_dma source(%dma_start3A_517 : memref<256xf32, #tpu.memory_space<vmem_shared>>) target(%dma_start3A_516 : memref<256xf32, #tpu.memory_space<vmem>>) target_semaphore(%run_scoped3A : memref<!tpu.dma_semaphore, #tpu.memory_space<semaphore_mem>>)
      %dma_wait3A = arith.constant 1536 : i32
      %dma_wait3A_518 = tpu.memref_slice %arg17[%dma_wait3A] : memref<2048xf32, #tpu.memory_space<vmem>> -> memref<256xf32, #tpu.memory_space<vmem>>
      %dma_wait3A_519 = tpu.memref_slice %arg28[%add3A_176] : memref<131072xf32, #tpu.memory_space<vmem_shared>> -> memref<256xf32, #tpu.memory_space<vmem_shared>>
      %dma_wait3A_520 = arith.constant 1536 : i32
      %dma_wait3A_521 = tpu.memref_slice %arg17[%dma_wait3A_520] : memref<2048xf32, #tpu.memory_space<vmem>> -> memref<256xf32, #tpu.memory_space<vmem>>
      %dma_wait3A_522 = tpu.memref_slice %arg28[%add3A_176] : memref<131072xf32, #tpu.memory_space<vmem_shared>> -> memref<256xf32, #tpu.memory_space<vmem_shared>>
      tpu.wait_dma2 semaphore(%run_scoped3A : memref<!tpu.dma_semaphore, #tpu.memory_space<semaphore_mem>>) src(%dma_wait3A_522 : memref<256xf32, #tpu.memory_space<vmem_shared>>) dst(%dma_wait3A_521 : memref<256xf32, #tpu.memory_space<vmem>>)
      tpu.yield
    }) : () -> ()
    %mul3A_177 = arith.constant 8 : i32
    %mul3A_178 = arith.muli %shift_right_arithmetic3A_0, %mul3A_177 : i32
    %add3A_179 = arith.constant 7 : i32
    %add3A_180 = arith.addi %mul3A_178, %add3A_179 : i32
    %mul3A_181 = arith.constant 4 : i32
    %mul3A_182 = arith.muli %add3A_180, %mul3A_181 : i32
    %add3A_183 = arith.constant 0 : i32
    %add3A_184 = arith.addi %mul3A_182, %add3A_183 : i32
    %mul3A_185 = arith.constant 2048 : i32
    %mul3A_186 = arith.muli %add3A_184, %mul3A_185 : i32
    %add3A_187 = arith.addi %mul3A_186, %mul3A_99 : i32
    "tpu.region"() ({
      %run_scoped3A = tpu.sem_alloc : memref<!tpu.dma_semaphore, #tpu.memory_space<semaphore_mem>>
      %dma_start3A = arith.constant 1792 : i32
      %dma_start3A_513 = tpu.memref_slice %arg17[%dma_start3A] : memref<2048xf32, #tpu.memory_space<vmem>> -> memref<256xf32, #tpu.memory_space<vmem>>
      %dma_start3A_514 = tpu.memref_slice %arg28[%add3A_187] : memref<131072xf32, #tpu.memory_space<vmem_shared>> -> memref<256xf32, #tpu.memory_space<vmem_shared>>
      %dma_start3A_515 = arith.constant 1792 : i32
      %dma_start3A_516 = tpu.memref_slice %arg17[%dma_start3A_515] : memref<2048xf32, #tpu.memory_space<vmem>> -> memref<256xf32, #tpu.memory_space<vmem>>
      %dma_start3A_517 = tpu.memref_slice %arg28[%add3A_187] : memref<131072xf32, #tpu.memory_space<vmem_shared>> -> memref<256xf32, #tpu.memory_space<vmem_shared>>
      tpu.enqueue_dma source(%dma_start3A_517 : memref<256xf32, #tpu.memory_space<vmem_shared>>) target(%dma_start3A_516 : memref<256xf32, #tpu.memory_space<vmem>>) target_semaphore(%run_scoped3A : memref<!tpu.dma_semaphore, #tpu.memory_space<semaphore_mem>>)
      %dma_wait3A = arith.constant 1792 : i32
      %dma_wait3A_518 = tpu.memref_slice %arg17[%dma_wait3A] : memref<2048xf32, #tpu.memory_space<vmem>> -> memref<256xf32, #tpu.memory_space<vmem>>
      %dma_wait3A_519 = tpu.memref_slice %arg28[%add3A_187] : memref<131072xf32, #tpu.memory_space<vmem_shared>> -> memref<256xf32, #tpu.memory_space<vmem_shared>>
      %dma_wait3A_520 = arith.constant 1792 : i32
      %dma_wait3A_521 = tpu.memref_slice %arg17[%dma_wait3A_520] : memref<2048xf32, #tpu.memory_space<vmem>> -> memref<256xf32, #tpu.memory_space<vmem>>
      %dma_wait3A_522 = tpu.memref_slice %arg28[%add3A_187] : memref<131072xf32, #tpu.memory_space<vmem_shared>> -> memref<256xf32, #tpu.memory_space<vmem_shared>>
      tpu.wait_dma2 semaphore(%run_scoped3A : memref<!tpu.dma_semaphore, #tpu.memory_space<semaphore_mem>>) src(%dma_wait3A_522 : memref<256xf32, #tpu.memory_space<vmem_shared>>) dst(%dma_wait3A_521 : memref<256xf32, #tpu.memory_space<vmem>>)
      tpu.yield
    }) : () -> ()
    %scan3A_188 = arith.constant 0 : i32
    %scan3A_189 = arith.constant 0 : i32
    %scan3A_190 = arith.constant 16 : i32
    %scan3A_191 = arith.addi %scan3A_189, %scan3A_190 : i32
    %scan3A_192 = arith.constant 1 : i32
    %scan3A_193 = scf.for %scan3A_513 = %scan3A_189 to %scan3A_191 step %scan3A_192 iter_args(%scan3A_514 = %scan3A_188) -> (i32)  : i32 {
      %mul3A_515 = arith.constant 16 : i32
      %mul3A_516 = arith.muli %scan3A_513, %mul3A_515 : i32
      %get3A = arith.index_cast %mul3A_516 : i32 to index
      %get3A_517 = tpu.vector_load %arg17[%get3A] {strides = array<i32>} : memref<2048xf32, #tpu.memory_space<vmem>>, vector<16xf32>,
      %mul3A_518 = arith.constant 16 : i32
      %mul3A_519 = arith.muli %scan3A_513, %mul3A_518 : i32
      %add3A_520 = arith.constant 256 : i32
      %add3A_521 = arith.addi %add3A_520, %mul3A_519 : i32
      %get3A_522 = arith.index_cast %add3A_521 : i32 to index
      %get3A_523 = tpu.vector_load %arg17[%get3A_522] {strides = array<i32>} : memref<2048xf32, #tpu.memory_space<vmem>>, vector<16xf32>,
      %add3A_524 = arith.addf %get3A_517, %get3A_523 : vector<16xf32>
      %mul3A_525 = arith.constant 16 : i32
      %mul3A_526 = arith.muli %scan3A_513, %mul3A_525 : i32
      %add3A_527 = arith.constant 512 : i32
      %add3A_528 = arith.addi %add3A_527, %mul3A_526 : i32
      %get3A_529 = arith.index_cast %add3A_528 : i32 to index
      %get3A_530 = tpu.vector_load %arg17[%get3A_529] {strides = array<i32>} : memref<2048xf32, #tpu.memory_space<vmem>>, vector<16xf32>,
      %add3A_531 = arith.addf %add3A_524, %get3A_530 : vector<16xf32>
      %mul3A_532 = arith.constant 16 : i32
      %mul3A_533 = arith.muli %scan3A_513, %mul3A_532 : i32
      %add3A_534 = arith.constant 768 : i32
      %add3A_535 = arith.addi %add3A_534, %mul3A_533 : i32
      %get3A_536 = arith.index_cast %add3A_535 : i32 to index
      %get3A_537 = tpu.vector_load %arg17[%get3A_536] {strides = array<i32>} : memref<2048xf32, #tpu.memory_space<vmem>>, vector<16xf32>,
      %add3A_538 = arith.addf %add3A_531, %get3A_537 : vector<16xf32>
      %mul3A_539 = arith.constant 16 : i32
      %mul3A_540 = arith.muli %scan3A_513, %mul3A_539 : i32
      %add3A_541 = arith.constant 1024 : i32
      %add3A_542 = arith.addi %add3A_541, %mul3A_540 : i32
      %get3A_543 = arith.index_cast %add3A_542 : i32 to index
      %get3A_544 = tpu.vector_load %arg17[%get3A_543] {strides = array<i32>} : memref<2048xf32, #tpu.memory_space<vmem>>, vector<16xf32>,
      %add3A_545 = arith.addf %add3A_538, %get3A_544 : vector<16xf32>
      %mul3A_546 = arith.constant 16 : i32
      %mul3A_547 = arith.muli %scan3A_513, %mul3A_546 : i32
      %add3A_548 = arith.constant 1280 : i32
      %add3A_549 = arith.addi %add3A_548, %mul3A_547 : i32
      %get3A_550 = arith.index_cast %add3A_549 : i32 to index
      %get3A_551 = tpu.vector_load %arg17[%get3A_550] {strides = array<i32>} : memref<2048xf32, #tpu.memory_space<vmem>>, vector<16xf32>,
      %add3A_552 = arith.addf %add3A_545, %get3A_551 : vector<16xf32>
      %mul3A_553 = arith.constant 16 : i32
      %mul3A_554 = arith.muli %scan3A_513, %mul3A_553 : i32
      %add3A_555 = arith.constant 1536 : i32
      %add3A_556 = arith.addi %add3A_555, %mul3A_554 : i32
      %get3A_557 = arith.index_cast %add3A_556 : i32 to index
      %get3A_558 = tpu.vector_load %arg17[%get3A_557] {strides = array<i32>} : memref<2048xf32, #tpu.memory_space<vmem>>, vector<16xf32>,
      %add3A_559 = arith.addf %add3A_552, %get3A_558 : vector<16xf32>
      %mul3A_560 = arith.constant 16 : i32
      %mul3A_561 = arith.muli %scan3A_513, %mul3A_560 : i32
      %add3A_562 = arith.constant 1792 : i32
      %add3A_563 = arith.addi %add3A_562, %mul3A_561 : i32
      %get3A_564 = arith.index_cast %add3A_563 : i32 to index
      %get3A_565 = tpu.vector_load %arg17[%get3A_564] {strides = array<i32>} : memref<2048xf32, #tpu.memory_space<vmem>>, vector<16xf32>,
      %add3A_566 = arith.addf %add3A_559, %get3A_565 : vector<16xf32>
      %mul3A_567 = arith.constant 16 : i32
      %mul3A_568 = arith.muli %scan3A_513, %mul3A_567 : i32
      %swap3A_569 = arith.index_cast %mul3A_568 : i32 to index
      %swap3A_570 = tpu.vector_load %arg18[%swap3A_569] {strides = array<i32>} : memref<256xf32, #tpu.memory_space<vmem>>, vector<16xf32>,
      tpu.vector_store %arg18[%swap3A_569], %add3A_566 {strides = array<i32>} : memref<256xf32, #tpu.memory_space<vmem>>, vector<16xf32>,
      %scan3A_571 = arith.constant 0 : i32
      scf.yield %scan3A_571 : i32
    }
    %scan3A_194 = arith.constant 16 : i32
    %mul3A_195 = arith.constant 8 : i32
    %mul3A_196 = arith.muli %shift_right_arithmetic3A_0, %mul3A_195 : i32
    %add3A_197 = arith.constant 0 : i32
    %add3A_198 = arith.addi %mul3A_196, %add3A_197 : i32
    %mul3A_199 = arith.constant 4 : i32
    %mul3A_200 = arith.muli %add3A_198, %mul3A_199 : i32
    %add3A_201 = arith.constant 1 : i32
    %add3A_202 = arith.addi %mul3A_200, %add3A_201 : i32
    %mul3A_203 = arith.constant 2048 : i32
    %mul3A_204 = arith.muli %add3A_202, %mul3A_203 : i32
    %add3A_205 = arith.addi %mul3A_204, %mul3A_99 : i32
    "tpu.region"() ({
      %run_scoped3A = tpu.sem_alloc : memref<!tpu.dma_semaphore, #tpu.memory_space<semaphore_mem>>
      %dma_start3A = arith.constant 0 : i32
      %dma_start3A_513 = tpu.memref_slice %arg17[%dma_start3A] : memref<2048xf32, #tpu.memory_space<vmem>> -> memref<256xf32, #tpu.memory_space<vmem>>
      %dma_start3A_514 = tpu.memref_slice %arg28[%add3A_205] : memref<131072xf32, #tpu.memory_space<vmem_shared>> -> memref<256xf32, #tpu.memory_space<vmem_shared>>
      %dma_start3A_515 = arith.constant 0 : i32
      %dma_start3A_516 = tpu.memref_slice %arg17[%dma_start3A_515] : memref<2048xf32, #tpu.memory_space<vmem>> -> memref<256xf32, #tpu.memory_space<vmem>>
      %dma_start3A_517 = tpu.memref_slice %arg28[%add3A_205] : memref<131072xf32, #tpu.memory_space<vmem_shared>> -> memref<256xf32, #tpu.memory_space<vmem_shared>>
      tpu.enqueue_dma source(%dma_start3A_517 : memref<256xf32, #tpu.memory_space<vmem_shared>>) target(%dma_start3A_516 : memref<256xf32, #tpu.memory_space<vmem>>) target_semaphore(%run_scoped3A : memref<!tpu.dma_semaphore, #tpu.memory_space<semaphore_mem>>)
      %dma_wait3A = arith.constant 0 : i32
      %dma_wait3A_518 = tpu.memref_slice %arg17[%dma_wait3A] : memref<2048xf32, #tpu.memory_space<vmem>> -> memref<256xf32, #tpu.memory_space<vmem>>
      %dma_wait3A_519 = tpu.memref_slice %arg28[%add3A_205] : memref<131072xf32, #tpu.memory_space<vmem_shared>> -> memref<256xf32, #tpu.memory_space<vmem_shared>>
      %dma_wait3A_520 = arith.constant 0 : i32
      %dma_wait3A_521 = tpu.memref_slice %arg17[%dma_wait3A_520] : memref<2048xf32, #tpu.memory_space<vmem>> -> memref<256xf32, #tpu.memory_space<vmem>>
      %dma_wait3A_522 = tpu.memref_slice %arg28[%add3A_205] : memref<131072xf32, #tpu.memory_space<vmem_shared>> -> memref<256xf32, #tpu.memory_space<vmem_shared>>
      tpu.wait_dma2 semaphore(%run_scoped3A : memref<!tpu.dma_semaphore, #tpu.memory_space<semaphore_mem>>) src(%dma_wait3A_522 : memref<256xf32, #tpu.memory_space<vmem_shared>>) dst(%dma_wait3A_521 : memref<256xf32, #tpu.memory_space<vmem>>)
      tpu.yield
    }) : () -> ()
    %mul3A_206 = arith.constant 8 : i32
    %mul3A_207 = arith.muli %shift_right_arithmetic3A_0, %mul3A_206 : i32
    %add3A_208 = arith.constant 1 : i32
    %add3A_209 = arith.addi %mul3A_207, %add3A_208 : i32
    %mul3A_210 = arith.constant 4 : i32
    %mul3A_211 = arith.muli %add3A_209, %mul3A_210 : i32
    %add3A_212 = arith.constant 1 : i32
    %add3A_213 = arith.addi %mul3A_211, %add3A_212 : i32
    %mul3A_214 = arith.constant 2048 : i32
    %mul3A_215 = arith.muli %add3A_213, %mul3A_214 : i32
    %add3A_216 = arith.addi %mul3A_215, %mul3A_99 : i32
    "tpu.region"() ({
      %run_scoped3A = tpu.sem_alloc : memref<!tpu.dma_semaphore, #tpu.memory_space<semaphore_mem>>
      %dma_start3A = arith.constant 256 : i32
      %dma_start3A_513 = tpu.memref_slice %arg17[%dma_start3A] : memref<2048xf32, #tpu.memory_space<vmem>> -> memref<256xf32, #tpu.memory_space<vmem>>
      %dma_start3A_514 = tpu.memref_slice %arg28[%add3A_216] : memref<131072xf32, #tpu.memory_space<vmem_shared>> -> memref<256xf32, #tpu.memory_space<vmem_shared>>
      %dma_start3A_515 = arith.constant 256 : i32
      %dma_start3A_516 = tpu.memref_slice %arg17[%dma_start3A_515] : memref<2048xf32, #tpu.memory_space<vmem>> -> memref<256xf32, #tpu.memory_space<vmem>>
      %dma_start3A_517 = tpu.memref_slice %arg28[%add3A_216] : memref<131072xf32, #tpu.memory_space<vmem_shared>> -> memref<256xf32, #tpu.memory_space<vmem_shared>>
      tpu.enqueue_dma source(%dma_start3A_517 : memref<256xf32, #tpu.memory_space<vmem_shared>>) target(%dma_start3A_516 : memref<256xf32, #tpu.memory_space<vmem>>) target_semaphore(%run_scoped3A : memref<!tpu.dma_semaphore, #tpu.memory_space<semaphore_mem>>)
      %dma_wait3A = arith.constant 256 : i32
      %dma_wait3A_518 = tpu.memref_slice %arg17[%dma_wait3A] : memref<2048xf32, #tpu.memory_space<vmem>> -> memref<256xf32, #tpu.memory_space<vmem>>
      %dma_wait3A_519 = tpu.memref_slice %arg28[%add3A_216] : memref<131072xf32, #tpu.memory_space<vmem_shared>> -> memref<256xf32, #tpu.memory_space<vmem_shared>>
      %dma_wait3A_520 = arith.constant 256 : i32
      %dma_wait3A_521 = tpu.memref_slice %arg17[%dma_wait3A_520] : memref<2048xf32, #tpu.memory_space<vmem>> -> memref<256xf32, #tpu.memory_space<vmem>>
      %dma_wait3A_522 = tpu.memref_slice %arg28[%add3A_216] : memref<131072xf32, #tpu.memory_space<vmem_shared>> -> memref<256xf32, #tpu.memory_space<vmem_shared>>
      tpu.wait_dma2 semaphore(%run_scoped3A : memref<!tpu.dma_semaphore, #tpu.memory_space<semaphore_mem>>) src(%dma_wait3A_522 : memref<256xf32, #tpu.memory_space<vmem_shared>>) dst(%dma_wait3A_521 : memref<256xf32, #tpu.memory_space<vmem>>)
      tpu.yield
    }) : () -> ()
    %mul3A_217 = arith.constant 8 : i32
    %mul3A_218 = arith.muli %shift_right_arithmetic3A_0, %mul3A_217 : i32
    %add3A_219 = arith.constant 2 : i32
    %add3A_220 = arith.addi %mul3A_218, %add3A_219 : i32
    %mul3A_221 = arith.constant 4 : i32
    %mul3A_222 = arith.muli %add3A_220, %mul3A_221 : i32
    %add3A_223 = arith.constant 1 : i32
    %add3A_224 = arith.addi %mul3A_222, %add3A_223 : i32
    %mul3A_225 = arith.constant 2048 : i32
    %mul3A_226 = arith.muli %add3A_224, %mul3A_225 : i32
    %add3A_227 = arith.addi %mul3A_226, %mul3A_99 : i32
    "tpu.region"() ({
      %run_scoped3A = tpu.sem_alloc : memref<!tpu.dma_semaphore, #tpu.memory_space<semaphore_mem>>
      %dma_start3A = arith.constant 512 : i32
      %dma_start3A_513 = tpu.memref_slice %arg17[%dma_start3A] : memref<2048xf32, #tpu.memory_space<vmem>> -> memref<256xf32, #tpu.memory_space<vmem>>
      %dma_start3A_514 = tpu.memref_slice %arg28[%add3A_227] : memref<131072xf32, #tpu.memory_space<vmem_shared>> -> memref<256xf32, #tpu.memory_space<vmem_shared>>
      %dma_start3A_515 = arith.constant 512 : i32
      %dma_start3A_516 = tpu.memref_slice %arg17[%dma_start3A_515] : memref<2048xf32, #tpu.memory_space<vmem>> -> memref<256xf32, #tpu.memory_space<vmem>>
      %dma_start3A_517 = tpu.memref_slice %arg28[%add3A_227] : memref<131072xf32, #tpu.memory_space<vmem_shared>> -> memref<256xf32, #tpu.memory_space<vmem_shared>>
      tpu.enqueue_dma source(%dma_start3A_517 : memref<256xf32, #tpu.memory_space<vmem_shared>>) target(%dma_start3A_516 : memref<256xf32, #tpu.memory_space<vmem>>) target_semaphore(%run_scoped3A : memref<!tpu.dma_semaphore, #tpu.memory_space<semaphore_mem>>)
      %dma_wait3A = arith.constant 512 : i32
      %dma_wait3A_518 = tpu.memref_slice %arg17[%dma_wait3A] : memref<2048xf32, #tpu.memory_space<vmem>> -> memref<256xf32, #tpu.memory_space<vmem>>
      %dma_wait3A_519 = tpu.memref_slice %arg28[%add3A_227] : memref<131072xf32, #tpu.memory_space<vmem_shared>> -> memref<256xf32, #tpu.memory_space<vmem_shared>>
      %dma_wait3A_520 = arith.constant 512 : i32
      %dma_wait3A_521 = tpu.memref_slice %arg17[%dma_wait3A_520] : memref<2048xf32, #tpu.memory_space<vmem>> -> memref<256xf32, #tpu.memory_space<vmem>>
      %dma_wait3A_522 = tpu.memref_slice %arg28[%add3A_227] : memref<131072xf32, #tpu.memory_space<vmem_shared>> -> memref<256xf32, #tpu.memory_space<vmem_shared>>
      tpu.wait_dma2 semaphore(%run_scoped3A : memref<!tpu.dma_semaphore, #tpu.memory_space<semaphore_mem>>) src(%dma_wait3A_522 : memref<256xf32, #tpu.memory_space<vmem_shared>>) dst(%dma_wait3A_521 : memref<256xf32, #tpu.memory_space<vmem>>)
      tpu.yield
    }) : () -> ()
    %mul3A_228 = arith.constant 8 : i32
    %mul3A_229 = arith.muli %shift_right_arithmetic3A_0, %mul3A_228 : i32
    %add3A_230 = arith.constant 3 : i32
    %add3A_231 = arith.addi %mul3A_229, %add3A_230 : i32
    %mul3A_232 = arith.constant 4 : i32
    %mul3A_233 = arith.muli %add3A_231, %mul3A_232 : i32
    %add3A_234 = arith.constant 1 : i32
    %add3A_235 = arith.addi %mul3A_233, %add3A_234 : i32
    %mul3A_236 = arith.constant 2048 : i32
    %mul3A_237 = arith.muli %add3A_235, %mul3A_236 : i32
    %add3A_238 = arith.addi %mul3A_237, %mul3A_99 : i32
    "tpu.region"() ({
      %run_scoped3A = tpu.sem_alloc : memref<!tpu.dma_semaphore, #tpu.memory_space<semaphore_mem>>
      %dma_start3A = arith.constant 768 : i32
      %dma_start3A_513 = tpu.memref_slice %arg17[%dma_start3A] : memref<2048xf32, #tpu.memory_space<vmem>> -> memref<256xf32, #tpu.memory_space<vmem>>
      %dma_start3A_514 = tpu.memref_slice %arg28[%add3A_238] : memref<131072xf32, #tpu.memory_space<vmem_shared>> -> memref<256xf32, #tpu.memory_space<vmem_shared>>
      %dma_start3A_515 = arith.constant 768 : i32
      %dma_start3A_516 = tpu.memref_slice %arg17[%dma_start3A_515] : memref<2048xf32, #tpu.memory_space<vmem>> -> memref<256xf32, #tpu.memory_space<vmem>>
      %dma_start3A_517 = tpu.memref_slice %arg28[%add3A_238] : memref<131072xf32, #tpu.memory_space<vmem_shared>> -> memref<256xf32, #tpu.memory_space<vmem_shared>>
      tpu.enqueue_dma source(%dma_start3A_517 : memref<256xf32, #tpu.memory_space<vmem_shared>>) target(%dma_start3A_516 : memref<256xf32, #tpu.memory_space<vmem>>) target_semaphore(%run_scoped3A : memref<!tpu.dma_semaphore, #tpu.memory_space<semaphore_mem>>)
      %dma_wait3A = arith.constant 768 : i32
      %dma_wait3A_518 = tpu.memref_slice %arg17[%dma_wait3A] : memref<2048xf32, #tpu.memory_space<vmem>> -> memref<256xf32, #tpu.memory_space<vmem>>
      %dma_wait3A_519 = tpu.memref_slice %arg28[%add3A_238] : memref<131072xf32, #tpu.memory_space<vmem_shared>> -> memref<256xf32, #tpu.memory_space<vmem_shared>>
      %dma_wait3A_520 = arith.constant 768 : i32
      %dma_wait3A_521 = tpu.memref_slice %arg17[%dma_wait3A_520] : memref<2048xf32, #tpu.memory_space<vmem>> -> memref<256xf32, #tpu.memory_space<vmem>>
      %dma_wait3A_522 = tpu.memref_slice %arg28[%add3A_238] : memref<131072xf32, #tpu.memory_space<vmem_shared>> -> memref<256xf32, #tpu.memory_space<vmem_shared>>
      tpu.wait_dma2 semaphore(%run_scoped3A : memref<!tpu.dma_semaphore, #tpu.memory_space<semaphore_mem>>) src(%dma_wait3A_522 : memref<256xf32, #tpu.memory_space<vmem_shared>>) dst(%dma_wait3A_521 : memref<256xf32, #tpu.memory_space<vmem>>)
      tpu.yield
    }) : () -> ()
    %mul3A_239 = arith.constant 8 : i32
    %mul3A_240 = arith.muli %shift_right_arithmetic3A_0, %mul3A_239 : i32
    %add3A_241 = arith.constant 4 : i32
    %add3A_242 = arith.addi %mul3A_240, %add3A_241 : i32
    %mul3A_243 = arith.constant 4 : i32
    %mul3A_244 = arith.muli %add3A_242, %mul3A_243 : i32
    %add3A_245 = arith.constant 1 : i32
    %add3A_246 = arith.addi %mul3A_244, %add3A_245 : i32
    %mul3A_247 = arith.constant 2048 : i32
    %mul3A_248 = arith.muli %add3A_246, %mul3A_247 : i32
    %add3A_249 = arith.addi %mul3A_248, %mul3A_99 : i32
    "tpu.region"() ({
      %run_scoped3A = tpu.sem_alloc : memref<!tpu.dma_semaphore, #tpu.memory_space<semaphore_mem>>
      %dma_start3A = arith.constant 1024 : i32
      %dma_start3A_513 = tpu.memref_slice %arg17[%dma_start3A] : memref<2048xf32, #tpu.memory_space<vmem>> -> memref<256xf32, #tpu.memory_space<vmem>>
      %dma_start3A_514 = tpu.memref_slice %arg28[%add3A_249] : memref<131072xf32, #tpu.memory_space<vmem_shared>> -> memref<256xf32, #tpu.memory_space<vmem_shared>>
      %dma_start3A_515 = arith.constant 1024 : i32
      %dma_start3A_516 = tpu.memref_slice %arg17[%dma_start3A_515] : memref<2048xf32, #tpu.memory_space<vmem>> -> memref<256xf32, #tpu.memory_space<vmem>>
      %dma_start3A_517 = tpu.memref_slice %arg28[%add3A_249] : memref<131072xf32, #tpu.memory_space<vmem_shared>> -> memref<256xf32, #tpu.memory_space<vmem_shared>>
      tpu.enqueue_dma source(%dma_start3A_517 : memref<256xf32, #tpu.memory_space<vmem_shared>>) target(%dma_start3A_516 : memref<256xf32, #tpu.memory_space<vmem>>) target_semaphore(%run_scoped3A : memref<!tpu.dma_semaphore, #tpu.memory_space<semaphore_mem>>)
      %dma_wait3A = arith.constant 1024 : i32
      %dma_wait3A_518 = tpu.memref_slice %arg17[%dma_wait3A] : memref<2048xf32, #tpu.memory_space<vmem>> -> memref<256xf32, #tpu.memory_space<vmem>>
      %dma_wait3A_519 = tpu.memref_slice %arg28[%add3A_249] : memref<131072xf32, #tpu.memory_space<vmem_shared>> -> memref<256xf32, #tpu.memory_space<vmem_shared>>
      %dma_wait3A_520 = arith.constant 1024 : i32
      %dma_wait3A_521 = tpu.memref_slice %arg17[%dma_wait3A_520] : memref<2048xf32, #tpu.memory_space<vmem>> -> memref<256xf32, #tpu.memory_space<vmem>>
      %dma_wait3A_522 = tpu.memref_slice %arg28[%add3A_249] : memref<131072xf32, #tpu.memory_space<vmem_shared>> -> memref<256xf32, #tpu.memory_space<vmem_shared>>
      tpu.wait_dma2 semaphore(%run_scoped3A : memref<!tpu.dma_semaphore, #tpu.memory_space<semaphore_mem>>) src(%dma_wait3A_522 : memref<256xf32, #tpu.memory_space<vmem_shared>>) dst(%dma_wait3A_521 : memref<256xf32, #tpu.memory_space<vmem>>)
      tpu.yield
    }) : () -> ()
    %mul3A_250 = arith.constant 8 : i32
    %mul3A_251 = arith.muli %shift_right_arithmetic3A_0, %mul3A_250 : i32
    %add3A_252 = arith.constant 5 : i32
    %add3A_253 = arith.addi %mul3A_251, %add3A_252 : i32
    %mul3A_254 = arith.constant 4 : i32
    %mul3A_255 = arith.muli %add3A_253, %mul3A_254 : i32
    %add3A_256 = arith.constant 1 : i32
    %add3A_257 = arith.addi %mul3A_255, %add3A_256 : i32
    %mul3A_258 = arith.constant 2048 : i32
    %mul3A_259 = arith.muli %add3A_257, %mul3A_258 : i32
    %add3A_260 = arith.addi %mul3A_259, %mul3A_99 : i32
    "tpu.region"() ({
      %run_scoped3A = tpu.sem_alloc : memref<!tpu.dma_semaphore, #tpu.memory_space<semaphore_mem>>
      %dma_start3A = arith.constant 1280 : i32
      %dma_start3A_513 = tpu.memref_slice %arg17[%dma_start3A] : memref<2048xf32, #tpu.memory_space<vmem>> -> memref<256xf32, #tpu.memory_space<vmem>>
      %dma_start3A_514 = tpu.memref_slice %arg28[%add3A_260] : memref<131072xf32, #tpu.memory_space<vmem_shared>> -> memref<256xf32, #tpu.memory_space<vmem_shared>>
      %dma_start3A_515 = arith.constant 1280 : i32
      %dma_start3A_516 = tpu.memref_slice %arg17[%dma_start3A_515] : memref<2048xf32, #tpu.memory_space<vmem>> -> memref<256xf32, #tpu.memory_space<vmem>>
      %dma_start3A_517 = tpu.memref_slice %arg28[%add3A_260] : memref<131072xf32, #tpu.memory_space<vmem_shared>> -> memref<256xf32, #tpu.memory_space<vmem_shared>>
      tpu.enqueue_dma source(%dma_start3A_517 : memref<256xf32, #tpu.memory_space<vmem_shared>>) target(%dma_start3A_516 : memref<256xf32, #tpu.memory_space<vmem>>) target_semaphore(%run_scoped3A : memref<!tpu.dma_semaphore, #tpu.memory_space<semaphore_mem>>)
      %dma_wait3A = arith.constant 1280 : i32
      %dma_wait3A_518 = tpu.memref_slice %arg17[%dma_wait3A] : memref<2048xf32, #tpu.memory_space<vmem>> -> memref<256xf32, #tpu.memory_space<vmem>>
      %dma_wait3A_519 = tpu.memref_slice %arg28[%add3A_260] : memref<131072xf32, #tpu.memory_space<vmem_shared>> -> memref<256xf32, #tpu.memory_space<vmem_shared>>
      %dma_wait3A_520 = arith.constant 1280 : i32
      %dma_wait3A_521 = tpu.memref_slice %arg17[%dma_wait3A_520] : memref<2048xf32, #tpu.memory_space<vmem>> -> memref<256xf32, #tpu.memory_space<vmem>>
      %dma_wait3A_522 = tpu.memref_slice %arg28[%add3A_260] : memref<131072xf32, #tpu.memory_space<vmem_shared>> -> memref<256xf32, #tpu.memory_space<vmem_shared>>
      tpu.wait_dma2 semaphore(%run_scoped3A : memref<!tpu.dma_semaphore, #tpu.memory_space<semaphore_mem>>) src(%dma_wait3A_522 : memref<256xf32, #tpu.memory_space<vmem_shared>>) dst(%dma_wait3A_521 : memref<256xf32, #tpu.memory_space<vmem>>)
      tpu.yield
    }) : () -> ()
    %mul3A_261 = arith.constant 8 : i32
    %mul3A_262 = arith.muli %shift_right_arithmetic3A_0, %mul3A_261 : i32
    %add3A_263 = arith.constant 6 : i32
    %add3A_264 = arith.addi %mul3A_262, %add3A_263 : i32
    %mul3A_265 = arith.constant 4 : i32
    %mul3A_266 = arith.muli %add3A_264, %mul3A_265 : i32
    %add3A_267 = arith.constant 1 : i32
    %add3A_268 = arith.addi %mul3A_266, %add3A_267 : i32
    %mul3A_269 = arith.constant 2048 : i32
    %mul3A_270 = arith.muli %add3A_268, %mul3A_269 : i32
    %add3A_271 = arith.addi %mul3A_270, %mul3A_99 : i32
    "tpu.region"() ({
      %run_scoped3A = tpu.sem_alloc : memref<!tpu.dma_semaphore, #tpu.memory_space<semaphore_mem>>
      %dma_start3A = arith.constant 1536 : i32
      %dma_start3A_513 = tpu.memref_slice %arg17[%dma_start3A] : memref<2048xf32, #tpu.memory_space<vmem>> -> memref<256xf32, #tpu.memory_space<vmem>>
      %dma_start3A_514 = tpu.memref_slice %arg28[%add3A_271] : memref<131072xf32, #tpu.memory_space<vmem_shared>> -> memref<256xf32, #tpu.memory_space<vmem_shared>>
      %dma_start3A_515 = arith.constant 1536 : i32
      %dma_start3A_516 = tpu.memref_slice %arg17[%dma_start3A_515] : memref<2048xf32, #tpu.memory_space<vmem>> -> memref<256xf32, #tpu.memory_space<vmem>>
      %dma_start3A_517 = tpu.memref_slice %arg28[%add3A_271] : memref<131072xf32, #tpu.memory_space<vmem_shared>> -> memref<256xf32, #tpu.memory_space<vmem_shared>>
      tpu.enqueue_dma source(%dma_start3A_517 : memref<256xf32, #tpu.memory_space<vmem_shared>>) target(%dma_start3A_516 : memref<256xf32, #tpu.memory_space<vmem>>) target_semaphore(%run_scoped3A : memref<!tpu.dma_semaphore, #tpu.memory_space<semaphore_mem>>)
      %dma_wait3A = arith.constant 1536 : i32
      %dma_wait3A_518 = tpu.memref_slice %arg17[%dma_wait3A] : memref<2048xf32, #tpu.memory_space<vmem>> -> memref<256xf32, #tpu.memory_space<vmem>>
      %dma_wait3A_519 = tpu.memref_slice %arg28[%add3A_271] : memref<131072xf32, #tpu.memory_space<vmem_shared>> -> memref<256xf32, #tpu.memory_space<vmem_shared>>
      %dma_wait3A_520 = arith.constant 1536 : i32
      %dma_wait3A_521 = tpu.memref_slice %arg17[%dma_wait3A_520] : memref<2048xf32, #tpu.memory_space<vmem>> -> memref<256xf32, #tpu.memory_space<vmem>>
      %dma_wait3A_522 = tpu.memref_slice %arg28[%add3A_271] : memref<131072xf32, #tpu.memory_space<vmem_shared>> -> memref<256xf32, #tpu.memory_space<vmem_shared>>
      tpu.wait_dma2 semaphore(%run_scoped3A : memref<!tpu.dma_semaphore, #tpu.memory_space<semaphore_mem>>) src(%dma_wait3A_522 : memref<256xf32, #tpu.memory_space<vmem_shared>>) dst(%dma_wait3A_521 : memref<256xf32, #tpu.memory_space<vmem>>)
      tpu.yield
    }) : () -> ()
    %mul3A_272 = arith.constant 8 : i32
    %mul3A_273 = arith.muli %shift_right_arithmetic3A_0, %mul3A_272 : i32
    %add3A_274 = arith.constant 7 : i32
    %add3A_275 = arith.addi %mul3A_273, %add3A_274 : i32
    %mul3A_276 = arith.constant 4 : i32
    %mul3A_277 = arith.muli %add3A_275, %mul3A_276 : i32
    %add3A_278 = arith.constant 1 : i32
    %add3A_279 = arith.addi %mul3A_277, %add3A_278 : i32
    %mul3A_280 = arith.constant 2048 : i32
    %mul3A_281 = arith.muli %add3A_279, %mul3A_280 : i32
    %add3A_282 = arith.addi %mul3A_281, %mul3A_99 : i32
    "tpu.region"() ({
      %run_scoped3A = tpu.sem_alloc : memref<!tpu.dma_semaphore, #tpu.memory_space<semaphore_mem>>
      %dma_start3A = arith.constant 1792 : i32
      %dma_start3A_513 = tpu.memref_slice %arg17[%dma_start3A] : memref<2048xf32, #tpu.memory_space<vmem>> -> memref<256xf32, #tpu.memory_space<vmem>>
      %dma_start3A_514 = tpu.memref_slice %arg28[%add3A_282] : memref<131072xf32, #tpu.memory_space<vmem_shared>> -> memref<256xf32, #tpu.memory_space<vmem_shared>>
      %dma_start3A_515 = arith.constant 1792 : i32
      %dma_start3A_516 = tpu.memref_slice %arg17[%dma_start3A_515] : memref<2048xf32, #tpu.memory_space<vmem>> -> memref<256xf32, #tpu.memory_space<vmem>>
      %dma_start3A_517 = tpu.memref_slice %arg28[%add3A_282] : memref<131072xf32, #tpu.memory_space<vmem_shared>> -> memref<256xf32, #tpu.memory_space<vmem_shared>>
      tpu.enqueue_dma source(%dma_start3A_517 : memref<256xf32, #tpu.memory_space<vmem_shared>>) target(%dma_start3A_516 : memref<256xf32, #tpu.memory_space<vmem>>) target_semaphore(%run_scoped3A : memref<!tpu.dma_semaphore, #tpu.memory_space<semaphore_mem>>)
      %dma_wait3A = arith.constant 1792 : i32
      %dma_wait3A_518 = tpu.memref_slice %arg17[%dma_wait3A] : memref<2048xf32, #tpu.memory_space<vmem>> -> memref<256xf32, #tpu.memory_space<vmem>>
      %dma_wait3A_519 = tpu.memref_slice %arg28[%add3A_282] : memref<131072xf32, #tpu.memory_space<vmem_shared>> -> memref<256xf32, #tpu.memory_space<vmem_shared>>
      %dma_wait3A_520 = arith.constant 1792 : i32
      %dma_wait3A_521 = tpu.memref_slice %arg17[%dma_wait3A_520] : memref<2048xf32, #tpu.memory_space<vmem>> -> memref<256xf32, #tpu.memory_space<vmem>>
      %dma_wait3A_522 = tpu.memref_slice %arg28[%add3A_282] : memref<131072xf32, #tpu.memory_space<vmem_shared>> -> memref<256xf32, #tpu.memory_space<vmem_shared>>
      tpu.wait_dma2 semaphore(%run_scoped3A : memref<!tpu.dma_semaphore, #tpu.memory_space<semaphore_mem>>) src(%dma_wait3A_522 : memref<256xf32, #tpu.memory_space<vmem_shared>>) dst(%dma_wait3A_521 : memref<256xf32, #tpu.memory_space<vmem>>)
      tpu.yield
    }) : () -> ()
    %scan3A_283 = arith.constant 0 : i32
    %scan3A_284 = arith.constant 0 : i32
    %scan3A_285 = arith.constant 16 : i32
    %scan3A_286 = arith.addi %scan3A_284, %scan3A_285 : i32
    %scan3A_287 = arith.constant 1 : i32
    %scan3A_288 = scf.for %scan3A_513 = %scan3A_284 to %scan3A_286 step %scan3A_287 iter_args(%scan3A_514 = %scan3A_283) -> (i32)  : i32 {
      %mul3A_515 = arith.constant 16 : i32
      %mul3A_516 = arith.muli %scan3A_513, %mul3A_515 : i32
      %get3A = arith.index_cast %mul3A_516 : i32 to index
      %get3A_517 = tpu.vector_load %arg17[%get3A] {strides = array<i32>} : memref<2048xf32, #tpu.memory_space<vmem>>, vector<16xf32>,
      %mul3A_518 = arith.constant 16 : i32
      %mul3A_519 = arith.muli %scan3A_513, %mul3A_518 : i32
      %add3A_520 = arith.constant 256 : i32
      %add3A_521 = arith.addi %add3A_520, %mul3A_519 : i32
      %get3A_522 = arith.index_cast %add3A_521 : i32 to index
      %get3A_523 = tpu.vector_load %arg17[%get3A_522] {strides = array<i32>} : memref<2048xf32, #tpu.memory_space<vmem>>, vector<16xf32>,
      %add3A_524 = arith.addf %get3A_517, %get3A_523 : vector<16xf32>
      %mul3A_525 = arith.constant 16 : i32
      %mul3A_526 = arith.muli %scan3A_513, %mul3A_525 : i32
      %add3A_527 = arith.constant 512 : i32
      %add3A_528 = arith.addi %add3A_527, %mul3A_526 : i32
      %get3A_529 = arith.index_cast %add3A_528 : i32 to index
      %get3A_530 = tpu.vector_load %arg17[%get3A_529] {strides = array<i32>} : memref<2048xf32, #tpu.memory_space<vmem>>, vector<16xf32>,
      %add3A_531 = arith.addf %add3A_524, %get3A_530 : vector<16xf32>
      %mul3A_532 = arith.constant 16 : i32
      %mul3A_533 = arith.muli %scan3A_513, %mul3A_532 : i32
      %add3A_534 = arith.constant 768 : i32
      %add3A_535 = arith.addi %add3A_534, %mul3A_533 : i32
      %get3A_536 = arith.index_cast %add3A_535 : i32 to index
      %get3A_537 = tpu.vector_load %arg17[%get3A_536] {strides = array<i32>} : memref<2048xf32, #tpu.memory_space<vmem>>, vector<16xf32>,
      %add3A_538 = arith.addf %add3A_531, %get3A_537 : vector<16xf32>
      %mul3A_539 = arith.constant 16 : i32
      %mul3A_540 = arith.muli %scan3A_513, %mul3A_539 : i32
      %add3A_541 = arith.constant 1024 : i32
      %add3A_542 = arith.addi %add3A_541, %mul3A_540 : i32
      %get3A_543 = arith.index_cast %add3A_542 : i32 to index
      %get3A_544 = tpu.vector_load %arg17[%get3A_543] {strides = array<i32>} : memref<2048xf32, #tpu.memory_space<vmem>>, vector<16xf32>,
      %add3A_545 = arith.addf %add3A_538, %get3A_544 : vector<16xf32>
      %mul3A_546 = arith.constant 16 : i32
      %mul3A_547 = arith.muli %scan3A_513, %mul3A_546 : i32
      %add3A_548 = arith.constant 1280 : i32
      %add3A_549 = arith.addi %add3A_548, %mul3A_547 : i32
      %get3A_550 = arith.index_cast %add3A_549 : i32 to index
      %get3A_551 = tpu.vector_load %arg17[%get3A_550] {strides = array<i32>} : memref<2048xf32, #tpu.memory_space<vmem>>, vector<16xf32>,
      %add3A_552 = arith.addf %add3A_545, %get3A_551 : vector<16xf32>
      %mul3A_553 = arith.constant 16 : i32
      %mul3A_554 = arith.muli %scan3A_513, %mul3A_553 : i32
      %add3A_555 = arith.constant 1536 : i32
      %add3A_556 = arith.addi %add3A_555, %mul3A_554 : i32
      %get3A_557 = arith.index_cast %add3A_556 : i32 to index
      %get3A_558 = tpu.vector_load %arg17[%get3A_557] {strides = array<i32>} : memref<2048xf32, #tpu.memory_space<vmem>>, vector<16xf32>,
      %add3A_559 = arith.addf %add3A_552, %get3A_558 : vector<16xf32>
      %mul3A_560 = arith.constant 16 : i32
      %mul3A_561 = arith.muli %scan3A_513, %mul3A_560 : i32
      %add3A_562 = arith.constant 1792 : i32
      %add3A_563 = arith.addi %add3A_562, %mul3A_561 : i32
      %get3A_564 = arith.index_cast %add3A_563 : i32 to index
      %get3A_565 = tpu.vector_load %arg17[%get3A_564] {strides = array<i32>} : memref<2048xf32, #tpu.memory_space<vmem>>, vector<16xf32>,
      %add3A_566 = arith.addf %add3A_559, %get3A_565 : vector<16xf32>
      %mul3A_567 = arith.constant 16 : i32
      %mul3A_568 = arith.muli %scan3A_513, %mul3A_567 : i32
      %swap3A_569 = arith.index_cast %mul3A_568 : i32 to index
      %swap3A_570 = tpu.vector_load %arg19[%swap3A_569] {strides = array<i32>} : memref<256xf32, #tpu.memory_space<vmem>>, vector<16xf32>,
      tpu.vector_store %arg19[%swap3A_569], %add3A_566 {strides = array<i32>} : memref<256xf32, #tpu.memory_space<vmem>>, vector<16xf32>,
      %scan3A_571 = arith.constant 0 : i32
      scf.yield %scan3A_571 : i32
    }
    %scan3A_289 = arith.constant 16 : i32
    %mul3A_290 = arith.constant 8 : i32
    %mul3A_291 = arith.muli %shift_right_arithmetic3A_0, %mul3A_290 : i32
    %add3A_292 = arith.constant 0 : i32
    %add3A_293 = arith.addi %mul3A_291, %add3A_292 : i32
    %mul3A_294 = arith.constant 4 : i32
    %mul3A_295 = arith.muli %add3A_293, %mul3A_294 : i32
    %add3A_296 = arith.constant 2 : i32
    %add3A_297 = arith.addi %mul3A_295, %add3A_296 : i32
    %mul3A_298 = arith.constant 2048 : i32
    %mul3A_299 = arith.muli %add3A_297, %mul3A_298 : i32
    %add3A_300 = arith.addi %mul3A_299, %mul3A_99 : i32
    "tpu.region"() ({
      %run_scoped3A = tpu.sem_alloc : memref<!tpu.dma_semaphore, #tpu.memory_space<semaphore_mem>>
      %dma_start3A = arith.constant 0 : i32
      %dma_start3A_513 = tpu.memref_slice %arg17[%dma_start3A] : memref<2048xf32, #tpu.memory_space<vmem>> -> memref<256xf32, #tpu.memory_space<vmem>>
      %dma_start3A_514 = tpu.memref_slice %arg28[%add3A_300] : memref<131072xf32, #tpu.memory_space<vmem_shared>> -> memref<256xf32, #tpu.memory_space<vmem_shared>>
      %dma_start3A_515 = arith.constant 0 : i32
      %dma_start3A_516 = tpu.memref_slice %arg17[%dma_start3A_515] : memref<2048xf32, #tpu.memory_space<vmem>> -> memref<256xf32, #tpu.memory_space<vmem>>
      %dma_start3A_517 = tpu.memref_slice %arg28[%add3A_300] : memref<131072xf32, #tpu.memory_space<vmem_shared>> -> memref<256xf32, #tpu.memory_space<vmem_shared>>
      tpu.enqueue_dma source(%dma_start3A_517 : memref<256xf32, #tpu.memory_space<vmem_shared>>) target(%dma_start3A_516 : memref<256xf32, #tpu.memory_space<vmem>>) target_semaphore(%run_scoped3A : memref<!tpu.dma_semaphore, #tpu.memory_space<semaphore_mem>>)
      %dma_wait3A = arith.constant 0 : i32
      %dma_wait3A_518 = tpu.memref_slice %arg17[%dma_wait3A] : memref<2048xf32, #tpu.memory_space<vmem>> -> memref<256xf32, #tpu.memory_space<vmem>>
      %dma_wait3A_519 = tpu.memref_slice %arg28[%add3A_300] : memref<131072xf32, #tpu.memory_space<vmem_shared>> -> memref<256xf32, #tpu.memory_space<vmem_shared>>
      %dma_wait3A_520 = arith.constant 0 : i32
      %dma_wait3A_521 = tpu.memref_slice %arg17[%dma_wait3A_520] : memref<2048xf32, #tpu.memory_space<vmem>> -> memref<256xf32, #tpu.memory_space<vmem>>
      %dma_wait3A_522 = tpu.memref_slice %arg28[%add3A_300] : memref<131072xf32, #tpu.memory_space<vmem_shared>> -> memref<256xf32, #tpu.memory_space<vmem_shared>>
      tpu.wait_dma2 semaphore(%run_scoped3A : memref<!tpu.dma_semaphore, #tpu.memory_space<semaphore_mem>>) src(%dma_wait3A_522 : memref<256xf32, #tpu.memory_space<vmem_shared>>) dst(%dma_wait3A_521 : memref<256xf32, #tpu.memory_space<vmem>>)
      tpu.yield
    }) : () -> ()
    %mul3A_301 = arith.constant 8 : i32
    %mul3A_302 = arith.muli %shift_right_arithmetic3A_0, %mul3A_301 : i32
    %add3A_303 = arith.constant 1 : i32
    %add3A_304 = arith.addi %mul3A_302, %add3A_303 : i32
    %mul3A_305 = arith.constant 4 : i32
    %mul3A_306 = arith.muli %add3A_304, %mul3A_305 : i32
    %add3A_307 = arith.constant 2 : i32
    %add3A_308 = arith.addi %mul3A_306, %add3A_307 : i32
    %mul3A_309 = arith.constant 2048 : i32
    %mul3A_310 = arith.muli %add3A_308, %mul3A_309 : i32
    %add3A_311 = arith.addi %mul3A_310, %mul3A_99 : i32
    "tpu.region"() ({
      %run_scoped3A = tpu.sem_alloc : memref<!tpu.dma_semaphore, #tpu.memory_space<semaphore_mem>>
      %dma_start3A = arith.constant 256 : i32
      %dma_start3A_513 = tpu.memref_slice %arg17[%dma_start3A] : memref<2048xf32, #tpu.memory_space<vmem>> -> memref<256xf32, #tpu.memory_space<vmem>>
      %dma_start3A_514 = tpu.memref_slice %arg28[%add3A_311] : memref<131072xf32, #tpu.memory_space<vmem_shared>> -> memref<256xf32, #tpu.memory_space<vmem_shared>>
      %dma_start3A_515 = arith.constant 256 : i32
      %dma_start3A_516 = tpu.memref_slice %arg17[%dma_start3A_515] : memref<2048xf32, #tpu.memory_space<vmem>> -> memref<256xf32, #tpu.memory_space<vmem>>
      %dma_start3A_517 = tpu.memref_slice %arg28[%add3A_311] : memref<131072xf32, #tpu.memory_space<vmem_shared>> -> memref<256xf32, #tpu.memory_space<vmem_shared>>
      tpu.enqueue_dma source(%dma_start3A_517 : memref<256xf32, #tpu.memory_space<vmem_shared>>) target(%dma_start3A_516 : memref<256xf32, #tpu.memory_space<vmem>>) target_semaphore(%run_scoped3A : memref<!tpu.dma_semaphore, #tpu.memory_space<semaphore_mem>>)
      %dma_wait3A = arith.constant 256 : i32
      %dma_wait3A_518 = tpu.memref_slice %arg17[%dma_wait3A] : memref<2048xf32, #tpu.memory_space<vmem>> -> memref<256xf32, #tpu.memory_space<vmem>>
      %dma_wait3A_519 = tpu.memref_slice %arg28[%add3A_311] : memref<131072xf32, #tpu.memory_space<vmem_shared>> -> memref<256xf32, #tpu.memory_space<vmem_shared>>
      %dma_wait3A_520 = arith.constant 256 : i32
      %dma_wait3A_521 = tpu.memref_slice %arg17[%dma_wait3A_520] : memref<2048xf32, #tpu.memory_space<vmem>> -> memref<256xf32, #tpu.memory_space<vmem>>
      %dma_wait3A_522 = tpu.memref_slice %arg28[%add3A_311] : memref<131072xf32, #tpu.memory_space<vmem_shared>> -> memref<256xf32, #tpu.memory_space<vmem_shared>>
      tpu.wait_dma2 semaphore(%run_scoped3A : memref<!tpu.dma_semaphore, #tpu.memory_space<semaphore_mem>>) src(%dma_wait3A_522 : memref<256xf32, #tpu.memory_space<vmem_shared>>) dst(%dma_wait3A_521 : memref<256xf32, #tpu.memory_space<vmem>>)
      tpu.yield
    }) : () -> ()
    %mul3A_312 = arith.constant 8 : i32
    %mul3A_313 = arith.muli %shift_right_arithmetic3A_0, %mul3A_312 : i32
    %add3A_314 = arith.constant 2 : i32
    %add3A_315 = arith.addi %mul3A_313, %add3A_314 : i32
    %mul3A_316 = arith.constant 4 : i32
    %mul3A_317 = arith.muli %add3A_315, %mul3A_316 : i32
    %add3A_318 = arith.constant 2 : i32
    %add3A_319 = arith.addi %mul3A_317, %add3A_318 : i32
    %mul3A_320 = arith.constant 2048 : i32
    %mul3A_321 = arith.muli %add3A_319, %mul3A_320 : i32
    %add3A_322 = arith.addi %mul3A_321, %mul3A_99 : i32
    "tpu.region"() ({
      %run_scoped3A = tpu.sem_alloc : memref<!tpu.dma_semaphore, #tpu.memory_space<semaphore_mem>>
      %dma_start3A = arith.constant 512 : i32
      %dma_start3A_513 = tpu.memref_slice %arg17[%dma_start3A] : memref<2048xf32, #tpu.memory_space<vmem>> -> memref<256xf32, #tpu.memory_space<vmem>>
      %dma_start3A_514 = tpu.memref_slice %arg28[%add3A_322] : memref<131072xf32, #tpu.memory_space<vmem_shared>> -> memref<256xf32, #tpu.memory_space<vmem_shared>>
      %dma_start3A_515 = arith.constant 512 : i32
      %dma_start3A_516 = tpu.memref_slice %arg17[%dma_start3A_515] : memref<2048xf32, #tpu.memory_space<vmem>> -> memref<256xf32, #tpu.memory_space<vmem>>
      %dma_start3A_517 = tpu.memref_slice %arg28[%add3A_322] : memref<131072xf32, #tpu.memory_space<vmem_shared>> -> memref<256xf32, #tpu.memory_space<vmem_shared>>
      tpu.enqueue_dma source(%dma_start3A_517 : memref<256xf32, #tpu.memory_space<vmem_shared>>) target(%dma_start3A_516 : memref<256xf32, #tpu.memory_space<vmem>>) target_semaphore(%run_scoped3A : memref<!tpu.dma_semaphore, #tpu.memory_space<semaphore_mem>>)
      %dma_wait3A = arith.constant 512 : i32
      %dma_wait3A_518 = tpu.memref_slice %arg17[%dma_wait3A] : memref<2048xf32, #tpu.memory_space<vmem>> -> memref<256xf32, #tpu.memory_space<vmem>>
      %dma_wait3A_519 = tpu.memref_slice %arg28[%add3A_322] : memref<131072xf32, #tpu.memory_space<vmem_shared>> -> memref<256xf32, #tpu.memory_space<vmem_shared>>
      %dma_wait3A_520 = arith.constant 512 : i32
      %dma_wait3A_521 = tpu.memref_slice %arg17[%dma_wait3A_520] : memref<2048xf32, #tpu.memory_space<vmem>> -> memref<256xf32, #tpu.memory_space<vmem>>
      %dma_wait3A_522 = tpu.memref_slice %arg28[%add3A_322] : memref<131072xf32, #tpu.memory_space<vmem_shared>> -> memref<256xf32, #tpu.memory_space<vmem_shared>>
      tpu.wait_dma2 semaphore(%run_scoped3A : memref<!tpu.dma_semaphore, #tpu.memory_space<semaphore_mem>>) src(%dma_wait3A_522 : memref<256xf32, #tpu.memory_space<vmem_shared>>) dst(%dma_wait3A_521 : memref<256xf32, #tpu.memory_space<vmem>>)
      tpu.yield
    }) : () -> ()
    %mul3A_323 = arith.constant 8 : i32
    %mul3A_324 = arith.muli %shift_right_arithmetic3A_0, %mul3A_323 : i32
    %add3A_325 = arith.constant 3 : i32
    %add3A_326 = arith.addi %mul3A_324, %add3A_325 : i32
    %mul3A_327 = arith.constant 4 : i32
    %mul3A_328 = arith.muli %add3A_326, %mul3A_327 : i32
    %add3A_329 = arith.constant 2 : i32
    %add3A_330 = arith.addi %mul3A_328, %add3A_329 : i32
    %mul3A_331 = arith.constant 2048 : i32
    %mul3A_332 = arith.muli %add3A_330, %mul3A_331 : i32
    %add3A_333 = arith.addi %mul3A_332, %mul3A_99 : i32
    "tpu.region"() ({
      %run_scoped3A = tpu.sem_alloc : memref<!tpu.dma_semaphore, #tpu.memory_space<semaphore_mem>>
      %dma_start3A = arith.constant 768 : i32
      %dma_start3A_513 = tpu.memref_slice %arg17[%dma_start3A] : memref<2048xf32, #tpu.memory_space<vmem>> -> memref<256xf32, #tpu.memory_space<vmem>>
      %dma_start3A_514 = tpu.memref_slice %arg28[%add3A_333] : memref<131072xf32, #tpu.memory_space<vmem_shared>> -> memref<256xf32, #tpu.memory_space<vmem_shared>>
      %dma_start3A_515 = arith.constant 768 : i32
      %dma_start3A_516 = tpu.memref_slice %arg17[%dma_start3A_515] : memref<2048xf32, #tpu.memory_space<vmem>> -> memref<256xf32, #tpu.memory_space<vmem>>
      %dma_start3A_517 = tpu.memref_slice %arg28[%add3A_333] : memref<131072xf32, #tpu.memory_space<vmem_shared>> -> memref<256xf32, #tpu.memory_space<vmem_shared>>
      tpu.enqueue_dma source(%dma_start3A_517 : memref<256xf32, #tpu.memory_space<vmem_shared>>) target(%dma_start3A_516 : memref<256xf32, #tpu.memory_space<vmem>>) target_semaphore(%run_scoped3A : memref<!tpu.dma_semaphore, #tpu.memory_space<semaphore_mem>>)
      %dma_wait3A = arith.constant 768 : i32
      %dma_wait3A_518 = tpu.memref_slice %arg17[%dma_wait3A] : memref<2048xf32, #tpu.memory_space<vmem>> -> memref<256xf32, #tpu.memory_space<vmem>>
      %dma_wait3A_519 = tpu.memref_slice %arg28[%add3A_333] : memref<131072xf32, #tpu.memory_space<vmem_shared>> -> memref<256xf32, #tpu.memory_space<vmem_shared>>
      %dma_wait3A_520 = arith.constant 768 : i32
      %dma_wait3A_521 = tpu.memref_slice %arg17[%dma_wait3A_520] : memref<2048xf32, #tpu.memory_space<vmem>> -> memref<256xf32, #tpu.memory_space<vmem>>
      %dma_wait3A_522 = tpu.memref_slice %arg28[%add3A_333] : memref<131072xf32, #tpu.memory_space<vmem_shared>> -> memref<256xf32, #tpu.memory_space<vmem_shared>>
      tpu.wait_dma2 semaphore(%run_scoped3A : memref<!tpu.dma_semaphore, #tpu.memory_space<semaphore_mem>>) src(%dma_wait3A_522 : memref<256xf32, #tpu.memory_space<vmem_shared>>) dst(%dma_wait3A_521 : memref<256xf32, #tpu.memory_space<vmem>>)
      tpu.yield
    }) : () -> ()
    %mul3A_334 = arith.constant 8 : i32
    %mul3A_335 = arith.muli %shift_right_arithmetic3A_0, %mul3A_334 : i32
    %add3A_336 = arith.constant 4 : i32
    %add3A_337 = arith.addi %mul3A_335, %add3A_336 : i32
    %mul3A_338 = arith.constant 4 : i32
    %mul3A_339 = arith.muli %add3A_337, %mul3A_338 : i32
    %add3A_340 = arith.constant 2 : i32
    %add3A_341 = arith.addi %mul3A_339, %add3A_340 : i32
    %mul3A_342 = arith.constant 2048 : i32
    %mul3A_343 = arith.muli %add3A_341, %mul3A_342 : i32
    %add3A_344 = arith.addi %mul3A_343, %mul3A_99 : i32
    "tpu.region"() ({
      %run_scoped3A = tpu.sem_alloc : memref<!tpu.dma_semaphore, #tpu.memory_space<semaphore_mem>>
      %dma_start3A = arith.constant 1024 : i32
      %dma_start3A_513 = tpu.memref_slice %arg17[%dma_start3A] : memref<2048xf32, #tpu.memory_space<vmem>> -> memref<256xf32, #tpu.memory_space<vmem>>
      %dma_start3A_514 = tpu.memref_slice %arg28[%add3A_344] : memref<131072xf32, #tpu.memory_space<vmem_shared>> -> memref<256xf32, #tpu.memory_space<vmem_shared>>
      %dma_start3A_515 = arith.constant 1024 : i32
      %dma_start3A_516 = tpu.memref_slice %arg17[%dma_start3A_515] : memref<2048xf32, #tpu.memory_space<vmem>> -> memref<256xf32, #tpu.memory_space<vmem>>
      %dma_start3A_517 = tpu.memref_slice %arg28[%add3A_344] : memref<131072xf32, #tpu.memory_space<vmem_shared>> -> memref<256xf32, #tpu.memory_space<vmem_shared>>
      tpu.enqueue_dma source(%dma_start3A_517 : memref<256xf32, #tpu.memory_space<vmem_shared>>) target(%dma_start3A_516 : memref<256xf32, #tpu.memory_space<vmem>>) target_semaphore(%run_scoped3A : memref<!tpu.dma_semaphore, #tpu.memory_space<semaphore_mem>>)
      %dma_wait3A = arith.constant 1024 : i32
      %dma_wait3A_518 = tpu.memref_slice %arg17[%dma_wait3A] : memref<2048xf32, #tpu.memory_space<vmem>> -> memref<256xf32, #tpu.memory_space<vmem>>
      %dma_wait3A_519 = tpu.memref_slice %arg28[%add3A_344] : memref<131072xf32, #tpu.memory_space<vmem_shared>> -> memref<256xf32, #tpu.memory_space<vmem_shared>>
      %dma_wait3A_520 = arith.constant 1024 : i32
      %dma_wait3A_521 = tpu.memref_slice %arg17[%dma_wait3A_520] : memref<2048xf32, #tpu.memory_space<vmem>> -> memref<256xf32, #tpu.memory_space<vmem>>
      %dma_wait3A_522 = tpu.memref_slice %arg28[%add3A_344] : memref<131072xf32, #tpu.memory_space<vmem_shared>> -> memref<256xf32, #tpu.memory_space<vmem_shared>>
      tpu.wait_dma2 semaphore(%run_scoped3A : memref<!tpu.dma_semaphore, #tpu.memory_space<semaphore_mem>>) src(%dma_wait3A_522 : memref<256xf32, #tpu.memory_space<vmem_shared>>) dst(%dma_wait3A_521 : memref<256xf32, #tpu.memory_space<vmem>>)
      tpu.yield
    }) : () -> ()
    %mul3A_345 = arith.constant 8 : i32
    %mul3A_346 = arith.muli %shift_right_arithmetic3A_0, %mul3A_345 : i32
    %add3A_347 = arith.constant 5 : i32
    %add3A_348 = arith.addi %mul3A_346, %add3A_347 : i32
    %mul3A_349 = arith.constant 4 : i32
    %mul3A_350 = arith.muli %add3A_348, %mul3A_349 : i32
    %add3A_351 = arith.constant 2 : i32
    %add3A_352 = arith.addi %mul3A_350, %add3A_351 : i32
    %mul3A_353 = arith.constant 2048 : i32
    %mul3A_354 = arith.muli %add3A_352, %mul3A_353 : i32
    %add3A_355 = arith.addi %mul3A_354, %mul3A_99 : i32
    "tpu.region"() ({
      %run_scoped3A = tpu.sem_alloc : memref<!tpu.dma_semaphore, #tpu.memory_space<semaphore_mem>>
      %dma_start3A = arith.constant 1280 : i32
      %dma_start3A_513 = tpu.memref_slice %arg17[%dma_start3A] : memref<2048xf32, #tpu.memory_space<vmem>> -> memref<256xf32, #tpu.memory_space<vmem>>
      %dma_start3A_514 = tpu.memref_slice %arg28[%add3A_355] : memref<131072xf32, #tpu.memory_space<vmem_shared>> -> memref<256xf32, #tpu.memory_space<vmem_shared>>
      %dma_start3A_515 = arith.constant 1280 : i32
      %dma_start3A_516 = tpu.memref_slice %arg17[%dma_start3A_515] : memref<2048xf32, #tpu.memory_space<vmem>> -> memref<256xf32, #tpu.memory_space<vmem>>
      %dma_start3A_517 = tpu.memref_slice %arg28[%add3A_355] : memref<131072xf32, #tpu.memory_space<vmem_shared>> -> memref<256xf32, #tpu.memory_space<vmem_shared>>
      tpu.enqueue_dma source(%dma_start3A_517 : memref<256xf32, #tpu.memory_space<vmem_shared>>) target(%dma_start3A_516 : memref<256xf32, #tpu.memory_space<vmem>>) target_semaphore(%run_scoped3A : memref<!tpu.dma_semaphore, #tpu.memory_space<semaphore_mem>>)
      %dma_wait3A = arith.constant 1280 : i32
      %dma_wait3A_518 = tpu.memref_slice %arg17[%dma_wait3A] : memref<2048xf32, #tpu.memory_space<vmem>> -> memref<256xf32, #tpu.memory_space<vmem>>
      %dma_wait3A_519 = tpu.memref_slice %arg28[%add3A_355] : memref<131072xf32, #tpu.memory_space<vmem_shared>> -> memref<256xf32, #tpu.memory_space<vmem_shared>>
      %dma_wait3A_520 = arith.constant 1280 : i32
      %dma_wait3A_521 = tpu.memref_slice %arg17[%dma_wait3A_520] : memref<2048xf32, #tpu.memory_space<vmem>> -> memref<256xf32, #tpu.memory_space<vmem>>
      %dma_wait3A_522 = tpu.memref_slice %arg28[%add3A_355] : memref<131072xf32, #tpu.memory_space<vmem_shared>> -> memref<256xf32, #tpu.memory_space<vmem_shared>>
      tpu.wait_dma2 semaphore(%run_scoped3A : memref<!tpu.dma_semaphore, #tpu.memory_space<semaphore_mem>>) src(%dma_wait3A_522 : memref<256xf32, #tpu.memory_space<vmem_shared>>) dst(%dma_wait3A_521 : memref<256xf32, #tpu.memory_space<vmem>>)
      tpu.yield
    }) : () -> ()
    %mul3A_356 = arith.constant 8 : i32
    %mul3A_357 = arith.muli %shift_right_arithmetic3A_0, %mul3A_356 : i32
    %add3A_358 = arith.constant 6 : i32
    %add3A_359 = arith.addi %mul3A_357, %add3A_358 : i32
    %mul3A_360 = arith.constant 4 : i32
    %mul3A_361 = arith.muli %add3A_359, %mul3A_360 : i32
    %add3A_362 = arith.constant 2 : i32
    %add3A_363 = arith.addi %mul3A_361, %add3A_362 : i32
    %mul3A_364 = arith.constant 2048 : i32
    %mul3A_365 = arith.muli %add3A_363, %mul3A_364 : i32
    %add3A_366 = arith.addi %mul3A_365, %mul3A_99 : i32
    "tpu.region"() ({
      %run_scoped3A = tpu.sem_alloc : memref<!tpu.dma_semaphore, #tpu.memory_space<semaphore_mem>>
      %dma_start3A = arith.constant 1536 : i32
      %dma_start3A_513 = tpu.memref_slice %arg17[%dma_start3A] : memref<2048xf32, #tpu.memory_space<vmem>> -> memref<256xf32, #tpu.memory_space<vmem>>
      %dma_start3A_514 = tpu.memref_slice %arg28[%add3A_366] : memref<131072xf32, #tpu.memory_space<vmem_shared>> -> memref<256xf32, #tpu.memory_space<vmem_shared>>
      %dma_start3A_515 = arith.constant 1536 : i32
      %dma_start3A_516 = tpu.memref_slice %arg17[%dma_start3A_515] : memref<2048xf32, #tpu.memory_space<vmem>> -> memref<256xf32, #tpu.memory_space<vmem>>
      %dma_start3A_517 = tpu.memref_slice %arg28[%add3A_366] : memref<131072xf32, #tpu.memory_space<vmem_shared>> -> memref<256xf32, #tpu.memory_space<vmem_shared>>
      tpu.enqueue_dma source(%dma_start3A_517 : memref<256xf32, #tpu.memory_space<vmem_shared>>) target(%dma_start3A_516 : memref<256xf32, #tpu.memory_space<vmem>>) target_semaphore(%run_scoped3A : memref<!tpu.dma_semaphore, #tpu.memory_space<semaphore_mem>>)
      %dma_wait3A = arith.constant 1536 : i32
      %dma_wait3A_518 = tpu.memref_slice %arg17[%dma_wait3A] : memref<2048xf32, #tpu.memory_space<vmem>> -> memref<256xf32, #tpu.memory_space<vmem>>
      %dma_wait3A_519 = tpu.memref_slice %arg28[%add3A_366] : memref<131072xf32, #tpu.memory_space<vmem_shared>> -> memref<256xf32, #tpu.memory_space<vmem_shared>>
      %dma_wait3A_520 = arith.constant 1536 : i32
      %dma_wait3A_521 = tpu.memref_slice %arg17[%dma_wait3A_520] : memref<2048xf32, #tpu.memory_space<vmem>> -> memref<256xf32, #tpu.memory_space<vmem>>
      %dma_wait3A_522 = tpu.memref_slice %arg28[%add3A_366] : memref<131072xf32, #tpu.memory_space<vmem_shared>> -> memref<256xf32, #tpu.memory_space<vmem_shared>>
      tpu.wait_dma2 semaphore(%run_scoped3A : memref<!tpu.dma_semaphore, #tpu.memory_space<semaphore_mem>>) src(%dma_wait3A_522 : memref<256xf32, #tpu.memory_space<vmem_shared>>) dst(%dma_wait3A_521 : memref<256xf32, #tpu.memory_space<vmem>>)
      tpu.yield
    }) : () -> ()
    %mul3A_367 = arith.constant 8 : i32
    %mul3A_368 = arith.muli %shift_right_arithmetic3A_0, %mul3A_367 : i32
    %add3A_369 = arith.constant 7 : i32
    %add3A_370 = arith.addi %mul3A_368, %add3A_369 : i32
    %mul3A_371 = arith.constant 4 : i32
    %mul3A_372 = arith.muli %add3A_370, %mul3A_371 : i32
    %add3A_373 = arith.constant 2 : i32
    %add3A_374 = arith.addi %mul3A_372, %add3A_373 : i32
    %mul3A_375 = arith.constant 2048 : i32
    %mul3A_376 = arith.muli %add3A_374, %mul3A_375 : i32
    %add3A_377 = arith.addi %mul3A_376, %mul3A_99 : i32
    "tpu.region"() ({
      %run_scoped3A = tpu.sem_alloc : memref<!tpu.dma_semaphore, #tpu.memory_space<semaphore_mem>>
      %dma_start3A = arith.constant 1792 : i32
      %dma_start3A_513 = tpu.memref_slice %arg17[%dma_start3A] : memref<2048xf32, #tpu.memory_space<vmem>> -> memref<256xf32, #tpu.memory_space<vmem>>
      %dma_start3A_514 = tpu.memref_slice %arg28[%add3A_377] : memref<131072xf32, #tpu.memory_space<vmem_shared>> -> memref<256xf32, #tpu.memory_space<vmem_shared>>
      %dma_start3A_515 = arith.constant 1792 : i32
      %dma_start3A_516 = tpu.memref_slice %arg17[%dma_start3A_515] : memref<2048xf32, #tpu.memory_space<vmem>> -> memref<256xf32, #tpu.memory_space<vmem>>
      %dma_start3A_517 = tpu.memref_slice %arg28[%add3A_377] : memref<131072xf32, #tpu.memory_space<vmem_shared>> -> memref<256xf32, #tpu.memory_space<vmem_shared>>
      tpu.enqueue_dma source(%dma_start3A_517 : memref<256xf32, #tpu.memory_space<vmem_shared>>) target(%dma_start3A_516 : memref<256xf32, #tpu.memory_space<vmem>>) target_semaphore(%run_scoped3A : memref<!tpu.dma_semaphore, #tpu.memory_space<semaphore_mem>>)
      %dma_wait3A = arith.constant 1792 : i32
      %dma_wait3A_518 = tpu.memref_slice %arg17[%dma_wait3A] : memref<2048xf32, #tpu.memory_space<vmem>> -> memref<256xf32, #tpu.memory_space<vmem>>
      %dma_wait3A_519 = tpu.memref_slice %arg28[%add3A_377] : memref<131072xf32, #tpu.memory_space<vmem_shared>> -> memref<256xf32, #tpu.memory_space<vmem_shared>>
      %dma_wait3A_520 = arith.constant 1792 : i32
      %dma_wait3A_521 = tpu.memref_slice %arg17[%dma_wait3A_520] : memref<2048xf32, #tpu.memory_space<vmem>> -> memref<256xf32, #tpu.memory_space<vmem>>
      %dma_wait3A_522 = tpu.memref_slice %arg28[%add3A_377] : memref<131072xf32, #tpu.memory_space<vmem_shared>> -> memref<256xf32, #tpu.memory_space<vmem_shared>>
      tpu.wait_dma2 semaphore(%run_scoped3A : memref<!tpu.dma_semaphore, #tpu.memory_space<semaphore_mem>>) src(%dma_wait3A_522 : memref<256xf32, #tpu.memory_space<vmem_shared>>) dst(%dma_wait3A_521 : memref<256xf32, #tpu.memory_space<vmem>>)
      tpu.yield
    }) : () -> ()
    %scan3A_378 = arith.constant 0 : i32
    %scan3A_379 = arith.constant 0 : i32
    %scan3A_380 = arith.constant 16 : i32
    %scan3A_381 = arith.addi %scan3A_379, %scan3A_380 : i32
    %scan3A_382 = arith.constant 1 : i32
    %scan3A_383 = scf.for %scan3A_513 = %scan3A_379 to %scan3A_381 step %scan3A_382 iter_args(%scan3A_514 = %scan3A_378) -> (i32)  : i32 {
      %mul3A_515 = arith.constant 16 : i32
      %mul3A_516 = arith.muli %scan3A_513, %mul3A_515 : i32
      %get3A = arith.index_cast %mul3A_516 : i32 to index
      %get3A_517 = tpu.vector_load %arg17[%get3A] {strides = array<i32>} : memref<2048xf32, #tpu.memory_space<vmem>>, vector<16xf32>,
      %mul3A_518 = arith.constant 16 : i32
      %mul3A_519 = arith.muli %scan3A_513, %mul3A_518 : i32
      %add3A_520 = arith.constant 256 : i32
      %add3A_521 = arith.addi %add3A_520, %mul3A_519 : i32
      %get3A_522 = arith.index_cast %add3A_521 : i32 to index
      %get3A_523 = tpu.vector_load %arg17[%get3A_522] {strides = array<i32>} : memref<2048xf32, #tpu.memory_space<vmem>>, vector<16xf32>,
      %add3A_524 = arith.addf %get3A_517, %get3A_523 : vector<16xf32>
      %mul3A_525 = arith.constant 16 : i32
      %mul3A_526 = arith.muli %scan3A_513, %mul3A_525 : i32
      %add3A_527 = arith.constant 512 : i32
      %add3A_528 = arith.addi %add3A_527, %mul3A_526 : i32
      %get3A_529 = arith.index_cast %add3A_528 : i32 to index
      %get3A_530 = tpu.vector_load %arg17[%get3A_529] {strides = array<i32>} : memref<2048xf32, #tpu.memory_space<vmem>>, vector<16xf32>,
      %add3A_531 = arith.addf %add3A_524, %get3A_530 : vector<16xf32>
      %mul3A_532 = arith.constant 16 : i32
      %mul3A_533 = arith.muli %scan3A_513, %mul3A_532 : i32
      %add3A_534 = arith.constant 768 : i32
      %add3A_535 = arith.addi %add3A_534, %mul3A_533 : i32
      %get3A_536 = arith.index_cast %add3A_535 : i32 to index
      %get3A_537 = tpu.vector_load %arg17[%get3A_536] {strides = array<i32>} : memref<2048xf32, #tpu.memory_space<vmem>>, vector<16xf32>,
      %add3A_538 = arith.addf %add3A_531, %get3A_537 : vector<16xf32>
      %mul3A_539 = arith.constant 16 : i32
      %mul3A_540 = arith.muli %scan3A_513, %mul3A_539 : i32
      %add3A_541 = arith.constant 1024 : i32
      %add3A_542 = arith.addi %add3A_541, %mul3A_540 : i32
      %get3A_543 = arith.index_cast %add3A_542 : i32 to index
      %get3A_544 = tpu.vector_load %arg17[%get3A_543] {strides = array<i32>} : memref<2048xf32, #tpu.memory_space<vmem>>, vector<16xf32>,
      %add3A_545 = arith.addf %add3A_538, %get3A_544 : vector<16xf32>
      %mul3A_546 = arith.constant 16 : i32
      %mul3A_547 = arith.muli %scan3A_513, %mul3A_546 : i32
      %add3A_548 = arith.constant 1280 : i32
      %add3A_549 = arith.addi %add3A_548, %mul3A_547 : i32
      %get3A_550 = arith.index_cast %add3A_549 : i32 to index
      %get3A_551 = tpu.vector_load %arg17[%get3A_550] {strides = array<i32>} : memref<2048xf32, #tpu.memory_space<vmem>>, vector<16xf32>,
      %add3A_552 = arith.addf %add3A_545, %get3A_551 : vector<16xf32>
      %mul3A_553 = arith.constant 16 : i32
      %mul3A_554 = arith.muli %scan3A_513, %mul3A_553 : i32
      %add3A_555 = arith.constant 1536 : i32
      %add3A_556 = arith.addi %add3A_555, %mul3A_554 : i32
      %get3A_557 = arith.index_cast %add3A_556 : i32 to index
      %get3A_558 = tpu.vector_load %arg17[%get3A_557] {strides = array<i32>} : memref<2048xf32, #tpu.memory_space<vmem>>, vector<16xf32>,
      %add3A_559 = arith.addf %add3A_552, %get3A_558 : vector<16xf32>
      %mul3A_560 = arith.constant 16 : i32
      %mul3A_561 = arith.muli %scan3A_513, %mul3A_560 : i32
      %add3A_562 = arith.constant 1792 : i32
      %add3A_563 = arith.addi %add3A_562, %mul3A_561 : i32
      %get3A_564 = arith.index_cast %add3A_563 : i32 to index
      %get3A_565 = tpu.vector_load %arg17[%get3A_564] {strides = array<i32>} : memref<2048xf32, #tpu.memory_space<vmem>>, vector<16xf32>,
      %add3A_566 = arith.addf %add3A_559, %get3A_565 : vector<16xf32>
      %mul3A_567 = arith.constant 16 : i32
      %mul3A_568 = arith.muli %scan3A_513, %mul3A_567 : i32
      %swap3A_569 = arith.index_cast %mul3A_568 : i32 to index
      %swap3A_570 = tpu.vector_load %arg20[%swap3A_569] {strides = array<i32>} : memref<256xf32, #tpu.memory_space<vmem>>, vector<16xf32>,
      tpu.vector_store %arg20[%swap3A_569], %add3A_566 {strides = array<i32>} : memref<256xf32, #tpu.memory_space<vmem>>, vector<16xf32>,
      %scan3A_571 = arith.constant 0 : i32
      scf.yield %scan3A_571 : i32
    }
    %scan3A_384 = arith.constant 16 : i32
    %mul3A_385 = arith.constant 8 : i32
    %mul3A_386 = arith.muli %shift_right_arithmetic3A_0, %mul3A_385 : i32
    %add3A_387 = arith.constant 0 : i32
    %add3A_388 = arith.addi %mul3A_386, %add3A_387 : i32
    %mul3A_389 = arith.constant 4 : i32
    %mul3A_390 = arith.muli %add3A_388, %mul3A_389 : i32
    %add3A_391 = arith.constant 3 : i32
    %add3A_392 = arith.addi %mul3A_390, %add3A_391 : i32
    %mul3A_393 = arith.constant 2048 : i32
    %mul3A_394 = arith.muli %add3A_392, %mul3A_393 : i32
    %add3A_395 = arith.addi %mul3A_394, %mul3A_99 : i32
    "tpu.region"() ({
      %run_scoped3A = tpu.sem_alloc : memref<!tpu.dma_semaphore, #tpu.memory_space<semaphore_mem>>
      %dma_start3A = arith.constant 0 : i32
      %dma_start3A_513 = tpu.memref_slice %arg17[%dma_start3A] : memref<2048xf32, #tpu.memory_space<vmem>> -> memref<256xf32, #tpu.memory_space<vmem>>
      %dma_start3A_514 = tpu.memref_slice %arg28[%add3A_395] : memref<131072xf32, #tpu.memory_space<vmem_shared>> -> memref<256xf32, #tpu.memory_space<vmem_shared>>
      %dma_start3A_515 = arith.constant 0 : i32
      %dma_start3A_516 = tpu.memref_slice %arg17[%dma_start3A_515] : memref<2048xf32, #tpu.memory_space<vmem>> -> memref<256xf32, #tpu.memory_space<vmem>>
      %dma_start3A_517 = tpu.memref_slice %arg28[%add3A_395] : memref<131072xf32, #tpu.memory_space<vmem_shared>> -> memref<256xf32, #tpu.memory_space<vmem_shared>>
      tpu.enqueue_dma source(%dma_start3A_517 : memref<256xf32, #tpu.memory_space<vmem_shared>>) target(%dma_start3A_516 : memref<256xf32, #tpu.memory_space<vmem>>) target_semaphore(%run_scoped3A : memref<!tpu.dma_semaphore, #tpu.memory_space<semaphore_mem>>)
      %dma_wait3A = arith.constant 0 : i32
      %dma_wait3A_518 = tpu.memref_slice %arg17[%dma_wait3A] : memref<2048xf32, #tpu.memory_space<vmem>> -> memref<256xf32, #tpu.memory_space<vmem>>
      %dma_wait3A_519 = tpu.memref_slice %arg28[%add3A_395] : memref<131072xf32, #tpu.memory_space<vmem_shared>> -> memref<256xf32, #tpu.memory_space<vmem_shared>>
      %dma_wait3A_520 = arith.constant 0 : i32
      %dma_wait3A_521 = tpu.memref_slice %arg17[%dma_wait3A_520] : memref<2048xf32, #tpu.memory_space<vmem>> -> memref<256xf32, #tpu.memory_space<vmem>>
      %dma_wait3A_522 = tpu.memref_slice %arg28[%add3A_395] : memref<131072xf32, #tpu.memory_space<vmem_shared>> -> memref<256xf32, #tpu.memory_space<vmem_shared>>
      tpu.wait_dma2 semaphore(%run_scoped3A : memref<!tpu.dma_semaphore, #tpu.memory_space<semaphore_mem>>) src(%dma_wait3A_522 : memref<256xf32, #tpu.memory_space<vmem_shared>>) dst(%dma_wait3A_521 : memref<256xf32, #tpu.memory_space<vmem>>)
      tpu.yield
    }) : () -> ()
    %mul3A_396 = arith.constant 8 : i32
    %mul3A_397 = arith.muli %shift_right_arithmetic3A_0, %mul3A_396 : i32
    %add3A_398 = arith.constant 1 : i32
    %add3A_399 = arith.addi %mul3A_397, %add3A_398 : i32
    %mul3A_400 = arith.constant 4 : i32
    %mul3A_401 = arith.muli %add3A_399, %mul3A_400 : i32
    %add3A_402 = arith.constant 3 : i32
    %add3A_403 = arith.addi %mul3A_401, %add3A_402 : i32
    %mul3A_404 = arith.constant 2048 : i32
    %mul3A_405 = arith.muli %add3A_403, %mul3A_404 : i32
    %add3A_406 = arith.addi %mul3A_405, %mul3A_99 : i32
    "tpu.region"() ({
      %run_scoped3A = tpu.sem_alloc : memref<!tpu.dma_semaphore, #tpu.memory_space<semaphore_mem>>
      %dma_start3A = arith.constant 256 : i32
      %dma_start3A_513 = tpu.memref_slice %arg17[%dma_start3A] : memref<2048xf32, #tpu.memory_space<vmem>> -> memref<256xf32, #tpu.memory_space<vmem>>
      %dma_start3A_514 = tpu.memref_slice %arg28[%add3A_406] : memref<131072xf32, #tpu.memory_space<vmem_shared>> -> memref<256xf32, #tpu.memory_space<vmem_shared>>
      %dma_start3A_515 = arith.constant 256 : i32
      %dma_start3A_516 = tpu.memref_slice %arg17[%dma_start3A_515] : memref<2048xf32, #tpu.memory_space<vmem>> -> memref<256xf32, #tpu.memory_space<vmem>>
      %dma_start3A_517 = tpu.memref_slice %arg28[%add3A_406] : memref<131072xf32, #tpu.memory_space<vmem_shared>> -> memref<256xf32, #tpu.memory_space<vmem_shared>>
      tpu.enqueue_dma source(%dma_start3A_517 : memref<256xf32, #tpu.memory_space<vmem_shared>>) target(%dma_start3A_516 : memref<256xf32, #tpu.memory_space<vmem>>) target_semaphore(%run_scoped3A : memref<!tpu.dma_semaphore, #tpu.memory_space<semaphore_mem>>)
      %dma_wait3A = arith.constant 256 : i32
      %dma_wait3A_518 = tpu.memref_slice %arg17[%dma_wait3A] : memref<2048xf32, #tpu.memory_space<vmem>> -> memref<256xf32, #tpu.memory_space<vmem>>
      %dma_wait3A_519 = tpu.memref_slice %arg28[%add3A_406] : memref<131072xf32, #tpu.memory_space<vmem_shared>> -> memref<256xf32, #tpu.memory_space<vmem_shared>>
      %dma_wait3A_520 = arith.constant 256 : i32
      %dma_wait3A_521 = tpu.memref_slice %arg17[%dma_wait3A_520] : memref<2048xf32, #tpu.memory_space<vmem>> -> memref<256xf32, #tpu.memory_space<vmem>>
      %dma_wait3A_522 = tpu.memref_slice %arg28[%add3A_406] : memref<131072xf32, #tpu.memory_space<vmem_shared>> -> memref<256xf32, #tpu.memory_space<vmem_shared>>
      tpu.wait_dma2 semaphore(%run_scoped3A : memref<!tpu.dma_semaphore, #tpu.memory_space<semaphore_mem>>) src(%dma_wait3A_522 : memref<256xf32, #tpu.memory_space<vmem_shared>>) dst(%dma_wait3A_521 : memref<256xf32, #tpu.memory_space<vmem>>)
      tpu.yield
    }) : () -> ()
    %mul3A_407 = arith.constant 8 : i32
    %mul3A_408 = arith.muli %shift_right_arithmetic3A_0, %mul3A_407 : i32
    %add3A_409 = arith.constant 2 : i32
    %add3A_410 = arith.addi %mul3A_408, %add3A_409 : i32
    %mul3A_411 = arith.constant 4 : i32
    %mul3A_412 = arith.muli %add3A_410, %mul3A_411 : i32
    %add3A_413 = arith.constant 3 : i32
    %add3A_414 = arith.addi %mul3A_412, %add3A_413 : i32
    %mul3A_415 = arith.constant 2048 : i32
    %mul3A_416 = arith.muli %add3A_414, %mul3A_415 : i32
    %add3A_417 = arith.addi %mul3A_416, %mul3A_99 : i32
    "tpu.region"() ({
      %run_scoped3A = tpu.sem_alloc : memref<!tpu.dma_semaphore, #tpu.memory_space<semaphore_mem>>
      %dma_start3A = arith.constant 512 : i32
      %dma_start3A_513 = tpu.memref_slice %arg17[%dma_start3A] : memref<2048xf32, #tpu.memory_space<vmem>> -> memref<256xf32, #tpu.memory_space<vmem>>
      %dma_start3A_514 = tpu.memref_slice %arg28[%add3A_417] : memref<131072xf32, #tpu.memory_space<vmem_shared>> -> memref<256xf32, #tpu.memory_space<vmem_shared>>
      %dma_start3A_515 = arith.constant 512 : i32
      %dma_start3A_516 = tpu.memref_slice %arg17[%dma_start3A_515] : memref<2048xf32, #tpu.memory_space<vmem>> -> memref<256xf32, #tpu.memory_space<vmem>>
      %dma_start3A_517 = tpu.memref_slice %arg28[%add3A_417] : memref<131072xf32, #tpu.memory_space<vmem_shared>> -> memref<256xf32, #tpu.memory_space<vmem_shared>>
      tpu.enqueue_dma source(%dma_start3A_517 : memref<256xf32, #tpu.memory_space<vmem_shared>>) target(%dma_start3A_516 : memref<256xf32, #tpu.memory_space<vmem>>) target_semaphore(%run_scoped3A : memref<!tpu.dma_semaphore, #tpu.memory_space<semaphore_mem>>)
      %dma_wait3A = arith.constant 512 : i32
      %dma_wait3A_518 = tpu.memref_slice %arg17[%dma_wait3A] : memref<2048xf32, #tpu.memory_space<vmem>> -> memref<256xf32, #tpu.memory_space<vmem>>
      %dma_wait3A_519 = tpu.memref_slice %arg28[%add3A_417] : memref<131072xf32, #tpu.memory_space<vmem_shared>> -> memref<256xf32, #tpu.memory_space<vmem_shared>>
      %dma_wait3A_520 = arith.constant 512 : i32
      %dma_wait3A_521 = tpu.memref_slice %arg17[%dma_wait3A_520] : memref<2048xf32, #tpu.memory_space<vmem>> -> memref<256xf32, #tpu.memory_space<vmem>>
      %dma_wait3A_522 = tpu.memref_slice %arg28[%add3A_417] : memref<131072xf32, #tpu.memory_space<vmem_shared>> -> memref<256xf32, #tpu.memory_space<vmem_shared>>
      tpu.wait_dma2 semaphore(%run_scoped3A : memref<!tpu.dma_semaphore, #tpu.memory_space<semaphore_mem>>) src(%dma_wait3A_522 : memref<256xf32, #tpu.memory_space<vmem_shared>>) dst(%dma_wait3A_521 : memref<256xf32, #tpu.memory_space<vmem>>)
      tpu.yield
    }) : () -> ()
    %mul3A_418 = arith.constant 8 : i32
    %mul3A_419 = arith.muli %shift_right_arithmetic3A_0, %mul3A_418 : i32
    %add3A_420 = arith.constant 3 : i32
    %add3A_421 = arith.addi %mul3A_419, %add3A_420 : i32
    %mul3A_422 = arith.constant 4 : i32
    %mul3A_423 = arith.muli %add3A_421, %mul3A_422 : i32
    %add3A_424 = arith.constant 3 : i32
    %add3A_425 = arith.addi %mul3A_423, %add3A_424 : i32
    %mul3A_426 = arith.constant 2048 : i32
    %mul3A_427 = arith.muli %add3A_425, %mul3A_426 : i32
    %add3A_428 = arith.addi %mul3A_427, %mul3A_99 : i32
    "tpu.region"() ({
      %run_scoped3A = tpu.sem_alloc : memref<!tpu.dma_semaphore, #tpu.memory_space<semaphore_mem>>
      %dma_start3A = arith.constant 768 : i32
      %dma_start3A_513 = tpu.memref_slice %arg17[%dma_start3A] : memref<2048xf32, #tpu.memory_space<vmem>> -> memref<256xf32, #tpu.memory_space<vmem>>
      %dma_start3A_514 = tpu.memref_slice %arg28[%add3A_428] : memref<131072xf32, #tpu.memory_space<vmem_shared>> -> memref<256xf32, #tpu.memory_space<vmem_shared>>
      %dma_start3A_515 = arith.constant 768 : i32
      %dma_start3A_516 = tpu.memref_slice %arg17[%dma_start3A_515] : memref<2048xf32, #tpu.memory_space<vmem>> -> memref<256xf32, #tpu.memory_space<vmem>>
      %dma_start3A_517 = tpu.memref_slice %arg28[%add3A_428] : memref<131072xf32, #tpu.memory_space<vmem_shared>> -> memref<256xf32, #tpu.memory_space<vmem_shared>>
      tpu.enqueue_dma source(%dma_start3A_517 : memref<256xf32, #tpu.memory_space<vmem_shared>>) target(%dma_start3A_516 : memref<256xf32, #tpu.memory_space<vmem>>) target_semaphore(%run_scoped3A : memref<!tpu.dma_semaphore, #tpu.memory_space<semaphore_mem>>)
      %dma_wait3A = arith.constant 768 : i32
      %dma_wait3A_518 = tpu.memref_slice %arg17[%dma_wait3A] : memref<2048xf32, #tpu.memory_space<vmem>> -> memref<256xf32, #tpu.memory_space<vmem>>
      %dma_wait3A_519 = tpu.memref_slice %arg28[%add3A_428] : memref<131072xf32, #tpu.memory_space<vmem_shared>> -> memref<256xf32, #tpu.memory_space<vmem_shared>>
      %dma_wait3A_520 = arith.constant 768 : i32
      %dma_wait3A_521 = tpu.memref_slice %arg17[%dma_wait3A_520] : memref<2048xf32, #tpu.memory_space<vmem>> -> memref<256xf32, #tpu.memory_space<vmem>>
      %dma_wait3A_522 = tpu.memref_slice %arg28[%add3A_428] : memref<131072xf32, #tpu.memory_space<vmem_shared>> -> memref<256xf32, #tpu.memory_space<vmem_shared>>
      tpu.wait_dma2 semaphore(%run_scoped3A : memref<!tpu.dma_semaphore, #tpu.memory_space<semaphore_mem>>) src(%dma_wait3A_522 : memref<256xf32, #tpu.memory_space<vmem_shared>>) dst(%dma_wait3A_521 : memref<256xf32, #tpu.memory_space<vmem>>)
      tpu.yield
    }) : () -> ()
    %mul3A_429 = arith.constant 8 : i32
    %mul3A_430 = arith.muli %shift_right_arithmetic3A_0, %mul3A_429 : i32
    %add3A_431 = arith.constant 4 : i32
    %add3A_432 = arith.addi %mul3A_430, %add3A_431 : i32
    %mul3A_433 = arith.constant 4 : i32
    %mul3A_434 = arith.muli %add3A_432, %mul3A_433 : i32
    %add3A_435 = arith.constant 3 : i32
    %add3A_436 = arith.addi %mul3A_434, %add3A_435 : i32
    %mul3A_437 = arith.constant 2048 : i32
    %mul3A_438 = arith.muli %add3A_436, %mul3A_437 : i32
    %add3A_439 = arith.addi %mul3A_438, %mul3A_99 : i32
    "tpu.region"() ({
      %run_scoped3A = tpu.sem_alloc : memref<!tpu.dma_semaphore, #tpu.memory_space<semaphore_mem>>
      %dma_start3A = arith.constant 1024 : i32
      %dma_start3A_513 = tpu.memref_slice %arg17[%dma_start3A] : memref<2048xf32, #tpu.memory_space<vmem>> -> memref<256xf32, #tpu.memory_space<vmem>>
      %dma_start3A_514 = tpu.memref_slice %arg28[%add3A_439] : memref<131072xf32, #tpu.memory_space<vmem_shared>> -> memref<256xf32, #tpu.memory_space<vmem_shared>>
      %dma_start3A_515 = arith.constant 1024 : i32
      %dma_start3A_516 = tpu.memref_slice %arg17[%dma_start3A_515] : memref<2048xf32, #tpu.memory_space<vmem>> -> memref<256xf32, #tpu.memory_space<vmem>>
      %dma_start3A_517 = tpu.memref_slice %arg28[%add3A_439] : memref<131072xf32, #tpu.memory_space<vmem_shared>> -> memref<256xf32, #tpu.memory_space<vmem_shared>>
      tpu.enqueue_dma source(%dma_start3A_517 : memref<256xf32, #tpu.memory_space<vmem_shared>>) target(%dma_start3A_516 : memref<256xf32, #tpu.memory_space<vmem>>) target_semaphore(%run_scoped3A : memref<!tpu.dma_semaphore, #tpu.memory_space<semaphore_mem>>)
      %dma_wait3A = arith.constant 1024 : i32
      %dma_wait3A_518 = tpu.memref_slice %arg17[%dma_wait3A] : memref<2048xf32, #tpu.memory_space<vmem>> -> memref<256xf32, #tpu.memory_space<vmem>>
      %dma_wait3A_519 = tpu.memref_slice %arg28[%add3A_439] : memref<131072xf32, #tpu.memory_space<vmem_shared>> -> memref<256xf32, #tpu.memory_space<vmem_shared>>
      %dma_wait3A_520 = arith.constant 1024 : i32
      %dma_wait3A_521 = tpu.memref_slice %arg17[%dma_wait3A_520] : memref<2048xf32, #tpu.memory_space<vmem>> -> memref<256xf32, #tpu.memory_space<vmem>>
      %dma_wait3A_522 = tpu.memref_slice %arg28[%add3A_439] : memref<131072xf32, #tpu.memory_space<vmem_shared>> -> memref<256xf32, #tpu.memory_space<vmem_shared>>
      tpu.wait_dma2 semaphore(%run_scoped3A : memref<!tpu.dma_semaphore, #tpu.memory_space<semaphore_mem>>) src(%dma_wait3A_522 : memref<256xf32, #tpu.memory_space<vmem_shared>>) dst(%dma_wait3A_521 : memref<256xf32, #tpu.memory_space<vmem>>)
      tpu.yield
    }) : () -> ()
    %mul3A_440 = arith.constant 8 : i32
    %mul3A_441 = arith.muli %shift_right_arithmetic3A_0, %mul3A_440 : i32
    %add3A_442 = arith.constant 5 : i32
    %add3A_443 = arith.addi %mul3A_441, %add3A_442 : i32
    %mul3A_444 = arith.constant 4 : i32
    %mul3A_445 = arith.muli %add3A_443, %mul3A_444 : i32
    %add3A_446 = arith.constant 3 : i32
    %add3A_447 = arith.addi %mul3A_445, %add3A_446 : i32
    %mul3A_448 = arith.constant 2048 : i32
    %mul3A_449 = arith.muli %add3A_447, %mul3A_448 : i32
    %add3A_450 = arith.addi %mul3A_449, %mul3A_99 : i32
    "tpu.region"() ({
      %run_scoped3A = tpu.sem_alloc : memref<!tpu.dma_semaphore, #tpu.memory_space<semaphore_mem>>
      %dma_start3A = arith.constant 1280 : i32
      %dma_start3A_513 = tpu.memref_slice %arg17[%dma_start3A] : memref<2048xf32, #tpu.memory_space<vmem>> -> memref<256xf32, #tpu.memory_space<vmem>>
      %dma_start3A_514 = tpu.memref_slice %arg28[%add3A_450] : memref<131072xf32, #tpu.memory_space<vmem_shared>> -> memref<256xf32, #tpu.memory_space<vmem_shared>>
      %dma_start3A_515 = arith.constant 1280 : i32
      %dma_start3A_516 = tpu.memref_slice %arg17[%dma_start3A_515] : memref<2048xf32, #tpu.memory_space<vmem>> -> memref<256xf32, #tpu.memory_space<vmem>>
      %dma_start3A_517 = tpu.memref_slice %arg28[%add3A_450] : memref<131072xf32, #tpu.memory_space<vmem_shared>> -> memref<256xf32, #tpu.memory_space<vmem_shared>>
      tpu.enqueue_dma source(%dma_start3A_517 : memref<256xf32, #tpu.memory_space<vmem_shared>>) target(%dma_start3A_516 : memref<256xf32, #tpu.memory_space<vmem>>) target_semaphore(%run_scoped3A : memref<!tpu.dma_semaphore, #tpu.memory_space<semaphore_mem>>)
      %dma_wait3A = arith.constant 1280 : i32
      %dma_wait3A_518 = tpu.memref_slice %arg17[%dma_wait3A] : memref<2048xf32, #tpu.memory_space<vmem>> -> memref<256xf32, #tpu.memory_space<vmem>>
      %dma_wait3A_519 = tpu.memref_slice %arg28[%add3A_450] : memref<131072xf32, #tpu.memory_space<vmem_shared>> -> memref<256xf32, #tpu.memory_space<vmem_shared>>
      %dma_wait3A_520 = arith.constant 1280 : i32
      %dma_wait3A_521 = tpu.memref_slice %arg17[%dma_wait3A_520] : memref<2048xf32, #tpu.memory_space<vmem>> -> memref<256xf32, #tpu.memory_space<vmem>>
      %dma_wait3A_522 = tpu.memref_slice %arg28[%add3A_450] : memref<131072xf32, #tpu.memory_space<vmem_shared>> -> memref<256xf32, #tpu.memory_space<vmem_shared>>
      tpu.wait_dma2 semaphore(%run_scoped3A : memref<!tpu.dma_semaphore, #tpu.memory_space<semaphore_mem>>) src(%dma_wait3A_522 : memref<256xf32, #tpu.memory_space<vmem_shared>>) dst(%dma_wait3A_521 : memref<256xf32, #tpu.memory_space<vmem>>)
      tpu.yield
    }) : () -> ()
    %mul3A_451 = arith.constant 8 : i32
    %mul3A_452 = arith.muli %shift_right_arithmetic3A_0, %mul3A_451 : i32
    %add3A_453 = arith.constant 6 : i32
    %add3A_454 = arith.addi %mul3A_452, %add3A_453 : i32
    %mul3A_455 = arith.constant 4 : i32
    %mul3A_456 = arith.muli %add3A_454, %mul3A_455 : i32
    %add3A_457 = arith.constant 3 : i32
    %add3A_458 = arith.addi %mul3A_456, %add3A_457 : i32
    %mul3A_459 = arith.constant 2048 : i32
    %mul3A_460 = arith.muli %add3A_458, %mul3A_459 : i32
    %add3A_461 = arith.addi %mul3A_460, %mul3A_99 : i32
    "tpu.region"() ({
      %run_scoped3A = tpu.sem_alloc : memref<!tpu.dma_semaphore, #tpu.memory_space<semaphore_mem>>
      %dma_start3A = arith.constant 1536 : i32
      %dma_start3A_513 = tpu.memref_slice %arg17[%dma_start3A] : memref<2048xf32, #tpu.memory_space<vmem>> -> memref<256xf32, #tpu.memory_space<vmem>>
      %dma_start3A_514 = tpu.memref_slice %arg28[%add3A_461] : memref<131072xf32, #tpu.memory_space<vmem_shared>> -> memref<256xf32, #tpu.memory_space<vmem_shared>>
      %dma_start3A_515 = arith.constant 1536 : i32
      %dma_start3A_516 = tpu.memref_slice %arg17[%dma_start3A_515] : memref<2048xf32, #tpu.memory_space<vmem>> -> memref<256xf32, #tpu.memory_space<vmem>>
      %dma_start3A_517 = tpu.memref_slice %arg28[%add3A_461] : memref<131072xf32, #tpu.memory_space<vmem_shared>> -> memref<256xf32, #tpu.memory_space<vmem_shared>>
      tpu.enqueue_dma source(%dma_start3A_517 : memref<256xf32, #tpu.memory_space<vmem_shared>>) target(%dma_start3A_516 : memref<256xf32, #tpu.memory_space<vmem>>) target_semaphore(%run_scoped3A : memref<!tpu.dma_semaphore, #tpu.memory_space<semaphore_mem>>)
      %dma_wait3A = arith.constant 1536 : i32
      %dma_wait3A_518 = tpu.memref_slice %arg17[%dma_wait3A] : memref<2048xf32, #tpu.memory_space<vmem>> -> memref<256xf32, #tpu.memory_space<vmem>>
      %dma_wait3A_519 = tpu.memref_slice %arg28[%add3A_461] : memref<131072xf32, #tpu.memory_space<vmem_shared>> -> memref<256xf32, #tpu.memory_space<vmem_shared>>
      %dma_wait3A_520 = arith.constant 1536 : i32
      %dma_wait3A_521 = tpu.memref_slice %arg17[%dma_wait3A_520] : memref<2048xf32, #tpu.memory_space<vmem>> -> memref<256xf32, #tpu.memory_space<vmem>>
      %dma_wait3A_522 = tpu.memref_slice %arg28[%add3A_461] : memref<131072xf32, #tpu.memory_space<vmem_shared>> -> memref<256xf32, #tpu.memory_space<vmem_shared>>
      tpu.wait_dma2 semaphore(%run_scoped3A : memref<!tpu.dma_semaphore, #tpu.memory_space<semaphore_mem>>) src(%dma_wait3A_522 : memref<256xf32, #tpu.memory_space<vmem_shared>>) dst(%dma_wait3A_521 : memref<256xf32, #tpu.memory_space<vmem>>)
      tpu.yield
    }) : () -> ()
    %mul3A_462 = arith.constant 8 : i32
    %mul3A_463 = arith.muli %shift_right_arithmetic3A_0, %mul3A_462 : i32
    %add3A_464 = arith.constant 7 : i32
    %add3A_465 = arith.addi %mul3A_463, %add3A_464 : i32
    %mul3A_466 = arith.constant 4 : i32
    %mul3A_467 = arith.muli %add3A_465, %mul3A_466 : i32
    %add3A_468 = arith.constant 3 : i32
    %add3A_469 = arith.addi %mul3A_467, %add3A_468 : i32
    %mul3A_470 = arith.constant 2048 : i32
    %mul3A_471 = arith.muli %add3A_469, %mul3A_470 : i32
    %add3A_472 = arith.addi %mul3A_471, %mul3A_99 : i32
    "tpu.region"() ({
      %run_scoped3A = tpu.sem_alloc : memref<!tpu.dma_semaphore, #tpu.memory_space<semaphore_mem>>
      %dma_start3A = arith.constant 1792 : i32
      %dma_start3A_513 = tpu.memref_slice %arg17[%dma_start3A] : memref<2048xf32, #tpu.memory_space<vmem>> -> memref<256xf32, #tpu.memory_space<vmem>>
      %dma_start3A_514 = tpu.memref_slice %arg28[%add3A_472] : memref<131072xf32, #tpu.memory_space<vmem_shared>> -> memref<256xf32, #tpu.memory_space<vmem_shared>>
      %dma_start3A_515 = arith.constant 1792 : i32
      %dma_start3A_516 = tpu.memref_slice %arg17[%dma_start3A_515] : memref<2048xf32, #tpu.memory_space<vmem>> -> memref<256xf32, #tpu.memory_space<vmem>>
      %dma_start3A_517 = tpu.memref_slice %arg28[%add3A_472] : memref<131072xf32, #tpu.memory_space<vmem_shared>> -> memref<256xf32, #tpu.memory_space<vmem_shared>>
      tpu.enqueue_dma source(%dma_start3A_517 : memref<256xf32, #tpu.memory_space<vmem_shared>>) target(%dma_start3A_516 : memref<256xf32, #tpu.memory_space<vmem>>) target_semaphore(%run_scoped3A : memref<!tpu.dma_semaphore, #tpu.memory_space<semaphore_mem>>)
      %dma_wait3A = arith.constant 1792 : i32
      %dma_wait3A_518 = tpu.memref_slice %arg17[%dma_wait3A] : memref<2048xf32, #tpu.memory_space<vmem>> -> memref<256xf32, #tpu.memory_space<vmem>>
      %dma_wait3A_519 = tpu.memref_slice %arg28[%add3A_472] : memref<131072xf32, #tpu.memory_space<vmem_shared>> -> memref<256xf32, #tpu.memory_space<vmem_shared>>
      %dma_wait3A_520 = arith.constant 1792 : i32
      %dma_wait3A_521 = tpu.memref_slice %arg17[%dma_wait3A_520] : memref<2048xf32, #tpu.memory_space<vmem>> -> memref<256xf32, #tpu.memory_space<vmem>>
      %dma_wait3A_522 = tpu.memref_slice %arg28[%add3A_472] : memref<131072xf32, #tpu.memory_space<vmem_shared>> -> memref<256xf32, #tpu.memory_space<vmem_shared>>
      tpu.wait_dma2 semaphore(%run_scoped3A : memref<!tpu.dma_semaphore, #tpu.memory_space<semaphore_mem>>) src(%dma_wait3A_522 : memref<256xf32, #tpu.memory_space<vmem_shared>>) dst(%dma_wait3A_521 : memref<256xf32, #tpu.memory_space<vmem>>)
      tpu.yield
    }) : () -> ()
    %scan3A_473 = arith.constant 0 : i32
    %scan3A_474 = arith.constant 0 : i32
    %scan3A_475 = arith.constant 16 : i32
    %scan3A_476 = arith.addi %scan3A_474, %scan3A_475 : i32
    %scan3A_477 = arith.constant 1 : i32
    %scan3A_478 = scf.for %scan3A_513 = %scan3A_474 to %scan3A_476 step %scan3A_477 iter_args(%scan3A_514 = %scan3A_473) -> (i32)  : i32 {
      %mul3A_515 = arith.constant 16 : i32
      %mul3A_516 = arith.muli %scan3A_513, %mul3A_515 : i32
      %get3A = arith.index_cast %mul3A_516 : i32 to index
      %get3A_517 = tpu.vector_load %arg17[%get3A] {strides = array<i32>} : memref<2048xf32, #tpu.memory_space<vmem>>, vector<16xf32>,
      %mul3A_518 = arith.constant 16 : i32
      %mul3A_519 = arith.muli %scan3A_513, %mul3A_518 : i32
      %add3A_520 = arith.constant 256 : i32
      %add3A_521 = arith.addi %add3A_520, %mul3A_519 : i32
      %get3A_522 = arith.index_cast %add3A_521 : i32 to index
      %get3A_523 = tpu.vector_load %arg17[%get3A_522] {strides = array<i32>} : memref<2048xf32, #tpu.memory_space<vmem>>, vector<16xf32>,
      %add3A_524 = arith.addf %get3A_517, %get3A_523 : vector<16xf32>
      %mul3A_525 = arith.constant 16 : i32
      %mul3A_526 = arith.muli %scan3A_513, %mul3A_525 : i32
      %add3A_527 = arith.constant 512 : i32
      %add3A_528 = arith.addi %add3A_527, %mul3A_526 : i32
      %get3A_529 = arith.index_cast %add3A_528 : i32 to index
      %get3A_530 = tpu.vector_load %arg17[%get3A_529] {strides = array<i32>} : memref<2048xf32, #tpu.memory_space<vmem>>, vector<16xf32>,
      %add3A_531 = arith.addf %add3A_524, %get3A_530 : vector<16xf32>
      %mul3A_532 = arith.constant 16 : i32
      %mul3A_533 = arith.muli %scan3A_513, %mul3A_532 : i32
      %add3A_534 = arith.constant 768 : i32
      %add3A_535 = arith.addi %add3A_534, %mul3A_533 : i32
      %get3A_536 = arith.index_cast %add3A_535 : i32 to index
      %get3A_537 = tpu.vector_load %arg17[%get3A_536] {strides = array<i32>} : memref<2048xf32, #tpu.memory_space<vmem>>, vector<16xf32>,
      %add3A_538 = arith.addf %add3A_531, %get3A_537 : vector<16xf32>
      %mul3A_539 = arith.constant 16 : i32
      %mul3A_540 = arith.muli %scan3A_513, %mul3A_539 : i32
      %add3A_541 = arith.constant 1024 : i32
      %add3A_542 = arith.addi %add3A_541, %mul3A_540 : i32
      %get3A_543 = arith.index_cast %add3A_542 : i32 to index
      %get3A_544 = tpu.vector_load %arg17[%get3A_543] {strides = array<i32>} : memref<2048xf32, #tpu.memory_space<vmem>>, vector<16xf32>,
      %add3A_545 = arith.addf %add3A_538, %get3A_544 : vector<16xf32>
      %mul3A_546 = arith.constant 16 : i32
      %mul3A_547 = arith.muli %scan3A_513, %mul3A_546 : i32
      %add3A_548 = arith.constant 1280 : i32
      %add3A_549 = arith.addi %add3A_548, %mul3A_547 : i32
      %get3A_550 = arith.index_cast %add3A_549 : i32 to index
      %get3A_551 = tpu.vector_load %arg17[%get3A_550] {strides = array<i32>} : memref<2048xf32, #tpu.memory_space<vmem>>, vector<16xf32>,
      %add3A_552 = arith.addf %add3A_545, %get3A_551 : vector<16xf32>
      %mul3A_553 = arith.constant 16 : i32
      %mul3A_554 = arith.muli %scan3A_513, %mul3A_553 : i32
      %add3A_555 = arith.constant 1536 : i32
      %add3A_556 = arith.addi %add3A_555, %mul3A_554 : i32
      %get3A_557 = arith.index_cast %add3A_556 : i32 to index
      %get3A_558 = tpu.vector_load %arg17[%get3A_557] {strides = array<i32>} : memref<2048xf32, #tpu.memory_space<vmem>>, vector<16xf32>,
      %add3A_559 = arith.addf %add3A_552, %get3A_558 : vector<16xf32>
      %mul3A_560 = arith.constant 16 : i32
      %mul3A_561 = arith.muli %scan3A_513, %mul3A_560 : i32
      %add3A_562 = arith.constant 1792 : i32
      %add3A_563 = arith.addi %add3A_562, %mul3A_561 : i32
      %get3A_564 = arith.index_cast %add3A_563 : i32 to index
      %get3A_565 = tpu.vector_load %arg17[%get3A_564] {strides = array<i32>} : memref<2048xf32, #tpu.memory_space<vmem>>, vector<16xf32>,
      %add3A_566 = arith.addf %add3A_559, %get3A_565 : vector<16xf32>
      %mul3A_567 = arith.constant 16 : i32
      %mul3A_568 = arith.muli %scan3A_513, %mul3A_567 : i32
      %swap3A_569 = arith.index_cast %mul3A_568 : i32 to index
      %swap3A_570 = tpu.vector_load %arg21[%swap3A_569] {strides = array<i32>} : memref<256xf32, #tpu.memory_space<vmem>>, vector<16xf32>,
      tpu.vector_store %arg21[%swap3A_569], %add3A_566 {strides = array<i32>} : memref<256xf32, #tpu.memory_space<vmem>>, vector<16xf32>,
      %scan3A_571 = arith.constant 0 : i32
      scf.yield %scan3A_571 : i32
    }
    %scan3A_479 = arith.constant 16 : i32
    %scan3A_480 = arith.constant 0 : i32
    %scan3A_481 = arith.constant 16 : i32
    %scan3A_482 = arith.addi %scan3A_480, %scan3A_481 : i32
    %scan3A_483 = arith.constant 1 : i32
    %scan3A_484 = scf.for %scan3A_513 = %scan3A_480 to %scan3A_482 step %scan3A_483 iter_args(%scan3A_514 = %broadcast_in_dim3A_3) -> (vector<16xf32>)  : i32 {
      %mul3A_515 = arith.constant 16 : i32
      %mul3A_516 = arith.muli %scan3A_513, %mul3A_515 : i32
      %get3A = arith.index_cast %mul3A_516 : i32 to index
      %get3A_517 = tpu.vector_load %arg21[%get3A] {strides = array<i32>} : memref<256xf32, #tpu.memory_space<vmem>>, vector<16xf32>,
      %gt3A = arith.constant 0.000000e+00 : f32
      %gt3A_518 = vector.broadcast %gt3A : f32 to vector<16xf32>
      %gt3A_519 = arith.cmpf ogt, %get3A_517, %gt3A_518 : vector<16xf32>
      %jit3A = arith.constant 1.000000e+00 : f32
      %broadcast_in_dim3A_520 = vector.broadcast %jit3A : f32 to vector<16xf32>
      %select_n3A = arith.select %gt3A_519, %get3A_517, %broadcast_in_dim3A_520 : vector<16xi1>, vector<16xf32>
      %gt3A_521 = arith.constant 0.000000e+00 : f32
      %gt3A_522 = vector.broadcast %gt3A_521 : f32 to vector<16xf32>
      %gt3A_523 = arith.cmpf ogt, %get3A_517, %gt3A_522 : vector<16xf32>
      %div3A = arith.constant 1.000000e+00 : f32
      %div3A_524 = vector.broadcast %div3A : f32 to vector<16xf32>
      %div3A_525 = arith.divf %div3A_524, %select_n3A : vector<16xf32>
      %jit3A_526 = arith.constant 0.000000e+00 : f32
      %broadcast_in_dim3A_527 = vector.broadcast %jit3A_526 : f32 to vector<16xf32>
      %select_n3A_528 = arith.select %gt3A_523, %div3A_525, %broadcast_in_dim3A_527 : vector<16xi1>, vector<16xf32>
      %mul3A_529 = arith.constant 16 : i32
      %mul3A_530 = arith.muli %scan3A_513, %mul3A_529 : i32
      %add3A_531 = arith.addi %mul3A_99, %mul3A_530 : i32
      %add3A_532 = vector.broadcast %add3A_531 : i32 to vector<16xi32>
      %add3A_533 = arith.addi %add3A_532, %iota3A : vector<16xi32>
      %mul3A_534 = arith.constant 3 : i32
      %mul3A_535 = vector.broadcast %mul3A_534 : i32 to vector<16xi32>
      %mul3A_536 = arith.muli %add3A_533, %mul3A_535 : vector<16xi32>
      %gather3A = tpu.vector_load_idx %arg5[%mul3A_536] : memref<6144xf32, #tpu.memory_space<vmem>>[vector<16xi32>], vector<16xf32>,
      %add3A_537 = arith.constant 1 : i32
      %add3A_538 = vector.broadcast %add3A_537 : i32 to vector<16xi32>
      %add3A_539 = arith.addi %mul3A_536, %add3A_538 : vector<16xi32>
      %gather3A_540 = tpu.vector_load_idx %arg5[%add3A_539] : memref<6144xf32, #tpu.memory_space<vmem>>[vector<16xi32>], vector<16xf32>,
      %add3A_541 = arith.constant 2 : i32
      %add3A_542 = vector.broadcast %add3A_541 : i32 to vector<16xi32>
      %add3A_543 = arith.addi %mul3A_536, %add3A_542 : vector<16xi32>
      %gather3A_544 = tpu.vector_load_idx %arg5[%add3A_543] : memref<6144xf32, #tpu.memory_space<vmem>>[vector<16xi32>], vector<16xf32>,
      %mul3A_545 = arith.constant 16 : i32
      %mul3A_546 = arith.muli %scan3A_513, %mul3A_545 : i32
      %get3A_547 = arith.index_cast %mul3A_546 : i32 to index
      %get3A_548 = tpu.vector_load %arg18[%get3A_547] {strides = array<i32>} : memref<256xf32, #tpu.memory_space<vmem>>, vector<16xf32>,
      %mul3A_549 = arith.mulf %get3A_548, %select_n3A_528 : vector<16xf32>
      %sub3A = arith.subf %mul3A_549, %gather3A : vector<16xf32>
      %mul3A_550 = arith.constant 16 : i32
      %mul3A_551 = arith.muli %scan3A_513, %mul3A_550 : i32
      %get3A_552 = arith.index_cast %mul3A_551 : i32 to index
      %get3A_553 = tpu.vector_load %arg19[%get3A_552] {strides = array<i32>} : memref<256xf32, #tpu.memory_space<vmem>>, vector<16xf32>,
      %mul3A_554 = arith.mulf %get3A_553, %select_n3A_528 : vector<16xf32>
      %sub3A_555 = arith.subf %mul3A_554, %gather3A_540 : vector<16xf32>
      %mul3A_556 = arith.constant 16 : i32
      %mul3A_557 = arith.muli %scan3A_513, %mul3A_556 : i32
      %get3A_558 = arith.index_cast %mul3A_557 : i32 to index
      %get3A_559 = tpu.vector_load %arg20[%get3A_558] {strides = array<i32>} : memref<256xf32, #tpu.memory_space<vmem>>, vector<16xf32>,
      %mul3A_560 = arith.mulf %get3A_559, %select_n3A_528 : vector<16xf32>
      %sub3A_561 = arith.subf %mul3A_560, %gather3A_544 : vector<16xf32>
      %mul3A_562 = arith.mulf %sub3A, %sub3A : vector<16xf32>
      %mul3A_563 = arith.mulf %sub3A_555, %sub3A_555 : vector<16xf32>
      %add3A_564 = arith.addf %mul3A_562, %mul3A_563 : vector<16xf32>
      %mul3A_565 = arith.mulf %sub3A_561, %sub3A_561 : vector<16xf32>
      %add3A_566 = arith.addf %add3A_564, %mul3A_565 : vector<16xf32>
      %add3A_567 = arith.constant 9.99999968E-21 : f32
      %add3A_568 = vector.broadcast %add3A_567 : f32 to vector<16xf32>
      %add3A_569 = arith.addf %add3A_566, %add3A_568 : vector<16xf32>
      %bitcast3A = vector.bitcast %add3A_569 : vector<16xf32> to vector<16xi32>
      %shift_right_arithmetic3A_570 = arith.constant 1 : i32
      %shift_right_arithmetic3A_571 = vector.broadcast %shift_right_arithmetic3A_570 : i32 to vector<16xi32>
      %shift_right_arithmetic3A_572 = arith.shrsi %bitcast3A, %shift_right_arithmetic3A_571 : vector<16xi32>
      %sub3A_573 = arith.constant 1597463007 : i32
      %sub3A_574 = vector.broadcast %sub3A_573 : i32 to vector<16xi32>
      %sub3A_575 = arith.subi %sub3A_574, %shift_right_arithmetic3A_572 : vector<16xi32>
      %bitcast3A_576 = vector.bitcast %sub3A_575 : vector<16xi32> to vector<16xf32>
      %mul3A_577 = arith.constant 5.000000e-01 : f32
      %mul3A_578 = vector.broadcast %mul3A_577 : f32 to vector<16xf32>
      %mul3A_579 = arith.mulf %mul3A_578, %add3A_569 : vector<16xf32>
      %mul3A_580 = arith.mulf %mul3A_579, %bitcast3A_576 : vector<16xf32>
      %mul3A_581 = arith.mulf %mul3A_580, %bitcast3A_576 : vector<16xf32>
      %sub3A_582 = arith.constant 1.500000e+00 : f32
      %sub3A_583 = vector.broadcast %sub3A_582 : f32 to vector<16xf32>
      %sub3A_584 = arith.subf %sub3A_583, %mul3A_581 : vector<16xf32>
      %mul3A_585 = arith.mulf %bitcast3A_576, %sub3A_584 : vector<16xf32>
      %mul3A_586 = arith.constant 5.000000e-01 : f32
      %mul3A_587 = vector.broadcast %mul3A_586 : f32 to vector<16xf32>
      %mul3A_588 = arith.mulf %mul3A_587, %add3A_569 : vector<16xf32>
      %mul3A_589 = arith.mulf %mul3A_588, %mul3A_585 : vector<16xf32>
      %mul3A_590 = arith.mulf %mul3A_589, %mul3A_585 : vector<16xf32>
      %sub3A_591 = arith.constant 1.500000e+00 : f32
      %sub3A_592 = vector.broadcast %sub3A_591 : f32 to vector<16xf32>
      %sub3A_593 = arith.subf %sub3A_592, %mul3A_590 : vector<16xf32>
      %mul3A_594 = arith.mulf %mul3A_585, %sub3A_593 : vector<16xf32>
      %mul3A_595 = arith.constant 5.000000e-01 : f32
      %mul3A_596 = vector.broadcast %mul3A_595 : f32 to vector<16xf32>
      %mul3A_597 = arith.mulf %mul3A_596, %add3A_569 : vector<16xf32>
      %mul3A_598 = arith.mulf %mul3A_597, %mul3A_594 : vector<16xf32>
      %mul3A_599 = arith.mulf %mul3A_598, %mul3A_594 : vector<16xf32>
      %sub3A_600 = arith.constant 1.500000e+00 : f32
      %sub3A_601 = vector.broadcast %sub3A_600 : f32 to vector<16xf32>
      %sub3A_602 = arith.subf %sub3A_601, %mul3A_599 : vector<16xf32>
      %mul3A_603 = arith.mulf %mul3A_594, %sub3A_602 : vector<16xf32>
      %mul3A_604 = arith.mulf %add3A_569, %mul3A_603 : vector<16xf32>
      %add3A_605 = arith.addf %scan3A_514, %mul3A_604 : vector<16xf32>
      scf.yield %add3A_605 : vector<16xf32>
    }
    %scan3A_485 = arith.constant 16 : i32
    %barrier3A_486 = arith.constant 0 : index
    tpu.barrier barrier_id(%barrier3A_486)
    %mul3A_487 = arith.constant 12288 : i32
    %mul3A_488 = arith.muli %shift_right_arithmetic3A_0, %mul3A_487 : i32
    "tpu.region"() ({
      %run_scoped3A = tpu.sem_alloc : memref<!tpu.dma_semaphore, #tpu.memory_space<semaphore_mem>>
      %dma_start3A = tpu.memref_slice %arg26[%mul3A_488] : memref<24576xi32, #tpu.memory_space<vmem_shared>> -> memref<12288xi32, #tpu.memory_space<vmem_shared>>
      %dma_start3A_513 = tpu.memref_slice %arg26[%mul3A_488] : memref<24576xi32, #tpu.memory_space<vmem_shared>> -> memref<12288xi32, #tpu.memory_space<vmem_shared>>
      tpu.enqueue_dma source(%dma_start3A_513 : memref<12288xi32, #tpu.memory_space<vmem_shared>>) target(%arg10 : memref<12288xi32, #tpu.memory_space<vmem>>) target_semaphore(%run_scoped3A : memref<!tpu.dma_semaphore, #tpu.memory_space<semaphore_mem>>)
      %dma_wait3A = tpu.memref_slice %arg26[%mul3A_488] : memref<24576xi32, #tpu.memory_space<vmem_shared>> -> memref<12288xi32, #tpu.memory_space<vmem_shared>>
      %dma_wait3A_514 = tpu.memref_slice %arg26[%mul3A_488] : memref<24576xi32, #tpu.memory_space<vmem_shared>> -> memref<12288xi32, #tpu.memory_space<vmem_shared>>
      tpu.wait_dma2 semaphore(%run_scoped3A : memref<!tpu.dma_semaphore, #tpu.memory_space<semaphore_mem>>) src(%dma_wait3A_514 : memref<12288xi32, #tpu.memory_space<vmem_shared>>) dst(%arg10 : memref<12288xi32, #tpu.memory_space<vmem>>)
      tpu.yield
    }) : () -> ()
    %mul3A_489 = arith.constant 8208 : i32
    %mul3A_490 = arith.muli %shift_right_arithmetic3A_0, %mul3A_489 : i32
    "tpu.region"() ({
      %run_scoped3A = tpu.sem_alloc : memref<!tpu.dma_semaphore, #tpu.memory_space<semaphore_mem>>
      %dma_start3A = tpu.memref_slice %arg27[%mul3A_490] : memref<16416xi32, #tpu.memory_space<vmem_shared>> -> memref<8208xi32, #tpu.memory_space<vmem_shared>>
      %dma_start3A_513 = tpu.memref_slice %arg27[%mul3A_490] : memref<16416xi32, #tpu.memory_space<vmem_shared>> -> memref<8208xi32, #tpu.memory_space<vmem_shared>>
      tpu.enqueue_dma source(%dma_start3A_513 : memref<8208xi32, #tpu.memory_space<vmem_shared>>) target(%arg11 : memref<8208xi32, #tpu.memory_space<vmem>>) target_semaphore(%run_scoped3A : memref<!tpu.dma_semaphore, #tpu.memory_space<semaphore_mem>>)
      %dma_wait3A = tpu.memref_slice %arg27[%mul3A_490] : memref<16416xi32, #tpu.memory_space<vmem_shared>> -> memref<8208xi32, #tpu.memory_space<vmem_shared>>
      %dma_wait3A_514 = tpu.memref_slice %arg27[%mul3A_490] : memref<16416xi32, #tpu.memory_space<vmem_shared>> -> memref<8208xi32, #tpu.memory_space<vmem_shared>>
      tpu.wait_dma2 semaphore(%run_scoped3A : memref<!tpu.dma_semaphore, #tpu.memory_space<semaphore_mem>>) src(%dma_wait3A_514 : memref<8208xi32, #tpu.memory_space<vmem_shared>>) dst(%arg11 : memref<8208xi32, #tpu.memory_space<vmem>>)
      tpu.yield
    }) : () -> ()
    %mul3A_491 = arith.constant 12288 : i32
    %mul3A_492 = arith.muli %shift_right_arithmetic3A_0, %mul3A_491 : i32
    "tpu.region"() ({
      %run_scoped3A = tpu.sem_alloc : memref<!tpu.dma_semaphore, #tpu.memory_space<semaphore_mem>>
      %dma_start3A = tpu.memref_slice %arg25[%mul3A_492] : memref<24576xi32, #tpu.memory_space<vmem_shared>> -> memref<12288xi32, #tpu.memory_space<vmem_shared>>
      %dma_start3A_513 = tpu.memref_slice %arg25[%mul3A_492] : memref<24576xi32, #tpu.memory_space<vmem_shared>> -> memref<12288xi32, #tpu.memory_space<vmem_shared>>
      tpu.enqueue_dma source(%dma_start3A_513 : memref<12288xi32, #tpu.memory_space<vmem_shared>>) target(%arg9 : memref<12288xi32, #tpu.memory_space<vmem>>) target_semaphore(%run_scoped3A : memref<!tpu.dma_semaphore, #tpu.memory_space<semaphore_mem>>)
      %dma_wait3A = tpu.memref_slice %arg25[%mul3A_492] : memref<24576xi32, #tpu.memory_space<vmem_shared>> -> memref<12288xi32, #tpu.memory_space<vmem_shared>>
      %dma_wait3A_514 = tpu.memref_slice %arg25[%mul3A_492] : memref<24576xi32, #tpu.memory_space<vmem_shared>> -> memref<12288xi32, #tpu.memory_space<vmem_shared>>
      tpu.wait_dma2 semaphore(%run_scoped3A : memref<!tpu.dma_semaphore, #tpu.memory_space<semaphore_mem>>) src(%dma_wait3A_514 : memref<12288xi32, #tpu.memory_space<vmem_shared>>) dst(%arg9 : memref<12288xi32, #tpu.memory_space<vmem>>)
      tpu.yield
    }) : () -> ()
    %scan3A_493 = arith.constant 0 : i32
    %scan3A_494 = arith.constant 96 : i32
    %scan3A_495 = arith.addi %scan3A_493, %scan3A_494 : i32
    %scan3A_496 = arith.constant 1 : i32
    %scan3A_497:4 = scf.for %scan3A_513 = %scan3A_493 to %scan3A_495 step %scan3A_496 iter_args(%scan3A_514 = %broadcast_in_dim3A_3, %scan3A_515 = %broadcast_in_dim3A_3, %scan3A_516 = %broadcast_in_dim3A_3, %scan3A_517 = %broadcast_in_dim3A_3) -> (vector<16xf32>, vector<16xf32>, vector<16xf32>, vector<16xf32>)  : i32 {
      %shift_right_arithmetic3A_518 = arith.constant 5 : i32
      %shift_right_arithmetic3A_519 = arith.shrsi %scan3A_513, %shift_right_arithmetic3A_518 : i32
      %mul3A_520 = arith.constant 4096 : i32
      %mul3A_521 = arith.muli %shift_right_arithmetic3A_519, %mul3A_520 : i32
      %add3A_522 = arith.addi %mul3A_521, %mul3A_17 : i32
      %and3A_523 = arith.constant 31 : i32
      %and3A_524 = arith.andi %scan3A_513, %and3A_523 : i32
      %mul3A_525 = arith.constant 16 : i32
      %mul3A_526 = arith.muli %and3A_524, %mul3A_525 : i32
      %add3A_527 = arith.addi %add3A_522, %mul3A_526 : i32
      %get3A = arith.index_cast %add3A_527 : i32 to index
      %get3A_528 = tpu.vector_load %arg7[%get3A] {strides = array<i32>} : memref<12288xi32, #tpu.memory_space<vmem>>, vector<16xi32>,
      %shift_right_arithmetic3A_529 = arith.constant 2 : i32
      %shift_right_arithmetic3A_530 = vector.broadcast %shift_right_arithmetic3A_529 : i32 to vector<16xi32>
      %shift_right_arithmetic3A_531 = arith.shrsi %get3A_528, %shift_right_arithmetic3A_530 : vector<16xi32>
      %get3A_532 = arith.index_cast %add3A_527 : i32 to index
      %get3A_533 = tpu.vector_load %arg8[%get3A_532] {strides = array<i32>} : memref<12288xi32, #tpu.memory_space<vmem>>, vector<16xi32>,
      %shift_right_arithmetic3A_534 = arith.constant 14 : i32
      %shift_right_arithmetic3A_535 = vector.broadcast %shift_right_arithmetic3A_534 : i32 to vector<16xi32>
      %shift_right_arithmetic3A_536 = arith.shrsi %get3A_533, %shift_right_arithmetic3A_535 : vector<16xi32>
      %add3A_537 = vector.broadcast %add3A_527 : i32 to vector<16xi32>
      %add3A_538 = arith.addi %add3A_537, %iota3A : vector<16xi32>
      %gather3A = tpu.vector_load_idx %arg11[%get3A_528] : memref<8208xi32, #tpu.memory_space<vmem>>[vector<16xi32>], vector<16xi32>,
      %add3A_539 = arith.constant 1 : i32
      %add3A_540 = vector.broadcast %add3A_539 : i32 to vector<16xi32>
      %add3A_541 = arith.addi %get3A_528, %add3A_540 : vector<16xi32>
      %gather3A_542 = tpu.vector_load_idx %arg11[%add3A_541] : memref<8208xi32, #tpu.memory_space<vmem>>[vector<16xi32>], vector<16xi32>,
      %broadcast_in_dim3A_543 = arith.constant 16384 : i32
      %broadcast_in_dim3A_544 = vector.broadcast %broadcast_in_dim3A_543 : i32 to vector<16xi32>
      %min3A = arith.constant 12287 : i32
      %min3A_545 = vector.broadcast %min3A : i32 to vector<16xi32>
      %min3A_546 = arith.minsi %gather3A, %min3A_545 : vector<16xi32>
      %gather3A_547 = tpu.vector_load_idx %arg10[%min3A_546] : memref<12288xi32, #tpu.memory_space<vmem>>[vector<16xi32>], vector<16xi32>,
      %shift_right_arithmetic3A_548 = arith.constant 14 : i32
      %shift_right_arithmetic3A_549 = vector.broadcast %shift_right_arithmetic3A_548 : i32 to vector<16xi32>
      %shift_right_arithmetic3A_550 = arith.shrsi %gather3A_547, %shift_right_arithmetic3A_549 : vector<16xi32>
      %and3A_551 = arith.constant 16383 : i32
      %and3A_552 = vector.broadcast %and3A_551 : i32 to vector<16xi32>
      %and3A_553 = arith.andi %gather3A_547, %and3A_552 : vector<16xi32>
      %eq3A_554 = arith.cmpi eq, %shift_right_arithmetic3A_550, %shift_right_arithmetic3A_536 : vector<16xi32>
      %lt3A = arith.cmpi slt, %gather3A, %gather3A_542 : vector<16xi32>
      %and3A_555 = arith.andi %eq3A_554, %lt3A : vector<16xi1>
      %lt3A_556 = arith.cmpi slt, %and3A_553, %add3A_538 : vector<16xi32>
      %and3A_557 = arith.andi %and3A_555, %lt3A_556 : vector<16xi1>
      %jit3A = arith.constant 1 : i32
      %jit3A_558 = arith.constant 0 : i32
      %broadcast_in_dim3A_559 = vector.broadcast %jit3A : i32 to vector<16xi32>
      %broadcast_in_dim3A_560 = vector.broadcast %jit3A_558 : i32 to vector<16xi32>
      %select_n3A = arith.select %and3A_557, %broadcast_in_dim3A_559, %broadcast_in_dim3A_560 : vector<16xi1>, vector<16xi32>
      %max3A = arith.maxsi %broadcast_in_dim3A_5, %select_n3A : vector<16xi32>
      %gt3A = arith.cmpi sgt, %and3A_553, %add3A_538 : vector<16xi32>
      %and3A_561 = arith.andi %and3A_555, %gt3A : vector<16xi1>
      %jit3A_562 = arith.constant 16384 : i32
      %broadcast_in_dim3A_563 = vector.broadcast %jit3A_562 : i32 to vector<16xi32>
      %select_n3A_564 = arith.select %and3A_561, %and3A_553, %broadcast_in_dim3A_563 : vector<16xi1>, vector<16xi32>
      %min3A_565 = arith.minsi %broadcast_in_dim3A_544, %select_n3A_564 : vector<16xi32>
      %add3A_566 = arith.constant 1 : i32
      %add3A_567 = vector.broadcast %add3A_566 : i32 to vector<16xi32>
      %add3A_568 = arith.addi %gather3A, %add3A_567 : vector<16xi32>
      %min3A_569 = arith.constant 12287 : i32
      %min3A_570 = vector.broadcast %min3A_569 : i32 to vector<16xi32>
      %min3A_571 = arith.minsi %add3A_568, %min3A_570 : vector<16xi32>
      %gather3A_572 = tpu.vector_load_idx %arg10[%min3A_571] : memref<12288xi32, #tpu.memory_space<vmem>>[vector<16xi32>], vector<16xi32>,
      %shift_right_arithmetic3A_573 = arith.constant 14 : i32
      %shift_right_arithmetic3A_574 = vector.broadcast %shift_right_arithmetic3A_573 : i32 to vector<16xi32>
      %shift_right_arithmetic3A_575 = arith.shrsi %gather3A_572, %shift_right_arithmetic3A_574 : vector<16xi32>
      %and3A_576 = arith.constant 16383 : i32
      %and3A_577 = vector.broadcast %and3A_576 : i32 to vector<16xi32>
      %and3A_578 = arith.andi %gather3A_572, %and3A_577 : vector<16xi32>
      %eq3A_579 = arith.cmpi eq, %shift_right_arithmetic3A_575, %shift_right_arithmetic3A_536 : vector<16xi32>
      %lt3A_580 = arith.cmpi slt, %add3A_568, %gather3A_542 : vector<16xi32>
      %and3A_581 = arith.andi %eq3A_579, %lt3A_580 : vector<16xi1>
      %lt3A_582 = arith.cmpi slt, %and3A_578, %add3A_538 : vector<16xi32>
      %and3A_583 = arith.andi %and3A_581, %lt3A_582 : vector<16xi1>
      %jit3A_584 = arith.constant 1 : i32
      %jit3A_585 = arith.constant 0 : i32
      %broadcast_in_dim3A_586 = vector.broadcast %jit3A_584 : i32 to vector<16xi32>
      %broadcast_in_dim3A_587 = vector.broadcast %jit3A_585 : i32 to vector<16xi32>
      %select_n3A_588 = arith.select %and3A_583, %broadcast_in_dim3A_586, %broadcast_in_dim3A_587 : vector<16xi1>, vector<16xi32>
      %max3A_589 = arith.maxsi %max3A, %select_n3A_588 : vector<16xi32>
      %gt3A_590 = arith.cmpi sgt, %and3A_578, %add3A_538 : vector<16xi32>
      %and3A_591 = arith.andi %and3A_581, %gt3A_590 : vector<16xi1>
      %jit3A_592 = arith.constant 16384 : i32
      %broadcast_in_dim3A_593 = vector.broadcast %jit3A_592 : i32 to vector<16xi32>
      %select_n3A_594 = arith.select %and3A_591, %and3A_578, %broadcast_in_dim3A_593 : vector<16xi1>, vector<16xi32>
      %min3A_595 = arith.minsi %min3A_565, %select_n3A_594 : vector<16xi32>
      %add3A_596 = arith.constant 1 : i32
      %add3A_597 = vector.broadcast %add3A_596 : i32 to vector<16xi32>
      %add3A_598 = arith.addi %add3A_568, %add3A_597 : vector<16xi32>
      %min3A_599 = arith.constant 12287 : i32
      %min3A_600 = vector.broadcast %min3A_599 : i32 to vector<16xi32>
      %min3A_601 = arith.minsi %add3A_598, %min3A_600 : vector<16xi32>
      %gather3A_602 = tpu.vector_load_idx %arg10[%min3A_601] : memref<12288xi32, #tpu.memory_space<vmem>>[vector<16xi32>], vector<16xi32>,
      %shift_right_arithmetic3A_603 = arith.constant 14 : i32
      %shift_right_arithmetic3A_604 = vector.broadcast %shift_right_arithmetic3A_603 : i32 to vector<16xi32>
      %shift_right_arithmetic3A_605 = arith.shrsi %gather3A_602, %shift_right_arithmetic3A_604 : vector<16xi32>
      %and3A_606 = arith.constant 16383 : i32
      %and3A_607 = vector.broadcast %and3A_606 : i32 to vector<16xi32>
      %and3A_608 = arith.andi %gather3A_602, %and3A_607 : vector<16xi32>
      %eq3A_609 = arith.cmpi eq, %shift_right_arithmetic3A_605, %shift_right_arithmetic3A_536 : vector<16xi32>
      %lt3A_610 = arith.cmpi slt, %add3A_598, %gather3A_542 : vector<16xi32>
      %and3A_611 = arith.andi %eq3A_609, %lt3A_610 : vector<16xi1>
      %lt3A_612 = arith.cmpi slt, %and3A_608, %add3A_538 : vector<16xi32>
      %and3A_613 = arith.andi %and3A_611, %lt3A_612 : vector<16xi1>
      %jit3A_614 = arith.constant 1 : i32
      %jit3A_615 = arith.constant 0 : i32
      %broadcast_in_dim3A_616 = vector.broadcast %jit3A_614 : i32 to vector<16xi32>
      %broadcast_in_dim3A_617 = vector.broadcast %jit3A_615 : i32 to vector<16xi32>
      %select_n3A_618 = arith.select %and3A_613, %broadcast_in_dim3A_616, %broadcast_in_dim3A_617 : vector<16xi1>, vector<16xi32>
      %max3A_619 = arith.maxsi %max3A_589, %select_n3A_618 : vector<16xi32>
      %gt3A_620 = arith.cmpi sgt, %and3A_608, %add3A_538 : vector<16xi32>
      %and3A_621 = arith.andi %and3A_611, %gt3A_620 : vector<16xi1>
      %jit3A_622 = arith.constant 16384 : i32
      %broadcast_in_dim3A_623 = vector.broadcast %jit3A_622 : i32 to vector<16xi32>
      %select_n3A_624 = arith.select %and3A_621, %and3A_608, %broadcast_in_dim3A_623 : vector<16xi1>, vector<16xi32>
      %min3A_625 = arith.minsi %min3A_595, %select_n3A_624 : vector<16xi32>
      %add3A_626 = arith.constant 1 : i32
      %add3A_627 = vector.broadcast %add3A_626 : i32 to vector<16xi32>
      %add3A_628 = arith.addi %add3A_598, %add3A_627 : vector<16xi32>
      %while3A:3 = scf.while (%while3A_850 = %add3A_628, %while3A_851 = %max3A_619, %while3A_852 = %min3A_625) : (vector<16xi32>, vector<16xi32>, vector<16xi32>) -> (vector<16xi32>, vector<16xi32>, vector<16xi32>) {
        %lt3A_853 = arith.cmpi slt, %while3A_850, %gather3A_542 : vector<16xi32>
        %reduce_or3A = arith.constant 1.000000e+00 : f32
        %reduce_or3A_854 = arith.constant 0.000000e+00 : f32
        %reduce_or3A_855 = vector.broadcast %reduce_or3A : f32 to vector<16xf32>
        %reduce_or3A_856 = vector.broadcast %reduce_or3A_854 : f32 to vector<16xf32>
        %reduce_or3A_857 = arith.select %lt3A_853, %reduce_or3A_855, %reduce_or3A_856 : vector<16xi1>, vector<16xf32>
        %reduce_or3A_858 = arith.constant true
        %reduce_or3A_859 = vector.broadcast %reduce_or3A_858 : i1 to vector<16xi1>
        %reduce_or3A_860 = tpu.scan <max>, %reduce_or3A_857 masked %reduce_or3A_859 : vector<16xf32>, vector<16xi1> -> vector<16xf32>
        %reduce_or3A_861 = vector.extract %reduce_or3A_860[15] : f32 from vector<16xf32>
        %reduce_or3A_862 = arith.constant 0.000000e+00 : f32
        %reduce_or3A_863 = arith.cmpf ogt, %reduce_or3A_861, %reduce_or3A_862 : f32
        scf.condition(%reduce_or3A_863) %while3A_850, %while3A_851, %while3A_852 : vector<16xi32>, vector<16xi32>, vector<16xi32>
      } do {
      ^bb0(%while3A_850: vector<16xi32>, %while3A_851: vector<16xi32>, %while3A_852: vector<16xi32>):
        %min3A_853 = arith.constant 12287 : i32
        %min3A_854 = vector.broadcast %min3A_853 : i32 to vector<16xi32>
        %min3A_855 = arith.minsi %while3A_850, %min3A_854 : vector<16xi32>
        %gather3A_856 = tpu.vector_load_idx %arg10[%min3A_855] : memref<12288xi32, #tpu.memory_space<vmem>>[vector<16xi32>], vector<16xi32>,
        %shift_right_arithmetic3A_857 = arith.constant 14 : i32
        %shift_right_arithmetic3A_858 = vector.broadcast %shift_right_arithmetic3A_857 : i32 to vector<16xi32>
        %shift_right_arithmetic3A_859 = arith.shrsi %gather3A_856, %shift_right_arithmetic3A_858 : vector<16xi32>
        %and3A_860 = arith.constant 16383 : i32
        %and3A_861 = vector.broadcast %and3A_860 : i32 to vector<16xi32>
        %and3A_862 = arith.andi %gather3A_856, %and3A_861 : vector<16xi32>
        %eq3A_863 = arith.cmpi eq, %shift_right_arithmetic3A_859, %shift_right_arithmetic3A_536 : vector<16xi32>
        %lt3A_864 = arith.cmpi slt, %while3A_850, %gather3A_542 : vector<16xi32>
        %and3A_865 = arith.andi %eq3A_863, %lt3A_864 : vector<16xi1>
        %lt3A_866 = arith.cmpi slt, %and3A_862, %add3A_538 : vector<16xi32>
        %and3A_867 = arith.andi %and3A_865, %lt3A_866 : vector<16xi1>
        %jit3A_868 = arith.constant 1 : i32
        %jit3A_869 = arith.constant 0 : i32
        %broadcast_in_dim3A_870 = vector.broadcast %jit3A_868 : i32 to vector<16xi32>
        %broadcast_in_dim3A_871 = vector.broadcast %jit3A_869 : i32 to vector<16xi32>
        %select_n3A_872 = arith.select %and3A_867, %broadcast_in_dim3A_870, %broadcast_in_dim3A_871 : vector<16xi1>, vector<16xi32>
        %max3A_873 = arith.maxsi %while3A_851, %select_n3A_872 : vector<16xi32>
        %gt3A_874 = arith.cmpi sgt, %and3A_862, %add3A_538 : vector<16xi32>
        %and3A_875 = arith.andi %and3A_865, %gt3A_874 : vector<16xi1>
        %jit3A_876 = arith.constant 16384 : i32
        %broadcast_in_dim3A_877 = vector.broadcast %jit3A_876 : i32 to vector<16xi32>
        %select_n3A_878 = arith.select %and3A_875, %and3A_862, %broadcast_in_dim3A_877 : vector<16xi1>, vector<16xi32>
        %min3A_879 = arith.minsi %while3A_852, %select_n3A_878 : vector<16xi32>
        %add3A_880 = arith.constant 1 : i32
        %add3A_881 = vector.broadcast %add3A_880 : i32 to vector<16xi32>
        %add3A_882 = arith.addi %while3A_850, %add3A_881 : vector<16xi32>
        scf.yield %add3A_882, %max3A_873, %min3A_879 : vector<16xi32>, vector<16xi32>, vector<16xi32>
      }
      %eq3A_629 = arith.constant 0 : i32
      %eq3A_630 = vector.broadcast %eq3A_629 : i32 to vector<16xi32>
      %eq3A_631 = arith.cmpi eq, %while3A#1, %eq3A_630 : vector<16xi32>
      %mul3A_632 = arith.constant 3 : i32
      %mul3A_633 = vector.broadcast %mul3A_632 : i32 to vector<16xi32>
      %mul3A_634 = arith.muli %shift_right_arithmetic3A_531, %mul3A_633 : vector<16xi32>
      %gather3A_635 = tpu.vector_load_idx %arg5[%mul3A_634] : memref<6144xf32, #tpu.memory_space<vmem>>[vector<16xi32>], vector<16xf32>,
      %add3A_636 = arith.constant 1 : i32
      %add3A_637 = vector.broadcast %add3A_636 : i32 to vector<16xi32>
      %add3A_638 = arith.addi %mul3A_634, %add3A_637 : vector<16xi32>
      %gather3A_639 = tpu.vector_load_idx %arg5[%add3A_638] : memref<6144xf32, #tpu.memory_space<vmem>>[vector<16xi32>], vector<16xf32>,
      %add3A_640 = arith.constant 2 : i32
      %add3A_641 = vector.broadcast %add3A_640 : i32 to vector<16xi32>
      %add3A_642 = arith.addi %mul3A_634, %add3A_641 : vector<16xi32>
      %gather3A_643 = tpu.vector_load_idx %arg5[%add3A_642] : memref<6144xf32, #tpu.memory_space<vmem>>[vector<16xi32>], vector<16xf32>,
      %mul3A_644 = arith.constant 3 : i32
      %mul3A_645 = vector.broadcast %mul3A_644 : i32 to vector<16xi32>
      %mul3A_646 = arith.muli %shift_right_arithmetic3A_536, %mul3A_645 : vector<16xi32>
      %gather3A_647 = tpu.vector_load_idx %arg5[%mul3A_646] : memref<6144xf32, #tpu.memory_space<vmem>>[vector<16xi32>], vector<16xf32>,
      %add3A_648 = arith.constant 1 : i32
      %add3A_649 = vector.broadcast %add3A_648 : i32 to vector<16xi32>
      %add3A_650 = arith.addi %mul3A_646, %add3A_649 : vector<16xi32>
      %gather3A_651 = tpu.vector_load_idx %arg5[%add3A_650] : memref<6144xf32, #tpu.memory_space<vmem>>[vector<16xi32>], vector<16xf32>,
      %add3A_652 = arith.constant 2 : i32
      %add3A_653 = vector.broadcast %add3A_652 : i32 to vector<16xi32>
      %add3A_654 = arith.addi %mul3A_646, %add3A_653 : vector<16xi32>
      %gather3A_655 = tpu.vector_load_idx %arg5[%add3A_654] : memref<6144xf32, #tpu.memory_space<vmem>>[vector<16xi32>], vector<16xf32>,
      %sub3A = arith.subf %gather3A_635, %gather3A_647 : vector<16xf32>
      %sub3A_656 = arith.subf %gather3A_639, %gather3A_651 : vector<16xf32>
      %sub3A_657 = arith.subf %gather3A_643, %gather3A_655 : vector<16xf32>
      %mul3A_658 = arith.mulf %sub3A, %sub3A : vector<16xf32>
      %mul3A_659 = arith.mulf %sub3A_656, %sub3A_656 : vector<16xf32>
      %add3A_660 = arith.addf %mul3A_658, %mul3A_659 : vector<16xf32>
      %mul3A_661 = arith.mulf %sub3A_657, %sub3A_657 : vector<16xf32>
      %add3A_662 = arith.addf %add3A_660, %mul3A_661 : vector<16xf32>
      %jit3A_663 = arith.constant 0.000000e+00 : f32
      %broadcast_in_dim3A_664 = vector.broadcast %jit3A_663 : f32 to vector<16xf32>
      %select_n3A_665 = arith.select %eq3A_631, %add3A_662, %broadcast_in_dim3A_664 : vector<16xi1>, vector<16xf32>
      %add3A_666 = arith.addf %scan3A_514, %select_n3A_665 : vector<16xf32>
      %jit3A_667 = arith.constant 1.000000e+00 : f32
      %jit3A_668 = arith.constant 0.000000e+00 : f32
      %broadcast_in_dim3A_669 = vector.broadcast %jit3A_667 : f32 to vector<16xf32>
      %broadcast_in_dim3A_670 = vector.broadcast %jit3A_668 : f32 to vector<16xf32>
      %select_n3A_671 = arith.select %eq3A_631, %broadcast_in_dim3A_669, %broadcast_in_dim3A_670 : vector<16xi1>, vector<16xf32>
      %add3A_672 = arith.addf %scan3A_515, %select_n3A_671 : vector<16xf32>
      %lt3A_673 = arith.constant 16384 : i32
      %lt3A_674 = vector.broadcast %lt3A_673 : i32 to vector<16xi32>
      %lt3A_675 = arith.cmpi slt, %while3A#2, %lt3A_674 : vector<16xi32>
      %min3A_676 = arith.constant 12287 : i32
      %min3A_677 = vector.broadcast %min3A_676 : i32 to vector<16xi32>
      %min3A_678 = arith.minsi %while3A#2, %min3A_677 : vector<16xi32>
      %get3A_679 = arith.index_cast %add3A_527 : i32 to index
      %get3A_680 = tpu.vector_load %arg9[%get3A_679] {strides = array<i32>} : memref<12288xi32, #tpu.memory_space<vmem>>, vector<16xi32>,
      %gather3A_681 = tpu.vector_load_idx %arg9[%min3A_678] : memref<12288xi32, #tpu.memory_space<vmem>>[vector<16xi32>], vector<16xi32>,
      %mul3A_682 = arith.constant 3 : i32
      %mul3A_683 = vector.broadcast %mul3A_682 : i32 to vector<16xi32>
      %mul3A_684 = arith.muli %get3A_680, %mul3A_683 : vector<16xi32>
      %gather3A_685 = tpu.vector_load_idx %arg5[%mul3A_684] : memref<6144xf32, #tpu.memory_space<vmem>>[vector<16xi32>], vector<16xf32>,
      %add3A_686 = arith.constant 1 : i32
      %add3A_687 = vector.broadcast %add3A_686 : i32 to vector<16xi32>
      %add3A_688 = arith.addi %mul3A_684, %add3A_687 : vector<16xi32>
      %gather3A_689 = tpu.vector_load_idx %arg5[%add3A_688] : memref<6144xf32, #tpu.memory_space<vmem>>[vector<16xi32>], vector<16xf32>,
      %add3A_690 = arith.constant 2 : i32
      %add3A_691 = vector.broadcast %add3A_690 : i32 to vector<16xi32>
      %add3A_692 = arith.addi %mul3A_684, %add3A_691 : vector<16xi32>
      %gather3A_693 = tpu.vector_load_idx %arg5[%add3A_692] : memref<6144xf32, #tpu.memory_space<vmem>>[vector<16xi32>], vector<16xf32>,
      %mul3A_694 = arith.constant 3 : i32
      %mul3A_695 = vector.broadcast %mul3A_694 : i32 to vector<16xi32>
      %mul3A_696 = arith.muli %gather3A_681, %mul3A_695 : vector<16xi32>
      %gather3A_697 = tpu.vector_load_idx %arg5[%mul3A_696] : memref<6144xf32, #tpu.memory_space<vmem>>[vector<16xi32>], vector<16xf32>,
      %add3A_698 = arith.constant 1 : i32
      %add3A_699 = vector.broadcast %add3A_698 : i32 to vector<16xi32>
      %add3A_700 = arith.addi %mul3A_696, %add3A_699 : vector<16xi32>
      %gather3A_701 = tpu.vector_load_idx %arg5[%add3A_700] : memref<6144xf32, #tpu.memory_space<vmem>>[vector<16xi32>], vector<16xf32>,
      %add3A_702 = arith.constant 2 : i32
      %add3A_703 = vector.broadcast %add3A_702 : i32 to vector<16xi32>
      %add3A_704 = arith.addi %mul3A_696, %add3A_703 : vector<16xi32>
      %gather3A_705 = tpu.vector_load_idx %arg5[%add3A_704] : memref<6144xf32, #tpu.memory_space<vmem>>[vector<16xi32>], vector<16xf32>,
      %sub3A_706 = arith.subf %gather3A_685, %gather3A_647 : vector<16xf32>
      %sub3A_707 = arith.subf %gather3A_689, %gather3A_651 : vector<16xf32>
      %sub3A_708 = arith.subf %gather3A_693, %gather3A_655 : vector<16xf32>
      %sub3A_709 = arith.subf %gather3A_697, %gather3A_647 : vector<16xf32>
      %sub3A_710 = arith.subf %gather3A_701, %gather3A_651 : vector<16xf32>
      %sub3A_711 = arith.subf %gather3A_705, %gather3A_655 : vector<16xf32>
      %mul3A_712 = arith.mulf %sub3A_707, %sub3A_657 : vector<16xf32>
      %mul3A_713 = arith.mulf %sub3A_708, %sub3A_656 : vector<16xf32>
      %sub3A_714 = arith.subf %mul3A_712, %mul3A_713 : vector<16xf32>
      %mul3A_715 = arith.mulf %sub3A_708, %sub3A : vector<16xf32>
      %mul3A_716 = arith.mulf %sub3A_706, %sub3A_657 : vector<16xf32>
      %sub3A_717 = arith.subf %mul3A_715, %mul3A_716 : vector<16xf32>
      %mul3A_718 = arith.mulf %sub3A_706, %sub3A_656 : vector<16xf32>
      %mul3A_719 = arith.mulf %sub3A_707, %sub3A : vector<16xf32>
      %sub3A_720 = arith.subf %mul3A_718, %mul3A_719 : vector<16xf32>
      %mul3A_721 = arith.mulf %sub3A_710, %sub3A_657 : vector<16xf32>
      %mul3A_722 = arith.mulf %sub3A_711, %sub3A_656 : vector<16xf32>
      %sub3A_723 = arith.subf %mul3A_721, %mul3A_722 : vector<16xf32>
      %neg3A = arith.constant 0.000000e+00 : f32
      %neg3A_724 = vector.broadcast %neg3A : f32 to vector<16xf32>
      %neg3A_725 = arith.subf %neg3A_724, %sub3A_723 : vector<16xf32>
      %mul3A_726 = arith.mulf %sub3A_711, %sub3A : vector<16xf32>
      %mul3A_727 = arith.mulf %sub3A_709, %sub3A_657 : vector<16xf32>
      %sub3A_728 = arith.subf %mul3A_726, %mul3A_727 : vector<16xf32>
      %neg3A_729 = arith.constant 0.000000e+00 : f32
      %neg3A_730 = vector.broadcast %neg3A_729 : f32 to vector<16xf32>
      %neg3A_731 = arith.subf %neg3A_730, %sub3A_728 : vector<16xf32>
      %mul3A_732 = arith.mulf %sub3A_709, %sub3A_656 : vector<16xf32>
      %mul3A_733 = arith.mulf %sub3A_710, %sub3A : vector<16xf32>
      %sub3A_734 = arith.subf %mul3A_732, %mul3A_733 : vector<16xf32>
      %neg3A_735 = arith.constant 0.000000e+00 : f32
      %neg3A_736 = vector.broadcast %neg3A_735 : f32 to vector<16xf32>
      %neg3A_737 = arith.subf %neg3A_736, %sub3A_734 : vector<16xf32>
      %mul3A_738 = arith.mulf %sub3A_714, %sub3A_714 : vector<16xf32>
      %mul3A_739 = arith.mulf %sub3A_717, %sub3A_717 : vector<16xf32>
      %add3A_740 = arith.addf %mul3A_738, %mul3A_739 : vector<16xf32>
      %mul3A_741 = arith.mulf %sub3A_720, %sub3A_720 : vector<16xf32>
      %add3A_742 = arith.addf %add3A_740, %mul3A_741 : vector<16xf32>
      %add3A_743 = arith.constant 9.99999968E-21 : f32
      %add3A_744 = vector.broadcast %add3A_743 : f32 to vector<16xf32>
      %add3A_745 = arith.addf %add3A_742, %add3A_744 : vector<16xf32>
      %bitcast3A = vector.bitcast %add3A_745 : vector<16xf32> to vector<16xi32>
      %shift_right_arithmetic3A_746 = arith.constant 1 : i32
      %shift_right_arithmetic3A_747 = vector.broadcast %shift_right_arithmetic3A_746 : i32 to vector<16xi32>
      %shift_right_arithmetic3A_748 = arith.shrsi %bitcast3A, %shift_right_arithmetic3A_747 : vector<16xi32>
      %sub3A_749 = arith.constant 1597463007 : i32
      %sub3A_750 = vector.broadcast %sub3A_749 : i32 to vector<16xi32>
      %sub3A_751 = arith.subi %sub3A_750, %shift_right_arithmetic3A_748 : vector<16xi32>
      %bitcast3A_752 = vector.bitcast %sub3A_751 : vector<16xi32> to vector<16xf32>
      %mul3A_753 = arith.constant 5.000000e-01 : f32
      %mul3A_754 = vector.broadcast %mul3A_753 : f32 to vector<16xf32>
      %mul3A_755 = arith.mulf %mul3A_754, %add3A_745 : vector<16xf32>
      %mul3A_756 = arith.mulf %mul3A_755, %bitcast3A_752 : vector<16xf32>
      %mul3A_757 = arith.mulf %mul3A_756, %bitcast3A_752 : vector<16xf32>
      %sub3A_758 = arith.constant 1.500000e+00 : f32
      %sub3A_759 = vector.broadcast %sub3A_758 : f32 to vector<16xf32>
      %sub3A_760 = arith.subf %sub3A_759, %mul3A_757 : vector<16xf32>
      %mul3A_761 = arith.mulf %bitcast3A_752, %sub3A_760 : vector<16xf32>
      %mul3A_762 = arith.constant 5.000000e-01 : f32
      %mul3A_763 = vector.broadcast %mul3A_762 : f32 to vector<16xf32>
      %mul3A_764 = arith.mulf %mul3A_763, %add3A_745 : vector<16xf32>
      %mul3A_765 = arith.mulf %mul3A_764, %mul3A_761 : vector<16xf32>
      %mul3A_766 = arith.mulf %mul3A_765, %mul3A_761 : vector<16xf32>
      %sub3A_767 = arith.constant 1.500000e+00 : f32
      %sub3A_768 = vector.broadcast %sub3A_767 : f32 to vector<16xf32>
      %sub3A_769 = arith.subf %sub3A_768, %mul3A_766 : vector<16xf32>
      %mul3A_770 = arith.mulf %mul3A_761, %sub3A_769 : vector<16xf32>
      %mul3A_771 = arith.constant 5.000000e-01 : f32
      %mul3A_772 = vector.broadcast %mul3A_771 : f32 to vector<16xf32>
      %mul3A_773 = arith.mulf %mul3A_772, %add3A_745 : vector<16xf32>
      %mul3A_774 = arith.mulf %mul3A_773, %mul3A_770 : vector<16xf32>
      %mul3A_775 = arith.mulf %mul3A_774, %mul3A_770 : vector<16xf32>
      %sub3A_776 = arith.constant 1.500000e+00 : f32
      %sub3A_777 = vector.broadcast %sub3A_776 : f32 to vector<16xf32>
      %sub3A_778 = arith.subf %sub3A_777, %mul3A_775 : vector<16xf32>
      %mul3A_779 = arith.mulf %mul3A_770, %sub3A_778 : vector<16xf32>
      %mul3A_780 = arith.mulf %add3A_745, %mul3A_779 : vector<16xf32>
      %max3A_781 = arith.constant 9.99999993E-9 : f32
      %max3A_782 = vector.broadcast %max3A_781 : f32 to vector<16xf32>
      %max3A_783 = arith.maximumf %mul3A_780, %max3A_782 : vector<16xf32>
      %mul3A_784 = arith.mulf %neg3A_725, %neg3A_725 : vector<16xf32>
      %mul3A_785 = arith.mulf %neg3A_731, %neg3A_731 : vector<16xf32>
      %add3A_786 = arith.addf %mul3A_784, %mul3A_785 : vector<16xf32>
      %mul3A_787 = arith.mulf %neg3A_737, %neg3A_737 : vector<16xf32>
      %add3A_788 = arith.addf %add3A_786, %mul3A_787 : vector<16xf32>
      %add3A_789 = arith.constant 9.99999968E-21 : f32
      %add3A_790 = vector.broadcast %add3A_789 : f32 to vector<16xf32>
      %add3A_791 = arith.addf %add3A_788, %add3A_790 : vector<16xf32>
      %bitcast3A_792 = vector.bitcast %add3A_791 : vector<16xf32> to vector<16xi32>
      %shift_right_arithmetic3A_793 = arith.constant 1 : i32
      %shift_right_arithmetic3A_794 = vector.broadcast %shift_right_arithmetic3A_793 : i32 to vector<16xi32>
      %shift_right_arithmetic3A_795 = arith.shrsi %bitcast3A_792, %shift_right_arithmetic3A_794 : vector<16xi32>
      %sub3A_796 = arith.constant 1597463007 : i32
      %sub3A_797 = vector.broadcast %sub3A_796 : i32 to vector<16xi32>
      %sub3A_798 = arith.subi %sub3A_797, %shift_right_arithmetic3A_795 : vector<16xi32>
      %bitcast3A_799 = vector.bitcast %sub3A_798 : vector<16xi32> to vector<16xf32>
      %mul3A_800 = arith.constant 5.000000e-01 : f32
      %mul3A_801 = vector.broadcast %mul3A_800 : f32 to vector<16xf32>
      %mul3A_802 = arith.mulf %mul3A_801, %add3A_791 : vector<16xf32>
      %mul3A_803 = arith.mulf %mul3A_802, %bitcast3A_799 : vector<16xf32>
      %mul3A_804 = arith.mulf %mul3A_803, %bitcast3A_799 : vector<16xf32>
      %sub3A_805 = arith.constant 1.500000e+00 : f32
      %sub3A_806 = vector.broadcast %sub3A_805 : f32 to vector<16xf32>
      %sub3A_807 = arith.subf %sub3A_806, %mul3A_804 : vector<16xf32>
      %mul3A_808 = arith.mulf %bitcast3A_799, %sub3A_807 : vector<16xf32>
      %mul3A_809 = arith.constant 5.000000e-01 : f32
      %mul3A_810 = vector.broadcast %mul3A_809 : f32 to vector<16xf32>
      %mul3A_811 = arith.mulf %mul3A_810, %add3A_791 : vector<16xf32>
      %mul3A_812 = arith.mulf %mul3A_811, %mul3A_808 : vector<16xf32>
      %mul3A_813 = arith.mulf %mul3A_812, %mul3A_808 : vector<16xf32>
      %sub3A_814 = arith.constant 1.500000e+00 : f32
      %sub3A_815 = vector.broadcast %sub3A_814 : f32 to vector<16xf32>
      %sub3A_816 = arith.subf %sub3A_815, %mul3A_813 : vector<16xf32>
      %mul3A_817 = arith.mulf %mul3A_808, %sub3A_816 : vector<16xf32>
      %mul3A_818 = arith.constant 5.000000e-01 : f32
      %mul3A_819 = vector.broadcast %mul3A_818 : f32 to vector<16xf32>
      %mul3A_820 = arith.mulf %mul3A_819, %add3A_791 : vector<16xf32>
      %mul3A_821 = arith.mulf %mul3A_820, %mul3A_817 : vector<16xf32>
      %mul3A_822 = arith.mulf %mul3A_821, %mul3A_817 : vector<16xf32>
      %sub3A_823 = arith.constant 1.500000e+00 : f32
      %sub3A_824 = vector.broadcast %sub3A_823 : f32 to vector<16xf32>
      %sub3A_825 = arith.subf %sub3A_824, %mul3A_822 : vector<16xf32>
      %mul3A_826 = arith.mulf %mul3A_817, %sub3A_825 : vector<16xf32>
      %mul3A_827 = arith.mulf %add3A_791, %mul3A_826 : vector<16xf32>
      %max3A_828 = arith.constant 9.99999993E-9 : f32
      %max3A_829 = vector.broadcast %max3A_828 : f32 to vector<16xf32>
      %max3A_830 = arith.maximumf %mul3A_827, %max3A_829 : vector<16xf32>
      %mul3A_831 = arith.mulf %sub3A_714, %neg3A_725 : vector<16xf32>
      %mul3A_832 = arith.mulf %sub3A_717, %neg3A_731 : vector<16xf32>
      %add3A_833 = arith.addf %mul3A_831, %mul3A_832 : vector<16xf32>
      %mul3A_834 = arith.mulf %sub3A_720, %neg3A_737 : vector<16xf32>
      %add3A_835 = arith.addf %add3A_833, %mul3A_834 : vector<16xf32>
      %mul3A_836 = arith.mulf %max3A_783, %max3A_830 : vector<16xf32>
      %div3A = arith.divf %add3A_835, %mul3A_836 : vector<16xf32>
      %sub3A_837 = arith.constant 1.000000e+00 : f32
      %sub3A_838 = vector.broadcast %sub3A_837 : f32 to vector<16xf32>
      %sub3A_839 = arith.subf %sub3A_838, %div3A : vector<16xf32>
      %jit3A_840 = arith.constant 0.000000e+00 : f32
      %broadcast_in_dim3A_841 = vector.broadcast %jit3A_840 : f32 to vector<16xf32>
      %select_n3A_842 = arith.select %lt3A_675, %sub3A_839, %broadcast_in_dim3A_841 : vector<16xi1>, vector<16xf32>
      %add3A_843 = arith.addf %scan3A_516, %select_n3A_842 : vector<16xf32>
      %jit3A_844 = arith.constant 1.000000e+00 : f32
      %jit3A_845 = arith.constant 0.000000e+00 : f32
      %broadcast_in_dim3A_846 = vector.broadcast %jit3A_844 : f32 to vector<16xf32>
      %broadcast_in_dim3A_847 = vector.broadcast %jit3A_845 : f32 to vector<16xf32>
      %select_n3A_848 = arith.select %lt3A_675, %broadcast_in_dim3A_846, %broadcast_in_dim3A_847 : vector<16xi1>, vector<16xf32>
      %add3A_849 = arith.addf %scan3A_517, %select_n3A_848 : vector<16xf32>
      scf.yield %add3A_666, %add3A_672, %add3A_843, %add3A_849 : vector<16xf32>, vector<16xf32>, vector<16xf32>, vector<16xf32>
    }
    %scan3A_498 = arith.constant 96 : i32
    %swap3A = arith.constant 0 : index
    %swap3A_499 = tpu.vector_load %arg22[%swap3A] {strides = array<i32>} : memref<80xf32, #tpu.memory_space<vmem>>, vector<16xf32>,
    tpu.vector_store %arg22[%swap3A], %scan3A_497#0 {strides = array<i32>} : memref<80xf32, #tpu.memory_space<vmem>>, vector<16xf32>,
    %swap3A_500 = arith.constant 16 : index
    %swap3A_501 = tpu.vector_load %arg22[%swap3A_500] {strides = array<i32>} : memref<80xf32, #tpu.memory_space<vmem>>, vector<16xf32>,
    tpu.vector_store %arg22[%swap3A_500], %scan3A_497#1 {strides = array<i32>} : memref<80xf32, #tpu.memory_space<vmem>>, vector<16xf32>,
    %swap3A_502 = arith.constant 32 : index
    %swap3A_503 = tpu.vector_load %arg22[%swap3A_502] {strides = array<i32>} : memref<80xf32, #tpu.memory_space<vmem>>, vector<16xf32>,
    tpu.vector_store %arg22[%swap3A_502], %scan3A_484 {strides = array<i32>} : memref<80xf32, #tpu.memory_space<vmem>>, vector<16xf32>,
    %swap3A_504 = arith.constant 48 : index
    %swap3A_505 = tpu.vector_load %arg22[%swap3A_504] {strides = array<i32>} : memref<80xf32, #tpu.memory_space<vmem>>, vector<16xf32>,
    tpu.vector_store %arg22[%swap3A_504], %scan3A_497#2 {strides = array<i32>} : memref<80xf32, #tpu.memory_space<vmem>>, vector<16xf32>,
    %swap3A_506 = arith.constant 64 : index
    %swap3A_507 = tpu.vector_load %arg22[%swap3A_506] {strides = array<i32>} : memref<80xf32, #tpu.memory_space<vmem>>, vector<16xf32>,
    tpu.vector_store %arg22[%swap3A_506], %scan3A_497#3 {strides = array<i32>} : memref<80xf32, #tpu.memory_space<vmem>>, vector<16xf32>,
    %mul3A_508 = arith.constant 8 : i32
    %mul3A_509 = arith.muli %add3A, %mul3A_508 : i32
    %add3A_510 = arith.addi %mul3A_509, %and3A_1 : i32
    %mul3A_511 = arith.constant 80 : i32
    %mul3A_512 = arith.muli %add3A_510, %mul3A_511 : i32
    "tpu.region"() ({
      %run_scoped3A = tpu.sem_alloc : memref<!tpu.dma_semaphore, #tpu.memory_space<semaphore_mem>>
      %dma_start3A = tpu.memref_slice %arg4[%mul3A_512] : memref<2560xf32, #tpu.memory_space<hbm>> -> memref<80xf32, #tpu.memory_space<hbm>>
      %dma_start3A_513 = tpu.memref_slice %arg4[%mul3A_512] : memref<2560xf32, #tpu.memory_space<hbm>> -> memref<80xf32, #tpu.memory_space<hbm>>
      tpu.enqueue_dma source(%arg22 : memref<80xf32, #tpu.memory_space<vmem>>) target(%dma_start3A_513 : memref<80xf32, #tpu.memory_space<hbm>>) target_semaphore(%run_scoped3A : memref<!tpu.dma_semaphore, #tpu.memory_space<semaphore_mem>>)
      %dma_wait3A = tpu.memref_slice %arg4[%mul3A_512] : memref<2560xf32, #tpu.memory_space<hbm>> -> memref<80xf32, #tpu.memory_space<hbm>>
      %dma_wait3A_514 = tpu.memref_slice %arg4[%mul3A_512] : memref<2560xf32, #tpu.memory_space<hbm>> -> memref<80xf32, #tpu.memory_space<hbm>>
      tpu.wait_dma2 semaphore(%run_scoped3A : memref<!tpu.dma_semaphore, #tpu.memory_space<semaphore_mem>>) src(%arg22 : memref<80xf32, #tpu.memory_space<vmem>>) dst(%dma_wait3A_514 : memref<80xf32, #tpu.memory_space<hbm>>)
      tpu.yield
    }) : () -> ()
    return
  }
}

module attributes {stable_mosaic.version = 14 : i64} {
  func.func @_chamfer_body(%arg0: i32, %arg1: i32, %arg2: memref<1x1x2048x3xf32, #tpu.memory_space<vmem>>, %arg3: memref<1x1x2048x3xf32, #tpu.memory_space<vmem>>, %arg4: memref<1x1x1x1xf32, #tpu.memory_space<vmem>>) attributes {dimension_semantics = [#tpu.dimension_semantics<arbitrary>, #tpu.dimension_semantics<arbitrary>], iteration_bounds = array<i64: 2, 4>, scalar_prefetch = 0 : i64, scratch_operands = 0 : i64, tpu.core_type = #tpu.core_type<tc>, window_params = [{transform_indices = @transform_0, window_bounds = array<i64: 1, 1, 2048, 3>}, {transform_indices = @transform_1, window_bounds = array<i64: 1, 1, 2048, 3>}, {transform_indices = @transform_2, window_bounds = array<i64: 1, 1, 1, 1>}]} {
    %get3A = arith.constant 0 : index
    %get3A_0 = arith.constant 0 : index
    %get3A_1 = arith.constant 0 : index
    %get3A_2 = arith.constant 0 : index
    %get3A_3 = vector.load %arg2[%get3A, %get3A_0, %get3A_1, %get3A_2] : memref<1x1x2048x3xf32, #tpu.memory_space<vmem>>, vector<1x1x2048x3xf32>
    %get3A_4 = vector.shape_cast %get3A_3 : vector<1x1x2048x3xf32> to vector<2048x3xf32>
    %get3A_5 = arith.constant 0 : index
    %get3A_6 = arith.constant 0 : index
    %get3A_7 = arith.constant 0 : index
    %get3A_8 = arith.constant 0 : index
    %get3A_9 = vector.load %arg3[%get3A_5, %get3A_6, %get3A_7, %get3A_8] : memref<1x1x2048x3xf32, #tpu.memory_space<vmem>>, vector<1x1x2048x3xf32>
    %get3A_10 = vector.shape_cast %get3A_9 : vector<1x1x2048x3xf32> to vector<2048x3xf32>
    %mul3A = arith.mulf %get3A_4, %get3A_4 : vector<2048x3xf32>
    %reduce_sum3A = arith.constant dense<0.000000e+00> : vector<2048xf32>
    %reduce_sum3A_11 = vector.multi_reduction <add>, %mul3A, %reduce_sum3A [1] : vector<2048x3xf32> to vector<2048xf32>
    %broadcast_in_dim3A = vector.shape_cast %reduce_sum3A_11 : vector<2048xf32> to vector<2048x1xf32>
    %mul3A_12 = arith.mulf %get3A_10, %get3A_10 : vector<2048x3xf32>
    %reduce_sum3A_13 = arith.constant dense<0.000000e+00> : vector<2048xf32>
    %reduce_sum3A_14 = vector.multi_reduction <add>, %mul3A_12, %reduce_sum3A_13 [1] : vector<2048x3xf32> to vector<2048xf32>
    %broadcast_in_dim3A_15 = vector.shape_cast %reduce_sum3A_14 : vector<2048xf32> to vector<2048x1xf32>
    %broadcast_in_dim3A_16 = arith.constant 1.000000e+00 : f32
    %broadcast_in_dim3A_17 = vector.broadcast %broadcast_in_dim3A_16 : f32 to vector<2048x1xf32>
    %mul3A_18 = arith.constant -2.000000e+00 : f32
    %mul3A_19 = vector.broadcast %mul3A_18 : f32 to vector<2048x3xf32>
    %mul3A_20 = arith.mulf %mul3A_19, %get3A_4 : vector<2048x3xf32>
    %concatenate3A = tpu.concatenate %mul3A_20, %broadcast_in_dim3A, %broadcast_in_dim3A_17 in 1 : vector<2048x3xf32>, vector<2048x1xf32>, vector<2048x1xf32> -> vector<2048x5xf32>
    %concatenate3A_21 = tpu.concatenate %get3A_10, %broadcast_in_dim3A_17, %broadcast_in_dim3A_15 in 1 : vector<2048x3xf32>, vector<2048x1xf32>, vector<2048x1xf32> -> vector<2048x5xf32>
    %dot_general3A = arith.constant dense<0.000000e+00> : vector<2048x2048xf32>
    %dot_general3A_22 = tpu.matmul %concatenate3A, %concatenate3A_21, %dot_general3A {dimension_numbers = #tpu.dot_dimension_numbers<[1], [1], [0], [0], [0, 0, 1, 0], [], []>, transpose_lhs_hint = false} : vector<2048x5xf32>, vector<2048x5xf32>, vector<2048x2048xf32> -> vector<2048x2048xf32>
    %sub3A = arith.constant 2048 : i32
    %sub3A_23 = arith.subi %sub3A, %arg0 : i32
    %convert_element_type3A = arith.sitofp %sub3A_23 : i32 to f32
    %reduce_min3A = arith.constant dense<0x7F800000> : vector<2048xf32>
    %reduce_min3A_24 = vector.multi_reduction <minimumf>, %dot_general3A_22, %reduce_min3A [1] : vector<2048x2048xf32> to vector<2048xf32>
    %broadcast_in_dim3A_25 = vector.shape_cast %reduce_min3A_24 : vector<2048xf32> to vector<2048x1xf32>
    %reduce_min3A_26 = arith.constant dense<0x7F800000> : vector<2048xf32>
    %reduce_min3A_27 = vector.multi_reduction <minimumf>, %dot_general3A_22, %reduce_min3A_26 [0] : vector<2048x2048xf32> to vector<2048xf32>
    %broadcast_in_dim3A_28 = vector.shape_cast %reduce_min3A_27 : vector<2048xf32> to vector<1x2048xf32>
    %iota3A = tpu.iota {dimensions = array<i32: 0>} : vector<2048x1xi32>
    %iota3A_29 = tpu.iota {dimensions = array<i32: 1>} : vector<1x2048xi32>
    %sub3A_30 = arith.constant 2048 : i32
    %sub3A_31 = arith.subi %sub3A_30, %arg0 : i32
    %lt3A = vector.broadcast %sub3A_31 : i32 to vector<2048x1xi32>
    %lt3A_32 = arith.cmpi slt, %iota3A, %lt3A : vector<2048x1xi32>
    %jit3A = arith.constant 0.000000e+00 : f32
    %broadcast_in_dim3A_33 = vector.broadcast %jit3A : f32 to vector<2048x1xf32>
    %select_n3A = arith.select %lt3A_32, %broadcast_in_dim3A_25, %broadcast_in_dim3A_33 : vector<2048x1xi1>, vector<2048x1xf32>
    %reduce_sum3A_34 = vector.shape_cast %select_n3A : vector<2048x1xf32> to vector<1x2048x1xf32>
    %reduce_sum3A_35 = arith.constant dense<0.000000e+00> : vector<1xf32>
    %reduce_sum3A_36 = vector.multi_reduction <add>, %reduce_sum3A_34, %reduce_sum3A_35 [1, 2] : vector<1x2048x1xf32> to vector<1xf32>
    %reduce_sum3A_37 = vector.shape_cast %reduce_sum3A_36 : vector<1xf32> to vector<1x1x1xf32>
    %reduce_sum3A_38 = vector.extract %reduce_sum3A_37[0, 0, 0] : f32 from vector<1x1x1xf32>
    %sub3A_39 = arith.constant 2048 : i32
    %sub3A_40 = arith.subi %sub3A_39, %arg0 : i32
    %lt3A_41 = vector.broadcast %sub3A_40 : i32 to vector<1x2048xi32>
    %lt3A_42 = arith.cmpi slt, %iota3A_29, %lt3A_41 : vector<1x2048xi32>
    %jit3A_43 = arith.constant 0.000000e+00 : f32
    %broadcast_in_dim3A_44 = vector.broadcast %jit3A_43 : f32 to vector<1x2048xf32>
    %select_n3A_45 = arith.select %lt3A_42, %broadcast_in_dim3A_28, %broadcast_in_dim3A_44 : vector<1x2048xi1>, vector<1x2048xf32>
    %reduce_sum3A_46 = vector.shape_cast %select_n3A_45 : vector<1x2048xf32> to vector<1x1x2048xf32>
    %reduce_sum3A_47 = arith.constant dense<0.000000e+00> : vector<1xf32>
    %reduce_sum3A_48 = vector.multi_reduction <add>, %reduce_sum3A_46, %reduce_sum3A_47 [1, 2] : vector<1x1x2048xf32> to vector<1xf32>
    %reduce_sum3A_49 = vector.shape_cast %reduce_sum3A_48 : vector<1xf32> to vector<1x1x1xf32>
    %reduce_sum3A_50 = vector.extract %reduce_sum3A_49[0, 0, 0] : f32 from vector<1x1x1xf32>
    %add3A = arith.addf %reduce_sum3A_38, %reduce_sum3A_50 : f32
    %div3A = arith.divf %add3A, %convert_element_type3A : f32
    %reshape3A = vector.broadcast %div3A : f32 to vector<1x1x1x1xf32>
    %swap3A = arith.constant 0 : index
    %swap3A_51 = arith.constant 0 : index
    %swap3A_52 = arith.constant 0 : index
    %swap3A_53 = arith.constant 0 : index
    %swap3A_54 = vector.load %arg4[%swap3A, %swap3A_51, %swap3A_52, %swap3A_53] : memref<1x1x1x1xf32, #tpu.memory_space<vmem>>, vector<1x1x1x1xf32>
    tpu.vector_store %arg4[%swap3A, %swap3A_51, %swap3A_52, %swap3A_53], %reshape3A {strides = array<i32>} : memref<1x1x1x1xf32, #tpu.memory_space<vmem>>, vector<1x1x1x1xf32>,
    return
  }
  func.func @transform_0(%arg0: i32, %arg1: i32) -> (i32, i32, i32, i32) {
    %c0_i32 = arith.constant 0 : i32
    %c0_i32_0 = arith.constant 0 : i32
    %c0_i32_1 = arith.constant 0 : i32
    return %arg0, %arg1, %c0_i32, %c0_i32_0 : i32, i32, i32, i32
  }
  func.func @transform_1(%arg0: i32, %arg1: i32) -> (i32, i32, i32, i32) {
    %c0_i32 = arith.constant 0 : i32
    %c0_i32_0 = arith.constant 0 : i32
    %c0_i32_1 = arith.constant 0 : i32
    return %arg0, %arg1, %c0_i32, %c0_i32_0 : i32, i32, i32, i32
  }
  func.func @transform_2(%arg0: i32, %arg1: i32) -> (i32, i32, i32, i32) {
    %c0_i32 = arith.constant 0 : i32
    %c0_i32_0 = arith.constant 0 : i32
    %c0_i32_1 = arith.constant 0 : i32
    return %arg0, %arg1, %c0_i32, %c0_i32_0 : i32, i32, i32, i32
  }
}

</mosaic_0001>

<sc_bundles>
// kernel: kernel.4.cloned.1.call-start
scs
__scs_entry_jumppad:
0x0: {  	(pc) =	sbr.rel $0x88, $3  }
0x1: {  	(tag) =	ssettag $0x0;
	lr =	simm.s32 $0x1  }
0x2: {  	[smem:$0x3F9E] =	sst lr;
	_ =	strace $0xD0000000  }
0x3: {  	_ = 	snop  }
0x4: {  	_ = 	snop  }
0x5: {  	_ = 	snop  }
0x6: {  	_ = 	snop  }
0x7: {  	_ = 	snop  }
__scs_overlays_trampoline_lowered:
0x8: {  	[smem:$0x3FAD] =	sst s0  }
0x9: {  	[smem:$0x3FAE] =	sst s1  }
0xa: {  	[smem:$0x3FAF] =	sst s2  }
0xb: {  	[smem:$0x3FB0] =	sst s3  }
0xc: {  	[smem:$0x3FB1] =	sst s4  }
0xd: {  	[smem:$0x3FB2] =	sst s5  }
0xe: {  	[smem:$0x3FB3] =	sst s6  }
0xf: {  	[smem:$0x3FB4] =	sst s7  }
0x10: {  	[smem:$0x3FB5] =	sst s8  }
0x11: {  	[smem:$0x3FB6] =	sst s9;
	s0 =	simm.s32 @!p0 $0x0  }
0x12: {  	s1 =	sld [smem:$0x3F9C];
	s0 =	simm.s32 @p0 $0x1  }
0x13: {  	[smem:$0x3FB7] =	sst s0;
	s0 =	simm.s32 @!p1 $0x0  }
0x14: {  	s2 =	sld [smem:$0x3F9B];
	s0 =	simm.s32 @p1 $0x1  }
0x15: {  	[smem:$0x3FB8] =	sst s0;
	s0 =	simm.s32 @!p2 $0x0  }
0x16: {  	s3 =	sld [smem:$0x3FDB];
	s0 =	simm.s32 @p2 $0x1  }
0x17: {  	s4 =	simm.s32 $0x1BF5;
	[smem:$0x3FBA] =	sst s0  }
0x18: {  	s0 =	sld [smem:$0x3F9D];
	_ =	swait.ge [sflag:s4], $0x0  }
0x19: {  	s7 =	sld [smem:$0x3F9E]  }
0x1a: {  	s8 =	sadd.s32 $0xFFFFE003, lr  }
0x1b: {  	s9 =	sadd.s32 $0xFFFFFEF7, lr;
	s5 =	simm.s32 $0xFFFFFFFF;
	p2 =	slt.u32 s8, $0xFFFFF086  }
0x1c: {  	p1 =	slt.u32 s9, $0xF7A;
	s5 =	simm.s32 @!p2 $0x0  }
0x1d: {  	s5 =	simm.s32 @p1 $0x1;
	p0 =	seq.s32 s7, s2  }
0x1e: {  	s7 =	smul.u32 @!p0 $0xF7A, s2;
	p2 =	seq.s32 @!p0 s5, $0x0  }
0x1f: {  	s9 =	smul.u32 $0xF7A, s1;
	s8 =	simm.s32 @!p0 $0x1BF5;
	p2 =	por !p2, p0  }
0x20: {  	[sflag:s8] =	ssyncset.s32 @!p0 $0xFFFFF086;
	s6 =	sadd.s32 @!p0 s3, s7;
	s7 =	simm.s32 @!p0 $0x108  }
0x21: {  	s3 =	sadd.s32 s3, s9;
	s6 =	sadd.s32 @!p0 $0x88, s6;
	s7 =	simm.s32 @p2 $0x1082  }
0x22: {  	[simem:s7], [sflag:s8] =	dma.local @!p0 [hbm:s6], $0xF7A  }
0x23: {  	s9 =	sor.u32 $0xD0000000, s2;
	s6 =	simm.s32 $0x108;
	_ =	swait.ge @!p0 [sflag:s8], $0x0  }
0x24: {  	s3 =	sadd.s32 $0x88, s3;
	s6 =	simm.s32 @!p1 $0x1082;
	[sflag:s4] =	ssyncset.s32 $0xFFFFF086  }
0x25: {  	[simem:s6], [sflag:s4] =	dma.local [hbm:s3], $0xF7A  }
0x26: {  	[smem:$0x3F9E] =	sst s1;
	(tag) =	ssettag s2;
	_ =	strace s9  }
0x27: {  	s1 =	sld [smem:$0x3FAE]  }
0x28: {  	s2 =	sld [smem:$0x3FAF]  }
0x29: {  	s4 =	sld [smem:$0x3FB1]  }
0x2a: {  	p0 =	seq.s32 s5, $0x0;
	s5 =	sld [smem:$0x3FB2]  }
0x2b: {  	s6 =	sld [smem:$0x3FB3]  }
0x2c: {  	s7 =	sld [smem:$0x3FB4]  }
0x2d: {  	s3 =	simm.s32 $0x108;
	s8 =	sld [smem:$0x3FB5]  }
0x2e: {  	s3 =	simm.s32 @!p0 $0x1082;
	s9 =	sld [smem:$0x3FB6]  }
0x2f: {  	lr =	sadd.s32 s0, s3;
	s0 =	sld [smem:$0x3FAD]  }
0x30: {  	s3 =	sld [smem:$0x3FB0]  }
0x31: {  	[smem:$0x3FB9] =	sst s10  }
0x32: {  	s10 =	sld [smem:$0x3FB7];
	_ =	sdelay $0x3  }
0x33: {  	p0 =	seq.s32 s10, $0x1;
	s10 =	sld [smem:$0x3FB9];
	_ =	sdelay $0x3  }
0x34: {  	[smem:$0x3FB9] =	sst s10  }
0x35: {  	s10 =	sld [smem:$0x3FB8];
	_ =	sdelay $0x3  }
0x36: {  	p1 =	seq.s32 s10, $0x1;
	s10 =	sld [smem:$0x3FB9];
	_ =	sdelay $0x3  }
0x37: {  	[smem:$0x3FB9] =	sst s10  }
0x38: {  	s10 =	sld [smem:$0x3FBA]  }
0x39: {  	_ = 	snop;
	(pc) =	sbr.ind lr, $3  }
0x3a: {  	_ = 	snop  }
0x3b: {  	_ = 	snop  }
0x3c: {  	p2 =	seq.s32 s10, $0x1;
	s10 =	sld [smem:$0x3FB9]  }
0x3d: {  	_ =	shalt  }
0x3e: {  	_ =	shalt  }
0x3f: {  	_ =	shalt  }
0x40: {  	_ =	shalt  }
0x41: {  	_ =	shalt  }
0x42: {  	_ =	shalt  }
0x43: {  	_ =	shalt  }
0x44: {  	_ =	shalt  }
0x45: {  	_ =	shalt  }
0x46: {  	_ =	shalt  }
0x47: {  	_ =	shalt  }
0x48: {  	_ =	shalt  }
0x49: {  	_ =	shalt  }
0x4a: {  	_ =	shalt  }
0x4b: {  	_ =	shalt  }
0x4c: {  	_ =	shalt  }
0x4d: {  	_ =	shalt  }
0x4e: {  	_ =	shalt  }
0x4f: {  	_ =	shalt  }
0x50: {  	_ =	shalt  }
0x51: {  	_ =	shalt  }
0x52: {  	_ =	shalt  }
0x53: {  	_ =	shalt  }
0x54: {  	_ =	shalt  }
0x55: {  	_ =	shalt  }
0x56: {  	_ =	shalt  }
0x57: {  	_ =	shalt  }
0x58: {  	_ =	shalt  }
0x59: {  	_ =	shalt  }
0x5a: {  	_ =	shalt  }
0x5b: {  	_ =	shalt  }
0x5c: {  	_ =	shalt  }
0x5d: {  	_ =	shalt  }
0x5e: {  	_ =	shalt  }
0x5f: {  	_ =	shalt  }
0x60: {  	_ =	shalt  }
0x61: {  	_ =	shalt  }
0x62: {  	_ =	shalt  }
0x63: {  	_ =	shalt  }
0x64: {  	_ =	shalt  }
0x65: {  	_ =	shalt  }
0x66: {  	_ =	shalt  }
0x67: {  	_ =	shalt  }
0x68: {  	_ =	shalt  }
0x69: {  	_ =	shalt  }
0x6a: {  	_ =	shalt  }
0x6b: {  	_ =	shalt  }
0x6c: {  	_ =	shalt  }
0x6d: {  	_ =	shalt  }
0x6e: {  	_ =	shalt  }
0x6f: {  	_ =	shalt  }
0x70: {  	_ =	shalt  }
0x71: {  	_ =	shalt  }
0x72: {  	_ =	shalt  }
0x73: {  	_ =	shalt  }
0x74: {  	_ =	shalt  }
0x75: {  	_ =	shalt  }
0x76: {  	_ =	shalt  }
0x77: {  	_ =	shalt  }
0x78: {  	_ =	shalt  }
0x79: {  	_ =	shalt  }
0x7a: {  	_ =	shalt  }
0x7b: {  	_ =	shalt  }
0x7c: {  	_ =	shalt  }
0x7d: {  	_ =	shalt  }
0x7e: {  	_ =	shalt  }
0x7f: {  	_ =	shalt  }
0x80: {  	_ =	shalt  }
0x81: {  	_ =	shalt  }
0x82: {  	_ =	shalt  }
0x83: {  	_ =	shalt  }
0x84: {  	_ =	shalt  }
0x85: {  	_ =	shalt  }
0x86: {  	_ =	shalt  }
0x87: {  	_ =	shalt  }
.Lfunc_end0:
.L_simem_size_0:
called_computation_lowered:
.L_overlay_start_0:
0x88: {  	s2 =	sld [smem:$0x3FD9]  }
0x89: {  	s3 =	sld [smem:$0x3FFE];
	_ =	sdelay $0x1  }
0x8a: {  	s1 =	srdreg.scid  }
0x8b: {  	s0 =	sand.u32 $0x1, s1  }
0x8c: {  	s16 =	sshll.u32 s0, $0xA;
	s2 =	sadd.s32 s3, s2  }
0x8d: {  	s2 =	sadd.s32 s2, s16  }
0x8e: {  	[smem:$0x3FC5] =	sst s2  }
0x8f: {  	_ = 	snop  }
0x90: {  	(tm) =	ssettm $0x1  }
0x91: {  	s17 =	sld [smem:$0x3FFB];
	_ =	sdelay $0x3  }
0x92: {  	_ =	strace s17  }
0x93: {  	s2 =	sld [smem:$0x3FFC];
	_ =	sdelay $0x3  }
0x94: {  	_ =	strace s2  }
0x95: {  	s2 =	sld [smem:$0x3FFD];
	_ =	sdelay $0x3  }
0x96: {  	_ =	strace s2  }
0x97: {  	_ =	strace $0x8FFFFFFF  }
0x98: {  	s18 =	sld [smem:$0x3FDB];
	_ =	sdelay $0x1  }
0x99: {  	s19 =	simm.s32 $_scs_section_size  }
0x9a: {  	s4 =	simm.s32 $_size__tile_overlayer_lowered;
	s5 =	simm.s32 $_tile_overlayer_lowered  }
0x9b: {  	s22 =	simm.s32 $0x1BFF;
	s21 =	sshll.u32 s5, $0x1;
	s2 =	sadd.s32 s19, s18  }
0x9c: {  	s6 =	simm.s32 $0x0;
	s20 =	sshll.u32 s4, $0x1;
	s4 =	sadd.s32 s21, s2  }
0x9d: {  	[timem:s6], [sflag:s22] =	dma.local [hbm:s4], s20  }
0x9e: {  	_ =	swait.ge [sflag:s22], s20  }
0x9f: {  	s3 =	ssub.s32 $0x0, s20;
	[sflag:s22] =	ssyncset.done $0x0  }
0xa0: {  	[sflag:s22] =	ssyncadd.s32 s3;
	_ =	sdelay $0x1  }
0xa1: {  	s23 =	simm.s32 $0x1B8B  }
0xa2: {  	_ =	swait.ge [sflag:s23], $0x1  }
0xa3: {  	[sflag:s23] =	ssyncset.done $0x0  }
0xa4: {  	s25 =	simm.s32 $0x1B8E;
	s24 =	sld [smem:$0x3FFE];
	[sflag:s23] =	ssyncadd.s32 $0xFFFFFFFF  }
0xa5: {  	s26 =	simm.s32 $execute0_lowered;
	[smem:$0x3FD2] =	sst s25  }
0xa6: {  	s4 =	sshll.u32 s26, $0x1;
	_ =	strace $0x80000046;
	[dreg:$0x1] =	wrdreg $0xFFFFFFFF  }
0xa7: {  	s28 =	simm.s32 $_size_execute0_lowered;
	s2 =	sadd.s32 s2, s4;
	[dreg:$0x0] =	wrdreg $0x0  }
0xa8: {  	s4 =	sshll.u32 s28, $0x1;
	[dreg:$0x2] =	wrdreg s2  }
0xa9: {  	[dreg:$0x3] =	wrdreg s4  }
0xaa: {  	[dreg:$0x4] =	wrdreg $0xC0  }
0xab: {  	_ =	task [dreg:s6], $0x5FFFF  }
0xac: {  	[dreg:$0x1] =	wrdreg $0xFFFFFFFF  }
0xad: {  	[dreg:$0x0] =	wrdreg $0x60  }
0xae: {  	[dreg:$0x2] =	wrdreg s24  }
0xaf: {  	[dreg:$0x3] =	wrdreg $0x175000  }
0xb0: {  	[dreg:$0x4] =	wrdreg $0x17B000  }
0xb1: {  	[dreg:$0x5] =	wrdreg $0x181000  }
0xb2: {  	[dreg:$0x6] =	wrdreg $0x191080  }
0xb3: {  	[dreg:$0x7] =	wrdreg $0x187000  }
0xb4: {  	[dreg:$0x8] =	wrdreg $0x18D000  }
0xb5: {  	[dreg:$0x9] =	wrdreg $0x9  }
0xb6: {  	_ =	task.clear_ibuf [dreg:s6], $0xAFFFF;
	_ =	strace $0x90000046  }
0xb7: {  	s29 =	simm.s32 $0x9;
	_ =	strace $0x80000048  }
0xb8: {  	_ =	swait.ge [sflag:s29], $0x1  }
0xb9: {  	[sflag:s29] =	ssyncadd.s32 $0xFFFFFFFF  }
0xba: {  	_ =	strace $0x90000048  }
0xbb: {  	_ =	sfence  }
0xbc: {  	s30 =	sld [smem:$0x0];
	_ =	sdelay $0x2  }
0xbd: {  	s31 =	sshll.u32 s1, $0xD;
	s1 =	sshrl.u32 s1, $0x2  }
0xbe: {  	s3 =	sand.u32 $0x4000, s31;
	s1 =	sadd.s32 s1, s30  }
0xbf: {  	s0 =	sor.u32 s3, s0;
	s1 =	sshll.u32 s1, $0x11  }
0xc0: {  	s0 =	sor.u32 s1, s0  }
0xc1: {  	s0 =	sadd.s32 $0x8F2B, s0  }
0xc2: {  	[sflag:s0] =	ssyncadd.remote.s32 $0x1  }
0xc3: {  	_ =	sfence.sel $0xFFFF  }
0xc4: {  	[dreg:$0x0] =	wrdreg $0xFFFFFFFF;
	(pc) =	sbr.abs _section_cstart, $3  }
0xc5: {  	[dreg:$0x1] =	wrdreg $0xFFFFFFFF  }
0xc6: {  	_ =	task.clear_ibuf [dreg:s6], $0x2FFFF;
	_ =	strace $0x9FFFFFFF  }
0xc7: {  	(tm) =	ssettm $0x7FFFFFFF  }
tec
execute0_lowered:
.L_overlay_start_1:
0x0: {  	(tag) =	ssettag $0x1  }
0x1: {  	s3 =	rddreg [dreg:$0x0]  }
0x2: {  	s0 =	srdreg.scid;
	s4 =	rddreg [dreg:$0x1]  }
0x3: {  	s17 =	stileid.u32;
	s6 =	rddreg [dreg:$0x2];
	s0 =	sand.u32 $0x1, s0  }
0x4: {  	s7 =	rddreg [dreg:$0x3];
	s5 =	sshrl.u32 s17, $0x3;
	s1 =	sshll.u32 s0, $0x1  }
0x5: {  	s9 =	rddreg [dreg:$0x4];
	s13 =	smul.u32 $0x3000, s5;
	s2 =	sor.u32 s5, s1  }
0x6: {  	s12 =	rddreg [dreg:$0x6];
	s10 =	smul.u32 $0x300, s2  }
0x7: {  	s8 =	sand.u32 $0x7, s17;
	s1 =	sshll.u32 s2, $0x3;
	s15 =	smul.u32 $0x600, s2  }
0x8: {  	s2 =	sshll.u32 s8, $0x9;
	s28 =	sadd.s32 s13, s4;
	s11 =	sor.u32 s8, s1  }
0x9: {  	s1 =	simm.s32 $0x0;
	s16 =	sor.u32 s2, s13;
	[dreg:$0x14] =	wrdreg s28  }
0xa: {  	s14 =	ssub.s32 $0x2, s0;
	[smem:$0x7FF] =	sst s1;
	s30 =	sadd.s32 s16, s4  }
0xb: {  	s29 =	sshrl.u32 s14, $0x1;
	s18 =	sadd.s32 $0x1000, s16;
	[dreg:$0x9] =	wrdreg s30  }
0xc: {  	s11 =	smul.u32 $0xA, s11;
	s19 =	sadd.s32 s18, s4;
	s30 =	rddreg [dreg:$0x5]  }
0xd: {  	s22 =	sadd.s32 $0x2000, s16;
	s20 =	sadd.s32 s18, s6;
	[dreg:$0xc] =	wrdreg s19  }
0xe: {  	s10 =	sadd.s32 s10, s3;
	s26 =	sadd.s32 s22, s6;
	[dreg:$0xd] =	wrdreg s20  }
0xf: {  	s0 =	sadd.s32 s11, s3;
	s3 =	sadd.s32 s3, s15;
	[dreg:$0x12] =	wrdreg s26  }
0x10: {  	s11 =	ssub.s32 s14, s29;
	s14 =	sadd.s32 s16, s6;
	[dreg:$0x8] =	wrdreg s3  }
0x11: {  	s15 =	sadd.s32 s16, s7;
	[dreg:$0xa] =	wrdreg s14  }
0x12: {  	s23 =	sshll.u32 s17, $0xD;
	s16 =	sadd.s32 s22, s4;
	[dreg:$0xb] =	wrdreg s15  }
0x13: {  	s21 =	smul.u32 $0x8040, s5;
	s29 =	sadd.s32 s13, s6;
	[dreg:$0xf] =	wrdreg s16  }
0x14: {  	s24 =	sand.u32 $0x10000, s23;
	s4 =	sadd.s32 s13, s7;
	[dreg:$0x15] =	wrdreg s29  }
0x15: {  	s3 =	sadd.s32 s18, s7;
	s14 =	sshrl.u32 s21, $0x2;
	[dreg:$0x17] =	wrdreg s4  }
0x16: {  	s25 =	sor.u32 $0xE000, s23;
	[dreg:$0xe] =	wrdreg s3;
	s12 =	sadd.s32 s14, s12  }
0x17: {  	s5 =	sshll.u32 s5, $0x10;
	s3 =	sadd.s32 s22, s7;
	[dreg:$0x11] =	wrdreg s12  }
0x18: {  	s5 =	sadd.s32 s5, s9;
	[dreg:$0x13] =	wrdreg s3;
	s3 =	sadd.s32 s13, s30  }
0x19: {  	s20 =	sshll.u32 s8, $0x8;
	s6 =	sadd.s32 $0x1800, s10;
	[dreg:$0x16] =	wrdreg s3  }
0x1a: {  	s0 =	sadd.s32 $0x2400, s0;
	_ =	strace $0x80000047;
	[dreg:$0x18] =	wrdreg s6  }
0x1b: {  	s16 =	sadd.s32 s23, s9;
	s4 =	sadd.s32 s20, s5;
	[smem:$0x7ED] =	sst s0  }
0x1c: {  	s12 =	sadd.s32 s24, s9;
	s9 =	sadd.s32 s25, s9;
	[dreg:$0x10] =	wrdreg s16  }
0x1d: {  	s3 =	sadd.s32 s20, s12;
	s5 =	sadd.s32 s20, s9;
	[dreg:$0x19] =	wrdreg s4  }
0x1e: {  	s7 =	sadd.s32 $0x2000, s3;
	[dreg:$0x1a] =	wrdreg s5  }
0x1f: {  	p0 =	sne.s32 s8, $0x0;
	s8 =	sadd.s32 $0x4000, s3;
	[dreg:$0x1b] =	wrdreg s7  }
0x20: {  	s9 =	sadd.s32 $0x6000, s3;
	[dreg:$0x1c] =	wrdreg s8  }
0x21: {  	s10 =	sadd.s32 $0x8000, s3;
	[dreg:$0x1d] =	wrdreg s9  }
0x22: {  	s12 =	sadd.s32 $0xA000, s3;
	[dreg:$0x1e] =	wrdreg s10  }
0x23: {  	s13 =	sadd.s32 $0xC000, s3;
	[dreg:$0x1f] =	wrdreg s12  }
0x24: {  	s14 =	sadd.s32 $0x2800, s3;
	[smem:$0x7DA] =	sst s13  }
0x25: {  	s15 =	sadd.s32 $0x4800, s3;
	[smem:$0x7DB] =	sst s14  }
0x26: {  	s17 =	sadd.s32 $0x6800, s3;
	[smem:$0x7DC] =	sst s15  }
0x27: {  	s18 =	sadd.s32 $0x8800, s3;
	[smem:$0x7DD] =	sst s17  }
0x28: {  	s19 =	sadd.s32 $0xA800, s3;
	[smem:$0x7DE] =	sst s18  }
0x29: {  	s21 =	sadd.s32 $0xC800, s3;
	[smem:$0x7DF] =	sst s19  }
0x2a: {  	s22 =	sadd.s32 $0x3000, s3;
	[smem:$0x7E0] =	sst s21  }
0x2b: {  	s23 =	sadd.s32 $0x5000, s3;
	[smem:$0x7E1] =	sst s22  }
0x2c: {  	s24 =	sadd.s32 $0x7000, s3;
	[smem:$0x7E2] =	sst s23  }
0x2d: {  	s25 =	sadd.s32 $0x9000, s3;
	[smem:$0x7E3] =	sst s24  }
0x2e: {  	s26 =	sadd.s32 $0xB000, s3;
	[smem:$0x7E4] =	sst s25  }
0x2f: {  	s28 =	sadd.s32 $0xD000, s3;
	[smem:$0x7E5] =	sst s26  }
0x30: {  	s29 =	sadd.s32 $0x3800, s3;
	[smem:$0x7E6] =	sst s28  }
0x31: {  	s30 =	sadd.s32 $0x5800, s3;
	[smem:$0x7E7] =	sst s29  }
0x32: {  	[smem:$0x7E8] =	sst s30;
	s7 =	sadd.s32 $0x7800, s3  }
0x33: {  	s8 =	sadd.s32 $0x9800, s3;
	[smem:$0x7E9] =	sst s7  }
0x34: {  	s9 =	sadd.s32 $0xB800, s3;
	[smem:$0x7EA] =	sst s8  }
0x35: {  	s3 =	sadd.s32 $0xD800, s3;
	[smem:$0x7EB] =	sst s9  }
0x36: {  	s10 =	smax.u32 s11, $0x1;
	[smem:$0x7EC] =	sst s3  }
0x37: {  	s11 =	sadd.s32 $0x5800, s2;
	[smem:$0x7EE] =	sst s10  }
0x38: {  	s12 =	sadd.s32 $0x8800, s2;
	[smem:$0x7EF] =	sst s11  }
0x39: {  	s13 =	sadd.s32 $0xB800, s2;
	[smem:$0x7F0] =	sst s12  }
0x3a: {  	s14 =	sadd.s32 $0x6800, s2;
	[smem:$0x7F1] =	sst s13  }
0x3b: {  	s15 =	sadd.s32 $0x9800, s2;
	[smem:$0x7F2] =	sst s14  }
0x3c: {  	s19 =	sadd.s32 $0xC800, s2;
	[smem:$0x7F3] =	sst s15  }
0x3d: {  	s21 =	sadd.s32 $0x800, s16;
	[smem:$0x7F4] =	sst s19  }
0x3e: {  	s22 =	sadd.s32 $0x1000, s16;
	[smem:$0x7F5] =	sst s21  }
0x3f: {  	s23 =	sadd.s32 $0x1800, s16;
	[smem:$0x7F6] =	sst s22  }
0x40: {  	s24 =	sadd.s32 $0x800, s4;
	[smem:$0x7F7] =	sst s23  }
0x41: {  	s31 =	simm.s32 $0x16080;
	s25 =	sadd.s32 $0x800, s5;
	[smem:$0x7F8] =	sst s24  }
0x42: {  	s0 =	simm.s32 $0xD800;
	s26 =	sadd.s32 $0x1000, s4;
	[smem:$0x7F9] =	sst s25  }
0x43: {  	s18 =	sadd.s32 $0x4800, s2;
	s28 =	sadd.s32 $0x1000, s5;
	[smem:$0x7FA] =	sst s26  }
0x44: {  	s17 =	sadd.s32 $0x7800, s2;
	s29 =	sadd.s32 $0x1800, s4;
	[smem:$0x7FB] =	sst s28  }
.Ltmp0:
0x45: {  	s30 =	sadd.s32 $0x1800, s5;
	[smem:$0x7FC] =	sst s29;
	(pc) =	sbr.rel .LBB2_1-.Ltmp0, $4  }
0x46: {  	v0 =	vlaneseq.u32;
	s16 =	simm.s32 $0x10800;
	s3 =	sadd.s32 $0xA800, s2;
	[smem:$0x7FD] =	sst s30  }
0x47: {  	v1 =	vmul.u32 $0x3, v0;
	s19 =	simm.s32 $0x1;
	s21 =	simm.s32 $0x1800;
	s24 =	simm.s32 $0x14880  }
0x48: {  	v2 =	vimm.f32 $0.0e+00;
	v5 =	vimm.s32 $0x0;
	v6 =	vimm.s32 $0x1;
	s25 =	simm.s32 $0x15080;
	s26 =	simm.s32 $0x15880;
	s14 =	simm.s32 $0x12880  }
0x49: {  	v7 =	vimm.s32 $0x3000;
	v3 =	vadd.s32 $0x1, v1;
	v4 =	vadd.s32 $0x2, v1;
	s8 =	simm.s32 $0x16F80;
	s9 =	simm.s32 $0xA800;
	s10 =	simm.s32 $0x0  }
.LBB2_29:
0x4a: {  	[tilespmem:$0x17480] =	vst v12  }
0x4b: {  	[tilespmem:$0x17490] =	vst v11  }
0x4c: {  	[tilespmem:$0x174A0] =	vst v8;
	s4 =	sld [smem:$0x7ED]  }
0x4d: {  	[tilespmem:$0x174B0] =	vst v10  }
0x4e: {  	[tilespmem:$0x174C0] =	vst v9;
	s5 =	simm.s32 $0x17480  }
0x4f: {  	[hbm4b:s4+s1] =	stream.linear.scatter [tilespmem:s5], [sflag:$0x1], $0x50, $0x38;
	[tilespmem:$0x1B108] =	vst v63  }
0x50: {  	_ =	swait.ge [sflag:s19], $0x50  }
0x51: {  	s30 =	sld [smem:$0x7EE];
	_ =	sdelay $0x1  }
0x52: {  	s10 =	sadd.s32 $0x1, s10  }
0x53: {  	p1 =	sne.s32 s10, s30  }
.Ltmp1:
0x54: {  	_ = 	snop;
	(pc) =	sbr.rel @!p1 .LBB2_30-.Ltmp1, $3  }
0x55: {  	_ =	sdelay $0x1  }
0x56: {  	[sflag:s19] =	ssyncset.done $0x0  }
0x57: {  	[sflag:s19] =	ssyncadd.s32 $0xFFFFFFB0  }
.LBB2_1:
0x58: {  	s4 =	rddreg [dreg:$0x18]  }
0x59: {  	[tilespmem:s1], [sflag:$0x1] =	stream.linear.gather [hbm4b:s4+s1], $0x1800, $0x38;
	[tilespmem:$0x1B108] =	vst v63  }
0x5a: {  	_ =	swait.ge [sflag:s19], $0x1800  }
0x5b: {  	[sflag:s19] =	ssyncset.done $0x0  }
0x5c: {  	s30 =	rddreg [dreg:$0x8];
	[sflag:s19] =	ssyncadd.s32 $0xFFFFE800  }
0x5d: {  	[tilespmem:s21], [sflag:$0x1] =	stream.linear.gather [hbm4b:s30+s1], $0x3000, $0x38;
	[tilespmem:$0x1B108] =	vst v63  }
0x5e: {  	_ =	swait.ge [sflag:s19], $0x3000  }
0x5f: {  	[sflag:s19] =	ssyncset.done $0x0  }
0x60: {  	s4 =	simm.s32 $0x0;
	[sflag:s19] =	ssyncadd.s32 $0xFFFFD000  }
.LBB2_2:
0x61: {  	p1 =	sne.s32 s4, $0x1FC0  }
.Ltmp2:
0x62: {  	s5 =	sshra.s32 s4, $0x2;
	(pc) =	sbr.rel @p1 .LBB2_2-.Ltmp2, $4  }
0x63: {  	[tilespmem:s5+$0x14880] =	vst v2  }
0x64: {  	[tilespmem:s5+$0x15080] =	vst v2  }
0x65: {  	[tilespmem:s5+$0x15880] =	vst v2  }
0x66: {  	s4 =	sadd.s32 $0x40, s4;
	[tilespmem:s5+$0x16080] =	vst v2  }
0x67: {  	s13 =	sadd.s32 $0x0, s2  }
0x68: {  	v8 =	vmov s13  }
0x69: {  	v8 =	vmul.u32 $0x3, v8;
	_ =	sdelay $0x1  }
0x6a: {  	v9 =	vadd.s32 v4, v8  }
0x6b: {  	v11 =	vadd.s32 v3, v8  }
0x6c: {  	v12 =	vadd.s32 v1, v8;
	_ =	sdelay $0x2  }
0x6d: {  	v10 =	vld.idx.msk [tilespmem:v9+s21+$0x0], $0xffff  }
0x6e: {  	v8 =	vld.idx.msk [tilespmem:v11+s21+$0x0], $0xffff  }
0x6f: {  	v9 =	vld.idx.msk [tilespmem:v12+s21+$0x0], $0xffff;
	_ =	sdelay $0x2  }
0x70: {  	v13 =	vmul.u32 $0x3, v10  }
0x71: {  	v14 =	vmul.u32 $0x3, v8;
	vm0 =	vgt.s32 v8, v10  }
0x72: {  	s15 =	simm.s32 $0x0;
	s12 =	simm.s32 $0x10;
	v17 =	vmul.u32 $0x3, v9;
	vm1 =	vgt.s32 v9, v8;
	v16 =	vadd.s32 $0x1, v13  }
0x73: {  	s23 =	smov.u32 s18;
	s22 =	smov.u32 s17;
	s11 =	smov.u32 s3;
	v11 =	vsel vm1, v8, v9;
	v21 =	vadd.s32 $0x2, v13;
	v29 =	vadd.s32 $0x1, v14  }
0x74: {  	s28 =	smov.u32 s18;
	s29 =	smov.u32 s17;
	s30 =	smov.u32 s3;
	v15 =	vadd.s32 $0x2, v14;
	v28 =	vadd.s32 $0x1, v17;
	v26 =	vadd.s32 $0x2, v17  }
.LBB2_4:
0x75: {  	v19 =	vsel vm1, v9, v8;
	v20 =	vsel vm0, v10, v8;
	v12 =	vsel vm0, v8, v10;
	s23 =	sadd.s32 $0x10, s23;
	s22 =	sadd.s32 $0x10, s22;
	s11 =	sadd.s32 $0x10, s11  }
0x76: {  	p1 =	sne.s32 s12, $0x1F0;
	s4 =	smov.u32 s12;
	s12 =	sadd.s32 $0x10, s12;
	v24 =	vld.idx.msk [tilespmem:v13+s1+$0x0], $0xffff;
	v18 =	vand.u32 $0x3, v19;
	v19 =	vshll.u32 v19, $0xE;
	v13 =	vshll.u32 v20, $0x2  }
0x77: {  	s5 =	sadd.s32 $0x1000, s13;
	vm0 =	vgt.s32 v10, v9;
	v25 =	vld.idx.msk [tilespmem:v16+s1+$0x0], $0xffff;
	v20 =	vadd.s32 s13, v19;
	v16 =	vshll.u32 v12, $0xE  }
0x78: {  	v19 =	vsel vm0, v10, v9;
	v22 =	vld.idx.msk [tilespmem:v14+s1+$0x0], $0xffff;
	v14 =	vadd.s32 s5, v16;
	v16 =	vsel vm0, v9, v10  }
0x79: {  	s7 =	sadd.s32 $0x2000, s13;
	s13 =	sadd.s32 s4, s2;
	v23 =	vld.idx.msk [tilespmem:v15+s1+$0x0], $0xffff;
	v15 =	vshll.u32 v16, $0x2;
	v16 =	vand.u32 $0x3, v19;
	v19 =	vshll.u32 v19, $0xE  }
0x7a: {  	s6 =	sand.u32 $0x2F80, s7;
	v27 =	vmov s13;
	v30 =	vld.idx.msk [tilespmem:v21+s1+$0x0], $0xffff;
	v16 =	vor.u32 v16, v15;
	v19 =	vadd.s32 s7, v19  }
0x7b: {  	v21 =	vmul.u32 $0x3, v27;
	v27 =	vld.idx.msk [tilespmem:v17+s1+$0x0], $0xffff  }
0x7c: {  	v26 =	vld.idx.msk [tilespmem:v26+s1+$0x0], $0xffff  }
0x7d: {  	v15 =	vadd.s32 v1, v21;
	v17 =	vadd.s32 v3, v21;
	v28 =	vld.idx.msk [tilespmem:v28+s1+$0x0], $0xffff  }
0x7e: {  	v31 =	vsub.f32 v22, v24;
	v29 =	vld.idx.msk [tilespmem:v29+s1+$0x0], $0xffff;
	_ =	sdelay $0x1  }
0x7f: {  	v32 =	vsub.f32 v23, v30  }
0x80: {  	v33 =	vsub.f32 v27, v24;
	v34 =	vsub.f32 v27, v22  }
0x81: {  	v35 =	vsub.f32 v26, v30;
	v36 =	vsub.f32 v26, v23  }
0x82: {  	v37 =	vsub.f32 v28, v25  }
0x83: {  	v33 =	vmul.f32 v33, v33;
	v38 =	vsub.f32 v29, v25;
	v39 =	vsub.f32 v28, v29  }
0x84: {  	v31 =	vmul.f32 v31, v31;
	v37 =	vmul.f32 v37, v37  }
0x85: {  	v34 =	vmul.f32 v34, v34;
	v38 =	vmul.f32 v38, v38  }
0x86: {  	v35 =	vmul.f32 v35, v35;
	v33 =	vadd.f32 v37, v33;
	v37 =	vmul.f32 v39, v39  }
0x87: {  	v32 =	vmul.f32 v32, v32;
	v36 =	vmul.f32 v36, v36;
	v31 =	vadd.f32 v38, v31  }
0x88: {  	v33 =	vadd.f32 v35, v33;
	v34 =	vadd.f32 v37, v34  }
0x89: {  	v31 =	vadd.f32 v32, v31  }
0x8a: {  	v35 =	vadd.f32 $9.999999680e-21, v33;
	v32 =	vadd.f32 v36, v34  }
0x8b: {  	v34 =	vadd.f32 $9.999999680e-21, v31  }
0x8c: {  	v36 =	vadd.f32 $9.999999680e-21, v32;
	v31 =	vshra.s32 v35, $0x1;
	v37 =	vmul.f32 $5.000000000e-01, v35  }
0x8d: {  	v32 =	vshra.s32 v34, $0x1;
	v38 =	vmul.f32 $5.000000000e-01, v34;
	v39 =	vsub.s32 $0x5F3759DF, v31  }
0x8e: {  	v40 =	vsub.s32 $0x5F3759DF, v32;
	v31 =	vmul.f32 v39, v37;
	v41 =	vmul.f32 $5.000000000e-01, v36  }
0x8f: {  	v33 =	vadd.f32 v35, v36;
	v42 =	vadd.f32 v34, v36;
	v32 =	vmul.f32 v40, v38  }
0x90: {  	v44 =	vadd.f32 v35, v34;
	v43 =	vshra.s32 v36, $0x1;
	v31 =	vmul.f32 v39, v31  }
0x91: {  	v43 =	vsub.s32 $0x5F3759DF, v43;
	v33 =	vsub.f32 v33, v34;
	v45 =	vmul.f32 v40, v32  }
0x92: {  	v47 =	vmul.f32 v43, v41;
	v32 =	vsub.f32 v42, v35;
	v46 =	vsub.f32 $1.500000000e+00, v31  }
0x93: {  	v31 =	vsub.f32 v44, v36;
	v42 =	vsub.f32 $1.500000000e+00, v45  }
0x94: {  	v44 =	vmul.f32 v43, v47;
	v39 =	vmul.f32 v39, v46  }
0x95: {  	v40 =	vmul.f32 v40, v42  }
0x96: {  	v44 =	vsub.f32 $1.500000000e+00, v44;
	v42 =	vmul.f32 v39, v37  }
0x97: {  	v45 =	vmul.f32 v40, v38  }
0x98: {  	v43 =	vmul.f32 v43, v44;
	v42 =	vmul.f32 v42, v39  }
0x99: {  	v44 =	vmul.f32 v45, v40  }
0x9a: {  	v45 =	vmul.f32 v43, v41;
	v42 =	vsub.f32 $1.500000000e+00, v42  }
0x9b: {  	v44 =	vsub.f32 $1.500000000e+00, v44  }
0x9c: {  	v39 =	vmul.f32 v42, v39;
	v42 =	vmul.f32 v45, v43  }
0x9d: {  	v40 =	vmul.f32 v44, v40  }
0x9e: {  	v37 =	vmul.f32 v39, v37;
	v42 =	vsub.f32 $1.500000000e+00, v42  }
0x9f: {  	v38 =	vmul.f32 v40, v38  }
0xa0: {  	v37 =	vmul.f32 v37, v39;
	v42 =	vmul.f32 v42, v43  }
0xa1: {  	v38 =	vmul.f32 v38, v40  }
0xa2: {  	v37 =	vsub.f32 $1.500000000e+00, v37;
	v41 =	vmul.f32 v42, v41  }
0xa3: {  	v38 =	vsub.f32 $1.500000000e+00, v38  }
0xa4: {  	v37 =	vmul.f32 v37, v39;
	v39 =	vmul.f32 v41, v42  }
0xa5: {  	v38 =	vmul.f32 v38, v40  }
0xa6: {  	v35 =	vmul.f32 v37, v35;
	v37 =	vsub.f32 $1.500000000e+00, v39  }
0xa7: {  	v34 =	vmul.f32 v38, v34  }
0xa8: {  	v37 =	vmul.f32 v37, v42  }
0xa9: {  	v38 =	vadd.f32 v35, v34  }
0xaa: {  	v36 =	vmul.f32 v37, v36;
	_ =	sdelay $0x1  }
0xab: {  	v37 =	vadd.f32 v38, v36;
	_ =	sdelay $0x1  }
0xac: {  	v37 =	vmul.f32 $5.000000000e-01, v37;
	_ =	sdelay $0x1  }
0xad: {  	v34 =	vsub.f32 v37, v34;
	v35 =	vsub.f32 v37, v35  }
0xae: {  	v36 =	vsub.f32 v37, v36  }
0xaf: {  	v34 =	vmul.f32 v34, v37;
	_ =	sdelay $0x1  }
0xb0: {  	v34 =	vmul.f32 v34, v35;
	_ =	sdelay $0x1  }
0xb1: {  	v34 =	vmul.f32 v34, v36;
	_ =	sdelay $0x1  }
0xb2: {  	v34 =	vmax.f32 v34, $9.999999960e-13  }
0xb3: {  	v35 =	vshra.s32 v34, $0x1;
	v36 =	vmul.f32 $5.000000000e-01, v34  }
0xb4: {  	v35 =	vsub.s32 $0x5F3759DF, v35  }
0xb5: {  	v37 =	vmul.f32 v35, v36;
	_ =	sdelay $0x1  }
0xb6: {  	v37 =	vmul.f32 v35, v37;
	_ =	sdelay $0x1  }
0xb7: {  	v37 =	vsub.f32 $1.500000000e+00, v37;
	_ =	sdelay $0x1  }
0xb8: {  	v35 =	vmul.f32 v35, v37;
	_ =	sdelay $0x1  }
0xb9: {  	v37 =	vmul.f32 v35, v36;
	_ =	sdelay $0x1  }
0xba: {  	v37 =	vmul.f32 v37, v35;
	_ =	sdelay $0x1  }
0xbb: {  	v37 =	vsub.f32 $1.500000000e+00, v37;
	_ =	sdelay $0x1  }
0xbc: {  	v35 =	vmul.f32 v37, v35;
	_ =	sdelay $0x1  }
0xbd: {  	v36 =	vmul.f32 v35, v36;
	_ =	sdelay $0x1  }
0xbe: {  	v36 =	vmul.f32 v36, v35;
	_ =	sdelay $0x1  }
0xbf: {  	v36 =	vsub.f32 $1.500000000e+00, v36;
	_ =	sdelay $0x1  }
0xc0: {  	v35 =	vmul.f32 v36, v35;
	_ =	sdelay $0x1  }
0xc1: {  	v34 =	vmul.f32 v35, v34;
	_ =	sdelay $0x1  }
0xc2: {  	(erf) = vrcp.f32 v34;
	_ =	sdelay $0x8  }
0xc3: {  	v34 =	vpop (erf)  }
0xc4: {  	v34 =	vmul.f32 $2.500000000e-01, v34;
	_ =	sdelay $0x1  }
0xc5: {  	v33 =	vmul.f32 v34, v33;
	_ =	sdelay $0x1  }
0xc6: {  	v35 =	vmul.f32 v33, v24;
	v36 =	vmul.f32 v33, v30  }
0xc7: {  	v37 =	vmul.f32 v33, v25;
	v38 =	vmul.f32 v33, v22  }
0xc8: {  	v39 =	vmul.f32 v33, v23;
	[tilespmem:v8+s24+$0x0] =	vst.idx.add.f32.msk $0xffff, v35;
	v35 =	vmul.f32 v33, v29  }
0xc9: {  	[tilespmem:v8+s25+$0x0] =	vst.idx.add.f32.msk $0xffff, v37  }
0xca: {  	[tilespmem:v8+s26+$0x0] =	vst.idx.add.f32.msk $0xffff, v36  }
0xcb: {  	[tilespmem:v8+s31+$0x0] =	vst.idx.add.f32.msk $0xffff, v33  }
0xcc: {  	v32 =	vmul.f32 v34, v32;
	[tilespmem:v10+s24+$0x0] =	vst.idx.add.f32.msk $0xffff, v38  }
0xcd: {  	[tilespmem:v10+s25+$0x0] =	vst.idx.add.f32.msk $0xffff, v35  }
0xce: {  	v36 =	vmul.f32 v32, v28;
	v35 =	vmul.f32 v32, v27;
	[tilespmem:v10+s26+$0x0] =	vst.idx.add.f32.msk $0xffff, v39  }
0xcf: {  	v24 =	vmul.f32 v32, v24;
	[tilespmem:v10+s31+$0x0] =	vst.idx.add.f32.msk $0xffff, v33;
	v33 =	vmul.f32 v32, v26  }
0xd0: {  	v25 =	vmul.f32 v32, v25;
	v30 =	vmul.f32 v32, v30;
	[tilespmem:v10+s24+$0x0] =	vst.idx.add.f32.msk $0xffff, v35  }
0xd1: {  	[tilespmem:v10+s25+$0x0] =	vst.idx.add.f32.msk $0xffff, v36  }
0xd2: {  	[tilespmem:v10+s26+$0x0] =	vst.idx.add.f32.msk $0xffff, v33  }
0xd3: {  	[tilespmem:v10+s31+$0x0] =	vst.idx.add.f32.msk $0xffff, v32  }
0xd4: {  	v31 =	vmul.f32 v34, v31;
	[tilespmem:v9+s24+$0x0] =	vst.idx.add.f32.msk $0xffff, v24  }
0xd5: {  	[tilespmem:v9+s25+$0x0] =	vst.idx.add.f32.msk $0xffff, v25  }
0xd6: {  	v22 =	vmul.f32 v31, v22;
	v24 =	vmul.f32 v31, v29;
	[tilespmem:v9+s26+$0x0] =	vst.idx.add.f32.msk $0xffff, v30  }
0xd7: {  	v23 =	vmul.f32 v31, v23;
	v25 =	vmul.f32 v31, v27;
	[tilespmem:v9+s31+$0x0] =	vst.idx.add.f32.msk $0xffff, v32  }
0xd8: {  	v26 =	vmul.f32 v31, v26;
	[tilespmem:v9+s24+$0x0] =	vst.idx.add.f32.msk $0xffff, v22;
	v22 =	vmul.f32 v31, v28  }
0xd9: {  	[tilespmem:v9+s25+$0x0] =	vst.idx.add.f32.msk $0xffff, v24  }
0xda: {  	[tilespmem:v9+s26+$0x0] =	vst.idx.add.f32.msk $0xffff, v23  }
0xdb: {  	[tilespmem:v9+s31+$0x0] =	vst.idx.add.f32.msk $0xffff, v31  }
0xdc: {  	[tilespmem:v8+s24+$0x0] =	vst.idx.add.f32.msk $0xffff, v25  }
0xdd: {  	[tilespmem:v8+s25+$0x0] =	vst.idx.add.f32.msk $0xffff, v22  }
0xde: {  	v11 =	vshll.u32 v11, $0x2;
	[tilespmem:v8+s26+$0x0] =	vst.idx.add.f32.msk $0xffff, v26  }
0xdf: {  	v11 =	vor.u32 v18, v11;
	[tilespmem:v8+s31+$0x0] =	vst.idx.add.f32.msk $0xffff, v31  }
0xe0: {  	[tilespmem:s28+$0x0] =	vst v11;
	v11 =	vor.u32 v0, v20;
	s28 =	smov.u32 s23  }
0xe1: {  	s5 =	sand.u32 $0x1F80, s5;
	s7 =	sand.u32 $0x70, s15;
	[tilespmem:s29+$0x0] =	vst v11;
	v11 =	vand.u32 $0x3, v12;
	s29 =	smov.u32 s22  }
0xe2: {  	s15 =	smov.u32 s4;
	s5 =	sor.u32 s7, s5;
	[tilespmem:s30+$0x0] =	vst v10;
	v10 =	vor.u32 v11, v13;
	s30 =	smov.u32 s11  }
0xe3: {  	[tilespmem:s5+$0x4800] =	vst v10;
	v10 =	vor.u32 v0, v14  }
0xe4: {  	v11 =	vadd.s32 v4, v21;
	[tilespmem:s5+$0x7800] =	vst v10  }
0xe5: {  	s4 =	sor.u32 s7, s6;
	[tilespmem:s5+$0xA800] =	vst v9  }
0xe6: {  	v9 =	vor.u32 v0, v19;
	[tilespmem:s4+$0x4800] =	vst v16  }
0xe7: {  	[tilespmem:s4+$0xA800] =	vst v8  }
0xe8: {  	[tilespmem:s4+$0x7800] =	vst v9  }
0xe9: {  	v10 =	vld.idx.msk [tilespmem:v11+s21+$0x0], $0xffff  }
0xea: {  	v8 =	vld.idx.msk [tilespmem:v17+s21+$0x0], $0xffff  }
0xeb: {  	v9 =	vld.idx.msk [tilespmem:v15+s21+$0x0], $0xffff;
	_ =	sdelay $0x3  }
.Ltmp3:
0xec: {  	v13 =	vmul.u32 $0x3, v10;
	(pc) =	sbr.rel @p1 .LBB2_4-.Ltmp3, $4  }
0xed: {  	v14 =	vmul.u32 $0x3, v8;
	vm0 =	vgt.s32 v8, v10  }
0xee: {  	v17 =	vmul.u32 $0x3, v9;
	v16 =	vadd.s32 $0x1, v13;
	v21 =	vadd.s32 $0x2, v13  }
0xef: {  	vm1 =	vgt.s32 v9, v8;
	v29 =	vadd.s32 $0x1, v14;
	v15 =	vadd.s32 $0x2, v14  }
0xf0: {  	v11 =	vsel vm1, v8, v9;
	v28 =	vadd.s32 $0x1, v17;
	v26 =	vadd.s32 $0x2, v17  }
0xf1: {  	_ =	sdelay $0x3  }
0xf2: {  	v19 =	vld.idx.msk [tilespmem:v13+s1+$0x0], $0xffff  }
0xf3: {  	v18 =	vld.idx.msk [tilespmem:v16+s1+$0x0], $0xffff  }
0xf4: {  	v16 =	vld.idx.msk [tilespmem:v14+s1+$0x0], $0xffff  }
0xf5: {  	v15 =	vld.idx.msk [tilespmem:v15+s1+$0x0], $0xffff  }
0xf6: {  	v20 =	vld.idx.msk [tilespmem:v21+s1+$0x0], $0xffff  }
0xf7: {  	v13 =	vld.idx.msk [tilespmem:v17+s1+$0x0], $0xffff  }
0xf8: {  	v14 =	vld.idx.msk [tilespmem:v28+s1+$0x0], $0xffff  }
0xf9: {  	v17 =	vld.idx.msk [tilespmem:v29+s1+$0x0], $0xffff;
	_ =	sdelay $0x1  }
0xfa: {  	v12 =	vld.idx.msk [tilespmem:v26+s1+$0x0], $0xffff  }
0xfb: {  	v45 =	vsub.f32 v16, v19;
	v22 =	vsub.f32 v15, v20  }
0xfc: {  	v23 =	vsub.f32 v13, v19;
	v24 =	vsub.f32 v13, v16  }
0xfd: {  	v25 =	vsub.f32 v14, v18;
	v27 =	vsub.f32 v17, v18  }
0xfe: {  	v28 =	vsub.f32 v14, v17;
	v23 =	vmul.f32 v23, v23;
	v21 =	vmul.f32 v45, v45  }
0xff: {  	v26 =	vsub.f32 v12, v20;
	v25 =	vmul.f32 v25, v25;
	v27 =	vmul.f32 v27, v27  }
0x100: {  	v46 =	vsub.f32 v12, v15;
	v24 =	vmul.f32 v24, v24;
	v48 =	vmul.f32 v28, v28  }
0x101: {  	v47 =	vmul.f32 v26, v26;
	v22 =	vmul.f32 v22, v22;
	v23 =	vadd.f32 v25, v23  }
0x102: {  	v49 =	vmul.f32 v46, v46;
	v21 =	vadd.f32 v27, v21;
	v24 =	vadd.f32 v48, v24  }
0x103: {  	v23 =	vadd.f32 v47, v23  }
0x104: {  	v21 =	vadd.f32 v22, v21;
	v51 =	vadd.f32 v49, v24  }
0x105: {  	v50 =	vadd.f32 $9.999999680e-21, v23  }
0x106: {  	v21 =	vadd.f32 $9.999999680e-21, v21;
	v23 =	vadd.f32 $9.999999680e-21, v51  }
0x107: {  	v52 =	vshra.s32 v50, $0x1;
	v53 =	vmul.f32 $5.000000000e-01, v50  }
0x108: {  	v54 =	vshra.s32 v21, $0x1;
	v55 =	vmul.f32 $5.000000000e-01, v21;
	v57 =	vmul.f32 $5.000000000e-01, v23  }
0x109: {  	v31 =	vshra.s32 v23, $0x1;
	v24 =	vsub.s32 $0x5F3759DF, v52;
	v26 =	vsub.s32 $0x5F3759DF, v54  }
0x10a: {  	v31 =	vsub.s32 $0x5F3759DF, v31;
	v56 =	vmul.f32 v24, v53;
	v30 =	vmul.f32 v26, v55  }
0x10b: {  	v32 =	vmul.f32 v31, v57  }
0x10c: {  	v28 =	vmul.f32 v24, v56;
	v30 =	vmul.f32 v26, v30  }
0x10d: {  	v32 =	vmul.f32 v31, v32  }
0x10e: {  	v28 =	vsub.f32 $1.500000000e+00, v28;
	v30 =	vsub.f32 $1.500000000e+00, v30  }
0x10f: {  	v58 =	vsub.f32 $1.500000000e+00, v32  }
0x110: {  	v24 =	vmul.f32 v24, v28;
	v26 =	vmul.f32 v26, v30  }
0x111: {  	v28 =	vmul.f32 v31, v58  }
0x112: {  	v59 =	vmul.f32 v24, v53;
	v60 =	vmul.f32 v26, v55  }
0x113: {  	v62 =	vmul.f32 v28, v57  }
0x114: {  	v30 =	vmul.f32 v59, v24;
	v61 =	vmul.f32 v60, v26  }
0x115: {  	v32 =	vmul.f32 v62, v28  }
0x116: {  	v30 =	vsub.f32 $1.500000000e+00, v30;
	v31 =	vsub.f32 $1.500000000e+00, v61  }
0x117: {  	v63 =	vsub.f32 $1.500000000e+00, v32  }
0x118: {  	v24 =	vmul.f32 v30, v24;
	v26 =	vmul.f32 v31, v26  }
0x119: {  	v28 =	vmul.f32 v63, v28  }
0x11a: {  	v25 =	vmul.f32 v24, v53;
	v27 =	vmul.f32 v26, v55  }
0x11b: {  	v29 =	vmul.f32 v28, v57  }
0x11c: {  	v25 =	vmul.f32 v25, v24;
	v27 =	vmul.f32 v27, v26  }
0x11d: {  	v29 =	vmul.f32 v29, v28  }
0x11e: {  	v25 =	vsub.f32 $1.500000000e+00, v25;
	v27 =	vsub.f32 $1.500000000e+00, v27  }
0x11f: {  	v31 =	vsub.f32 $1.500000000e+00, v29  }
0x120: {  	v24 =	vmul.f32 v25, v24;
	v30 =	vmul.f32 v27, v26  }
0x121: {  	v26 =	vmul.f32 v31, v28  }
0x122: {  	v24 =	vmul.f32 v24, v50;
	v25 =	vmul.f32 v30, v21;
	_ =	sdelay $0x1  }
0x123: {  	v26 =	vmul.f32 v26, v23;
	v32 =	vadd.f32 v24, v25;
	_ =	sdelay $0x1  }
0x124: {  	v27 =	vadd.f32 v32, v26;
	_ =	sdelay $0x1  }
0x125: {  	v27 =	vmul.f32 $5.000000000e-01, v27;
	_ =	sdelay $0x1  }
0x126: {  	v25 =	vsub.f32 v27, v25;
	_ =	sdelay $0x1  }
0x127: {  	v24 =	vsub.f32 v27, v24;
	v25 =	vmul.f32 v25, v27;
	_ =	sdelay $0x1  }
0x128: {  	v26 =	vsub.f32 v27, v26;
	v24 =	vmul.f32 v25, v24;
	_ =	sdelay $0x1  }
0x129: {  	v24 =	vmul.f32 v24, v26;
	_ =	sdelay $0x1  }
0x12a: {  	v24 =	vmax.f32 v24, $9.999999960e-13  }
0x12b: {  	v33 =	vshra.s32 v24, $0x1;
	v34 =	vmul.f32 $5.000000000e-01, v24  }
0x12c: {  	v25 =	vsub.s32 $0x5F3759DF, v33  }
0x12d: {  	v35 =	vmul.f32 v25, v34;
	_ =	sdelay $0x1  }
0x12e: {  	v27 =	vmul.f32 v25, v35;
	_ =	sdelay $0x1  }
0x12f: {  	v27 =	vsub.f32 $1.500000000e+00, v27;
	_ =	sdelay $0x1  }
0x130: {  	v25 =	vmul.f32 v25, v27;
	_ =	sdelay $0x1  }
0x131: {  	v27 =	vmul.f32 v25, v34;
	_ =	sdelay $0x1  }
0x132: {  	v27 =	vmul.f32 v27, v25;
	_ =	sdelay $0x1  }
0x133: {  	v27 =	vsub.f32 $1.500000000e+00, v27;
	_ =	sdelay $0x1  }
0x134: {  	v25 =	vmul.f32 v27, v25;
	_ =	sdelay $0x1  }
0x135: {  	v26 =	vmul.f32 v25, v34;
	_ =	sdelay $0x1  }
0x136: {  	v26 =	vmul.f32 v26, v25;
	_ =	sdelay $0x1  }
0x137: {  	v26 =	vsub.f32 $1.500000000e+00, v26;
	_ =	sdelay $0x1  }
0x138: {  	v25 =	vmul.f32 v26, v25;
	_ =	sdelay $0x1  }
0x139: {  	v24 =	vmul.f32 v25, v24;
	_ =	sdelay $0x1  }
0x13a: {  	(erf) = vrcp.f32 v24;
	_ =	sdelay $0x7  }
0x13b: {  	v36 =	vadd.f32 v50, v23  }
0x13c: {  	v37 =	vpop (erf)  }
0x13d: {  	v24 =	vsub.f32 v36, v21;
	v25 =	vmul.f32 $2.500000000e-01, v37;
	_ =	sdelay $0x1  }
0x13e: {  	v24 =	vmul.f32 v25, v24;
	_ =	sdelay $0x1  }
0x13f: {  	v38 =	vmul.f32 v24, v19  }
0x140: {  	v39 =	vmul.f32 v24, v18  }
0x141: {  	v40 =	vadd.f32 v21, v23;
	v41 =	vmul.f32 v24, v20;
	[tilespmem:v8+s24+$0x0] =	vst.idx.add.f32.msk $0xffff, v38  }
0x142: {  	[tilespmem:v8+s25+$0x0] =	vst.idx.add.f32.msk $0xffff, v39  }
0x143: {  	v42 =	vsub.f32 v40, v50;
	v43 =	vmul.f32 v24, v16;
	[tilespmem:v8+s26+$0x0] =	vst.idx.add.f32.msk $0xffff, v41  }
0x144: {  	v44 =	vmul.f32 v24, v17;
	[tilespmem:v8+s31+$0x0] =	vst.idx.add.f32.msk $0xffff, v24  }
0x145: {  	v26 =	vmul.f32 v25, v42;
	v45 =	vmul.f32 v24, v15;
	[tilespmem:v10+s24+$0x0] =	vst.idx.add.f32.msk $0xffff, v43  }
0x146: {  	[tilespmem:v10+s25+$0x0] =	vst.idx.add.f32.msk $0xffff, v44  }
0x147: {  	v46 =	vmul.f32 v26, v13;
	[tilespmem:v10+s26+$0x0] =	vst.idx.add.f32.msk $0xffff, v45  }
0x148: {  	v47 =	vmul.f32 v26, v14;
	[tilespmem:v10+s31+$0x0] =	vst.idx.add.f32.msk $0xffff, v24  }
0x149: {  	v21 =	vadd.f32 v50, v21;
	v48 =	vmul.f32 v26, v12;
	[tilespmem:v10+s24+$0x0] =	vst.idx.add.f32.msk $0xffff, v46  }
0x14a: {  	[tilespmem:v10+s25+$0x0] =	vst.idx.add.f32.msk $0xffff, v47  }
0x14b: {  	v21 =	vsub.f32 v21, v23;
	v19 =	vmul.f32 v26, v19;
	[tilespmem:v10+s26+$0x0] =	vst.idx.add.f32.msk $0xffff, v48  }
0x14c: {  	v18 =	vmul.f32 v26, v18;
	[tilespmem:v10+s31+$0x0] =	vst.idx.add.f32.msk $0xffff, v26  }
0x14d: {  	v21 =	vmul.f32 v25, v21;
	v20 =	vmul.f32 v26, v20;
	[tilespmem:v9+s24+$0x0] =	vst.idx.add.f32.msk $0xffff, v19  }
0x14e: {  	[tilespmem:v9+s25+$0x0] =	vst.idx.add.f32.msk $0xffff, v18  }
0x14f: {  	v16 =	vmul.f32 v21, v16;
	[tilespmem:v9+s26+$0x0] =	vst.idx.add.f32.msk $0xffff, v20  }
0x150: {  	v17 =	vmul.f32 v21, v17;
	[tilespmem:v9+s31+$0x0] =	vst.idx.add.f32.msk $0xffff, v26  }
0x151: {  	v15 =	vmul.f32 v21, v15;
	[tilespmem:v9+s24+$0x0] =	vst.idx.add.f32.msk $0xffff, v16  }
0x152: {  	[tilespmem:v9+s25+$0x0] =	vst.idx.add.f32.msk $0xffff, v17  }
0x153: {  	v13 =	vmul.f32 v21, v13;
	[tilespmem:v9+s26+$0x0] =	vst.idx.add.f32.msk $0xffff, v15  }
0x154: {  	v14 =	vmul.f32 v21, v14;
	[tilespmem:v9+s31+$0x0] =	vst.idx.add.f32.msk $0xffff, v21  }
0x155: {  	v12 =	vmul.f32 v21, v12;
	[tilespmem:v8+s24+$0x0] =	vst.idx.add.f32.msk $0xffff, v13  }
0x156: {  	v49 =	vsel vm1, v9, v8;
	[tilespmem:v8+s25+$0x0] =	vst.idx.add.f32.msk $0xffff, v14  }
0x157: {  	v11 =	vshll.u32 v11, $0x2;
	v50 =	vand.u32 $0x3, v49;
	v13 =	vshll.u32 v49, $0xE;
	[tilespmem:v8+s26+$0x0] =	vst.idx.add.f32.msk $0xffff, v12  }
0x158: {  	v11 =	vor.u32 v50, v11;
	v51 =	vadd.s32 s13, v13;
	[tilespmem:v8+s31+$0x0] =	vst.idx.add.f32.msk $0xffff, v21  }
0x159: {  	s4 =	sadd.s32 $0x1000, s13;
	v52 =	vsel vm0, v10, v8;
	v53 =	vsel vm0, v8, v10;
	v54 =	vor.u32 v0, v51;
	[tilespmem:s28+$0x0] =	vst v11  }
0x15a: {  	s6 =	sand.u32 $0x70, s15;
	s5 =	sand.u32 $0x1F80, s4;
	v55 =	vshll.u32 v52, $0x2;
	v56 =	vshll.u32 v53, $0xE;
	v57 =	vand.u32 $0x3, v53;
	[tilespmem:s29+$0x0] =	vst v54  }
0x15b: {  	vm15 =	vgt.s32 v10, v9;
	v13 =	vadd.s32 s4, v56;
	v11 =	vor.u32 v57, v55;
	s29 =	sor.u32 s6, s5;
	[tilespmem:s30+$0x0] =	vst v10  }
0x15c: {  	v58 =	vsel vm15, v9, v10;
	v59 =	vsel vm15, v10, v9;
	v60 =	vor.u32 v0, v13;
	s30 =	sadd.s32 $0x2000, s13;
	[tilespmem:s29+$0x4800] =	vst v11  }
0x15d: {  	v61 =	vand.u32 $0x3, v59;
	v12 =	vshll.u32 v58, $0x2;
	s7 =	sand.u32 $0x2F80, s30;
	[tilespmem:s29+$0x7800] =	vst v60  }
0x15e: {  	v62 =	vshll.u32 v59, $0xE;
	v63 =	vor.u32 v61, v12;
	[tilespmem:s29+$0xA800] =	vst v9;
	s6 =	sor.u32 s6, s7  }
0x15f: {  	v9 =	vadd.s32 s30, v62;
	[tilespmem:s6+$0x4800] =	vst v63  }
0x160: {  	v9 =	vor.u32 v0, v9;
	[tilespmem:s6+$0xA800] =	vst v8  }
0x161: {  	s7 =	rddreg [dreg:$0x9];
	[tilespmem:s6+$0x7800] =	vst v9  }
0x162: {  	[spmem:s7] =	stream.linear.scatter [tilespmem:s18], [sflag:$0x1], $0x200, $0x38;
	[tilespmem:$0x1B108] =	vst v63  }
0x163: {  	_ =	swait.ge [sflag:s19], $0x200  }
0x164: {  	[sflag:s19] =	ssyncset.done $0x0  }
0x165: {  	s11 =	rddreg [dreg:$0xa];
	[sflag:s19] =	ssyncadd.s32 $0xFFFFFE00  }
0x166: {  	[spmem:s11] =	stream.linear.scatter [tilespmem:s17], [sflag:$0x1], $0x200, $0x38;
	[tilespmem:$0x1B108] =	vst v63  }
0x167: {  	_ =	swait.ge [sflag:s19], $0x200  }
0x168: {  	[sflag:s19] =	ssyncset.done $0x0  }
0x169: {  	s12 =	rddreg [dreg:$0xb];
	[sflag:s19] =	ssyncadd.s32 $0xFFFFFE00  }
0x16a: {  	[spmem:s12] =	stream.linear.scatter [tilespmem:s3], [sflag:$0x1], $0x200, $0x38;
	[tilespmem:$0x1B108] =	vst v63  }
0x16b: {  	_ =	swait.ge [sflag:s19], $0x200  }
0x16c: {  	s15 =	sld [smem:$0x7EF]  }
0x16d: {  	[sflag:s19] =	ssyncset.done $0x0  }
0x16e: {  	s13 =	rddreg [dreg:$0xc];
	[sflag:s19] =	ssyncadd.s32 $0xFFFFFE00  }
0x16f: {  	[spmem:s13] =	stream.linear.scatter [tilespmem:s15], [sflag:$0x1], $0x200, $0x38;
	[tilespmem:$0x1B108] =	vst v63  }
0x170: {  	_ =	swait.ge [sflag:s19], $0x200  }
0x171: {  	s23 =	sld [smem:$0x7F0]  }
0x172: {  	[sflag:s19] =	ssyncset.done $0x0  }
0x173: {  	s22 =	rddreg [dreg:$0xd];
	[sflag:s19] =	ssyncadd.s32 $0xFFFFFE00  }
0x174: {  	[spmem:s22] =	stream.linear.scatter [tilespmem:s23], [sflag:$0x1], $0x200, $0x38;
	[tilespmem:$0x1B108] =	vst v63  }
0x175: {  	_ =	swait.ge [sflag:s19], $0x200  }
0x176: {  	s30 =	sld [smem:$0x7F1]  }
0x177: {  	[sflag:s19] =	ssyncset.done $0x0  }
0x178: {  	s29 =	rddreg [dreg:$0xe];
	[sflag:s19] =	ssyncadd.s32 $0xFFFFFE00  }
0x179: {  	[spmem:s29] =	stream.linear.scatter [tilespmem:s30], [sflag:$0x1], $0x200, $0x38;
	[tilespmem:$0x1B108] =	vst v63  }
0x17a: {  	_ =	swait.ge [sflag:s19], $0x200  }
0x17b: {  	s7 =	sld [smem:$0x7F2]  }
0x17c: {  	[sflag:s19] =	ssyncset.done $0x0  }
0x17d: {  	s6 =	rddreg [dreg:$0xf];
	[sflag:s19] =	ssyncadd.s32 $0xFFFFFE00  }
0x17e: {  	[spmem:s6] =	stream.linear.scatter [tilespmem:s7], [sflag:$0x1], $0x200, $0x38;
	[tilespmem:$0x1B108] =	vst v63  }
0x17f: {  	_ =	swait.ge [sflag:s19], $0x200  }
0x180: {  	s12 =	sld [smem:$0x7F3]  }
0x181: {  	[sflag:s19] =	ssyncset.done $0x0  }
0x182: {  	s11 =	rddreg [dreg:$0x12];
	[sflag:s19] =	ssyncadd.s32 $0xFFFFFE00  }
0x183: {  	[spmem:s11] =	stream.linear.scatter [tilespmem:s12], [sflag:$0x1], $0x200, $0x38;
	[tilespmem:$0x1B108] =	vst v63  }
0x184: {  	_ =	swait.ge [sflag:s19], $0x200  }
0x185: {  	s15 =	sld [smem:$0x7F4]  }
0x186: {  	[sflag:s19] =	ssyncset.done $0x0  }
0x187: {  	s13 =	rddreg [dreg:$0x13];
	[sflag:s19] =	ssyncadd.s32 $0xFFFFFE00  }
0x188: {  	[spmem:s13] =	stream.linear.scatter [tilespmem:s15], [sflag:$0x1], $0x200, $0x38;
	[tilespmem:$0x1B108] =	vst v63  }
0x189: {  	_ =	swait.ge [sflag:s19], $0x200  }
0x18a: {  	[sflag:s19] =	ssyncset.done $0x0  }
0x18b: {  	s22 =	rddreg [dreg:$0x10];
	[sflag:s19] =	ssyncadd.s32 $0xFFFFFE00  }
0x18c: {  	[spmem:s22] =	stream.linear.scatter [tilespmem:s24], [sflag:$0x1], $0x800, $0x38;
	[tilespmem:$0x1B108] =	vst v63  }
0x18d: {  	_ =	swait.ge [sflag:s19], $0x800  }
0x18e: {  	s23 =	sld [smem:$0x7F5]  }
0x18f: {  	[sflag:s19] =	ssyncset.done $0x0  }
0x190: {  	[sflag:s19] =	ssyncadd.s32 $0xFFFFF800  }
0x191: {  	[spmem:s23] =	stream.linear.scatter [tilespmem:s25], [sflag:$0x1], $0x800, $0x38;
	[tilespmem:$0x1B108] =	vst v63  }
0x192: {  	_ =	swait.ge [sflag:s19], $0x800  }
0x193: {  	s29 =	sld [smem:$0x7F6]  }
0x194: {  	[sflag:s19] =	ssyncset.done $0x0  }
0x195: {  	[sflag:s19] =	ssyncadd.s32 $0xFFFFF800  }
0x196: {  	[spmem:s29] =	stream.linear.scatter [tilespmem:s26], [sflag:$0x1], $0x800, $0x38;
	[tilespmem:$0x1B108] =	vst v63  }
0x197: {  	_ =	swait.ge [sflag:s19], $0x800  }
0x198: {  	s30 =	sld [smem:$0x7F7]  }
0x199: {  	[sflag:s19] =	ssyncset.done $0x0  }
0x19a: {  	[sflag:s19] =	ssyncadd.s32 $0xFFFFF800  }
0x19b: {  	[spmem:s30] =	stream.linear.scatter [tilespmem:s31], [sflag:$0x1], $0x800, $0x38;
	[tilespmem:$0x1B108] =	vst v63  }
.Ltmp4:
0x19c: {  	_ =	swait.ge [sflag:s19], $0x800;
	(pc) =	sbr.rel @p0 .LBB2_15-.Ltmp4, $4  }
0x19d: {  	[sflag:s19] =	ssyncset.done $0x0  }
0x19e: {  	s28 =	simm.s32 $0x16E80;
	[sflag:s19] =	ssyncadd.s32 $0xFFFFF800  }
0x19f: {  	s12 =	simm.s32 $0x16980;
	s13 =	simm.s32 $0x16A80;
	[bflag:$0x0] =	sbarrier.arrive $0xFFFF  }
0x1a0: {  	s15 =	simm.s32 $0x16B80;
	s22 =	simm.s32 $0x16C80;
	s23 =	simm.s32 $0x16D80  }
0x1a1: {  	s4 =	rddreg [dreg:$0x14];
	s5 =	simm.s32 $0x4800  }
0x1a2: {  	[tilespmem:s5], [sflag:$0x1] =	stream.linear.gather [spmem:s4], $0x3000, $0x38;
	[tilespmem:$0x1B108] =	vst v63  }
0x1a3: {  	_ =	swait.ge [sflag:s19], $0x3000  }
0x1a4: {  	[sflag:s19] =	ssyncset.done $0x0  }
0x1a5: {  	s30 =	simm.s32 $0x7800;
	s29 =	rddreg [dreg:$0x15];
	[sflag:s19] =	ssyncadd.s32 $0xFFFFD000  }
0x1a6: {  	[tilespmem:s30], [sflag:$0x1] =	stream.linear.gather [spmem:s29], $0x3000, $0x38;
	[tilespmem:$0x1B108] =	vst v63  }
0x1a7: {  	_ =	swait.ge [sflag:s19], $0x3000  }
0x1a8: {  	s6 =	simm.s32 $0x0;
	[sflag:s19] =	ssyncset.done $0x0  }
0x1a9: {  	s4 =	simm.s32 $0x0;
	s5 =	simm.s32 $0x40;
	[sflag:s19] =	ssyncadd.s32 $0xFFFFD000  }
.LBB2_7:
0x1aa: {  	p1 =	sne.s32 s5, $0x7FC0;
	[tilespmem:s6+$0x12880] =	vst v5;
	s6 =	smov.u32 s5;
	s5 =	sadd.s32 $0x40, s5  }
.Ltmp5:
0x1ab: {  	(pc) =	sbr.rel @p1 .LBB2_7-.Ltmp5, $2  }
0x1ac: {  	_ =	sdelay $0x2  }
0x1ad: {  	s6 =	sshra.s32 s6, $0x2  }
0x1ae: {  	[tilespmem:s6+$0x12880] =	vst v5  }
.LBB2_9:
0x1af: {  	s5 =	sshra.s32 s4, $0x2  }
0x1b0: {  	v8 =	vld [tilespmem:s5+$0x4800];
	_ =	sdelay $0x2  }
0x1b1: {  	p1 =	sne.s32 s4, $0xBFC0  }
.Ltmp6:
0x1b2: {  	_ = 	snop;
	(pc) =	sbr.rel @p1 .LBB2_9-.Ltmp6, $2  }
0x1b3: {  	_ =	sdelay $0x2  }
0x1b4: {  	s4 =	sadd.s32 $0x40, s4;
	[tilespmem:v8+s14+$0x0] =	vst.idx.add.s32.msk $0xffff, v6  }
0x1b5: {  	s4 =	simm.s32 $0x0  }
0x1b6: {  	v8 =	vld [tilespmem:s4+$0x12880];
	_ =	sdelay $0x4  }
0x1b7: {  	(xrf0) =	vadd.scan.msk.s32 $0xffff, v8;
	_ =	sdelay $0x5  }
0x1b8: {  	v9, _, _ =	vpop (xrf0)  }
0x1b9: {  	v10 =	vxor.u32 $0x80000000, v9  }
0x1ba: {  	(xrf0) =	vmax.scan.msk.u32 $0xffff, v10;
	_ =	sdelay $0x3  }
0x1bb: {  	s5 =	simm.s32 $0x0;
	v8 =	vsub.s32 v9, v8  }
0x1bc: {  	v8 =	vadd.s32 s5, v8  }
0x1bd: {  	s11 =	simm.s32 $0x10;
	s6 =	simm.s32 $0x80;
	[tilespmem:s4+$0x12880] =	vst v8;
	v9, _, _ =	vpop (xrf0)  }
.LBB2_11:
0x1be: {  	p1 =	sne.s32 s6, $0x7FC0;
	v10 =	vld [tilespmem:s11+$0x12880];
	[tilespmem:s4+$0x10800] =	vst v8;
	(v2sf) =	vpush v9, $0xF;
	s4 =	smov.u32 s11;
	_ =	sdelay $0x4  }
0x1bf: {  	(xrf0) =	vadd.scan.msk.s32 $0xffff, v10;
	_ =	sdelay $0x5  }
0x1c0: {  	v8, _, _ =	vpop (xrf0)  }
0x1c1: {  	v9 =	vsub.s32 v8, v10;
	v8 =	vxor.u32 $0x80000000, v8  }
0x1c2: {  	(xrf0) =	vmax.scan.msk.u32 $0xffff, v8;
	_ =	sdelay $0x1  }
.Ltmp7:
0x1c3: {  	s7 =	spop (v2sf);
	(pc) =	sbr.rel @p1 .LBB2_11-.Ltmp7, $4  }
0x1c4: {  	s5 =	sadd.s32 s7, s5  }
0x1c5: {  	s5 =	sadd.s32 $0x80000000, s5  }
0x1c6: {  	v8 =	vadd.s32 s5, v9  }
0x1c7: {  	s11 =	sshra.s32 s6, $0x2;
	s6 =	sadd.s32 $0x40, s6;
	[tilespmem:s4+$0x12880] =	vst v8;
	v9, _, _ =	vpop (xrf0)  }
0x1c8: {  	v10 =	vld [tilespmem:s11+$0x12880];
	_ =	sdelay $0x4  }
0x1c9: {  	(xrf0) =	vadd.scan.msk.s32 $0xffff, v10;
	_ =	sdelay $0x5  }
0x1ca: {  	v11, _, _ =	vpop (xrf0)  }
0x1cb: {  	v12 =	vxor.u32 $0x80000000, v11  }
0x1cc: {  	(v2sf) =	vpush v9, $0xF;
	(xrf0) =	vmax.scan.msk.u32 $0xffff, v12;
	_ =	sdelay $0x5  }
0x1cd: {  	v9, _, _ =	vpop (xrf0)  }
0x1ce: {  	(v2sf) =	vpush v9, $0xF;
	_ =	sdelay $0x7  }
0x1cf: {  	s6 =	spop (v2sf)  }
0x1d0: {  	s5 =	sadd.s32 s6, s5  }
0x1d1: {  	s5 =	sadd.s32 $0x80000000, s5;
	v9 =	vsub.s32 v11, v10  }
0x1d2: {  	[tilespmem:s4+$0x10800] =	vst v8;
	v8 =	vadd.s32 s5, v9  }
0x1d3: {  	[tilespmem:s11+$0x12880] =	vst v8  }
0x1d4: {  	[tilespmem:s11+$0x10800] =	vst v8  }
0x1d5: {  	s5 =	simm.s32 $0x0;
	[tilespmem:$0x12800] =	vst v7  }
0x1d6: {  	s4 =	simm.s32 $0x40;
	v8 =	vld [tilespmem:s5+$0x4800];
	s30 =	spop (v2sf)  }
.LBB2_13:
0x1d7: {  	p1 =	sne.s32 s4, $0xBFC0;
	_ =	sdelay $0x3  }
0x1d8: {  	(xrf1) =	vunique.msk.u32 $0xffff, v8;
	_ =	sdelay $0x8  }
0x1d9: {  	v9 =	vld.idx.msk [tilespmem:v8+s14+$0x0], $0xffff;
	_ =	sdelay $0x4  }
0x1da: {  	_, v10, vm0 =	vpop (xrf1)  }
0x1db: {  	v9 =	vadd.s32 v9, v10  }
0x1dc: {  	v11 =	vld [tilespmem:s5+$0x7800];
	v9 =	vadd.s32 $0xFFFFFFFF, v9;
	_ =	sdelay $0x2  }
.Ltmp8:
0x1dd: {  	(pc) =	sbr.rel @p1 .LBB2_13-.Ltmp8, $4  }
0x1de: {  	_ = 	snop  }
0x1df: {  	[tilespmem:v9+s0+$0x0] =	vst.idx.msk $0xffff, v11;
	v9 =	vnsel vm0, $0x0, v10  }
0x1e0: {  	s5 =	sshra.s32 s4, $0x2;
	[tilespmem:v8+s14+$0x0] =	vst.idx.add.s32.msk $0xffff, v9  }
0x1e1: {  	s4 =	sadd.s32 $0x40, s4;
	v8 =	vld [tilespmem:s5+$0x4800]  }
0x1e2: {  	_ =	sdelay $0x3  }
0x1e3: {  	(xrf1) =	vunique.msk.u32 $0xffff, v8;
	_ =	sdelay $0x9  }
0x1e4: {  	v9 =	vld.idx.msk [tilespmem:v8+s14+$0x0], $0xffff;
	_ =	sdelay $0x3  }
0x1e5: {  	_, v10, vm0 =	vpop (xrf1)  }
0x1e6: {  	v9 =	vadd.s32 v9, v10  }
0x1e7: {  	v11 =	vld [tilespmem:s5+$0x7800];
	v9 =	vadd.s32 $0xFFFFFFFF, v9;
	_ =	sdelay $0x4  }
0x1e8: {  	v63 =	vnsel vm0, $0x0, v10;
	[tilespmem:v9+s0+$0x0] =	vst.idx.msk $0xffff, v11  }
0x1e9: {  	s4 =	rddreg [dreg:$0x16];
	[tilespmem:v8+s14+$0x0] =	vst.idx.add.s32.msk $0xffff, v63  }
0x1ea: {  	[spmem:s4] =	stream.linear.scatter [tilespmem:s0], [sflag:$0x1], $0x3000, $0x38;
	[tilespmem:$0x1B108] =	vst v63  }
0x1eb: {  	_ =	swait.ge [sflag:s19], $0x3000  }
0x1ec: {  	[sflag:s19] =	ssyncset.done $0x0  }
0x1ed: {  	s30 =	rddreg [dreg:$0x11];
	[sflag:s19] =	ssyncadd.s32 $0xFFFFD000  }
0x1ee: {  	[spmem:s30] =	stream.linear.scatter [tilespmem:s16], [sflag:$0x1], $0x2010, $0x38;
	[tilespmem:$0x1B108] =	vst v63  }
0x1ef: {  	_ =	swait.ge [sflag:s19], $0x2010  }
0x1f0: {  	[sflag:s19] =	ssyncset.done $0x0  }
0x1f1: {  	[sflag:s19] =	ssyncadd.s32 $0xFFFFDFF0  }
.LBB2_15:
0x1f2: {  	s4 =	simm.s32 $0x16880;
	s5 =	rddreg [dreg:$0x19]  }
0x1f3: {  	[tilespmem:s4], [sflag:$0x1] =	stream.linear.gather [spmem:s5], $0x100, $0x38;
	[tilespmem:$0x1B108] =	vst v63  }
0x1f4: {  	_ =	swait.ge [sflag:s19], $0x100  }
0x1f5: {  	[sflag:s19] =	ssyncset.done $0x0  }
0x1f6: {  	s7 =	rddreg [dreg:$0x1b];
	[sflag:s19] =	ssyncadd.s32 $0xFFFFFF00  }
0x1f7: {  	[tilespmem:s12], [sflag:$0x1] =	stream.linear.gather [spmem:s7], $0x100, $0x38;
	[tilespmem:$0x1B108] =	vst v63  }
0x1f8: {  	_ =	swait.ge [sflag:s19], $0x100  }
0x1f9: {  	[sflag:s19] =	ssyncset.done $0x0  }
0x1fa: {  	s11 =	rddreg [dreg:$0x1c];
	[sflag:s19] =	ssyncadd.s32 $0xFFFFFF00  }
0x1fb: {  	[tilespmem:s13], [sflag:$0x1] =	stream.linear.gather [spmem:s11], $0x100, $0x38;
	[tilespmem:$0x1B108] =	vst v63  }
0x1fc: {  	_ =	swait.ge [sflag:s19], $0x100  }
0x1fd: {  	[sflag:s19] =	ssyncset.done $0x0  }
0x1fe: {  	s29 =	rddreg [dreg:$0x1d];
	[sflag:s19] =	ssyncadd.s32 $0xFFFFFF00  }
0x1ff: {  	[tilespmem:s15], [sflag:$0x1] =	stream.linear.gather [spmem:s29], $0x100, $0x38;
	[tilespmem:$0x1B108] =	vst v63  }
0x200: {  	_ =	swait.ge [sflag:s19], $0x100  }
0x201: {  	[sflag:s19] =	ssyncset.done $0x0  }
0x202: {  	s30 =	rddreg [dreg:$0x1e];
	[sflag:s19] =	ssyncadd.s32 $0xFFFFFF00  }
0x203: {  	[tilespmem:s22], [sflag:$0x1] =	stream.linear.gather [spmem:s30], $0x100, $0x38;
	[tilespmem:$0x1B108] =	vst v63  }
0x204: {  	_ =	swait.ge [sflag:s19], $0x100  }
0x205: {  	[sflag:s19] =	ssyncset.done $0x0  }
0x206: {  	s6 =	rddreg [dreg:$0x1f];
	[sflag:s19] =	ssyncadd.s32 $0xFFFFFF00  }
0x207: {  	[tilespmem:s23], [sflag:$0x1] =	stream.linear.gather [spmem:s6], $0x100, $0x38;
	[tilespmem:$0x1B108] =	vst v63  }
0x208: {  	_ =	swait.ge [sflag:s19], $0x100  }
0x209: {  	s7 =	sld [smem:$0x7DA]  }
0x20a: {  	[sflag:s19] =	ssyncset.done $0x0  }
0x20b: {  	[sflag:s19] =	ssyncadd.s32 $0xFFFFFF00  }
0x20c: {  	[tilespmem:s28], [sflag:$0x1] =	stream.linear.gather [spmem:s7], $0x100, $0x38;
	[tilespmem:$0x1B108] =	vst v63  }
0x20d: {  	_ =	swait.ge [sflag:s19], $0x100  }
0x20e: {  	[sflag:s19] =	ssyncset.done $0x0  }
0x20f: {  	s11 =	rddreg [dreg:$0x1a];
	[sflag:s19] =	ssyncadd.s32 $0xFFFFFF00  }
0x210: {  	[tilespmem:s8], [sflag:$0x1] =	stream.linear.gather [spmem:s11], $0x100, $0x38;
	[tilespmem:$0x1B108] =	vst v63  }
0x211: {  	_ =	swait.ge [sflag:s19], $0x100  }
0x212: {  	s29 =	simm.s32 $0x0;
	[sflag:s19] =	ssyncset.done $0x0  }
0x213: {  	s5 =	sand.u32 $0xF0, s29;
	[sflag:s19] =	ssyncadd.s32 $0xFFFFFF00  }
0x214: {  	v8 =	vld [tilespmem:s5+$0x16980]  }
0x215: {  	v9 =	vld [tilespmem:s4+$0x0];
	_ =	sdelay $0x1  }
0x216: {  	v10 =	vld [tilespmem:s5+$0x16A80];
	_ =	sdelay $0x1  }
0x217: {  	v11 =	vld [tilespmem:s5+$0x16B80]  }
0x218: {  	v8 =	vadd.f32 v8, v9  }
0x219: {  	v9 =	vld [tilespmem:s5+$0x16C80]  }
0x21a: {  	v8 =	vadd.f32 v10, v8  }
0x21b: {  	v10 =	vld [tilespmem:s5+$0x16D80]  }
0x21c: {  	v8 =	vadd.f32 v11, v8  }
0x21d: {  	v11 =	vld [tilespmem:s5+$0x16E80]  }
0x21e: {  	v8 =	vadd.f32 v9, v8  }
0x21f: {  	v9 =	vld [tilespmem:s5+$0x16F80]  }
0x220: {  	v8 =	vadd.f32 v10, v8;
	_ =	sdelay $0x1  }
0x221: {  	v8 =	vadd.f32 v11, v8;
	_ =	sdelay $0x1  }
0x222: {  	v8 =	vadd.f32 v9, v8  }
0x223: {  	s30 =	simm.s32 $0x10;
	s4 =	simm.s32 $0x17080  }
0x224: {  	s5 =	sand.u32 $0xF0, s30;
	[tilespmem:s4+$0x0] =	vst v8  }
0x225: {  	s6 =	simm.s32 $0x16890;
	s11 =	simm.s32 $0x20;
	v8 =	vld [tilespmem:s5+$0x16980]  }
.LBB2_16:
0x226: {  	p1 =	sne.s32 s11, $0xF0;
	v9 =	vld [tilespmem:s6+$0x0];
	_ =	sdelay $0x1  }
0x227: {  	v10 =	vld [tilespmem:s5+$0x16A80];
	_ =	sdelay $0x1  }
0x228: {  	v11 =	vld [tilespmem:s5+$0x16B80]  }
0x229: {  	v8 =	vadd.f32 v8, v9  }
0x22a: {  	v9 =	vld [tilespmem:s5+$0x16C80]  }
0x22b: {  	v8 =	vadd.f32 v10, v8  }
0x22c: {  	v10 =	vld [tilespmem:s5+$0x16D80]  }
0x22d: {  	v8 =	vadd.f32 v11, v8  }
0x22e: {  	v11 =	vld [tilespmem:s5+$0x16E80]  }
0x22f: {  	v8 =	vadd.f32 v9, v8  }
0x230: {  	v9 =	vld [tilespmem:s5+$0x16F80]  }
0x231: {  	v8 =	vadd.f32 v10, v8;
	_ =	sdelay $0x1  }
0x232: {  	v8 =	vadd.f32 v11, v8  }
.Ltmp9:
0x233: {  	(pc) =	sbr.rel @p1 .LBB2_16-.Ltmp9, $4  }
0x234: {  	v8 =	vadd.f32 v9, v8  }
0x235: {  	s4 =	sadd.s32 $0x10, s4  }
0x236: {  	s5 =	sand.u32 $0xF0, s11;
	[tilespmem:s4+$0x0] =	vst v8  }
0x237: {  	s6 =	sadd.s32 $0x10, s6;
	s11 =	sadd.s32 $0x10, s11;
	v8 =	vld [tilespmem:s5+$0x16980]  }
0x238: {  	v9 =	vld [tilespmem:s6+$0x0];
	_ =	sdelay $0x1  }
0x239: {  	v10 =	vld [tilespmem:s5+$0x16A80];
	_ =	sdelay $0x1  }
0x23a: {  	v11 =	vld [tilespmem:s5+$0x16B80]  }
0x23b: {  	v8 =	vadd.f32 v8, v9  }
0x23c: {  	v9 =	vld [tilespmem:s5+$0x16C80]  }
0x23d: {  	v8 =	vadd.f32 v10, v8  }
0x23e: {  	v10 =	vld [tilespmem:s5+$0x16D80]  }
0x23f: {  	v8 =	vadd.f32 v11, v8  }
0x240: {  	v11 =	vld [tilespmem:s5+$0x16E80]  }
0x241: {  	v8 =	vadd.f32 v9, v8  }
0x242: {  	v9 =	vld [tilespmem:s5+$0x16F80]  }
0x243: {  	v8 =	vadd.f32 v10, v8;
	_ =	sdelay $0x1  }
0x244: {  	v8 =	vadd.f32 v11, v8;
	_ =	sdelay $0x1  }
0x245: {  	s6 =	sld [smem:$0x7F8];
	v8 =	vadd.f32 v9, v8  }
0x246: {  	s4 =	sadd.s32 $0x10, s4  }
0x247: {  	[tilespmem:s4+$0x0] =	vst v8;
	s4 =	simm.s32 $0x16880  }
0x248: {  	[tilespmem:s4], [sflag:$0x1] =	stream.linear.gather [spmem:s6], $0x100, $0x38;
	[tilespmem:$0x1B108] =	vst v63  }
0x249: {  	_ =	swait.ge [sflag:s19], $0x100  }
0x24a: {  	s7 =	sld [smem:$0x7DB]  }
0x24b: {  	[sflag:s19] =	ssyncset.done $0x0  }
0x24c: {  	[sflag:s19] =	ssyncadd.s32 $0xFFFFFF00  }
0x24d: {  	[tilespmem:s12], [sflag:$0x1] =	stream.linear.gather [spmem:s7], $0x100, $0x38;
	[tilespmem:$0x1B108] =	vst v63  }
0x24e: {  	_ =	swait.ge [sflag:s19], $0x100  }
0x24f: {  	s11 =	sld [smem:$0x7DC]  }
0x250: {  	[sflag:s19] =	ssyncset.done $0x0  }
0x251: {  	[sflag:s19] =	ssyncadd.s32 $0xFFFFFF00  }
0x252: {  	[tilespmem:s13], [sflag:$0x1] =	stream.linear.gather [spmem:s11], $0x100, $0x38;
	[tilespmem:$0x1B108] =	vst v63  }
0x253: {  	_ =	swait.ge [sflag:s19], $0x100  }
0x254: {  	s29 =	sld [smem:$0x7DD]  }
0x255: {  	[sflag:s19] =	ssyncset.done $0x0  }
0x256: {  	[sflag:s19] =	ssyncadd.s32 $0xFFFFFF00  }
0x257: {  	[tilespmem:s15], [sflag:$0x1] =	stream.linear.gather [spmem:s29], $0x100, $0x38;
	[tilespmem:$0x1B108] =	vst v63  }
0x258: {  	_ =	swait.ge [sflag:s19], $0x100  }
0x259: {  	s30 =	sld [smem:$0x7DE]  }
0x25a: {  	[sflag:s19] =	ssyncset.done $0x0  }
0x25b: {  	[sflag:s19] =	ssyncadd.s32 $0xFFFFFF00  }
0x25c: {  	[tilespmem:s22], [sflag:$0x1] =	stream.linear.gather [spmem:s30], $0x100, $0x38;
	[tilespmem:$0x1B108] =	vst v63  }
0x25d: {  	_ =	swait.ge [sflag:s19], $0x100  }
0x25e: {  	s6 =	sld [smem:$0x7DF]  }
0x25f: {  	[sflag:s19] =	ssyncset.done $0x0  }
0x260: {  	[sflag:s19] =	ssyncadd.s32 $0xFFFFFF00  }
0x261: {  	[tilespmem:s23], [sflag:$0x1] =	stream.linear.gather [spmem:s6], $0x100, $0x38;
	[tilespmem:$0x1B108] =	vst v63  }
0x262: {  	_ =	swait.ge [sflag:s19], $0x100  }
0x263: {  	s7 =	sld [smem:$0x7E0]  }
0x264: {  	[sflag:s19] =	ssyncset.done $0x0  }
0x265: {  	[sflag:s19] =	ssyncadd.s32 $0xFFFFFF00  }
0x266: {  	[tilespmem:s28], [sflag:$0x1] =	stream.linear.gather [spmem:s7], $0x100, $0x38;
	[tilespmem:$0x1B108] =	vst v63  }
0x267: {  	_ =	swait.ge [sflag:s19], $0x100  }
0x268: {  	s11 =	sld [smem:$0x7F9]  }
0x269: {  	[sflag:s19] =	ssyncset.done $0x0  }
0x26a: {  	[sflag:s19] =	ssyncadd.s32 $0xFFFFFF00  }
0x26b: {  	[tilespmem:s8], [sflag:$0x1] =	stream.linear.gather [spmem:s11], $0x100, $0x38;
	[tilespmem:$0x1B108] =	vst v63  }
0x26c: {  	_ =	swait.ge [sflag:s19], $0x100  }
0x26d: {  	s29 =	simm.s32 $0x0;
	[sflag:s19] =	ssyncset.done $0x0  }
0x26e: {  	s5 =	sand.u32 $0xF0, s29;
	[sflag:s19] =	ssyncadd.s32 $0xFFFFFF00  }
0x26f: {  	v8 =	vld [tilespmem:s5+$0x16980]  }
0x270: {  	v9 =	vld [tilespmem:s4+$0x0];
	_ =	sdelay $0x1  }
0x271: {  	v10 =	vld [tilespmem:s5+$0x16A80];
	_ =	sdelay $0x1  }
0x272: {  	v11 =	vld [tilespmem:s5+$0x16B80]  }
0x273: {  	v8 =	vadd.f32 v8, v9  }
0x274: {  	v9 =	vld [tilespmem:s5+$0x16C80]  }
0x275: {  	v8 =	vadd.f32 v10, v8  }
0x276: {  	v10 =	vld [tilespmem:s5+$0x16D80]  }
0x277: {  	v8 =	vadd.f32 v11, v8  }
0x278: {  	v11 =	vld [tilespmem:s5+$0x16E80]  }
0x279: {  	v8 =	vadd.f32 v9, v8  }
0x27a: {  	v9 =	vld [tilespmem:s5+$0x16F80]  }
0x27b: {  	v8 =	vadd.f32 v10, v8;
	_ =	sdelay $0x1  }
0x27c: {  	v8 =	vadd.f32 v11, v8;
	_ =	sdelay $0x1  }
0x27d: {  	v8 =	vadd.f32 v9, v8  }
0x27e: {  	s30 =	simm.s32 $0x10;
	s4 =	simm.s32 $0x17180  }
0x27f: {  	s5 =	sand.u32 $0xF0, s30;
	[tilespmem:s4+$0x0] =	vst v8  }
0x280: {  	s6 =	simm.s32 $0x16890;
	s11 =	simm.s32 $0x20;
	v8 =	vld [tilespmem:s5+$0x16980]  }
.LBB2_18:
0x281: {  	p1 =	sne.s32 s11, $0xF0;
	v9 =	vld [tilespmem:s6+$0x0];
	_ =	sdelay $0x1  }
0x282: {  	v10 =	vld [tilespmem:s5+$0x16A80];
	_ =	sdelay $0x1  }
0x283: {  	v11 =	vld [tilespmem:s5+$0x16B80]  }
0x284: {  	v8 =	vadd.f32 v8, v9  }
0x285: {  	v9 =	vld [tilespmem:s5+$0x16C80]  }
0x286: {  	v8 =	vadd.f32 v10, v8  }
0x287: {  	v10 =	vld [tilespmem:s5+$0x16D80]  }
0x288: {  	v8 =	vadd.f32 v11, v8  }
0x289: {  	v11 =	vld [tilespmem:s5+$0x16E80]  }
0x28a: {  	v8 =	vadd.f32 v9, v8  }
0x28b: {  	v9 =	vld [tilespmem:s5+$0x16F80]  }
0x28c: {  	v8 =	vadd.f32 v10, v8;
	_ =	sdelay $0x1  }
0x28d: {  	v8 =	vadd.f32 v11, v8  }
.Ltmp10:
0x28e: {  	(pc) =	sbr.rel @p1 .LBB2_18-.Ltmp10, $4  }
0x28f: {  	v8 =	vadd.f32 v9, v8  }
0x290: {  	s4 =	sadd.s32 $0x10, s4  }
0x291: {  	s5 =	sand.u32 $0xF0, s11;
	[tilespmem:s4+$0x0] =	vst v8  }
0x292: {  	s6 =	sadd.s32 $0x10, s6;
	s11 =	sadd.s32 $0x10, s11;
	v8 =	vld [tilespmem:s5+$0x16980]  }
0x293: {  	v9 =	vld [tilespmem:s6+$0x0];
	_ =	sdelay $0x1  }
0x294: {  	v10 =	vld [tilespmem:s5+$0x16A80];
	_ =	sdelay $0x1  }
0x295: {  	v11 =	vld [tilespmem:s5+$0x16B80]  }
0x296: {  	v8 =	vadd.f32 v8, v9  }
0x297: {  	v9 =	vld [tilespmem:s5+$0x16C80]  }
0x298: {  	v8 =	vadd.f32 v10, v8  }
0x299: {  	v10 =	vld [tilespmem:s5+$0x16D80]  }
0x29a: {  	v8 =	vadd.f32 v11, v8  }
0x29b: {  	v11 =	vld [tilespmem:s5+$0x16E80]  }
0x29c: {  	v8 =	vadd.f32 v9, v8  }
0x29d: {  	v9 =	vld [tilespmem:s5+$0x16F80]  }
0x29e: {  	v8 =	vadd.f32 v10, v8;
	_ =	sdelay $0x1  }
0x29f: {  	v8 =	vadd.f32 v11, v8;
	_ =	sdelay $0x1  }
0x2a0: {  	s6 =	sld [smem:$0x7FA];
	v8 =	vadd.f32 v9, v8  }
0x2a1: {  	s4 =	sadd.s32 $0x10, s4  }
0x2a2: {  	[tilespmem:s4+$0x0] =	vst v8;
	s4 =	simm.s32 $0x16880  }
0x2a3: {  	[tilespmem:s4], [sflag:$0x1] =	stream.linear.gather [spmem:s6], $0x100, $0x38;
	[tilespmem:$0x1B108] =	vst v63  }
0x2a4: {  	_ =	swait.ge [sflag:s19], $0x100  }
0x2a5: {  	s7 =	sld [smem:$0x7E1]  }
0x2a6: {  	[sflag:s19] =	ssyncset.done $0x0  }
0x2a7: {  	[sflag:s19] =	ssyncadd.s32 $0xFFFFFF00  }
0x2a8: {  	[tilespmem:s12], [sflag:$0x1] =	stream.linear.gather [spmem:s7], $0x100, $0x38;
	[tilespmem:$0x1B108] =	vst v63  }
0x2a9: {  	_ =	swait.ge [sflag:s19], $0x100  }
0x2aa: {  	s11 =	sld [smem:$0x7E2]  }
0x2ab: {  	[sflag:s19] =	ssyncset.done $0x0  }
0x2ac: {  	[sflag:s19] =	ssyncadd.s32 $0xFFFFFF00  }
0x2ad: {  	[tilespmem:s13], [sflag:$0x1] =	stream.linear.gather [spmem:s11], $0x100, $0x38;
	[tilespmem:$0x1B108] =	vst v63  }
0x2ae: {  	_ =	swait.ge [sflag:s19], $0x100  }
0x2af: {  	s29 =	sld [smem:$0x7E3]  }
0x2b0: {  	[sflag:s19] =	ssyncset.done $0x0  }
0x2b1: {  	[sflag:s19] =	ssyncadd.s32 $0xFFFFFF00  }
0x2b2: {  	[tilespmem:s15], [sflag:$0x1] =	stream.linear.gather [spmem:s29], $0x100, $0x38;
	[tilespmem:$0x1B108] =	vst v63  }
0x2b3: {  	_ =	swait.ge [sflag:s19], $0x100  }
0x2b4: {  	s30 =	sld [smem:$0x7E4]  }
0x2b5: {  	[sflag:s19] =	ssyncset.done $0x0  }
0x2b6: {  	[sflag:s19] =	ssyncadd.s32 $0xFFFFFF00  }
0x2b7: {  	[tilespmem:s22], [sflag:$0x1] =	stream.linear.gather [spmem:s30], $0x100, $0x38;
	[tilespmem:$0x1B108] =	vst v63  }
0x2b8: {  	_ =	swait.ge [sflag:s19], $0x100  }
0x2b9: {  	s6 =	sld [smem:$0x7E5]  }
0x2ba: {  	[sflag:s19] =	ssyncset.done $0x0  }
0x2bb: {  	[sflag:s19] =	ssyncadd.s32 $0xFFFFFF00  }
0x2bc: {  	[tilespmem:s23], [sflag:$0x1] =	stream.linear.gather [spmem:s6], $0x100, $0x38;
	[tilespmem:$0x1B108] =	vst v63  }
0x2bd: {  	_ =	swait.ge [sflag:s19], $0x100  }
0x2be: {  	s7 =	sld [smem:$0x7E6]  }
0x2bf: {  	[sflag:s19] =	ssyncset.done $0x0  }
0x2c0: {  	[sflag:s19] =	ssyncadd.s32 $0xFFFFFF00  }
0x2c1: {  	[tilespmem:s28], [sflag:$0x1] =	stream.linear.gather [spmem:s7], $0x100, $0x38;
	[tilespmem:$0x1B108] =	vst v63  }
0x2c2: {  	_ =	swait.ge [sflag:s19], $0x100  }
0x2c3: {  	s11 =	sld [smem:$0x7FB]  }
0x2c4: {  	[sflag:s19] =	ssyncset.done $0x0  }
0x2c5: {  	[sflag:s19] =	ssyncadd.s32 $0xFFFFFF00  }
0x2c6: {  	[tilespmem:s8], [sflag:$0x1] =	stream.linear.gather [spmem:s11], $0x100, $0x38;
	[tilespmem:$0x1B108] =	vst v63  }
0x2c7: {  	_ =	swait.ge [sflag:s19], $0x100  }
0x2c8: {  	s29 =	simm.s32 $0x0;
	[sflag:s19] =	ssyncset.done $0x0  }
0x2c9: {  	s5 =	sand.u32 $0xF0, s29;
	[sflag:s19] =	ssyncadd.s32 $0xFFFFFF00  }
0x2ca: {  	v8 =	vld [tilespmem:s5+$0x16980]  }
0x2cb: {  	v9 =	vld [tilespmem:s4+$0x0];
	_ =	sdelay $0x1  }
0x2cc: {  	v10 =	vld [tilespmem:s5+$0x16A80];
	_ =	sdelay $0x1  }
0x2cd: {  	v11 =	vld [tilespmem:s5+$0x16B80]  }
0x2ce: {  	v8 =	vadd.f32 v8, v9  }
0x2cf: {  	v9 =	vld [tilespmem:s5+$0x16C80]  }
0x2d0: {  	v8 =	vadd.f32 v10, v8  }
0x2d1: {  	v10 =	vld [tilespmem:s5+$0x16D80]  }
0x2d2: {  	v8 =	vadd.f32 v11, v8  }
0x2d3: {  	v11 =	vld [tilespmem:s5+$0x16E80]  }
0x2d4: {  	v8 =	vadd.f32 v9, v8  }
0x2d5: {  	v9 =	vld [tilespmem:s5+$0x16F80]  }
0x2d6: {  	v8 =	vadd.f32 v10, v8;
	_ =	sdelay $0x1  }
0x2d7: {  	v8 =	vadd.f32 v11, v8;
	_ =	sdelay $0x1  }
0x2d8: {  	v8 =	vadd.f32 v9, v8  }
0x2d9: {  	s30 =	simm.s32 $0x10;
	s4 =	simm.s32 $0x17280  }
0x2da: {  	s5 =	sand.u32 $0xF0, s30;
	[tilespmem:s4+$0x0] =	vst v8  }
0x2db: {  	s6 =	simm.s32 $0x16890;
	s11 =	simm.s32 $0x20;
	v8 =	vld [tilespmem:s5+$0x16980]  }
.LBB2_20:
0x2dc: {  	p1 =	sne.s32 s11, $0xF0;
	v9 =	vld [tilespmem:s6+$0x0];
	_ =	sdelay $0x1  }
0x2dd: {  	v10 =	vld [tilespmem:s5+$0x16A80];
	_ =	sdelay $0x1  }
0x2de: {  	v11 =	vld [tilespmem:s5+$0x16B80]  }
0x2df: {  	v8 =	vadd.f32 v8, v9  }
0x2e0: {  	v9 =	vld [tilespmem:s5+$0x16C80]  }
0x2e1: {  	v8 =	vadd.f32 v10, v8  }
0x2e2: {  	v10 =	vld [tilespmem:s5+$0x16D80]  }
0x2e3: {  	v8 =	vadd.f32 v11, v8  }
0x2e4: {  	v11 =	vld [tilespmem:s5+$0x16E80]  }
0x2e5: {  	v8 =	vadd.f32 v9, v8  }
0x2e6: {  	v9 =	vld [tilespmem:s5+$0x16F80]  }
0x2e7: {  	v8 =	vadd.f32 v10, v8;
	_ =	sdelay $0x1  }
0x2e8: {  	v8 =	vadd.f32 v11, v8  }
.Ltmp11:
0x2e9: {  	(pc) =	sbr.rel @p1 .LBB2_20-.Ltmp11, $4  }
0x2ea: {  	v8 =	vadd.f32 v9, v8  }
0x2eb: {  	s4 =	sadd.s32 $0x10, s4  }
0x2ec: {  	s5 =	sand.u32 $0xF0, s11;
	[tilespmem:s4+$0x0] =	vst v8  }
0x2ed: {  	s6 =	sadd.s32 $0x10, s6;
	s11 =	sadd.s32 $0x10, s11;
	v8 =	vld [tilespmem:s5+$0x16980]  }
0x2ee: {  	v9 =	vld [tilespmem:s6+$0x0];
	_ =	sdelay $0x1  }
0x2ef: {  	v10 =	vld [tilespmem:s5+$0x16A80];
	_ =	sdelay $0x1  }
0x2f0: {  	v11 =	vld [tilespmem:s5+$0x16B80]  }
0x2f1: {  	v8 =	vadd.f32 v8, v9  }
0x2f2: {  	v9 =	vld [tilespmem:s5+$0x16C80]  }
0x2f3: {  	v8 =	vadd.f32 v10, v8  }
0x2f4: {  	v10 =	vld [tilespmem:s5+$0x16D80]  }
0x2f5: {  	v8 =	vadd.f32 v11, v8  }
0x2f6: {  	v11 =	vld [tilespmem:s5+$0x16E80]  }
0x2f7: {  	v8 =	vadd.f32 v9, v8  }
0x2f8: {  	v9 =	vld [tilespmem:s5+$0x16F80]  }
0x2f9: {  	v8 =	vadd.f32 v10, v8;
	_ =	sdelay $0x1  }
0x2fa: {  	v8 =	vadd.f32 v11, v8;
	_ =	sdelay $0x1  }
0x2fb: {  	s7 =	sld [smem:$0x7FC];
	v8 =	vadd.f32 v9, v8  }
0x2fc: {  	s4 =	sadd.s32 $0x10, s4  }
0x2fd: {  	s6 =	simm.s32 $0x16880;
	[tilespmem:s4+$0x0] =	vst v8  }
0x2fe: {  	[tilespmem:s6], [sflag:$0x1] =	stream.linear.gather [spmem:s7], $0x100, $0x38;
	[tilespmem:$0x1B108] =	vst v63  }
0x2ff: {  	_ =	swait.ge [sflag:s19], $0x100  }
0x300: {  	s11 =	sld [smem:$0x7E7]  }
0x301: {  	[sflag:s19] =	ssyncset.done $0x0  }
0x302: {  	[sflag:s19] =	ssyncadd.s32 $0xFFFFFF00  }
0x303: {  	[tilespmem:s12], [sflag:$0x1] =	stream.linear.gather [spmem:s11], $0x100, $0x38;
	[tilespmem:$0x1B108] =	vst v63  }
0x304: {  	_ =	swait.ge [sflag:s19], $0x100  }
0x305: {  	s12 =	sld [smem:$0x7E8]  }
0x306: {  	[sflag:s19] =	ssyncset.done $0x0  }
0x307: {  	[sflag:s19] =	ssyncadd.s32 $0xFFFFFF00  }
0x308: {  	[tilespmem:s13], [sflag:$0x1] =	stream.linear.gather [spmem:s12], $0x100, $0x38;
	[tilespmem:$0x1B108] =	vst v63  }
0x309: {  	_ =	swait.ge [sflag:s19], $0x100  }
0x30a: {  	s13 =	sld [smem:$0x7E9]  }
0x30b: {  	[sflag:s19] =	ssyncset.done $0x0  }
0x30c: {  	[sflag:s19] =	ssyncadd.s32 $0xFFFFFF00  }
0x30d: {  	[tilespmem:s15], [sflag:$0x1] =	stream.linear.gather [spmem:s13], $0x100, $0x38;
	[tilespmem:$0x1B108] =	vst v63  }
0x30e: {  	_ =	swait.ge [sflag:s19], $0x100  }
0x30f: {  	s15 =	sld [smem:$0x7EA]  }
0x310: {  	[sflag:s19] =	ssyncset.done $0x0  }
0x311: {  	[sflag:s19] =	ssyncadd.s32 $0xFFFFFF00  }
0x312: {  	[tilespmem:s22], [sflag:$0x1] =	stream.linear.gather [spmem:s15], $0x100, $0x38;
	[tilespmem:$0x1B108] =	vst v63  }
0x313: {  	_ =	swait.ge [sflag:s19], $0x100  }
0x314: {  	s22 =	sld [smem:$0x7EB]  }
0x315: {  	[sflag:s19] =	ssyncset.done $0x0  }
0x316: {  	[sflag:s19] =	ssyncadd.s32 $0xFFFFFF00  }
0x317: {  	[tilespmem:s23], [sflag:$0x1] =	stream.linear.gather [spmem:s22], $0x100, $0x38;
	[tilespmem:$0x1B108] =	vst v63  }
0x318: {  	_ =	swait.ge [sflag:s19], $0x100  }
0x319: {  	s23 =	sld [smem:$0x7EC]  }
0x31a: {  	[sflag:s19] =	ssyncset.done $0x0  }
0x31b: {  	[sflag:s19] =	ssyncadd.s32 $0xFFFFFF00  }
0x31c: {  	[tilespmem:s28], [sflag:$0x1] =	stream.linear.gather [spmem:s23], $0x100, $0x38;
	[tilespmem:$0x1B108] =	vst v63  }
0x31d: {  	_ =	swait.ge [sflag:s19], $0x100  }
0x31e: {  	s28 =	sld [smem:$0x7FD]  }
0x31f: {  	[sflag:s19] =	ssyncset.done $0x0  }
0x320: {  	[sflag:s19] =	ssyncadd.s32 $0xFFFFFF00  }
0x321: {  	[tilespmem:s8], [sflag:$0x1] =	stream.linear.gather [spmem:s28], $0x100, $0x38;
	[tilespmem:$0x1B108] =	vst v63  }
0x322: {  	_ =	swait.ge [sflag:s19], $0x100  }
0x323: {  	s29 =	simm.s32 $0x0;
	[sflag:s19] =	ssyncset.done $0x0  }
0x324: {  	s5 =	sand.u32 $0xF0, s29;
	[sflag:s19] =	ssyncadd.s32 $0xFFFFFF00  }
0x325: {  	v8 =	vld [tilespmem:s5+$0x16980]  }
0x326: {  	v9 =	vld [tilespmem:s6+$0x0];
	_ =	sdelay $0x1  }
0x327: {  	v10 =	vld [tilespmem:s5+$0x16A80];
	_ =	sdelay $0x1  }
0x328: {  	v11 =	vld [tilespmem:s5+$0x16B80]  }
0x329: {  	v8 =	vadd.f32 v8, v9  }
0x32a: {  	v9 =	vld [tilespmem:s5+$0x16C80]  }
0x32b: {  	v8 =	vadd.f32 v10, v8  }
0x32c: {  	v10 =	vld [tilespmem:s5+$0x16D80]  }
0x32d: {  	v8 =	vadd.f32 v11, v8  }
0x32e: {  	v11 =	vld [tilespmem:s5+$0x16E80]  }
0x32f: {  	v8 =	vadd.f32 v9, v8  }
0x330: {  	v9 =	vld [tilespmem:s5+$0x16F80]  }
0x331: {  	v8 =	vadd.f32 v10, v8;
	_ =	sdelay $0x1  }
0x332: {  	v8 =	vadd.f32 v11, v8;
	_ =	sdelay $0x1  }
0x333: {  	v8 =	vadd.f32 v9, v8  }
0x334: {  	s30 =	simm.s32 $0x10;
	s4 =	simm.s32 $0x17380  }
0x335: {  	s5 =	sand.u32 $0xF0, s30;
	[tilespmem:s4+$0x0] =	vst v8  }
0x336: {  	s11 =	simm.s32 $0x20;
	s6 =	simm.s32 $0x16890;
	v8 =	vld [tilespmem:s5+$0x16980]  }
.LBB2_22:
0x337: {  	p1 =	sne.s32 s11, $0xF0;
	v9 =	vld [tilespmem:s6+$0x0];
	_ =	sdelay $0x1  }
0x338: {  	v10 =	vld [tilespmem:s5+$0x16A80];
	_ =	sdelay $0x1  }
0x339: {  	v11 =	vld [tilespmem:s5+$0x16B80]  }
0x33a: {  	v8 =	vadd.f32 v8, v9  }
0x33b: {  	v9 =	vld [tilespmem:s5+$0x16C80]  }
0x33c: {  	v8 =	vadd.f32 v10, v8  }
0x33d: {  	v10 =	vld [tilespmem:s5+$0x16D80]  }
0x33e: {  	v8 =	vadd.f32 v11, v8  }
0x33f: {  	v11 =	vld [tilespmem:s5+$0x16E80]  }
0x340: {  	v8 =	vadd.f32 v9, v8  }
0x341: {  	v9 =	vld [tilespmem:s5+$0x16F80]  }
0x342: {  	v8 =	vadd.f32 v10, v8;
	_ =	sdelay $0x1  }
0x343: {  	v8 =	vadd.f32 v11, v8  }
.Ltmp12:
0x344: {  	(pc) =	sbr.rel @p1 .LBB2_22-.Ltmp12, $4  }
0x345: {  	v8 =	vadd.f32 v9, v8  }
0x346: {  	s4 =	sadd.s32 $0x10, s4  }
0x347: {  	s5 =	sand.u32 $0xF0, s11;
	[tilespmem:s4+$0x0] =	vst v8  }
0x348: {  	s6 =	sadd.s32 $0x10, s6;
	s11 =	sadd.s32 $0x10, s11;
	v8 =	vld [tilespmem:s5+$0x16980]  }
0x349: {  	v9 =	vld [tilespmem:s6+$0x0];
	_ =	sdelay $0x1  }
0x34a: {  	v10 =	vld [tilespmem:s5+$0x16A80];
	_ =	sdelay $0x1  }
0x34b: {  	v11 =	vld [tilespmem:s5+$0x16B80]  }
0x34c: {  	v8 =	vadd.f32 v8, v9  }
0x34d: {  	v9 =	vld [tilespmem:s5+$0x16C80]  }
0x34e: {  	v8 =	vadd.f32 v10, v8  }
0x34f: {  	v10 =	vld [tilespmem:s5+$0x16D80]  }
0x350: {  	v8 =	vadd.f32 v11, v8  }
0x351: {  	v11 =	vld [tilespmem:s5+$0x16E80]  }
0x352: {  	v8 =	vadd.f32 v9, v8  }
0x353: {  	v9 =	vld [tilespmem:s5+$0x16F80]  }
0x354: {  	v8 =	vadd.f32 v10, v8;
	_ =	sdelay $0x1  }
0x355: {  	v8 =	vadd.f32 v11, v8;
	_ =	sdelay $0x1  }
0x356: {  	v8 =	vadd.f32 v9, v8  }
0x357: {  	s4 =	sadd.s32 $0x10, s4  }
0x358: {  	s23 =	simm.s32 $0x0;
	[tilespmem:s4+$0x0] =	vst v8  }
0x359: {  	v8 =	vld [tilespmem:s23+$0x17380];
	_ =	sdelay $0x3  }
0x35a: {  	v9 =	vmov s20  }
0x35b: {  	v9 =	vmul.u32 $0x3, v9;
	vm0 =	vgt.f32 v8, $0.0e+00  }
0x35c: {  	v8 =	vnsel vm0, $0x3F800000, v8  }
0x35d: {  	v9 =	vbroadcast v9, $0x0;
	(erf) = vrcp.f32 v8;
	_ =	sdelay $0x1  }
0x35e: {  	s28 =	simm.s32 $0x10;
	v10 =	vadd.s32 v3, v9  }
0x35f: {  	v11 =	vld [tilespmem:s28+$0x17380];
	v8 =	vadd.s32 v1, v9  }
0x360: {  	v12 =	vld [tilespmem:s23+$0x17080]  }
0x361: {  	v13 =	vld [tilespmem:s23+$0x17180];
	v9 =	vadd.s32 v4, v9  }
0x362: {  	v14 =	vld [tilespmem:s23+$0x17280]  }
0x363: {  	v10 =	vld.idx.msk [tilespmem:v10+s1+$0x0], $0xffff  }
0x364: {  	s7 =	sadd.s32 $0x10, s20;
	vm0 =	vmmov vm0;
	v8 =	vld.idx.msk [tilespmem:v8+s1+$0x0], $0xffff  }
0x365: {  	v15 =	vmov s7;
	vm0 =	vmmov vm0;
	v16 =	vpop (erf)  }
0x366: {  	v15 =	vmul.u32 $0x3, v15;
	vm1 =	vgt.f32 v11, $0.0e+00;
	v9 =	vld.idx.msk [tilespmem:v9+s1+$0x0], $0xffff;
	v16 =	vnsel vm0, $0x0, v16  }
0x367: {  	v11 =	vnsel vm1, $0x3F800000, v11;
	v12 =	vmul.f32 v16, v12;
	v13 =	vmul.f32 v13, v16  }
0x368: {  	v15 =	vbroadcast v15, $0x0;
	(erf) = vrcp.f32 v11  }
0x369: {  	v11 =	vmul.f32 v14, v16;
	v8 =	vsub.f32 v12, v8;
	v10 =	vsub.f32 v13, v10  }
0x36a: {  	v12 =	vadd.s32 v1, v15;
	v13 =	vadd.s32 v3, v15  }
0x36b: {  	s29 =	simm.s32 $0x20;
	v9 =	vsub.f32 v11, v9;
	v8 =	vmul.f32 v8, v8;
	v10 =	vmul.f32 v10, v10  }
0x36c: {  	v11 =	vld [tilespmem:s29+$0x17380]  }
0x36d: {  	v14 =	vld [tilespmem:s28+$0x17080];
	v9 =	vmul.f32 v9, v9;
	v8 =	vadd.f32 v10, v8  }
0x36e: {  	s7 =	sadd.s32 $0x10, s7;
	v10 =	vadd.s32 v4, v15;
	v15 =	vld [tilespmem:s28+$0x17180]  }
0x36f: {  	v16 =	vmov s7;
	v12 =	vld.idx.msk [tilespmem:v12+s1+$0x0], $0xffff;
	v8 =	vadd.f32 v9, v8  }
0x370: {  	vm1 =	vmmov vm1;
	v13 =	vld.idx.msk [tilespmem:v13+s1+$0x0], $0xffff;
	v9 =	vmul.u32 $0x3, v16  }
0x371: {  	vm1 =	vmmov vm1;
	vm0 =	vgt.f32 v11, $0.0e+00;
	v17 =	vpop (erf);
	v16 =	vld [tilespmem:s28+$0x17280];
	v8 =	vadd.f32 $9.999999680e-21, v8  }
0x372: {  	v18 =	vbroadcast v9, $0x0;
	v9 =	vnsel vm0, $0x3F800000, v11;
	v11 =	vnsel vm1, $0x0, v17  }
0x373: {  	v10 =	vld.idx.msk [tilespmem:v10+s1+$0x0], $0xffff;
	v14 =	vmul.f32 v11, v14;
	v17 =	vshra.s32 v8, $0x1;
	v19 =	vmul.f32 $5.000000000e-01, v8  }
0x374: {  	v15 =	vmul.f32 v15, v11;
	(erf) = vrcp.f32 v9;
	v17 =	vsub.s32 $0x5F3759DF, v17  }
0x375: {  	s30 =	sadd.s32 $0x10, s7;
	v9 =	vmul.f32 v17, v19  }
0x376: {  	s5 =	sadd.s32 $0x10, s30;
	s4 =	simm.s32 $0x30;
	v12 =	vsub.f32 v14, v12;
	v13 =	vsub.f32 v15, v13;
	v11 =	vmul.f32 v16, v11  }
0x377: {  	v23 =	vmov s5;
	v15 =	vld [tilespmem:s4+$0x17380];
	v16 =	vadd.s32 v3, v18;
	v20 =	vmul.f32 v17, v9  }
0x378: {  	v12 =	vmul.f32 v12, v12;
	v10 =	vsub.f32 v11, v10;
	v11 =	vmul.f32 v13, v13  }
0x379: {  	vm0 =	vmmov vm0;
	v14 =	vadd.s32 v1, v18;
	v20 =	vsub.f32 $1.500000000e+00, v20  }
0x37a: {  	v21 =	vld [tilespmem:s29+$0x17080];
	v11 =	vadd.f32 v11, v12;
	v10 =	vmul.f32 v10, v10;
	v12 =	vadd.s32 v4, v18  }
0x37b: {  	v23 =	vmul.u32 $0x3, v23;
	vm2 =	vmmov vm0;
	v18 =	vld [tilespmem:s29+$0x17180];
	v17 =	vmul.f32 v17, v20  }
0x37c: {  	v24 =	vld [tilespmem:s29+$0x17280];
	v9 =	vimm.f32 $0.0e+00;
	vm1 =	vgt.f32 v15, $0.0e+00;
	v10 =	vadd.f32 v10, v11  }
0x37d: {  	v13 =	vmov s30;
	v16 =	vld.idx.msk [tilespmem:v16+s1+$0x0], $0xffff;
	v11 =	vnsel vm1, $0x3F800000, v15;
	v15 =	vmul.f32 v17, v19;
	v20 =	vpop (erf)  }
0x37e: {  	v14 =	vld.idx.msk [tilespmem:v14+s1+$0x0], $0xffff;
	v10 =	vadd.f32 $9.999999680e-21, v10;
	(erf) = vrcp.f32 v11;
	v20 =	vnsel vm2, $0x0, v20  }
0x37f: {  	v13 =	vmul.u32 $0x3, v13;
	v25 =	vld.idx.msk [tilespmem:v12+s1+$0x0], $0xffff;
	v15 =	vmul.f32 v15, v17;
	v12 =	vmul.f32 v20, v21  }
0x380: {  	v21 =	vshra.s32 v10, $0x1;
	v11 =	vmul.f32 $5.000000000e-01, v10;
	v18 =	vmul.f32 v18, v20  }
0x381: {  	v13 =	vbroadcast v13, $0x0;
	v26 =	vsub.s32 $0x5F3759DF, v21;
	v21 =	vsub.f32 $1.500000000e+00, v15  }
0x382: {  	s6 =	simm.s32 $0x40;
	v27 =	vmul.f32 v26, v11;
	v16 =	vsub.f32 v18, v16;
	v18 =	vmul.f32 v24, v20  }
0x383: {  	v22 =	vld [tilespmem:s6+$0x17380];
	vm0 =	vmmov vm1;
	v15 =	vadd.s32 v1, v13;
	v14 =	vsub.f32 v12, v14  }
0x384: {  	v12 =	vmul.f32 v21, v17;
	v20 =	vmul.f32 v26, v27;
	v24 =	vsub.f32 v18, v25  }
0x385: {  	v17 =	vadd.s32 v3, v13;
	v14 =	vmul.f32 v14, v14;
	v16 =	vmul.f32 v16, v16  }
0x386: {  	v21 =	vadd.s32 v4, v13;
	v25 =	vmul.f32 v12, v19;
	v13 =	vsub.f32 $1.500000000e+00, v20  }
0x387: {  	v19 =	vld [tilespmem:s4+$0x17080];
	v18 =	vadd.f32 v16, v14;
	v20 =	vmul.f32 v24, v24;
	v16 =	vbroadcast v23, $0x0  }
0x388: {  	s11 =	simm.s32 $0x140;
	vm1 =	vgt.f32 v22, $0.0e+00;
	v23 =	vld [tilespmem:s4+$0x17180];
	v14 =	vmul.f32 v25, v12;
	v24 =	vpop (erf);
	v13 =	vmul.f32 v26, v13  }
.LBB2_24:
0x389: {  	v22 =	vnsel vm1, $0x3F800000, v22;
	v25 =	vld.idx.msk [tilespmem:v15+s1+$0x0], $0xffff;
	v15 =	vadd.f32 v20, v18  }
0x38a: {  	p1 =	sne.s32 s11, $0x3C0;
	s5 =	sadd.s32 $0x10, s5;
	v14 =	vsub.f32 $1.500000000e+00, v14;
	vm2 =	vmmov vm0;
	vm0 =	vmmov vm1  }
0x38b: {  	v18 =	vmov s5;
	(erf) = vrcp.f32 v22;
	v17 =	vld.idx.msk [tilespmem:v17+s1+$0x0], $0xffff;
	v20 =	vmul.f32 v13, v11  }
0x38c: {  	v24 =	vnsel vm2, $0x0, v24;
	v26 =	vld [tilespmem:s4+$0x17280];
	v22 =	vadd.f32 $9.999999680e-21, v15;
	v12 =	vmul.f32 v14, v12;
	s4 =	smov.u32 s6  }
0x38d: {  	v15 =	vadd.s32 v1, v16;
	v14 =	vld.idx.msk [tilespmem:v21+s1+$0x0], $0xffff;
	v19 =	vmul.f32 v24, v19;
	v20 =	vmul.f32 v20, v13  }
0x38e: {  	v21 =	vshra.s32 v22, $0x1;
	v27 =	vmul.f32 $5.000000000e-01, v22;
	v12 =	vmul.f32 v12, v8;
	v8 =	vmovc v10;
	v10 =	vmovc v22  }
0x38f: {  	v23 =	vmul.f32 v23, v24;
	v28 =	vsub.s32 $0x5F3759DF, v21;
	v20 =	vsub.f32 $1.500000000e+00, v20  }
0x390: {  	s6 =	sshra.s32 s11, $0x2;
	v19 =	vsub.f32 v19, v25;
	v21 =	vmul.f32 v28, v27;
	v9 =	vadd.f32 v12, v9  }
0x391: {  	v23 =	vsub.f32 v23, v17;
	v22 =	vld [tilespmem:s6+$0x17380];
	v26 =	vmul.f32 v26, v24;
	v12 =	vmul.f32 v20, v13  }
.Ltmp13:
0x392: {  	v17 =	vadd.s32 v3, v16;
	v13 =	vmul.f32 v19, v19;
	v19 =	vmul.f32 v28, v21;
	(pc) =	sbr.rel @p1 .LBB2_24-.Ltmp13, $4  }
0x393: {  	v20 =	vmul.f32 v23, v23;
	v14 =	vsub.f32 v26, v14;
	v23 =	vmul.f32 v12, v11;
	v11 =	vmovc v27  }
0x394: {  	v25 =	vmul.u32 $0x3, v18;
	v21 =	vadd.s32 v4, v16;
	v24 =	vpop (erf);
	v26 =	vsub.f32 $1.500000000e+00, v19  }
0x395: {  	v18 =	vadd.f32 v20, v13;
	v19 =	vld [tilespmem:s4+$0x17080];
	v20 =	vmul.f32 v14, v14;
	v14 =	vmul.f32 v23, v12  }
0x396: {  	s11 =	sadd.s32 $0x40, s11;
	v16 =	vbroadcast v25, $0x0;
	vm1 =	vgt.f32 v22, $0.0e+00;
	v23 =	vld [tilespmem:s4+$0x17180];
	v13 =	vmul.f32 v28, v26  }
0x397: {  	_ =	sdelay $0x2  }
0x398: {  	v22 =	vnsel vm1, $0x3F800000, v22  }
0x399: {  	v15 =	vld.idx.msk [tilespmem:v15+s1+$0x0], $0xffff;
	(erf) = vrcp.f32 v22  }
0x39a: {  	v17 =	vld.idx.msk [tilespmem:v17+s1+$0x0], $0xffff  }
0x39b: {  	v25 =	vld [tilespmem:s4+$0x17280];
	v62 =	vadd.s32 v1, v16  }
0x39c: {  	v21 =	vld.idx.msk [tilespmem:v21+s1+$0x0], $0xffff;
	v26 =	vadd.s32 v3, v16  }
0x39d: {  	v27 =	vld [tilespmem:s6+$0x17080]  }
0x39e: {  	vm0 =	vmmov vm0;
	v28 =	vld [tilespmem:s6+$0x17180];
	v63 =	vadd.s32 v4, v16  }
0x39f: {  	v29 =	vld [tilespmem:s6+$0x17280];
	v24 =	vnsel vm0, $0x0, v24  }
0x3a0: {  	v19 =	vmul.f32 v24, v19;
	v22 =	vld.idx.msk [tilespmem:v62+s1+$0x0], $0xffff  }
0x3a1: {  	vm15 =	vmmov vm1;
	v23 =	vmul.f32 v23, v24;
	v26 =	vld.idx.msk [tilespmem:v26+s1+$0x0], $0xffff  }
0x3a2: {  	vm0 =	vmmov vm15;
	v15 =	vsub.f32 v19, v15;
	v31 =	vpop (erf)  }
0x3a3: {  	v32 =	vmul.f32 v25, v24;
	v17 =	vsub.f32 v23, v17;
	v16 =	vld.idx.msk [tilespmem:v63+s1+$0x0], $0xffff;
	v19 =	vnsel vm0, $0x0, v31  }
0x3a4: {  	v33 =	vmul.f32 v19, v27;
	v34 =	vmul.f32 v28, v19  }
0x3a5: {  	v15 =	vmul.f32 v15, v15;
	v21 =	vsub.f32 v32, v21;
	v17 =	vmul.f32 v17, v17  }
0x3a6: {  	v19 =	vmul.f32 v29, v19;
	v22 =	vsub.f32 v33, v22;
	v35 =	vsub.f32 v34, v26  }
0x3a7: {  	v18 =	vadd.f32 v20, v18;
	v36 =	vmul.f32 v21, v21;
	v15 =	vadd.f32 v17, v15  }
0x3a8: {  	v16 =	vsub.f32 v19, v16;
	v37 =	vmul.f32 v22, v22;
	v38 =	vmul.f32 v35, v35  }
0x3a9: {  	v18 =	vadd.f32 $9.999999680e-21, v18  }
0x3aa: {  	v15 =	vadd.f32 v36, v15;
	v16 =	vmul.f32 v16, v16;
	v39 =	vadd.f32 v38, v37  }
0x3ab: {  	v40 =	vshra.s32 v18, $0x1;
	v41 =	vmul.f32 $5.000000000e-01, v18  }
0x3ac: {  	v19 =	vsub.s32 $0x5F3759DF, v40;
	v15 =	vadd.f32 $9.999999680e-21, v15;
	v16 =	vadd.f32 v16, v39  }
0x3ad: {  	v42 =	vmul.f32 v19, v41  }
0x3ae: {  	v43 =	vshra.s32 v15, $0x1;
	v44 =	vmul.f32 $5.000000000e-01, v15;
	v16 =	vadd.f32 $9.999999680e-21, v16  }
0x3af: {  	v17 =	vmul.f32 v19, v42;
	v21 =	vsub.s32 $0x5F3759DF, v43  }
0x3b0: {  	v45 =	vmul.f32 v21, v44;
	v46 =	vshra.s32 v16, $0x1;
	v47 =	vmul.f32 $5.000000000e-01, v16  }
0x3b1: {  	v17 =	vsub.f32 $1.500000000e+00, v17;
	v24 =	vsub.s32 $0x5F3759DF, v46  }
0x3b2: {  	v23 =	vmul.f32 v21, v45;
	v48 =	vmul.f32 v24, v47  }
0x3b3: {  	v49 =	vmul.f32 v13, v11;
	v17 =	vmul.f32 v19, v17  }
0x3b4: {  	v50 =	vsub.f32 $1.500000000e+00, v23;
	v51 =	vmul.f32 v24, v48  }
0x3b5: {  	v52 =	vmul.f32 v49, v13;
	v53 =	vmul.f32 v17, v41  }
0x3b6: {  	v19 =	vmul.f32 v21, v50;
	v54 =	vsub.f32 $1.500000000e+00, v51  }
0x3b7: {  	v55 =	vsub.f32 $1.500000000e+00, v52;
	v56 =	vmul.f32 v53, v17  }
0x3b8: {  	v57 =	vmul.f32 v19, v44;
	v21 =	vmul.f32 v24, v54  }
0x3b9: {  	v13 =	vmul.f32 v55, v13;
	v58 =	vsub.f32 $1.500000000e+00, v56  }
0x3ba: {  	v24 =	vmul.f32 v57, v19;
	v59 =	vmul.f32 v21, v47  }
0x3bb: {  	v11 =	vmul.f32 v13, v11;
	v17 =	vmul.f32 v58, v17  }
0x3bc: {  	v60 =	vsub.f32 $1.500000000e+00, v24;
	v61 =	vmul.f32 v59, v21  }
0x3bd: {  	v14 =	vsub.f32 $1.500000000e+00, v14;
	v11 =	vmul.f32 v11, v13;
	v20 =	vmul.f32 v17, v41  }
0x3be: {  	v19 =	vmul.f32 v60, v19;
	v62 =	vsub.f32 $1.500000000e+00, v61  }
0x3bf: {  	v12 =	vmul.f32 v14, v12;
	[bflag:$0x0] =	sbarrier.arrive $0xFFFF;
	v11 =	vsub.f32 $1.500000000e+00, v11;
	v14 =	vmul.f32 v20, v17  }
0x3c0: {  	s28 =	rddreg [dreg:$0x16];
	v63 =	vmul.f32 v19, v44;
	v21 =	vmul.f32 v62, v21  }
0x3c1: {  	v8 =	vmul.f32 v12, v8;
	[tilespmem:s0], [sflag:$0x1] =	stream.linear.gather [spmem:s28], $0x3000, $0x38;
	v11 =	vmul.f32 v11, v13;
	[tilespmem:$0x1B108] =	vst v63  }
0x3c2: {  	_ =	swait.ge [sflag:s19], $0x3000;
	v12 =	vsub.f32 $1.500000000e+00, v14;
	v13 =	vmul.f32 v63, v19;
	v14 =	vmul.f32 v21, v47  }
0x3c3: {  	v8 =	vadd.f32 v8, v9;
	[sflag:s19] =	ssyncset.done $0x0;
	v9 =	vmul.f32 v11, v10  }
0x3c4: {  	s29 =	rddreg [dreg:$0x11];
	[sflag:s19] =	ssyncadd.s32 $0xFFFFD000;
	v10 =	vmul.f32 v12, v17;
	v11 =	vsub.f32 $1.500000000e+00, v13;
	v12 =	vmul.f32 v14, v21  }
0x3c5: {  	[tilespmem:s16], [sflag:$0x1] =	stream.linear.gather [spmem:s29], $0x2010, $0x38;
	v8 =	vadd.f32 v9, v8;
	[tilespmem:$0x1B108] =	vst v63  }
0x3c6: {  	_ =	swait.ge [sflag:s19], $0x2010;
	v9 =	vmul.f32 v10, v18;
	v10 =	vmul.f32 v11, v19;
	v11 =	vsub.f32 $1.500000000e+00, v12  }
0x3c7: {  	[sflag:s19] =	ssyncset.done $0x0  }
.Ltmp14:
0x3c8: {  	s30 =	rddreg [dreg:$0x17];
	[sflag:s19] =	ssyncadd.s32 $0xFFFFDFF0;
	v8 =	vadd.f32 v9, v8;
	v9 =	vmul.f32 v10, v15;
	v10 =	vmul.f32 v11, v21;
	(pc) =	sbr.rel .LBB2_26-.Ltmp14, $4  }
0x3c9: {  	[tilespmem:s9], [sflag:$0x1] =	stream.linear.gather [spmem:s30], $0x3000, $0x38;
	[tilespmem:$0x1B108] =	vst v63  }
0x3ca: {  	_ =	swait.ge [sflag:s19], $0x3000;
	v8 =	vadd.f32 v9, v8;
	v9 =	vmul.f32 v10, v16  }
0x3cb: {  	[sflag:s19] =	ssyncset.done $0x0;
	v12 =	vimm.f32 $0.0e+00;
	v11 =	vimm.f32 $0.0e+00  }
0x3cc: {  	s4 =	simm.s32 $0x0;
	[sflag:s19] =	ssyncadd.s32 $0xFFFFD000;
	v10 =	vimm.f32 $0.0e+00;
	v8 =	vadd.f32 v9, v8;
	v9 =	vimm.f32 $0.0e+00  }
.LBB2_28:
0x3cd: {  	vm0 =	vlt.s32 v13, $0x2FFF  }
0x3ce: {  	v16 =	vnsel vm0, $0x2FFF, v13  }
0x3cf: {  	v15 =	vshra.s32 v15, $0x2;
	v18 =	vmul.u32 $0x3, v18  }
0x3d0: {  	v17 =	vld [tilespmem:s5+$0xA800];
	v15 =	vmul.u32 $0x3, v15;
	_ =	sdelay $0x1  }
0x3d1: {  	v21 =	vadd.s32 $0x1, v18  }
0x3d2: {  	v22 =	vadd.s32 $0x2, v18;
	v16 =	vld.idx.msk [tilespmem:v16+s9+$0x0], $0xffff  }
0x3d3: {  	v19 =	vadd.s32 $0x1, v15  }
0x3d4: {  	v20 =	vadd.s32 $0x2, v15;
	v17 =	vmul.u32 $0x3, v17;
	v18 =	vld.idx.msk [tilespmem:v18+s1+$0x0], $0xffff  }
0x3d5: {  	v15 =	vld.idx.msk [tilespmem:v15+s1+$0x0], $0xffff  }
0x3d6: {  	v23 =	vadd.s32 $0x1, v17;
	v21 =	vld.idx.msk [tilespmem:v21+s1+$0x0], $0xffff  }
0x3d7: {  	v24 =	vadd.s32 $0x2, v17;
	v22 =	vld.idx.msk [tilespmem:v22+s1+$0x0], $0xffff;
	v16 =	vmul.u32 $0x3, v16  }
0x3d8: {  	v19 =	vld.idx.msk [tilespmem:v19+s1+$0x0], $0xffff  }
0x3d9: {  	v20 =	vld.idx.msk [tilespmem:v20+s1+$0x0], $0xffff;
	v25 =	vadd.s32 $0x1, v16  }
0x3da: {  	v17 =	vld.idx.msk [tilespmem:v17+s1+$0x0], $0xffff;
	v26 =	vadd.s32 $0x2, v16  }
0x3db: {  	v23 =	vld.idx.msk [tilespmem:v23+s1+$0x0], $0xffff  }
0x3dc: {  	v24 =	vld.idx.msk [tilespmem:v24+s1+$0x0], $0xffff  }
0x3dd: {  	v16 =	vld.idx.msk [tilespmem:v16+s1+$0x0], $0xffff  }
0x3de: {  	v25 =	vld.idx.msk [tilespmem:v25+s1+$0x0], $0xffff  }
0x3df: {  	v26 =	vld.idx.msk [tilespmem:v26+s1+$0x0], $0xffff  }
0x3e0: {  	v20 =	vsub.f32 v20, v22;
	v17 =	vsub.f32 v17, v18  }
0x3e1: {  	v15 =	vsub.f32 v15, v18;
	v23 =	vsub.f32 v23, v21  }
0x3e2: {  	v19 =	vsub.f32 v19, v21;
	v24 =	vsub.f32 v24, v22;
	v47 =	vmul.f32 v17, v20  }
0x3e3: {  	v44 =	vmul.f32 v23, v20;
	v16 =	vsub.f32 v16, v18;
	v21 =	vsub.f32 v25, v21  }
0x3e4: {  	v45 =	vmul.f32 v24, v19;
	v46 =	vmul.f32 v24, v15;
	v22 =	vsub.f32 v26, v22  }
0x3e5: {  	v48 =	vmul.f32 v16, v20;
	v27 =	vmul.f32 v21, v20  }
0x3e6: {  	v28 =	vmul.f32 v22, v19;
	v22 =	vmul.f32 v22, v15  }
0x3e7: {  	v18 =	vsub.f32 v46, v47;
	v16 =	vmul.f32 v16, v19;
	v21 =	vmul.f32 v21, v15  }
0x3e8: {  	v17 =	vmul.f32 v17, v19;
	v49 =	vsub.f32 v28, v27;
	v22 =	vsub.f32 v48, v22  }
0x3e9: {  	v23 =	vmul.f32 v23, v15;
	v25 =	vsub.f32 v44, v45;
	v16 =	vsub.f32 v21, v16  }
0x3ea: {  	v24 =	vadd.f32 $0.0e+00, v49;
	v22 =	vadd.f32 $0.0e+00, v22  }
0x3eb: {  	v17 =	vsub.f32 v17, v23;
	v51 =	vmul.f32 v18, v18;
	v50 =	vmul.f32 v25, v25  }
0x3ec: {  	v16 =	vadd.f32 $0.0e+00, v16;
	v52 =	vmul.f32 v24, v24;
	v53 =	vmul.f32 v22, v22  }
0x3ed: {  	v54 =	vmul.f32 v17, v17;
	v21 =	vadd.f32 v51, v50  }
0x3ee: {  	v55 =	vmul.f32 v16, v16;
	v26 =	vadd.f32 v53, v52  }
0x3ef: {  	v21 =	vadd.f32 v21, v54  }
0x3f0: {  	v56 =	vadd.f32 v26, v55  }
0x3f1: {  	v21 =	vadd.f32 $9.999999680e-21, v21  }
0x3f2: {  	v23 =	vadd.f32 $9.999999680e-21, v56  }
0x3f3: {  	v57 =	vshra.s32 v21, $0x1  }
0x3f4: {  	v58 =	vmul.f32 $5.000000000e-01, v21;
	v59 =	vshra.s32 v23, $0x1;
	v29 =	vmul.f32 $5.000000000e-01, v23  }
0x3f5: {  	v26 =	vsub.s32 $0x5F3759DF, v57;
	v28 =	vsub.s32 $0x5F3759DF, v59  }
0x3f6: {  	v30 =	vmul.f32 v26, v58;
	v31 =	vmul.f32 v28, v29;
	_ =	sdelay $0x1  }
0x3f7: {  	v30 =	vmul.f32 v26, v30;
	v31 =	vmul.f32 v28, v31;
	_ =	sdelay $0x1  }
0x3f8: {  	v30 =	vsub.f32 $1.500000000e+00, v30;
	v31 =	vsub.f32 $1.500000000e+00, v31;
	_ =	sdelay $0x1  }
0x3f9: {  	v26 =	vmul.f32 v26, v30;
	v28 =	vmul.f32 v28, v31;
	_ =	sdelay $0x1  }
0x3fa: {  	v30 =	vmul.f32 v26, v58;
	v31 =	vmul.f32 v28, v29;
	_ =	sdelay $0x1  }
0x3fb: {  	v30 =	vmul.f32 v30, v26;
	v31 =	vmul.f32 v31, v28;
	_ =	sdelay $0x1  }
0x3fc: {  	v30 =	vsub.f32 $1.500000000e+00, v30;
	v31 =	vsub.f32 $1.500000000e+00, v31;
	_ =	sdelay $0x1  }
0x3fd: {  	v26 =	vmul.f32 v30, v26;
	v28 =	vmul.f32 v31, v28;
	_ =	sdelay $0x1  }
0x3fe: {  	v27 =	vmul.f32 v26, v58;
	v29 =	vmul.f32 v28, v29;
	_ =	sdelay $0x1  }
0x3ff: {  	v27 =	vmul.f32 v27, v26;
	v29 =	vmul.f32 v29, v28;
	_ =	sdelay $0x1  }
0x400: {  	v27 =	vsub.f32 $1.500000000e+00, v27;
	v29 =	vsub.f32 $1.500000000e+00, v29;
	_ =	sdelay $0x1  }
0x401: {  	v26 =	vmul.f32 v27, v26;
	v60 =	vmul.f32 v29, v28;
	_ =	sdelay $0x1  }
0x402: {  	v21 =	vmul.f32 v26, v21;
	v23 =	vmul.f32 v60, v23;
	_ =	sdelay $0x1  }
0x403: {  	v21 =	vmax.f32 v21, $9.999999930e-09;
	v23 =	vmax.f32 v23, $9.999999930e-09  }
0x404: {  	v21 =	vmul.f32 v23, v21;
	_ =	sdelay $0x1  }
0x405: {  	(erf) = vrcp.f32 v21;
	_ =	sdelay $0x3  }
0x406: {  	v61 =	vmul.f32 v24, v25;
	v18 =	vmul.f32 v22, v18  }
0x407: {  	v15 =	vmul.f32 v15, v15  }
0x408: {  	v19 =	vmul.f32 v19, v19;
	v16 =	vmul.f32 v16, v17;
	v18 =	vadd.f32 v18, v61;
	_ =	sdelay $0x1  }
0x409: {  	v62 =	vmul.f32 v20, v20;
	v15 =	vadd.f32 v19, v15;
	v16 =	vadd.f32 v18, v16  }
0x40a: {  	s4 =	sadd.s32 $0x1, s4;
	v63 =	vpop (erf)  }
0x40b: {  	p1 =	sne.s32 s4, $0x60;
	v15 =	vadd.f32 v62, v15;
	v16 =	vmul.f32 v63, v16  }
.Ltmp15:
0x40c: {  	vm14 =	veq.s32 v14, $0x0;
	(pc) =	sbr.rel @!p1 .LBB2_29-.Ltmp15, $4  }
0x40d: {  	v14 =	vnsel vm14, $0x0, v15;
	v15 =	vsub.f32 $1.000000000e+00, v16  }
0x40e: {  	vm15 =	vlt.s32 v13, $0x4000;
	v12 =	vadd.f32 v14, v12;
	v14 =	vsel vm14, $0x3F800000, v2  }
0x40f: {  	v11 =	vadd.f32 v14, v11;
	v14 =	vsel vm15, $0x3F800000, v2;
	v13 =	vnsel vm15, $0x0, v15  }
0x410: {  	v9 =	vadd.f32 v14, v9;
	v10 =	vadd.f32 v13, v10  }
.LBB2_26:
0x411: {  	s5 =	sshll.u32 s4, $0x7;
	s6 =	sshll.u32 s4, $0x4  }
0x412: {  	s5 =	sand.u32 $0x3000, s5;
	s7 =	sand.u32 $0x1F0, s6  }
0x413: {  	s5 =	sor.u32 s5, s7  }
0x414: {  	s7 =	sor.u32 s2, s5  }
0x415: {  	s6 =	sand.u32 $0x70, s6;
	s5 =	sand.u32 $0x3F80, s7  }
0x416: {  	s5 =	sor.u32 s6, s5  }
0x417: {  	v15 =	vld [tilespmem:s5+$0x4800];
	_ =	sdelay $0x4  }
0x418: {  	v13 =	vadd.s32 $0x1, v15;
	_ =	sdelay $0x3  }
0x419: {  	v14 =	vld.idx.msk [tilespmem:v15+s16+$0x0], $0xffff  }
0x41a: {  	v16 =	vld.idx.msk [tilespmem:v13+s16+$0x0], $0xffff;
	_ =	sdelay $0x3  }
0x41b: {  	v17 =	vadd.s32 $0x3, v14  }
0x41c: {  	vm0 =	vlt.s32 v17, v16  }
0x41d: {  	v13 =	vsel vm0, $0x3F800000, v2  }
0x41e: {  	(xrf0) =	vmax.scan.msk.f32 $0xffff, v13;
	_ =	sdelay $0x5  }
0x41f: {  	vm1 =	vlt.s32 v14, $0x2FFF;
	v20 =	vadd.s32 $0x1, v14;
	v21, _, _ =	vpop (xrf0)  }
0x420: {  	v13 =	vnsel vm1, $0x2FFF, v14;
	vm1 =	vlt.s32 v20, $0x2FFF;
	(v2sf) =	vpush v21, $0xF  }
0x421: {  	v18 =	vnsel vm1, $0x2FFF, v20  }
0x422: {  	v22 =	vadd.s32 $0x2, v14  }
0x423: {  	vm1 =	vlt.s32 v22, $0x2FFF  }
0x424: {  	v19 =	vld [tilespmem:s5+$0x7800];
	v61 =	vnsel vm1, $0x2FFF, v22  }
0x425: {  	v13 =	vld.idx.msk [tilespmem:v13+s0+$0x0], $0xffff  }
0x426: {  	v23 =	vld.idx.msk [tilespmem:v18+s0+$0x0], $0xffff;
	_ =	sdelay $0x2  }
0x427: {  	vm2 =	vlt.s32 v14, v16;
	vm5 =	vlt.s32 v20, v16;
	v14 =	vld.idx.msk [tilespmem:v61+s0+$0x0], $0xffff  }
0x428: {  	v18 =	vshra.s32 v19, $0xE;
	v19 =	vshra.s32 v13, $0xE;
	v13 =	vand.u32 $0x3FFF, v13  }
0x429: {  	vm1 =	veq.s32 v19, v18;
	v19 =	vor.u32 s7, v0;
	v62 =	vshra.s32 v23, $0xE  }
0x42a: {  	v63 =	vand.u32 $0x3FFF, v23;
	vm1 =	vmand vm2, vm1;
	vm2 =	vlt.u32 v13, v19  }
0x42b: {  	vm3 =	veq.s32 v62, v18;
	vm4 =	vgt.u32 v13, v19;
	vm11 =	vlt.u32 v63, v19  }
0x42c: {  	vm12 =	vgt.u32 v63, v19;
	v20 =	vshra.s32 v14, $0xE;
	v14 =	vand.u32 $0x3FFF, v14  }
0x42d: {  	vm2 =	vmand vm2, vm1;
	vm1 =	vmand vm4, vm1;
	vm3 =	vmand vm5, vm3;
	s30 =	spop (v2sf)  }
0x42e: {  	vm13 =	veq.s32 v20, v18;
	vm4 =	vmand vm11, vm3;
	vm3 =	vmand vm12, vm3;
	p1 =	sgt.f32 s30, $0.0e+00  }
.Ltmp16:
0x42f: {  	vm14 =	vlt.u32 v14, v19;
	v20 =	vnsel vm3, $0x4000, v63;
	vm3 =	vlt.s32 v22, v16;
	(pc) =	sbr.rel @!p1 .LBB2_28-.Ltmp16, $4  }
0x430: {  	vm15 =	vgt.u32 v14, v19;
	vm2 =	vmor vm2, vm4;
	vm3 =	vmand vm3, vm13  }
0x431: {  	v13 =	vmin.u32 v13, v20;
	vm4 =	vmand vm14, vm3;
	vm3 =	vmand vm15, vm3  }
0x432: {  	v13 =	vsel vm1, v13, v20;
	vm1 =	vmor vm2, vm4;
	v20 =	vnsel vm3, $0x4000, v14  }
0x433: {  	v14 =	vsel vm1, $0x1, v5;
	v13 =	vmin.u32 v13, v20  }
.LBB2_27:
0x434: {  	vm1 =	vlt.s32 v17, $0x2FFF  }
0x435: {  	v20 =	vnsel vm1, $0x2FFF, v17;
	_ =	sdelay $0x4  }
0x436: {  	v20 =	vld.idx.msk [tilespmem:v20+s0+$0x0], $0xffff;
	_ =	sdelay $0x4  }
0x437: {  	v21 =	vshra.s32 v20, $0xE  }
0x438: {  	v17 =	vadd.s32 $0x1, v17;
	vm1 =	veq.s32 v21, v18  }
0x439: {  	vm1 =	vmand vm0, vm1;
	vm0 =	vlt.s32 v17, v16  }
0x43a: {  	v62 =	vsel vm0, $0x3F800000, v2  }
0x43b: {  	(xrf0) =	vmax.scan.msk.f32 $0xffff, v62;
	_ =	sdelay $0x5  }
0x43c: {  	v21, _, _ =	vpop (xrf0)  }
0x43d: {  	(v2sf) =	vpush v21, $0xF;
	_ =	sdelay $0xe  }
0x43e: {  	s6 =	spop (v2sf)  }
0x43f: {  	v20 =	vand.u32 $0x3FFF, v20;
	p1 =	sgt.f32 s6, $0.0e+00  }
.Ltmp17:
0x440: {  	vm2 =	vlt.u32 v20, v19;
	vm3 =	vgt.u32 v20, v19;
	(pc) =	sbr.rel @p1 .LBB2_27-.Ltmp17, $4  }
0x441: {  	vm2 =	vmand vm2, vm1;
	vm1 =	vmand vm3, vm1  }
0x442: {  	v63 =	vsel vm2, $0x1, v5;
	v20 =	vnsel vm1, $0x4000, v20  }
0x443: {  	vm1 =	vgt.s32 v14, v63;
	vm2 =	vlt.s32 v13, v20  }
0x444: {  	v14 =	vsel vm1, v14, v63;
	v13 =	vsel vm2, v13, v20  }
.Ltmp18:
0x445: {  	_ = 	snop;
	(pc) =	sbr.rel .LBB2_28-.Ltmp18, $1  }
0x446: {  	_ =	sdelay $0x3  }
.LBB2_30:
0x447: {  	_ =	sfence.sel $0x180000  }
0x448: {  	[bflag:$0x0] =	sbarrier.arrive $0xFFFF  }
0x449: {  	_ =	strace $0x90000047  }
0x44a: {  	s0 =	stileid.u32;
	[bflag:$0x2] =	sbarrier.arrive $0xFFFF  }
0x44b: {  	p0 =	sne.s32 s0, $0x0;
	s0 =	rddreg [dreg:$0x7]  }
0x44c: {  	s0 =	sadd.s32 @!p0 $0x100000, s0  }
0x44d: {  	[sflag:s0] =	ssyncadd.tile.s32 @!p0 $0x1;
	_ =	shalt  }
.Lfunc_end2:
_tile_overlayer_lowered:
.L_overlay_start_2:
0x44e: {  	(tag) =	ssettag $0x2  }
0x44f: {  	s0 =	rddreg [dreg:$0x0];
	s2 =	stileid.u32  }
0x450: {  	s1 =	rddreg [dreg:$0x1];
	p0 =	sne.s32 s2, $0x0  }
0x451: {  	s3 =	rddreg [dreg:$0x2];
	[bflag:$0x3] =	sbarrier.arrive $0xFFFF;
	s2 =	simm.s32 @!p0 $0x1C01  }
0x452: {  	[timem:s3], [sflag:s2] =	dma.local @!p0 [hbm:s0], s1  }
0x453: {  	s0 =	simm.s32 @!p0 $0x1  }
0x454: {  	_ =	swait.ge @!p0 [sflag:s0], s1  }
0x455: {  	s1 =	ssub.s32 @!p0 $0x0, s1;
	[sflag:s0] =	ssyncset.done @!p0 $0x0  }
0x456: {  	[sflag:s0] =	ssyncadd.s32 @!p0 s1  }
0x457: {  	[bflag:$0x3] =	sbarrier.arrive $0xFFFF  }
0x458: {  	_ =	shalt  }

</sc_bundles>
